<compile_context>
chip_gen: v7x
topology: tpu7x:2x2x1
jax: 0.10.2.dev20260603
libtpu: 0.0.44.dev20260713+nightly
codegen_flags: <defaults>
</compile_context>

<pallas_src>
import functools

import jax
import jax.numpy as jnp
from jax import lax
from jax.experimental import pallas as pl
from jax.experimental.pallas import tpu as pltpu
from jax.experimental.pallas import tpu_sc as plsc

N = 10000
N_PAD = 10240
E = 320000
NCORES = 2
NTILES = 16
ROWS_PER_TILE = N_PAD // NTILES
B = 128
CHUNK = 32
BPT = 160
EPT = BPT * B
E_PAD = EPT * NTILES


def _agg_kernel(Fc):
    mesh = plsc.VectorSubcoreMesh(core_axis_name="c", subcore_axis_name="s")

    @functools.partial(
        pl.kernel,
        out_type=jax.ShapeDtypeStruct((NCORES * N_PAD, Fc), jnp.float32),
        mesh=mesh,
        scratch_types=[
            pltpu.VMEM((CHUNK * B,), jnp.int32),
            pltpu.VMEM((CHUNK * B,), jnp.int32),
            pltpu.VMEM((B,), jnp.int32),
            pltpu.VMEM((B,), jnp.int32),
            pltpu.VMEM((B, Fc), jnp.float32),
            pltpu.VMEM_SHARED((N_PAD, Fc), jnp.float32),
        ],
        compiler_params=pltpu.CompilerParams(use_tc_tiling_on_sc=False),
    )
    def agg(h_hbm, src_hbm, dst_hbm, out_hbm, src_ch, dst_ch, src_b, dst_b,
            rows, acc):
        c = lax.axis_index("c")
        s = lax.axis_index("s")
        zero16 = jnp.zeros((16,), jnp.float32)

        def zrow(i, _):
            for k in range(Fc // 16):
                rows[i, pl.ds(k * 16, 16)] = zero16
            return 0
        lax.fori_loop(0, B, zrow, 0)
        row0 = s * ROWS_PER_TILE
        for k in range(ROWS_PER_TILE // B):
            pltpu.sync_copy(rows, acc.at[pl.ds(row0 + k * B, B)])
        plsc.subcore_barrier()

        ebase = s * EPT
        coff = c * N_PAD

        def chunk_body(o, _):
            cbase = ebase + o * (CHUNK * B)
            pltpu.sync_copy(src_hbm.at[pl.ds(cbase, CHUNK * B)], src_ch)
            pltpu.sync_copy(dst_hbm.at[pl.ds(cbase, CHUNK * B)], dst_ch)

            def body(i, _):
                base = i * B
                for k in range(B // 16):
                    src_b[pl.ds(k * 16, 16)] = src_ch[pl.ds(base + k * 16, 16)] + coff
                    dst_b[pl.ds(k * 16, 16)] = dst_ch[pl.ds(base + k * 16, 16)]
                pltpu.sync_copy(h_hbm.at[src_b], rows)
                pltpu.sync_copy(rows, acc.at[dst_b], add=True)
                return 0
            lax.fori_loop(0, CHUNK, body, 0)
            return 0
        lax.fori_loop(0, BPT // CHUNK, chunk_body, 0)
        plsc.subcore_barrier()

        obase = c * N_PAD + row0
        for k in range(ROWS_PER_TILE // B):
            pltpu.sync_copy(acc.at[pl.ds(row0 + k * B, B)], rows)
            pltpu.sync_copy(rows, out_hbm.at[pl.ds(obase + k * B, B)])

    return agg


def _deg_kernel():
    Fc = 16
    mesh = plsc.VectorSubcoreMesh(core_axis_name="c", subcore_axis_name="s")

    @functools.partial(
        pl.kernel,
        out_type=jax.ShapeDtypeStruct((N_PAD, Fc), jnp.float32),
        mesh=mesh,
        scratch_types=[
            pltpu.VMEM((CHUNK * B,), jnp.int32),
            pltpu.VMEM((B,), jnp.int32),
            pltpu.VMEM((B, Fc), jnp.float32),
            pltpu.VMEM_SHARED((N_PAD, Fc), jnp.float32),
        ],
        compiler_params=pltpu.CompilerParams(use_tc_tiling_on_sc=False),
    )
    def deg(dst_hbm, out_hbm, dst_ch, dst_b, rows, acc):
        c = lax.axis_index("c")
        s = lax.axis_index("s")
        zero16 = jnp.zeros((16,), jnp.float32)
        one16 = jnp.ones((16,), jnp.float32)

        def zrow(i, _):
            rows[i, pl.ds(0, 16)] = zero16
            return 0
        lax.fori_loop(0, B, zrow, 0)
        row0 = s * ROWS_PER_TILE
        for k in range(ROWS_PER_TILE // B):
            pltpu.sync_copy(rows, acc.at[pl.ds(row0 + k * B, B)])
        plsc.subcore_barrier()

        def orow(i, _):
            rows[i, pl.ds(0, 16)] = one16
            return 0
        lax.fori_loop(0, B, orow, 0)

        ebase = s * EPT

        def chunk_body(o, _):
            cbase = ebase + o * (CHUNK * B)
            pltpu.sync_copy(dst_hbm.at[pl.ds(cbase, CHUNK * B)], dst_ch)

            def body(i, _):
                base = i * B
                for k in range(B // 16):
                    dst_b[pl.ds(k * 16, 16)] = dst_ch[pl.ds(base + k * 16, 16)]
                pltpu.sync_copy(rows, acc.at[dst_b], add=True)
                return 0
            lax.fori_loop(0, CHUNK, body, 0)
            return 0
        lax.fori_loop(0, BPT // CHUNK, chunk_body, 0)
        plsc.subcore_barrier()

        @pl.when(c == 0)
        def _():
            for k in range(ROWS_PER_TILE // B):
                pltpu.sync_copy(acc.at[pl.ds(row0 + k * B, B)], rows)
                pltpu.sync_copy(rows, out_hbm.at[pl.ds(row0 + k * B, B)])

    return deg


BM = 512
NB = N_PAD // BM


def _tc_layer(Hc, Fo, relu):
    Co = 2
    Fco = Fo // Co

    def body(h_ref, agg_ref, deg_ref, ws_ref, wn_ref, b_ref, out_ref):
        scale = 1.0 / jnp.maximum(deg_ref[...], 1.0)
        acc = jnp.dot(h_ref[0], ws_ref[:Hc], preferred_element_type=jnp.float32)
        acc += jnp.dot(h_ref[1], ws_ref[Hc:], preferred_element_type=jnp.float32)
        acc += jnp.dot(agg_ref[0] * scale, wn_ref[:Hc], preferred_element_type=jnp.float32)
        acc += jnp.dot(agg_ref[1] * scale, wn_ref[Hc:], preferred_element_type=jnp.float32)
        acc += b_ref[...]
        if relu:
            acc = jnp.maximum(acc, 0.0)
        out_ref[0] = acc

    return pl.pallas_call(
        body,
        grid=(Co, NB),
        in_specs=[
            pl.BlockSpec((2, BM, Hc), lambda co, nb: (0, nb, 0)),
            pl.BlockSpec((2, BM, Hc), lambda co, nb: (0, nb, 0)),
            pl.BlockSpec((BM, 1), lambda co, nb: (nb, 0)),
            pl.BlockSpec((2 * Hc, Fco), lambda co, nb: (0, co)),
            pl.BlockSpec((2 * Hc, Fco), lambda co, nb: (0, co)),
            pl.BlockSpec((1, Fco), lambda co, nb: (0, co)),
        ],
        out_specs=pl.BlockSpec((1, BM, Fco), lambda co, nb: (co, nb, 0)),
        out_shape=jax.ShapeDtypeStruct((Co, N_PAD, Fco), jnp.float32),
    )


def _tc_pre4():
    Hc, Fco = 128, 32

    def body(h_ref, wn_ref, out_ref):
        acc = jnp.dot(h_ref[0], wn_ref[:Hc], preferred_element_type=jnp.float32)
        acc += jnp.dot(h_ref[1], wn_ref[Hc:], preferred_element_type=jnp.float32)
        out_ref[0] = acc[:, :Fco]
        out_ref[1] = acc[:, Fco:]

    return pl.pallas_call(
        body,
        grid=(NB,),
        in_specs=[
            pl.BlockSpec((2, BM, Hc), lambda nb: (0, nb, 0)),
            pl.BlockSpec((2 * Hc, 2 * Fco), lambda nb: (0, 0)),
        ],
        out_specs=pl.BlockSpec((2, BM, Fco), lambda nb: (0, nb, 0)),
        out_shape=jax.ShapeDtypeStruct((2, N_PAD, Fco), jnp.float32),
    )


def _tc_final():
    Hc = 128

    def body(h_ref, agg_ref, deg_ref, ws_ref, b_ref, out_ref):
        scale = 1.0 / jnp.maximum(deg_ref[...], 1.0)
        acc = jnp.dot(h_ref[0], ws_ref[:Hc], preferred_element_type=jnp.float32)
        acc += jnp.dot(h_ref[1], ws_ref[Hc:], preferred_element_type=jnp.float32)
        acc += jnp.concatenate([agg_ref[0], agg_ref[1]], axis=1) * scale
        acc += b_ref[...]
        out_ref[...] = acc

    return pl.pallas_call(
        body,
        grid=(NB,),
        in_specs=[
            pl.BlockSpec((2, BM, Hc), lambda nb: (0, nb, 0)),
            pl.BlockSpec((2, BM, 32), lambda nb: (0, nb, 0)),
            pl.BlockSpec((BM, 1), lambda nb: (nb, 0)),
            pl.BlockSpec((256, 64), lambda nb: (0, 0)),
            pl.BlockSpec((1, 64), lambda nb: (0, 0)),
        ],
        out_specs=pl.BlockSpec((BM, 64), lambda nb: (nb, 0)),
        out_shape=jax.ShapeDtypeStruct((N_PAD, 64), jnp.float32),
    )


_agg64 = _agg_kernel(64)
_agg128 = _agg_kernel(128)
_agg32 = _agg_kernel(32)
_deg = _deg_kernel()
_layer1 = _tc_layer(64, 256, True)
_layer23 = _tc_layer(128, 256, True)
_pre4 = _tc_pre4()
_final4 = _tc_final()


def kernel(x, edge_index, Ws1, Wn1, b1, Ws2, Wn2, b2, Ws3, Wn3, b3,
           Ws4, Wn4, b4):
    src = edge_index[0]
    dst = edge_index[1]
    src_p = jnp.pad(src, (0, E_PAD - E))
    dst_p = jnp.pad(dst, (0, E_PAD - E), constant_values=N_PAD - 1)

    x_p = jnp.pad(x, ((0, N_PAD - N), (0, 0)))
    x_c = x_p.reshape(N_PAD, 2, 64).transpose(1, 0, 2)

    deg = _deg(dst_p)[:, 0:1]

    agg1 = _agg64(x_c.reshape(2 * N_PAD, 64), src_p, dst_p).reshape(2, N_PAD, 64)
    h1 = _layer1(x_c, agg1, deg, Ws1, Wn1, b1.reshape(1, -1))

    agg2 = _agg128(h1.reshape(2 * N_PAD, 128), src_p, dst_p).reshape(2, N_PAD, 128)
    h2 = _layer23(h1, agg2, deg, Ws2, Wn2, b2.reshape(1, -1))

    agg3 = _agg128(h2.reshape(2 * N_PAD, 128), src_p, dst_p).reshape(2, N_PAD, 128)
    h3 = _layer23(h2, agg3, deg, Ws3, Wn3, b3.reshape(1, -1))

    hn4 = _pre4(h3, Wn4)
    agg4 = _agg32(hn4.reshape(2 * N_PAD, 32), src_p, dst_p).reshape(2, N_PAD, 32)
    out = _final4(h3, agg4, deg, Ws4, b4.reshape(1, -1))
    return out[:N]

# --- scband reference (transcript-rebuilt; emitter-appended) ---
"""Pipeline reference for scband-gnnconv-4layers-47665547051615 (READ-ONLY COPY).

The authoritative reference and input builder live on the scoring server;
editing this copy changes nothing except your own understanding.
"""

import jax, jax.numpy as jnp
import numpy as np

N_NODES = 10000
N_EDGES = 320000
IN_F, HID_F, OUT_F = 128, 256, 64


def setup_inputs(seed: int = 0) -> dict:
    key = jax.random.key(seed)
    ks = jax.random.split(key, 16)
    x = jax.random.normal(ks[0], (N_NODES, IN_F), dtype=jnp.float32)
    edge_index = jax.random.randint(ks[1], (2, N_EDGES), 0, N_NODES, dtype=jnp.int32)
    s = 0.05
    Ws1 = jax.random.normal(ks[2], (IN_F, HID_F), dtype=jnp.float32) * s
    Wn1 = jax.random.normal(ks[3], (IN_F, HID_F), dtype=jnp.float32) * s
    b1 = jnp.zeros((HID_F,), dtype=jnp.float32)
    Ws2 = jax.random.normal(ks[4], (HID_F, HID_F), dtype=jnp.float32) * s
    Wn2 = jax.random.normal(ks[5], (HID_F, HID_F), dtype=jnp.float32) * s
    b2 = jnp.zeros((HID_F,), dtype=jnp.float32)
    Ws3 = jax.random.normal(ks[6], (HID_F, HID_F), dtype=jnp.float32) * s
    Wn3 = jax.random.normal(ks[7], (HID_F, HID_F), dtype=jnp.float32) * s
    b3 = jnp.zeros((HID_F,), dtype=jnp.float32)
    Ws4 = jax.random.normal(ks[8], (HID_F, OUT_F), dtype=jnp.float32) * s
    Wn4 = jax.random.normal(ks[9], (HID_F, OUT_F), dtype=jnp.float32) * s
    b4 = jnp.zeros((OUT_F,), dtype=jnp.float32)
    return {"x": x, "edge_index": edge_index,
            "Ws1": Ws1, "Wn1": Wn1, "b1": b1,
            "Ws2": Ws2, "Wn2": Wn2, "b2": b2,
            "Ws3": Ws3, "Wn3": Wn3, "b3": b3,
            "Ws4": Ws4, "Wn4": Wn4, "b4": b4}


def _sage_mean(h, src, dst, Ws, Wn, b):
    # DGL SAGEConv(aggregator='mean'): h_out = fc_self(h_dst) + fc_neigh(mean_{in-edges} h_src)
    agg = jax.ops.segment_sum(h[src], dst, num_segments=N_NODES)
    deg = jax.ops.segment_sum(jnp.ones((src.shape[0],), h.dtype), dst, num_segments=N_NODES)
    mean = agg / jnp.clip(deg, 1.0)[:, None]
    return h @ Ws + mean @ Wn + b


def reference(x, edge_index, Ws1, Wn1, b1, Ws2, Wn2, b2, Ws3, Wn3, b3, Ws4, Wn4, b4):
    src = edge_index[0]
    dst = edge_index[1]
    h = jax.nn.relu(_sage_mean(x, src, dst, Ws1, Wn1, b1))
    h = jax.nn.relu(_sage_mean(h, src, dst, Ws2, Wn2, b2))
    h = jax.nn.relu(_sage_mean(h, src, dst, Ws3, Wn3, b3))
    h = _sage_mean(h, src, dst, Ws4, Wn4, b4)
    return h

if __name__ == "__main__":
    import jax
    _d = setup_inputs()
    print(jax.jit(kernel)(*tuple(_d.values())))

</pallas_src>

<mosaic_0001>
#map = affine_map<(d0, d1) -> (0)>
#map1 = affine_map<(d0, d1) -> (0, 0)>
module attributes {stable_mosaic.version = 14 : i64} {
  func.func @deg(%arg0: i32, %arg1: i32, %arg2: memref<327680xi32, #tpu.memory_space<hbm>>, %arg3: memref<10240x16xf32, #tpu.memory_space<hbm>>, %arg4: memref<4096xi32, #tpu.memory_space<vmem>>, %arg5: memref<128xi32, #tpu.memory_space<vmem>>, %arg6: memref<128x16xf32, #tpu.memory_space<vmem>>, %arg7: memref<10240x16xf32, #tpu.memory_space<vmem_shared>>) attributes {dimension_semantics = [#tpu.dimension_semantics<core_parallel>, #tpu.dimension_semantics<subcore_parallel>], iteration_bounds = array<i64: 2, 16>, scalar_prefetch = 0 : i64, scratch_operands = 4 : i64, tpu.core_type = #tpu.core_type<sc_vector_subcore>, window_params = [{transform_indices = #map}, {transform_indices = #map1}]} {
    %broadcast_in_dim3A = arith.constant 0.000000e+00 : f32
    %broadcast_in_dim3A_0 = vector.broadcast %broadcast_in_dim3A : f32 to vector<16xf32>
    %broadcast_in_dim3A_1 = arith.constant 1.000000e+00 : f32
    %broadcast_in_dim3A_2 = vector.broadcast %broadcast_in_dim3A_1 : f32 to vector<16xf32>
    %scan3A = arith.constant 0 : i32
    %scan3A_3 = arith.constant 0 : i32
    %scan3A_4 = arith.constant 128 : i32
    %scan3A_5 = arith.addi %scan3A_3, %scan3A_4 : i32
    %scan3A_6 = arith.constant 1 : i32
    %scan3A_7 = scf.for %scan3A_38 = %scan3A_3 to %scan3A_5 step %scan3A_6 iter_args(%scan3A_39 = %scan3A) -> (i32)  : i32 {
      %swap3A = arith.index_cast %scan3A_38 : i32 to index
      %swap3A_40 = arith.constant 0 : index
      %swap3A_41 = tpu.vector_load %arg6[%swap3A, %swap3A_40] {strides = array<i32>} : memref<128x16xf32, #tpu.memory_space<vmem>>, vector<1x16xf32>,
      %swap3A_42 = vector.shape_cast %swap3A_41 : vector<1x16xf32> to vector<16xf32>
      %swap3A_43 = vector.shape_cast %broadcast_in_dim3A_0 : vector<16xf32> to vector<1x16xf32>
      tpu.vector_store %arg6[%swap3A, %swap3A_40], %swap3A_43 {strides = array<i32>} : memref<128x16xf32, #tpu.memory_space<vmem>>, vector<1x16xf32>,
      %scan3A_44 = arith.constant 0 : i32
      scf.yield %scan3A_44 : i32
    }
    %scan3A_8 = arith.constant 128 : i32
    %mul3A = arith.constant 640 : i32
    %mul3A_9 = arith.muli %arg1, %mul3A : i32
    %add3A = arith.constant 0 : i32
    %add3A_10 = arith.addi %mul3A_9, %add3A : i32
    "tpu.region"() ({
      %run_scoped3A = tpu.sem_alloc : memref<!tpu.dma_semaphore, #tpu.memory_space<semaphore_mem>>
      %dma_start3A = arith.constant 0 : i32
      %dma_start3A_38 = tpu.memref_slice %arg7[%add3A_10, %dma_start3A] : memref<10240x16xf32, #tpu.memory_space<vmem_shared>> -> memref<128x16xf32, #tpu.memory_space<vmem_shared>>
      %dma_start3A_39 = arith.constant 0 : i32
      %dma_start3A_40 = tpu.memref_slice %arg7[%add3A_10, %dma_start3A_39] : memref<10240x16xf32, #tpu.memory_space<vmem_shared>> -> memref<128x16xf32, #tpu.memory_space<vmem_shared>>
      tpu.enqueue_dma source(%arg6 : memref<128x16xf32, #tpu.memory_space<vmem>>) target(%dma_start3A_40 : memref<128x16xf32, #tpu.memory_space<vmem_shared>>) target_semaphore(%run_scoped3A : memref<!tpu.dma_semaphore, #tpu.memory_space<semaphore_mem>>)
      %dma_wait3A = arith.constant 0 : i32
      %dma_wait3A_41 = tpu.memref_slice %arg7[%add3A_10, %dma_wait3A] : memref<10240x16xf32, #tpu.memory_space<vmem_shared>> -> memref<128x16xf32, #tpu.memory_space<vmem_shared>>
      %dma_wait3A_42 = arith.constant 0 : i32
      %dma_wait3A_43 = tpu.memref_slice %arg7[%add3A_10, %dma_wait3A_42] : memref<10240x16xf32, #tpu.memory_space<vmem_shared>> -> memref<128x16xf32, #tpu.memory_space<vmem_shared>>
      tpu.wait_dma2 semaphore(%run_scoped3A : memref<!tpu.dma_semaphore, #tpu.memory_space<semaphore_mem>>) src(%arg6 : memref<128x16xf32, #tpu.memory_space<vmem>>) dst(%dma_wait3A_43 : memref<128x16xf32, #tpu.memory_space<vmem_shared>>)
      tpu.yield
    }) : () -> ()
    %add3A_11 = arith.constant 128 : i32
    %add3A_12 = arith.addi %mul3A_9, %add3A_11 : i32
    "tpu.region"() ({
      %run_scoped3A = tpu.sem_alloc : memref<!tpu.dma_semaphore, #tpu.memory_space<semaphore_mem>>
      %dma_start3A = arith.constant 0 : i32
      %dma_start3A_38 = tpu.memref_slice %arg7[%add3A_12, %dma_start3A] : memref<10240x16xf32, #tpu.memory_space<vmem_shared>> -> memref<128x16xf32, #tpu.memory_space<vmem_shared>>
      %dma_start3A_39 = arith.constant 0 : i32
      %dma_start3A_40 = tpu.memref_slice %arg7[%add3A_12, %dma_start3A_39] : memref<10240x16xf32, #tpu.memory_space<vmem_shared>> -> memref<128x16xf32, #tpu.memory_space<vmem_shared>>
      tpu.enqueue_dma source(%arg6 : memref<128x16xf32, #tpu.memory_space<vmem>>) target(%dma_start3A_40 : memref<128x16xf32, #tpu.memory_space<vmem_shared>>) target_semaphore(%run_scoped3A : memref<!tpu.dma_semaphore, #tpu.memory_space<semaphore_mem>>)
      %dma_wait3A = arith.constant 0 : i32
      %dma_wait3A_41 = tpu.memref_slice %arg7[%add3A_12, %dma_wait3A] : memref<10240x16xf32, #tpu.memory_space<vmem_shared>> -> memref<128x16xf32, #tpu.memory_space<vmem_shared>>
      %dma_wait3A_42 = arith.constant 0 : i32
      %dma_wait3A_43 = tpu.memref_slice %arg7[%add3A_12, %dma_wait3A_42] : memref<10240x16xf32, #tpu.memory_space<vmem_shared>> -> memref<128x16xf32, #tpu.memory_space<vmem_shared>>
      tpu.wait_dma2 semaphore(%run_scoped3A : memref<!tpu.dma_semaphore, #tpu.memory_space<semaphore_mem>>) src(%arg6 : memref<128x16xf32, #tpu.memory_space<vmem>>) dst(%dma_wait3A_43 : memref<128x16xf32, #tpu.memory_space<vmem_shared>>)
      tpu.yield
    }) : () -> ()
    %add3A_13 = arith.constant 256 : i32
    %add3A_14 = arith.addi %mul3A_9, %add3A_13 : i32
    "tpu.region"() ({
      %run_scoped3A = tpu.sem_alloc : memref<!tpu.dma_semaphore, #tpu.memory_space<semaphore_mem>>
      %dma_start3A = arith.constant 0 : i32
      %dma_start3A_38 = tpu.memref_slice %arg7[%add3A_14, %dma_start3A] : memref<10240x16xf32, #tpu.memory_space<vmem_shared>> -> memref<128x16xf32, #tpu.memory_space<vmem_shared>>
      %dma_start3A_39 = arith.constant 0 : i32
      %dma_start3A_40 = tpu.memref_slice %arg7[%add3A_14, %dma_start3A_39] : memref<10240x16xf32, #tpu.memory_space<vmem_shared>> -> memref<128x16xf32, #tpu.memory_space<vmem_shared>>
      tpu.enqueue_dma source(%arg6 : memref<128x16xf32, #tpu.memory_space<vmem>>) target(%dma_start3A_40 : memref<128x16xf32, #tpu.memory_space<vmem_shared>>) target_semaphore(%run_scoped3A : memref<!tpu.dma_semaphore, #tpu.memory_space<semaphore_mem>>)
      %dma_wait3A = arith.constant 0 : i32
      %dma_wait3A_41 = tpu.memref_slice %arg7[%add3A_14, %dma_wait3A] : memref<10240x16xf32, #tpu.memory_space<vmem_shared>> -> memref<128x16xf32, #tpu.memory_space<vmem_shared>>
      %dma_wait3A_42 = arith.constant 0 : i32
      %dma_wait3A_43 = tpu.memref_slice %arg7[%add3A_14, %dma_wait3A_42] : memref<10240x16xf32, #tpu.memory_space<vmem_shared>> -> memref<128x16xf32, #tpu.memory_space<vmem_shared>>
      tpu.wait_dma2 semaphore(%run_scoped3A : memref<!tpu.dma_semaphore, #tpu.memory_space<semaphore_mem>>) src(%arg6 : memref<128x16xf32, #tpu.memory_space<vmem>>) dst(%dma_wait3A_43 : memref<128x16xf32, #tpu.memory_space<vmem_shared>>)
      tpu.yield
    }) : () -> ()
    %add3A_15 = arith.constant 384 : i32
    %add3A_16 = arith.addi %mul3A_9, %add3A_15 : i32
    "tpu.region"() ({
      %run_scoped3A = tpu.sem_alloc : memref<!tpu.dma_semaphore, #tpu.memory_space<semaphore_mem>>
      %dma_start3A = arith.constant 0 : i32
      %dma_start3A_38 = tpu.memref_slice %arg7[%add3A_16, %dma_start3A] : memref<10240x16xf32, #tpu.memory_space<vmem_shared>> -> memref<128x16xf32, #tpu.memory_space<vmem_shared>>
      %dma_start3A_39 = arith.constant 0 : i32
      %dma_start3A_40 = tpu.memref_slice %arg7[%add3A_16, %dma_start3A_39] : memref<10240x16xf32, #tpu.memory_space<vmem_shared>> -> memref<128x16xf32, #tpu.memory_space<vmem_shared>>
      tpu.enqueue_dma source(%arg6 : memref<128x16xf32, #tpu.memory_space<vmem>>) target(%dma_start3A_40 : memref<128x16xf32, #tpu.memory_space<vmem_shared>>) target_semaphore(%run_scoped3A : memref<!tpu.dma_semaphore, #tpu.memory_space<semaphore_mem>>)
      %dma_wait3A = arith.constant 0 : i32
      %dma_wait3A_41 = tpu.memref_slice %arg7[%add3A_16, %dma_wait3A] : memref<10240x16xf32, #tpu.memory_space<vmem_shared>> -> memref<128x16xf32, #tpu.memory_space<vmem_shared>>
      %dma_wait3A_42 = arith.constant 0 : i32
      %dma_wait3A_43 = tpu.memref_slice %arg7[%add3A_16, %dma_wait3A_42] : memref<10240x16xf32, #tpu.memory_space<vmem_shared>> -> memref<128x16xf32, #tpu.memory_space<vmem_shared>>
      tpu.wait_dma2 semaphore(%run_scoped3A : memref<!tpu.dma_semaphore, #tpu.memory_space<semaphore_mem>>) src(%arg6 : memref<128x16xf32, #tpu.memory_space<vmem>>) dst(%dma_wait3A_43 : memref<128x16xf32, #tpu.memory_space<vmem_shared>>)
      tpu.yield
    }) : () -> ()
    %add3A_17 = arith.constant 512 : i32
    %add3A_18 = arith.addi %mul3A_9, %add3A_17 : i32
    "tpu.region"() ({
      %run_scoped3A = tpu.sem_alloc : memref<!tpu.dma_semaphore, #tpu.memory_space<semaphore_mem>>
      %dma_start3A = arith.constant 0 : i32
      %dma_start3A_38 = tpu.memref_slice %arg7[%add3A_18, %dma_start3A] : memref<10240x16xf32, #tpu.memory_space<vmem_shared>> -> memref<128x16xf32, #tpu.memory_space<vmem_shared>>
      %dma_start3A_39 = arith.constant 0 : i32
      %dma_start3A_40 = tpu.memref_slice %arg7[%add3A_18, %dma_start3A_39] : memref<10240x16xf32, #tpu.memory_space<vmem_shared>> -> memref<128x16xf32, #tpu.memory_space<vmem_shared>>
      tpu.enqueue_dma source(%arg6 : memref<128x16xf32, #tpu.memory_space<vmem>>) target(%dma_start3A_40 : memref<128x16xf32, #tpu.memory_space<vmem_shared>>) target_semaphore(%run_scoped3A : memref<!tpu.dma_semaphore, #tpu.memory_space<semaphore_mem>>)
      %dma_wait3A = arith.constant 0 : i32
      %dma_wait3A_41 = tpu.memref_slice %arg7[%add3A_18, %dma_wait3A] : memref<10240x16xf32, #tpu.memory_space<vmem_shared>> -> memref<128x16xf32, #tpu.memory_space<vmem_shared>>
      %dma_wait3A_42 = arith.constant 0 : i32
      %dma_wait3A_43 = tpu.memref_slice %arg7[%add3A_18, %dma_wait3A_42] : memref<10240x16xf32, #tpu.memory_space<vmem_shared>> -> memref<128x16xf32, #tpu.memory_space<vmem_shared>>
      tpu.wait_dma2 semaphore(%run_scoped3A : memref<!tpu.dma_semaphore, #tpu.memory_space<semaphore_mem>>) src(%arg6 : memref<128x16xf32, #tpu.memory_space<vmem>>) dst(%dma_wait3A_43 : memref<128x16xf32, #tpu.memory_space<vmem_shared>>)
      tpu.yield
    }) : () -> ()
    %barrier3A = arith.constant 0 : index
    tpu.barrier barrier_id(%barrier3A)
    %scan3A_19 = arith.constant 0 : i32
    %scan3A_20 = arith.constant 0 : i32
    %scan3A_21 = arith.constant 128 : i32
    %scan3A_22 = arith.addi %scan3A_20, %scan3A_21 : i32
    %scan3A_23 = arith.constant 1 : i32
    %scan3A_24 = scf.for %scan3A_38 = %scan3A_20 to %scan3A_22 step %scan3A_23 iter_args(%scan3A_39 = %scan3A_19) -> (i32)  : i32 {
      %swap3A = arith.index_cast %scan3A_38 : i32 to index
      %swap3A_40 = arith.constant 0 : index
      %swap3A_41 = tpu.vector_load %arg6[%swap3A, %swap3A_40] {strides = array<i32>} : memref<128x16xf32, #tpu.memory_space<vmem>>, vector<1x16xf32>,
      %swap3A_42 = vector.shape_cast %swap3A_41 : vector<1x16xf32> to vector<16xf32>
      %swap3A_43 = vector.shape_cast %broadcast_in_dim3A_2 : vector<16xf32> to vector<1x16xf32>
      tpu.vector_store %arg6[%swap3A, %swap3A_40], %swap3A_43 {strides = array<i32>} : memref<128x16xf32, #tpu.memory_space<vmem>>, vector<1x16xf32>,
      %scan3A_44 = arith.constant 0 : i32
      scf.yield %scan3A_44 : i32
    }
    %scan3A_25 = arith.constant 128 : i32
    %mul3A_26 = arith.constant 20480 : i32
    %mul3A_27 = arith.muli %arg1, %mul3A_26 : i32
    %scan3A_28 = arith.constant 0 : i32
    %scan3A_29 = arith.constant 0 : i32
    %scan3A_30 = arith.constant 5 : i32
    %scan3A_31 = arith.addi %scan3A_29, %scan3A_30 : i32
    %scan3A_32 = arith.constant 1 : i32
    %scan3A_33 = scf.for %scan3A_38 = %scan3A_29 to %scan3A_31 step %scan3A_32 iter_args(%scan3A_39 = %scan3A_28) -> (i32)  : i32 {
      %mul3A_40 = arith.constant 4096 : i32
      %mul3A_41 = arith.muli %scan3A_38, %mul3A_40 : i32
      %add3A_42 = arith.addi %mul3A_27, %mul3A_41 : i32
      "tpu.region"() ({
        %run_scoped3A = tpu.sem_alloc : memref<!tpu.dma_semaphore, #tpu.memory_space<semaphore_mem>>
        %dma_start3A = tpu.memref_slice %arg2[%add3A_42] : memref<327680xi32, #tpu.memory_space<hbm>> -> memref<4096xi32, #tpu.memory_space<hbm>>
        %dma_start3A_51 = tpu.memref_slice %arg2[%add3A_42] : memref<327680xi32, #tpu.memory_space<hbm>> -> memref<4096xi32, #tpu.memory_space<hbm>>
        tpu.enqueue_dma source(%dma_start3A_51 : memref<4096xi32, #tpu.memory_space<hbm>>) target(%arg4 : memref<4096xi32, #tpu.memory_space<vmem>>) target_semaphore(%run_scoped3A : memref<!tpu.dma_semaphore, #tpu.memory_space<semaphore_mem>>)
        %dma_wait3A = tpu.memref_slice %arg2[%add3A_42] : memref<327680xi32, #tpu.memory_space<hbm>> -> memref<4096xi32, #tpu.memory_space<hbm>>
        %dma_wait3A_52 = tpu.memref_slice %arg2[%add3A_42] : memref<327680xi32, #tpu.memory_space<hbm>> -> memref<4096xi32, #tpu.memory_space<hbm>>
        tpu.wait_dma2 semaphore(%run_scoped3A : memref<!tpu.dma_semaphore, #tpu.memory_space<semaphore_mem>>) src(%dma_wait3A_52 : memref<4096xi32, #tpu.memory_space<hbm>>) dst(%arg4 : memref<4096xi32, #tpu.memory_space<vmem>>)
        tpu.yield
      }) : () -> ()
      %scan3A_43 = arith.constant 0 : i32
      %scan3A_44 = arith.constant 0 : i32
      %scan3A_45 = arith.constant 32 : i32
      %scan3A_46 = arith.addi %scan3A_44, %scan3A_45 : i32
      %scan3A_47 = arith.constant 1 : i32
      %scan3A_48 = scf.for %scan3A_51 = %scan3A_44 to %scan3A_46 step %scan3A_47 iter_args(%scan3A_52 = %scan3A_43) -> (i32)  : i32 {
        %mul3A_53 = arith.constant 128 : i32
        %mul3A_54 = arith.muli %scan3A_51, %mul3A_53 : i32
        %add3A_55 = arith.constant 0 : i32
        %add3A_56 = arith.addi %mul3A_54, %add3A_55 : i32
        %get3A = arith.index_cast %add3A_56 : i32 to index
        %get3A_57 = tpu.vector_load %arg4[%get3A] {strides = array<i32>} : memref<4096xi32, #tpu.memory_space<vmem>>, vector<16xi32>,
        %get3A_58 = vector.shape_cast %get3A_57 : vector<16xi32> to vector<16xi32>
        %swap3A = arith.constant 0 : index
        %swap3A_59 = tpu.vector_load %arg5[%swap3A] {strides = array<i32>} : memref<128xi32, #tpu.memory_space<vmem>>, vector<16xi32>,
        %swap3A_60 = vector.shape_cast %swap3A_59 : vector<16xi32> to vector<16xi32>
        %swap3A_61 = vector.shape_cast %get3A_58 : vector<16xi32> to vector<16xi32>
        tpu.vector_store %arg5[%swap3A], %swap3A_61 {strides = array<i32>} : memref<128xi32, #tpu.memory_space<vmem>>, vector<16xi32>,
        %add3A_62 = arith.constant 16 : i32
        %add3A_63 = arith.addi %mul3A_54, %add3A_62 : i32
        %get3A_64 = arith.index_cast %add3A_63 : i32 to index
        %get3A_65 = tpu.vector_load %arg4[%get3A_64] {strides = array<i32>} : memref<4096xi32, #tpu.memory_space<vmem>>, vector<16xi32>,
        %get3A_66 = vector.shape_cast %get3A_65 : vector<16xi32> to vector<16xi32>
        %swap3A_67 = arith.constant 16 : index
        %swap3A_68 = tpu.vector_load %arg5[%swap3A_67] {strides = array<i32>} : memref<128xi32, #tpu.memory_space<vmem>>, vector<16xi32>,
        %swap3A_69 = vector.shape_cast %swap3A_68 : vector<16xi32> to vector<16xi32>
        %swap3A_70 = vector.shape_cast %get3A_66 : vector<16xi32> to vector<16xi32>
        tpu.vector_store %arg5[%swap3A_67], %swap3A_70 {strides = array<i32>} : memref<128xi32, #tpu.memory_space<vmem>>, vector<16xi32>,
        %add3A_71 = arith.constant 32 : i32
        %add3A_72 = arith.addi %mul3A_54, %add3A_71 : i32
        %get3A_73 = arith.index_cast %add3A_72 : i32 to index
        %get3A_74 = tpu.vector_load %arg4[%get3A_73] {strides = array<i32>} : memref<4096xi32, #tpu.memory_space<vmem>>, vector<16xi32>,
        %get3A_75 = vector.shape_cast %get3A_74 : vector<16xi32> to vector<16xi32>
        %swap3A_76 = arith.constant 32 : index
        %swap3A_77 = tpu.vector_load %arg5[%swap3A_76] {strides = array<i32>} : memref<128xi32, #tpu.memory_space<vmem>>, vector<16xi32>,
        %swap3A_78 = vector.shape_cast %swap3A_77 : vector<16xi32> to vector<16xi32>
        %swap3A_79 = vector.shape_cast %get3A_75 : vector<16xi32> to vector<16xi32>
        tpu.vector_store %arg5[%swap3A_76], %swap3A_79 {strides = array<i32>} : memref<128xi32, #tpu.memory_space<vmem>>, vector<16xi32>,
        %add3A_80 = arith.constant 48 : i32
        %add3A_81 = arith.addi %mul3A_54, %add3A_80 : i32
        %get3A_82 = arith.index_cast %add3A_81 : i32 to index
        %get3A_83 = tpu.vector_load %arg4[%get3A_82] {strides = array<i32>} : memref<4096xi32, #tpu.memory_space<vmem>>, vector<16xi32>,
        %get3A_84 = vector.shape_cast %get3A_83 : vector<16xi32> to vector<16xi32>
        %swap3A_85 = arith.constant 48 : index
        %swap3A_86 = tpu.vector_load %arg5[%swap3A_85] {strides = array<i32>} : memref<128xi32, #tpu.memory_space<vmem>>, vector<16xi32>,
        %swap3A_87 = vector.shape_cast %swap3A_86 : vector<16xi32> to vector<16xi32>
        %swap3A_88 = vector.shape_cast %get3A_84 : vector<16xi32> to vector<16xi32>
        tpu.vector_store %arg5[%swap3A_85], %swap3A_88 {strides = array<i32>} : memref<128xi32, #tpu.memory_space<vmem>>, vector<16xi32>,
        %add3A_89 = arith.constant 64 : i32
        %add3A_90 = arith.addi %mul3A_54, %add3A_89 : i32
        %get3A_91 = arith.index_cast %add3A_90 : i32 to index
        %get3A_92 = tpu.vector_load %arg4[%get3A_91] {strides = array<i32>} : memref<4096xi32, #tpu.memory_space<vmem>>, vector<16xi32>,
        %get3A_93 = vector.shape_cast %get3A_92 : vector<16xi32> to vector<16xi32>
        %swap3A_94 = arith.constant 64 : index
        %swap3A_95 = tpu.vector_load %arg5[%swap3A_94] {strides = array<i32>} : memref<128xi32, #tpu.memory_space<vmem>>, vector<16xi32>,
        %swap3A_96 = vector.shape_cast %swap3A_95 : vector<16xi32> to vector<16xi32>
        %swap3A_97 = vector.shape_cast %get3A_93 : vector<16xi32> to vector<16xi32>
        tpu.vector_store %arg5[%swap3A_94], %swap3A_97 {strides = array<i32>} : memref<128xi32, #tpu.memory_space<vmem>>, vector<16xi32>,
        %add3A_98 = arith.constant 80 : i32
        %add3A_99 = arith.addi %mul3A_54, %add3A_98 : i32
        %get3A_100 = arith.index_cast %add3A_99 : i32 to index
        %get3A_101 = tpu.vector_load %arg4[%get3A_100] {strides = array<i32>} : memref<4096xi32, #tpu.memory_space<vmem>>, vector<16xi32>,
        %get3A_102 = vector.shape_cast %get3A_101 : vector<16xi32> to vector<16xi32>
        %swap3A_103 = arith.constant 80 : index
        %swap3A_104 = tpu.vector_load %arg5[%swap3A_103] {strides = array<i32>} : memref<128xi32, #tpu.memory_space<vmem>>, vector<16xi32>,
        %swap3A_105 = vector.shape_cast %swap3A_104 : vector<16xi32> to vector<16xi32>
        %swap3A_106 = vector.shape_cast %get3A_102 : vector<16xi32> to vector<16xi32>
        tpu.vector_store %arg5[%swap3A_103], %swap3A_106 {strides = array<i32>} : memref<128xi32, #tpu.memory_space<vmem>>, vector<16xi32>,
        %add3A_107 = arith.constant 96 : i32
        %add3A_108 = arith.addi %mul3A_54, %add3A_107 : i32
        %get3A_109 = arith.index_cast %add3A_108 : i32 to index
        %get3A_110 = tpu.vector_load %arg4[%get3A_109] {strides = array<i32>} : memref<4096xi32, #tpu.memory_space<vmem>>, vector<16xi32>,
        %get3A_111 = vector.shape_cast %get3A_110 : vector<16xi32> to vector<16xi32>
        %swap3A_112 = arith.constant 96 : index
        %swap3A_113 = tpu.vector_load %arg5[%swap3A_112] {strides = array<i32>} : memref<128xi32, #tpu.memory_space<vmem>>, vector<16xi32>,
        %swap3A_114 = vector.shape_cast %swap3A_113 : vector<16xi32> to vector<16xi32>
        %swap3A_115 = vector.shape_cast %get3A_111 : vector<16xi32> to vector<16xi32>
        tpu.vector_store %arg5[%swap3A_112], %swap3A_115 {strides = array<i32>} : memref<128xi32, #tpu.memory_space<vmem>>, vector<16xi32>,
        %add3A_116 = arith.constant 112 : i32
        %add3A_117 = arith.addi %mul3A_54, %add3A_116 : i32
        %get3A_118 = arith.index_cast %add3A_117 : i32 to index
        %get3A_119 = tpu.vector_load %arg4[%get3A_118] {strides = array<i32>} : memref<4096xi32, #tpu.memory_space<vmem>>, vector<16xi32>,
        %get3A_120 = vector.shape_cast %get3A_119 : vector<16xi32> to vector<16xi32>
        %swap3A_121 = arith.constant 112 : index
        %swap3A_122 = tpu.vector_load %arg5[%swap3A_121] {strides = array<i32>} : memref<128xi32, #tpu.memory_space<vmem>>, vector<16xi32>,
        %swap3A_123 = vector.shape_cast %swap3A_122 : vector<16xi32> to vector<16xi32>
        %swap3A_124 = vector.shape_cast %get3A_120 : vector<16xi32> to vector<16xi32>
        tpu.vector_store %arg5[%swap3A_121], %swap3A_124 {strides = array<i32>} : memref<128xi32, #tpu.memory_space<vmem>>, vector<16xi32>,
        "tpu.region"() ({
          %run_scoped3A = tpu.sem_alloc : memref<!tpu.dma_semaphore, #tpu.memory_space<semaphore_mem>>
          %dma_start3A = arith.constant 0 : i32
          %dma_start3A_126 = arith.constant 0 : i32
          %dma_start3A_127 = tpu.memref_slice %arg7[%dma_start3A, %dma_start3A_126] : memref<10240x16xf32, #tpu.memory_space<vmem_shared>> -> memref<10240x16xf32, #tpu.memory_space<vmem_shared>>
          tpu.enqueue_indirect_dma source(%arg6 : memref<128x16xf32, #tpu.memory_space<vmem>>) target(%dma_start3A_127 : memref<10240x16xf32, #tpu.memory_space<vmem_shared>>) offsets(%arg5 : memref<128xi32, #tpu.memory_space<vmem>>) semaphore(%run_scoped3A : memref<!tpu.dma_semaphore, #tpu.memory_space<semaphore_mem>>) {add = true}
          %dma_wait3A = arith.constant 0 : i32
          %dma_wait3A_128 = arith.constant 0 : i32
          %dma_wait3A_129 = tpu.memref_slice %arg7[%dma_wait3A, %dma_wait3A_128] : memref<10240x16xf32, #tpu.memory_space<vmem_shared>> -> memref<10240x16xf32, #tpu.memory_space<vmem_shared>>
          tpu.wait_indirect_dma semaphore(%run_scoped3A : memref<!tpu.dma_semaphore, #tpu.memory_space<semaphore_mem>>) src(%arg6 : memref<128x16xf32, #tpu.memory_space<vmem>>) dst(%dma_wait3A_129 : memref<10240x16xf32, #tpu.memory_space<vmem_shared>>)
          tpu.yield
        }) : () -> ()
        %scan3A_125 = arith.constant 0 : i32
        scf.yield %scan3A_125 : i32
      }
      %scan3A_49 = arith.constant 32 : i32
      %scan3A_50 = arith.constant 0 : i32
      scf.yield %scan3A_50 : i32
    }
    %scan3A_34 = arith.constant 5 : i32
    %barrier3A_35 = arith.constant 0 : index
    tpu.barrier barrier_id(%barrier3A_35)
    %eq3A = arith.constant 0 : i32
    %eq3A_36 = arith.cmpi eq, %arg0, %eq3A : i32
    %convert_element_type3A = arith.extui %eq3A_36 : i1 to i32
    %cond3A = arith.constant 0 : i32
    %cond3A_37 = arith.cmpi ne, %convert_element_type3A, %cond3A : i32
    scf.if %cond3A_37 {
      %add3A_38 = arith.constant 0 : i32
      %add3A_39 = arith.addi %mul3A_9, %add3A_38 : i32
      "tpu.region"() ({
        %run_scoped3A = tpu.sem_alloc : memref<!tpu.dma_semaphore, #tpu.memory_space<semaphore_mem>>
        %dma_start3A = arith.constant 0 : i32
        %dma_start3A_58 = tpu.memref_slice %arg7[%add3A_39, %dma_start3A] : memref<10240x16xf32, #tpu.memory_space<vmem_shared>> -> memref<128x16xf32, #tpu.memory_space<vmem_shared>>
        %dma_start3A_59 = arith.constant 0 : i32
        %dma_start3A_60 = tpu.memref_slice %arg7[%add3A_39, %dma_start3A_59] : memref<10240x16xf32, #tpu.memory_space<vmem_shared>> -> memref<128x16xf32, #tpu.memory_space<vmem_shared>>
        tpu.enqueue_dma source(%dma_start3A_60 : memref<128x16xf32, #tpu.memory_space<vmem_shared>>) target(%arg6 : memref<128x16xf32, #tpu.memory_space<vmem>>) target_semaphore(%run_scoped3A : memref<!tpu.dma_semaphore, #tpu.memory_space<semaphore_mem>>)
        %dma_wait3A = arith.constant 0 : i32
        %dma_wait3A_61 = tpu.memref_slice %arg7[%add3A_39, %dma_wait3A] : memref<10240x16xf32, #tpu.memory_space<vmem_shared>> -> memref<128x16xf32, #tpu.memory_space<vmem_shared>>
        %dma_wait3A_62 = arith.constant 0 : i32
        %dma_wait3A_63 = tpu.memref_slice %arg7[%add3A_39, %dma_wait3A_62] : memref<10240x16xf32, #tpu.memory_space<vmem_shared>> -> memref<128x16xf32, #tpu.memory_space<vmem_shared>>
        tpu.wait_dma2 semaphore(%run_scoped3A : memref<!tpu.dma_semaphore, #tpu.memory_space<semaphore_mem>>) src(%dma_wait3A_63 : memref<128x16xf32, #tpu.memory_space<vmem_shared>>) dst(%arg6 : memref<128x16xf32, #tpu.memory_space<vmem>>)
        tpu.yield
      }) : () -> ()
      %add3A_40 = arith.constant 0 : i32
      %add3A_41 = arith.addi %mul3A_9, %add3A_40 : i32
      "tpu.region"() ({
        %run_scoped3A = tpu.sem_alloc : memref<!tpu.dma_semaphore, #tpu.memory_space<semaphore_mem>>
        %dma_start3A = arith.constant 0 : i32
        %dma_start3A_58 = tpu.memref_slice %arg3[%add3A_41, %dma_start3A] : memref<10240x16xf32, #tpu.memory_space<hbm>> -> memref<128x16xf32, #tpu.memory_space<hbm>>
        %dma_start3A_59 = arith.constant 0 : i32
        %dma_start3A_60 = tpu.memref_slice %arg3[%add3A_41, %dma_start3A_59] : memref<10240x16xf32, #tpu.memory_space<hbm>> -> memref<128x16xf32, #tpu.memory_space<hbm>>
        tpu.enqueue_dma source(%arg6 : memref<128x16xf32, #tpu.memory_space<vmem>>) target(%dma_start3A_60 : memref<128x16xf32, #tpu.memory_space<hbm>>) target_semaphore(%run_scoped3A : memref<!tpu.dma_semaphore, #tpu.memory_space<semaphore_mem>>)
        %dma_wait3A = arith.constant 0 : i32
        %dma_wait3A_61 = tpu.memref_slice %arg3[%add3A_41, %dma_wait3A] : memref<10240x16xf32, #tpu.memory_space<hbm>> -> memref<128x16xf32, #tpu.memory_space<hbm>>
        %dma_wait3A_62 = arith.constant 0 : i32
        %dma_wait3A_63 = tpu.memref_slice %arg3[%add3A_41, %dma_wait3A_62] : memref<10240x16xf32, #tpu.memory_space<hbm>> -> memref<128x16xf32, #tpu.memory_space<hbm>>
        tpu.wait_dma2 semaphore(%run_scoped3A : memref<!tpu.dma_semaphore, #tpu.memory_space<semaphore_mem>>) src(%arg6 : memref<128x16xf32, #tpu.memory_space<vmem>>) dst(%dma_wait3A_63 : memref<128x16xf32, #tpu.memory_space<hbm>>)
        tpu.yield
      }) : () -> ()
      %add3A_42 = arith.constant 128 : i32
      %add3A_43 = arith.addi %mul3A_9, %add3A_42 : i32
      "tpu.region"() ({
        %run_scoped3A = tpu.sem_alloc : memref<!tpu.dma_semaphore, #tpu.memory_space<semaphore_mem>>
        %dma_start3A = arith.constant 0 : i32
        %dma_start3A_58 = tpu.memref_slice %arg7[%add3A_43, %dma_start3A] : memref<10240x16xf32, #tpu.memory_space<vmem_shared>> -> memref<128x16xf32, #tpu.memory_space<vmem_shared>>
        %dma_start3A_59 = arith.constant 0 : i32
        %dma_start3A_60 = tpu.memref_slice %arg7[%add3A_43, %dma_start3A_59] : memref<10240x16xf32, #tpu.memory_space<vmem_shared>> -> memref<128x16xf32, #tpu.memory_space<vmem_shared>>
        tpu.enqueue_dma source(%dma_start3A_60 : memref<128x16xf32, #tpu.memory_space<vmem_shared>>) target(%arg6 : memref<128x16xf32, #tpu.memory_space<vmem>>) target_semaphore(%run_scoped3A : memref<!tpu.dma_semaphore, #tpu.memory_space<semaphore_mem>>)
        %dma_wait3A = arith.constant 0 : i32
        %dma_wait3A_61 = tpu.memref_slice %arg7[%add3A_43, %dma_wait3A] : memref<10240x16xf32, #tpu.memory_space<vmem_shared>> -> memref<128x16xf32, #tpu.memory_space<vmem_shared>>
        %dma_wait3A_62 = arith.constant 0 : i32
        %dma_wait3A_63 = tpu.memref_slice %arg7[%add3A_43, %dma_wait3A_62] : memref<10240x16xf32, #tpu.memory_space<vmem_shared>> -> memref<128x16xf32, #tpu.memory_space<vmem_shared>>
        tpu.wait_dma2 semaphore(%run_scoped3A : memref<!tpu.dma_semaphore, #tpu.memory_space<semaphore_mem>>) src(%dma_wait3A_63 : memref<128x16xf32, #tpu.memory_space<vmem_shared>>) dst(%arg6 : memref<128x16xf32, #tpu.memory_space<vmem>>)
        tpu.yield
      }) : () -> ()
      %add3A_44 = arith.constant 128 : i32
      %add3A_45 = arith.addi %mul3A_9, %add3A_44 : i32
      "tpu.region"() ({
        %run_scoped3A = tpu.sem_alloc : memref<!tpu.dma_semaphore, #tpu.memory_space<semaphore_mem>>
        %dma_start3A = arith.constant 0 : i32
        %dma_start3A_58 = tpu.memref_slice %arg3[%add3A_45, %dma_start3A] : memref<10240x16xf32, #tpu.memory_space<hbm>> -> memref<128x16xf32, #tpu.memory_space<hbm>>
        %dma_start3A_59 = arith.constant 0 : i32
        %dma_start3A_60 = tpu.memref_slice %arg3[%add3A_45, %dma_start3A_59] : memref<10240x16xf32, #tpu.memory_space<hbm>> -> memref<128x16xf32, #tpu.memory_space<hbm>>
        tpu.enqueue_dma source(%arg6 : memref<128x16xf32, #tpu.memory_space<vmem>>) target(%dma_start3A_60 : memref<128x16xf32, #tpu.memory_space<hbm>>) target_semaphore(%run_scoped3A : memref<!tpu.dma_semaphore, #tpu.memory_space<semaphore_mem>>)
        %dma_wait3A = arith.constant 0 : i32
        %dma_wait3A_61 = tpu.memref_slice %arg3[%add3A_45, %dma_wait3A] : memref<10240x16xf32, #tpu.memory_space<hbm>> -> memref<128x16xf32, #tpu.memory_space<hbm>>
        %dma_wait3A_62 = arith.constant 0 : i32
        %dma_wait3A_63 = tpu.memref_slice %arg3[%add3A_45, %dma_wait3A_62] : memref<10240x16xf32, #tpu.memory_space<hbm>> -> memref<128x16xf32, #tpu.memory_space<hbm>>
        tpu.wait_dma2 semaphore(%run_scoped3A : memref<!tpu.dma_semaphore, #tpu.memory_space<semaphore_mem>>) src(%arg6 : memref<128x16xf32, #tpu.memory_space<vmem>>) dst(%dma_wait3A_63 : memref<128x16xf32, #tpu.memory_space<hbm>>)
        tpu.yield
      }) : () -> ()
      %add3A_46 = arith.constant 256 : i32
      %add3A_47 = arith.addi %mul3A_9, %add3A_46 : i32
      "tpu.region"() ({
        %run_scoped3A = tpu.sem_alloc : memref<!tpu.dma_semaphore, #tpu.memory_space<semaphore_mem>>
        %dma_start3A = arith.constant 0 : i32
        %dma_start3A_58 = tpu.memref_slice %arg7[%add3A_47, %dma_start3A] : memref<10240x16xf32, #tpu.memory_space<vmem_shared>> -> memref<128x16xf32, #tpu.memory_space<vmem_shared>>
        %dma_start3A_59 = arith.constant 0 : i32
        %dma_start3A_60 = tpu.memref_slice %arg7[%add3A_47, %dma_start3A_59] : memref<10240x16xf32, #tpu.memory_space<vmem_shared>> -> memref<128x16xf32, #tpu.memory_space<vmem_shared>>
        tpu.enqueue_dma source(%dma_start3A_60 : memref<128x16xf32, #tpu.memory_space<vmem_shared>>) target(%arg6 : memref<128x16xf32, #tpu.memory_space<vmem>>) target_semaphore(%run_scoped3A : memref<!tpu.dma_semaphore, #tpu.memory_space<semaphore_mem>>)
        %dma_wait3A = arith.constant 0 : i32
        %dma_wait3A_61 = tpu.memref_slice %arg7[%add3A_47, %dma_wait3A] : memref<10240x16xf32, #tpu.memory_space<vmem_shared>> -> memref<128x16xf32, #tpu.memory_space<vmem_shared>>
        %dma_wait3A_62 = arith.constant 0 : i32
        %dma_wait3A_63 = tpu.memref_slice %arg7[%add3A_47, %dma_wait3A_62] : memref<10240x16xf32, #tpu.memory_space<vmem_shared>> -> memref<128x16xf32, #tpu.memory_space<vmem_shared>>
        tpu.wait_dma2 semaphore(%run_scoped3A : memref<!tpu.dma_semaphore, #tpu.memory_space<semaphore_mem>>) src(%dma_wait3A_63 : memref<128x16xf32, #tpu.memory_space<vmem_shared>>) dst(%arg6 : memref<128x16xf32, #tpu.memory_space<vmem>>)
        tpu.yield
      }) : () -> ()
      %add3A_48 = arith.constant 256 : i32
      %add3A_49 = arith.addi %mul3A_9, %add3A_48 : i32
      "tpu.region"() ({
        %run_scoped3A = tpu.sem_alloc : memref<!tpu.dma_semaphore, #tpu.memory_space<semaphore_mem>>
        %dma_start3A = arith.constant 0 : i32
        %dma_start3A_58 = tpu.memref_slice %arg3[%add3A_49, %dma_start3A] : memref<10240x16xf32, #tpu.memory_space<hbm>> -> memref<128x16xf32, #tpu.memory_space<hbm>>
        %dma_start3A_59 = arith.constant 0 : i32
        %dma_start3A_60 = tpu.memref_slice %arg3[%add3A_49, %dma_start3A_59] : memref<10240x16xf32, #tpu.memory_space<hbm>> -> memref<128x16xf32, #tpu.memory_space<hbm>>
        tpu.enqueue_dma source(%arg6 : memref<128x16xf32, #tpu.memory_space<vmem>>) target(%dma_start3A_60 : memref<128x16xf32, #tpu.memory_space<hbm>>) target_semaphore(%run_scoped3A : memref<!tpu.dma_semaphore, #tpu.memory_space<semaphore_mem>>)
        %dma_wait3A = arith.constant 0 : i32
        %dma_wait3A_61 = tpu.memref_slice %arg3[%add3A_49, %dma_wait3A] : memref<10240x16xf32, #tpu.memory_space<hbm>> -> memref<128x16xf32, #tpu.memory_space<hbm>>
        %dma_wait3A_62 = arith.constant 0 : i32
        %dma_wait3A_63 = tpu.memref_slice %arg3[%add3A_49, %dma_wait3A_62] : memref<10240x16xf32, #tpu.memory_space<hbm>> -> memref<128x16xf32, #tpu.memory_space<hbm>>
        tpu.wait_dma2 semaphore(%run_scoped3A : memref<!tpu.dma_semaphore, #tpu.memory_space<semaphore_mem>>) src(%arg6 : memref<128x16xf32, #tpu.memory_space<vmem>>) dst(%dma_wait3A_63 : memref<128x16xf32, #tpu.memory_space<hbm>>)
        tpu.yield
      }) : () -> ()
      %add3A_50 = arith.constant 384 : i32
      %add3A_51 = arith.addi %mul3A_9, %add3A_50 : i32
      "tpu.region"() ({
        %run_scoped3A = tpu.sem_alloc : memref<!tpu.dma_semaphore, #tpu.memory_space<semaphore_mem>>
        %dma_start3A = arith.constant 0 : i32
        %dma_start3A_58 = tpu.memref_slice %arg7[%add3A_51, %dma_start3A] : memref<10240x16xf32, #tpu.memory_space<vmem_shared>> -> memref<128x16xf32, #tpu.memory_space<vmem_shared>>
        %dma_start3A_59 = arith.constant 0 : i32
        %dma_start3A_60 = tpu.memref_slice %arg7[%add3A_51, %dma_start3A_59] : memref<10240x16xf32, #tpu.memory_space<vmem_shared>> -> memref<128x16xf32, #tpu.memory_space<vmem_shared>>
        tpu.enqueue_dma source(%dma_start3A_60 : memref<128x16xf32, #tpu.memory_space<vmem_shared>>) target(%arg6 : memref<128x16xf32, #tpu.memory_space<vmem>>) target_semaphore(%run_scoped3A : memref<!tpu.dma_semaphore, #tpu.memory_space<semaphore_mem>>)
        %dma_wait3A = arith.constant 0 : i32
        %dma_wait3A_61 = tpu.memref_slice %arg7[%add3A_51, %dma_wait3A] : memref<10240x16xf32, #tpu.memory_space<vmem_shared>> -> memref<128x16xf32, #tpu.memory_space<vmem_shared>>
        %dma_wait3A_62 = arith.constant 0 : i32
        %dma_wait3A_63 = tpu.memref_slice %arg7[%add3A_51, %dma_wait3A_62] : memref<10240x16xf32, #tpu.memory_space<vmem_shared>> -> memref<128x16xf32, #tpu.memory_space<vmem_shared>>
        tpu.wait_dma2 semaphore(%run_scoped3A : memref<!tpu.dma_semaphore, #tpu.memory_space<semaphore_mem>>) src(%dma_wait3A_63 : memref<128x16xf32, #tpu.memory_space<vmem_shared>>) dst(%arg6 : memref<128x16xf32, #tpu.memory_space<vmem>>)
        tpu.yield
      }) : () -> ()
      %add3A_52 = arith.constant 384 : i32
      %add3A_53 = arith.addi %mul3A_9, %add3A_52 : i32
      "tpu.region"() ({
        %run_scoped3A = tpu.sem_alloc : memref<!tpu.dma_semaphore, #tpu.memory_space<semaphore_mem>>
        %dma_start3A = arith.constant 0 : i32
        %dma_start3A_58 = tpu.memref_slice %arg3[%add3A_53, %dma_start3A] : memref<10240x16xf32, #tpu.memory_space<hbm>> -> memref<128x16xf32, #tpu.memory_space<hbm>>
        %dma_start3A_59 = arith.constant 0 : i32
        %dma_start3A_60 = tpu.memref_slice %arg3[%add3A_53, %dma_start3A_59] : memref<10240x16xf32, #tpu.memory_space<hbm>> -> memref<128x16xf32, #tpu.memory_space<hbm>>
        tpu.enqueue_dma source(%arg6 : memref<128x16xf32, #tpu.memory_space<vmem>>) target(%dma_start3A_60 : memref<128x16xf32, #tpu.memory_space<hbm>>) target_semaphore(%run_scoped3A : memref<!tpu.dma_semaphore, #tpu.memory_space<semaphore_mem>>)
        %dma_wait3A = arith.constant 0 : i32
        %dma_wait3A_61 = tpu.memref_slice %arg3[%add3A_53, %dma_wait3A] : memref<10240x16xf32, #tpu.memory_space<hbm>> -> memref<128x16xf32, #tpu.memory_space<hbm>>
        %dma_wait3A_62 = arith.constant 0 : i32
        %dma_wait3A_63 = tpu.memref_slice %arg3[%add3A_53, %dma_wait3A_62] : memref<10240x16xf32, #tpu.memory_space<hbm>> -> memref<128x16xf32, #tpu.memory_space<hbm>>
        tpu.wait_dma2 semaphore(%run_scoped3A : memref<!tpu.dma_semaphore, #tpu.memory_space<semaphore_mem>>) src(%arg6 : memref<128x16xf32, #tpu.memory_space<vmem>>) dst(%dma_wait3A_63 : memref<128x16xf32, #tpu.memory_space<hbm>>)
        tpu.yield
      }) : () -> ()
      %add3A_54 = arith.constant 512 : i32
      %add3A_55 = arith.addi %mul3A_9, %add3A_54 : i32
      "tpu.region"() ({
        %run_scoped3A = tpu.sem_alloc : memref<!tpu.dma_semaphore, #tpu.memory_space<semaphore_mem>>
        %dma_start3A = arith.constant 0 : i32
        %dma_start3A_58 = tpu.memref_slice %arg7[%add3A_55, %dma_start3A] : memref<10240x16xf32, #tpu.memory_space<vmem_shared>> -> memref<128x16xf32, #tpu.memory_space<vmem_shared>>
        %dma_start3A_59 = arith.constant 0 : i32
        %dma_start3A_60 = tpu.memref_slice %arg7[%add3A_55, %dma_start3A_59] : memref<10240x16xf32, #tpu.memory_space<vmem_shared>> -> memref<128x16xf32, #tpu.memory_space<vmem_shared>>
        tpu.enqueue_dma source(%dma_start3A_60 : memref<128x16xf32, #tpu.memory_space<vmem_shared>>) target(%arg6 : memref<128x16xf32, #tpu.memory_space<vmem>>) target_semaphore(%run_scoped3A : memref<!tpu.dma_semaphore, #tpu.memory_space<semaphore_mem>>)
        %dma_wait3A = arith.constant 0 : i32
        %dma_wait3A_61 = tpu.memref_slice %arg7[%add3A_55, %dma_wait3A] : memref<10240x16xf32, #tpu.memory_space<vmem_shared>> -> memref<128x16xf32, #tpu.memory_space<vmem_shared>>
        %dma_wait3A_62 = arith.constant 0 : i32
        %dma_wait3A_63 = tpu.memref_slice %arg7[%add3A_55, %dma_wait3A_62] : memref<10240x16xf32, #tpu.memory_space<vmem_shared>> -> memref<128x16xf32, #tpu.memory_space<vmem_shared>>
        tpu.wait_dma2 semaphore(%run_scoped3A : memref<!tpu.dma_semaphore, #tpu.memory_space<semaphore_mem>>) src(%dma_wait3A_63 : memref<128x16xf32, #tpu.memory_space<vmem_shared>>) dst(%arg6 : memref<128x16xf32, #tpu.memory_space<vmem>>)
        tpu.yield
      }) : () -> ()
      %add3A_56 = arith.constant 512 : i32
      %add3A_57 = arith.addi %mul3A_9, %add3A_56 : i32
      "tpu.region"() ({
        %run_scoped3A = tpu.sem_alloc : memref<!tpu.dma_semaphore, #tpu.memory_space<semaphore_mem>>
        %dma_start3A = arith.constant 0 : i32
        %dma_start3A_58 = tpu.memref_slice %arg3[%add3A_57, %dma_start3A] : memref<10240x16xf32, #tpu.memory_space<hbm>> -> memref<128x16xf32, #tpu.memory_space<hbm>>
        %dma_start3A_59 = arith.constant 0 : i32
        %dma_start3A_60 = tpu.memref_slice %arg3[%add3A_57, %dma_start3A_59] : memref<10240x16xf32, #tpu.memory_space<hbm>> -> memref<128x16xf32, #tpu.memory_space<hbm>>
        tpu.enqueue_dma source(%arg6 : memref<128x16xf32, #tpu.memory_space<vmem>>) target(%dma_start3A_60 : memref<128x16xf32, #tpu.memory_space<hbm>>) target_semaphore(%run_scoped3A : memref<!tpu.dma_semaphore, #tpu.memory_space<semaphore_mem>>)
        %dma_wait3A = arith.constant 0 : i32
        %dma_wait3A_61 = tpu.memref_slice %arg3[%add3A_57, %dma_wait3A] : memref<10240x16xf32, #tpu.memory_space<hbm>> -> memref<128x16xf32, #tpu.memory_space<hbm>>
        %dma_wait3A_62 = arith.constant 0 : i32
        %dma_wait3A_63 = tpu.memref_slice %arg3[%add3A_57, %dma_wait3A_62] : memref<10240x16xf32, #tpu.memory_space<hbm>> -> memref<128x16xf32, #tpu.memory_space<hbm>>
        tpu.wait_dma2 semaphore(%run_scoped3A : memref<!tpu.dma_semaphore, #tpu.memory_space<semaphore_mem>>) src(%arg6 : memref<128x16xf32, #tpu.memory_space<vmem>>) dst(%dma_wait3A_63 : memref<128x16xf32, #tpu.memory_space<hbm>>)
        tpu.yield
      }) : () -> ()
    } else {
    }
    return
  }
}

#map = affine_map<(d0, d1) -> (0, 0)>
#map1 = affine_map<(d0, d1) -> (0)>
module attributes {stable_mosaic.version = 14 : i64} {
  func.func @agg(%arg0: i32, %arg1: i32, %arg2: memref<20480x64xf32, #tpu.memory_space<hbm>>, %arg3: memref<327680xi32, #tpu.memory_space<hbm>>, %arg4: memref<327680xi32, #tpu.memory_space<hbm>>, %arg5: memref<20480x64xf32, #tpu.memory_space<hbm>>, %arg6: memref<4096xi32, #tpu.memory_space<vmem>>, %arg7: memref<4096xi32, #tpu.memory_space<vmem>>, %arg8: memref<128xi32, #tpu.memory_space<vmem>>, %arg9: memref<128xi32, #tpu.memory_space<vmem>>, %arg10: memref<128x64xf32, #tpu.memory_space<vmem>>, %arg11: memref<10240x64xf32, #tpu.memory_space<vmem_shared>>) attributes {dimension_semantics = [#tpu.dimension_semantics<core_parallel>, #tpu.dimension_semantics<subcore_parallel>], iteration_bounds = array<i64: 2, 16>, scalar_prefetch = 0 : i64, scratch_operands = 6 : i64, tpu.core_type = #tpu.core_type<sc_vector_subcore>, window_params = [{transform_indices = #map}, {transform_indices = #map1}, {transform_indices = #map1}, {transform_indices = #map}]} {
    %broadcast_in_dim3A = arith.constant 0.000000e+00 : f32
    %broadcast_in_dim3A_0 = vector.broadcast %broadcast_in_dim3A : f32 to vector<16xf32>
    %scan3A = arith.constant 0 : i32
    %scan3A_1 = arith.constant 0 : i32
    %scan3A_2 = arith.constant 128 : i32
    %scan3A_3 = arith.addi %scan3A_1, %scan3A_2 : i32
    %scan3A_4 = arith.constant 1 : i32
    %scan3A_5 = scf.for %scan3A_52 = %scan3A_1 to %scan3A_3 step %scan3A_4 iter_args(%scan3A_53 = %scan3A) -> (i32)  : i32 {
      %swap3A = arith.index_cast %scan3A_52 : i32 to index
      %swap3A_54 = arith.constant 0 : index
      %swap3A_55 = tpu.vector_load %arg10[%swap3A, %swap3A_54] {strides = array<i32>} : memref<128x64xf32, #tpu.memory_space<vmem>>, vector<1x16xf32>,
      %swap3A_56 = vector.shape_cast %swap3A_55 : vector<1x16xf32> to vector<16xf32>
      %swap3A_57 = vector.shape_cast %broadcast_in_dim3A_0 : vector<16xf32> to vector<1x16xf32>
      tpu.vector_store %arg10[%swap3A, %swap3A_54], %swap3A_57 {strides = array<i32>} : memref<128x64xf32, #tpu.memory_space<vmem>>, vector<1x16xf32>,
      %swap3A_58 = arith.index_cast %scan3A_52 : i32 to index
      %swap3A_59 = arith.constant 16 : index
      %swap3A_60 = tpu.vector_load %arg10[%swap3A_58, %swap3A_59] {strides = array<i32>} : memref<128x64xf32, #tpu.memory_space<vmem>>, vector<1x16xf32>,
      %swap3A_61 = vector.shape_cast %swap3A_60 : vector<1x16xf32> to vector<16xf32>
      %swap3A_62 = vector.shape_cast %broadcast_in_dim3A_0 : vector<16xf32> to vector<1x16xf32>
      tpu.vector_store %arg10[%swap3A_58, %swap3A_59], %swap3A_62 {strides = array<i32>} : memref<128x64xf32, #tpu.memory_space<vmem>>, vector<1x16xf32>,
      %swap3A_63 = arith.index_cast %scan3A_52 : i32 to index
      %swap3A_64 = arith.constant 32 : index
      %swap3A_65 = tpu.vector_load %arg10[%swap3A_63, %swap3A_64] {strides = array<i32>} : memref<128x64xf32, #tpu.memory_space<vmem>>, vector<1x16xf32>,
      %swap3A_66 = vector.shape_cast %swap3A_65 : vector<1x16xf32> to vector<16xf32>
      %swap3A_67 = vector.shape_cast %broadcast_in_dim3A_0 : vector<16xf32> to vector<1x16xf32>
      tpu.vector_store %arg10[%swap3A_63, %swap3A_64], %swap3A_67 {strides = array<i32>} : memref<128x64xf32, #tpu.memory_space<vmem>>, vector<1x16xf32>,
      %swap3A_68 = arith.index_cast %scan3A_52 : i32 to index
      %swap3A_69 = arith.constant 48 : index
      %swap3A_70 = tpu.vector_load %arg10[%swap3A_68, %swap3A_69] {strides = array<i32>} : memref<128x64xf32, #tpu.memory_space<vmem>>, vector<1x16xf32>,
      %swap3A_71 = vector.shape_cast %swap3A_70 : vector<1x16xf32> to vector<16xf32>
      %swap3A_72 = vector.shape_cast %broadcast_in_dim3A_0 : vector<16xf32> to vector<1x16xf32>
      tpu.vector_store %arg10[%swap3A_68, %swap3A_69], %swap3A_72 {strides = array<i32>} : memref<128x64xf32, #tpu.memory_space<vmem>>, vector<1x16xf32>,
      %scan3A_73 = arith.constant 0 : i32
      scf.yield %scan3A_73 : i32
    }
    %scan3A_6 = arith.constant 128 : i32
    %mul3A = arith.constant 640 : i32
    %mul3A_7 = arith.muli %arg1, %mul3A : i32
    %add3A = arith.constant 0 : i32
    %add3A_8 = arith.addi %mul3A_7, %add3A : i32
    "tpu.region"() ({
      %run_scoped3A = tpu.sem_alloc : memref<!tpu.dma_semaphore, #tpu.memory_space<semaphore_mem>>
      %dma_start3A = arith.constant 0 : i32
      %dma_start3A_52 = tpu.memref_slice %arg11[%add3A_8, %dma_start3A] : memref<10240x64xf32, #tpu.memory_space<vmem_shared>> -> memref<128x64xf32, #tpu.memory_space<vmem_shared>>
      %dma_start3A_53 = arith.constant 0 : i32
      %dma_start3A_54 = tpu.memref_slice %arg11[%add3A_8, %dma_start3A_53] : memref<10240x64xf32, #tpu.memory_space<vmem_shared>> -> memref<128x64xf32, #tpu.memory_space<vmem_shared>>
      tpu.enqueue_dma source(%arg10 : memref<128x64xf32, #tpu.memory_space<vmem>>) target(%dma_start3A_54 : memref<128x64xf32, #tpu.memory_space<vmem_shared>>) target_semaphore(%run_scoped3A : memref<!tpu.dma_semaphore, #tpu.memory_space<semaphore_mem>>)
      %dma_wait3A = arith.constant 0 : i32
      %dma_wait3A_55 = tpu.memref_slice %arg11[%add3A_8, %dma_wait3A] : memref<10240x64xf32, #tpu.memory_space<vmem_shared>> -> memref<128x64xf32, #tpu.memory_space<vmem_shared>>
      %dma_wait3A_56 = arith.constant 0 : i32
      %dma_wait3A_57 = tpu.memref_slice %arg11[%add3A_8, %dma_wait3A_56] : memref<10240x64xf32, #tpu.memory_space<vmem_shared>> -> memref<128x64xf32, #tpu.memory_space<vmem_shared>>
      tpu.wait_dma2 semaphore(%run_scoped3A : memref<!tpu.dma_semaphore, #tpu.memory_space<semaphore_mem>>) src(%arg10 : memref<128x64xf32, #tpu.memory_space<vmem>>) dst(%dma_wait3A_57 : memref<128x64xf32, #tpu.memory_space<vmem_shared>>)
      tpu.yield
    }) : () -> ()
    %add3A_9 = arith.constant 128 : i32
    %add3A_10 = arith.addi %mul3A_7, %add3A_9 : i32
    "tpu.region"() ({
      %run_scoped3A = tpu.sem_alloc : memref<!tpu.dma_semaphore, #tpu.memory_space<semaphore_mem>>
      %dma_start3A = arith.constant 0 : i32
      %dma_start3A_52 = tpu.memref_slice %arg11[%add3A_10, %dma_start3A] : memref<10240x64xf32, #tpu.memory_space<vmem_shared>> -> memref<128x64xf32, #tpu.memory_space<vmem_shared>>
      %dma_start3A_53 = arith.constant 0 : i32
      %dma_start3A_54 = tpu.memref_slice %arg11[%add3A_10, %dma_start3A_53] : memref<10240x64xf32, #tpu.memory_space<vmem_shared>> -> memref<128x64xf32, #tpu.memory_space<vmem_shared>>
      tpu.enqueue_dma source(%arg10 : memref<128x64xf32, #tpu.memory_space<vmem>>) target(%dma_start3A_54 : memref<128x64xf32, #tpu.memory_space<vmem_shared>>) target_semaphore(%run_scoped3A : memref<!tpu.dma_semaphore, #tpu.memory_space<semaphore_mem>>)
      %dma_wait3A = arith.constant 0 : i32
      %dma_wait3A_55 = tpu.memref_slice %arg11[%add3A_10, %dma_wait3A] : memref<10240x64xf32, #tpu.memory_space<vmem_shared>> -> memref<128x64xf32, #tpu.memory_space<vmem_shared>>
      %dma_wait3A_56 = arith.constant 0 : i32
      %dma_wait3A_57 = tpu.memref_slice %arg11[%add3A_10, %dma_wait3A_56] : memref<10240x64xf32, #tpu.memory_space<vmem_shared>> -> memref<128x64xf32, #tpu.memory_space<vmem_shared>>
      tpu.wait_dma2 semaphore(%run_scoped3A : memref<!tpu.dma_semaphore, #tpu.memory_space<semaphore_mem>>) src(%arg10 : memref<128x64xf32, #tpu.memory_space<vmem>>) dst(%dma_wait3A_57 : memref<128x64xf32, #tpu.memory_space<vmem_shared>>)
      tpu.yield
    }) : () -> ()
    %add3A_11 = arith.constant 256 : i32
    %add3A_12 = arith.addi %mul3A_7, %add3A_11 : i32
    "tpu.region"() ({
      %run_scoped3A = tpu.sem_alloc : memref<!tpu.dma_semaphore, #tpu.memory_space<semaphore_mem>>
      %dma_start3A = arith.constant 0 : i32
      %dma_start3A_52 = tpu.memref_slice %arg11[%add3A_12, %dma_start3A] : memref<10240x64xf32, #tpu.memory_space<vmem_shared>> -> memref<128x64xf32, #tpu.memory_space<vmem_shared>>
      %dma_start3A_53 = arith.constant 0 : i32
      %dma_start3A_54 = tpu.memref_slice %arg11[%add3A_12, %dma_start3A_53] : memref<10240x64xf32, #tpu.memory_space<vmem_shared>> -> memref<128x64xf32, #tpu.memory_space<vmem_shared>>
      tpu.enqueue_dma source(%arg10 : memref<128x64xf32, #tpu.memory_space<vmem>>) target(%dma_start3A_54 : memref<128x64xf32, #tpu.memory_space<vmem_shared>>) target_semaphore(%run_scoped3A : memref<!tpu.dma_semaphore, #tpu.memory_space<semaphore_mem>>)
      %dma_wait3A = arith.constant 0 : i32
      %dma_wait3A_55 = tpu.memref_slice %arg11[%add3A_12, %dma_wait3A] : memref<10240x64xf32, #tpu.memory_space<vmem_shared>> -> memref<128x64xf32, #tpu.memory_space<vmem_shared>>
      %dma_wait3A_56 = arith.constant 0 : i32
      %dma_wait3A_57 = tpu.memref_slice %arg11[%add3A_12, %dma_wait3A_56] : memref<10240x64xf32, #tpu.memory_space<vmem_shared>> -> memref<128x64xf32, #tpu.memory_space<vmem_shared>>
      tpu.wait_dma2 semaphore(%run_scoped3A : memref<!tpu.dma_semaphore, #tpu.memory_space<semaphore_mem>>) src(%arg10 : memref<128x64xf32, #tpu.memory_space<vmem>>) dst(%dma_wait3A_57 : memref<128x64xf32, #tpu.memory_space<vmem_shared>>)
      tpu.yield
    }) : () -> ()
    %add3A_13 = arith.constant 384 : i32
    %add3A_14 = arith.addi %mul3A_7, %add3A_13 : i32
    "tpu.region"() ({
      %run_scoped3A = tpu.sem_alloc : memref<!tpu.dma_semaphore, #tpu.memory_space<semaphore_mem>>
      %dma_start3A = arith.constant 0 : i32
      %dma_start3A_52 = tpu.memref_slice %arg11[%add3A_14, %dma_start3A] : memref<10240x64xf32, #tpu.memory_space<vmem_shared>> -> memref<128x64xf32, #tpu.memory_space<vmem_shared>>
      %dma_start3A_53 = arith.constant 0 : i32
      %dma_start3A_54 = tpu.memref_slice %arg11[%add3A_14, %dma_start3A_53] : memref<10240x64xf32, #tpu.memory_space<vmem_shared>> -> memref<128x64xf32, #tpu.memory_space<vmem_shared>>
      tpu.enqueue_dma source(%arg10 : memref<128x64xf32, #tpu.memory_space<vmem>>) target(%dma_start3A_54 : memref<128x64xf32, #tpu.memory_space<vmem_shared>>) target_semaphore(%run_scoped3A : memref<!tpu.dma_semaphore, #tpu.memory_space<semaphore_mem>>)
      %dma_wait3A = arith.constant 0 : i32
      %dma_wait3A_55 = tpu.memref_slice %arg11[%add3A_14, %dma_wait3A] : memref<10240x64xf32, #tpu.memory_space<vmem_shared>> -> memref<128x64xf32, #tpu.memory_space<vmem_shared>>
      %dma_wait3A_56 = arith.constant 0 : i32
      %dma_wait3A_57 = tpu.memref_slice %arg11[%add3A_14, %dma_wait3A_56] : memref<10240x64xf32, #tpu.memory_space<vmem_shared>> -> memref<128x64xf32, #tpu.memory_space<vmem_shared>>
      tpu.wait_dma2 semaphore(%run_scoped3A : memref<!tpu.dma_semaphore, #tpu.memory_space<semaphore_mem>>) src(%arg10 : memref<128x64xf32, #tpu.memory_space<vmem>>) dst(%dma_wait3A_57 : memref<128x64xf32, #tpu.memory_space<vmem_shared>>)
      tpu.yield
    }) : () -> ()
    %add3A_15 = arith.constant 512 : i32
    %add3A_16 = arith.addi %mul3A_7, %add3A_15 : i32
    "tpu.region"() ({
      %run_scoped3A = tpu.sem_alloc : memref<!tpu.dma_semaphore, #tpu.memory_space<semaphore_mem>>
      %dma_start3A = arith.constant 0 : i32
      %dma_start3A_52 = tpu.memref_slice %arg11[%add3A_16, %dma_start3A] : memref<10240x64xf32, #tpu.memory_space<vmem_shared>> -> memref<128x64xf32, #tpu.memory_space<vmem_shared>>
      %dma_start3A_53 = arith.constant 0 : i32
      %dma_start3A_54 = tpu.memref_slice %arg11[%add3A_16, %dma_start3A_53] : memref<10240x64xf32, #tpu.memory_space<vmem_shared>> -> memref<128x64xf32, #tpu.memory_space<vmem_shared>>
      tpu.enqueue_dma source(%arg10 : memref<128x64xf32, #tpu.memory_space<vmem>>) target(%dma_start3A_54 : memref<128x64xf32, #tpu.memory_space<vmem_shared>>) target_semaphore(%run_scoped3A : memref<!tpu.dma_semaphore, #tpu.memory_space<semaphore_mem>>)
      %dma_wait3A = arith.constant 0 : i32
      %dma_wait3A_55 = tpu.memref_slice %arg11[%add3A_16, %dma_wait3A] : memref<10240x64xf32, #tpu.memory_space<vmem_shared>> -> memref<128x64xf32, #tpu.memory_space<vmem_shared>>
      %dma_wait3A_56 = arith.constant 0 : i32
      %dma_wait3A_57 = tpu.memref_slice %arg11[%add3A_16, %dma_wait3A_56] : memref<10240x64xf32, #tpu.memory_space<vmem_shared>> -> memref<128x64xf32, #tpu.memory_space<vmem_shared>>
      tpu.wait_dma2 semaphore(%run_scoped3A : memref<!tpu.dma_semaphore, #tpu.memory_space<semaphore_mem>>) src(%arg10 : memref<128x64xf32, #tpu.memory_space<vmem>>) dst(%dma_wait3A_57 : memref<128x64xf32, #tpu.memory_space<vmem_shared>>)
      tpu.yield
    }) : () -> ()
    %barrier3A = arith.constant 0 : index
    tpu.barrier barrier_id(%barrier3A)
    %mul3A_17 = arith.constant 20480 : i32
    %mul3A_18 = arith.muli %arg1, %mul3A_17 : i32
    %mul3A_19 = arith.constant 10240 : i32
    %mul3A_20 = arith.muli %arg0, %mul3A_19 : i32
    %scan3A_21 = arith.constant 0 : i32
    %scan3A_22 = arith.constant 0 : i32
    %scan3A_23 = arith.constant 5 : i32
    %scan3A_24 = arith.addi %scan3A_22, %scan3A_23 : i32
    %scan3A_25 = arith.constant 1 : i32
    %scan3A_26 = scf.for %scan3A_52 = %scan3A_22 to %scan3A_24 step %scan3A_25 iter_args(%scan3A_53 = %scan3A_21) -> (i32)  : i32 {
      %mul3A_54 = arith.constant 4096 : i32
      %mul3A_55 = arith.muli %scan3A_52, %mul3A_54 : i32
      %add3A_56 = arith.addi %mul3A_18, %mul3A_55 : i32
      "tpu.region"() ({
        %run_scoped3A = tpu.sem_alloc : memref<!tpu.dma_semaphore, #tpu.memory_space<semaphore_mem>>
        %dma_start3A = tpu.memref_slice %arg3[%add3A_56] : memref<327680xi32, #tpu.memory_space<hbm>> -> memref<4096xi32, #tpu.memory_space<hbm>>
        %dma_start3A_65 = tpu.memref_slice %arg3[%add3A_56] : memref<327680xi32, #tpu.memory_space<hbm>> -> memref<4096xi32, #tpu.memory_space<hbm>>
        tpu.enqueue_dma source(%dma_start3A_65 : memref<4096xi32, #tpu.memory_space<hbm>>) target(%arg6 : memref<4096xi32, #tpu.memory_space<vmem>>) target_semaphore(%run_scoped3A : memref<!tpu.dma_semaphore, #tpu.memory_space<semaphore_mem>>)
        %dma_wait3A = tpu.memref_slice %arg3[%add3A_56] : memref<327680xi32, #tpu.memory_space<hbm>> -> memref<4096xi32, #tpu.memory_space<hbm>>
        %dma_wait3A_66 = tpu.memref_slice %arg3[%add3A_56] : memref<327680xi32, #tpu.memory_space<hbm>> -> memref<4096xi32, #tpu.memory_space<hbm>>
        tpu.wait_dma2 semaphore(%run_scoped3A : memref<!tpu.dma_semaphore, #tpu.memory_space<semaphore_mem>>) src(%dma_wait3A_66 : memref<4096xi32, #tpu.memory_space<hbm>>) dst(%arg6 : memref<4096xi32, #tpu.memory_space<vmem>>)
        tpu.yield
      }) : () -> ()
      "tpu.region"() ({
        %run_scoped3A = tpu.sem_alloc : memref<!tpu.dma_semaphore, #tpu.memory_space<semaphore_mem>>
        %dma_start3A = tpu.memref_slice %arg4[%add3A_56] : memref<327680xi32, #tpu.memory_space<hbm>> -> memref<4096xi32, #tpu.memory_space<hbm>>
        %dma_start3A_65 = tpu.memref_slice %arg4[%add3A_56] : memref<327680xi32, #tpu.memory_space<hbm>> -> memref<4096xi32, #tpu.memory_space<hbm>>
        tpu.enqueue_dma source(%dma_start3A_65 : memref<4096xi32, #tpu.memory_space<hbm>>) target(%arg7 : memref<4096xi32, #tpu.memory_space<vmem>>) target_semaphore(%run_scoped3A : memref<!tpu.dma_semaphore, #tpu.memory_space<semaphore_mem>>)
        %dma_wait3A = tpu.memref_slice %arg4[%add3A_56] : memref<327680xi32, #tpu.memory_space<hbm>> -> memref<4096xi32, #tpu.memory_space<hbm>>
        %dma_wait3A_66 = tpu.memref_slice %arg4[%add3A_56] : memref<327680xi32, #tpu.memory_space<hbm>> -> memref<4096xi32, #tpu.memory_space<hbm>>
        tpu.wait_dma2 semaphore(%run_scoped3A : memref<!tpu.dma_semaphore, #tpu.memory_space<semaphore_mem>>) src(%dma_wait3A_66 : memref<4096xi32, #tpu.memory_space<hbm>>) dst(%arg7 : memref<4096xi32, #tpu.memory_space<vmem>>)
        tpu.yield
      }) : () -> ()
      %scan3A_57 = arith.constant 0 : i32
      %scan3A_58 = arith.constant 0 : i32
      %scan3A_59 = arith.constant 32 : i32
      %scan3A_60 = arith.addi %scan3A_58, %scan3A_59 : i32
      %scan3A_61 = arith.constant 1 : i32
      %scan3A_62 = scf.for %scan3A_65 = %scan3A_58 to %scan3A_60 step %scan3A_61 iter_args(%scan3A_66 = %scan3A_57) -> (i32)  : i32 {
        %mul3A_67 = arith.constant 128 : i32
        %mul3A_68 = arith.muli %scan3A_65, %mul3A_67 : i32
        %add3A_69 = arith.constant 0 : i32
        %add3A_70 = arith.addi %mul3A_68, %add3A_69 : i32
        %get3A = arith.index_cast %add3A_70 : i32 to index
        %get3A_71 = tpu.vector_load %arg6[%get3A] {strides = array<i32>} : memref<4096xi32, #tpu.memory_space<vmem>>, vector<16xi32>,
        %get3A_72 = vector.shape_cast %get3A_71 : vector<16xi32> to vector<16xi32>
        %add3A_73 = vector.broadcast %mul3A_20 : i32 to vector<16xi32>
        %add3A_74 = arith.addi %get3A_72, %add3A_73 : vector<16xi32>
        %swap3A = arith.constant 0 : index
        %swap3A_75 = tpu.vector_load %arg8[%swap3A] {strides = array<i32>} : memref<128xi32, #tpu.memory_space<vmem>>, vector<16xi32>,
        %swap3A_76 = vector.shape_cast %swap3A_75 : vector<16xi32> to vector<16xi32>
        %swap3A_77 = vector.shape_cast %add3A_74 : vector<16xi32> to vector<16xi32>
        tpu.vector_store %arg8[%swap3A], %swap3A_77 {strides = array<i32>} : memref<128xi32, #tpu.memory_space<vmem>>, vector<16xi32>,
        %add3A_78 = arith.constant 0 : i32
        %add3A_79 = arith.addi %mul3A_68, %add3A_78 : i32
        %get3A_80 = arith.index_cast %add3A_79 : i32 to index
        %get3A_81 = tpu.vector_load %arg7[%get3A_80] {strides = array<i32>} : memref<4096xi32, #tpu.memory_space<vmem>>, vector<16xi32>,
        %get3A_82 = vector.shape_cast %get3A_81 : vector<16xi32> to vector<16xi32>
        %swap3A_83 = arith.constant 0 : index
        %swap3A_84 = tpu.vector_load %arg9[%swap3A_83] {strides = array<i32>} : memref<128xi32, #tpu.memory_space<vmem>>, vector<16xi32>,
        %swap3A_85 = vector.shape_cast %swap3A_84 : vector<16xi32> to vector<16xi32>
        %swap3A_86 = vector.shape_cast %get3A_82 : vector<16xi32> to vector<16xi32>
        tpu.vector_store %arg9[%swap3A_83], %swap3A_86 {strides = array<i32>} : memref<128xi32, #tpu.memory_space<vmem>>, vector<16xi32>,
        %add3A_87 = arith.constant 16 : i32
        %add3A_88 = arith.addi %mul3A_68, %add3A_87 : i32
        %get3A_89 = arith.index_cast %add3A_88 : i32 to index
        %get3A_90 = tpu.vector_load %arg6[%get3A_89] {strides = array<i32>} : memref<4096xi32, #tpu.memory_space<vmem>>, vector<16xi32>,
        %get3A_91 = vector.shape_cast %get3A_90 : vector<16xi32> to vector<16xi32>
        %add3A_92 = vector.broadcast %mul3A_20 : i32 to vector<16xi32>
        %add3A_93 = arith.addi %get3A_91, %add3A_92 : vector<16xi32>
        %swap3A_94 = arith.constant 16 : index
        %swap3A_95 = tpu.vector_load %arg8[%swap3A_94] {strides = array<i32>} : memref<128xi32, #tpu.memory_space<vmem>>, vector<16xi32>,
        %swap3A_96 = vector.shape_cast %swap3A_95 : vector<16xi32> to vector<16xi32>
        %swap3A_97 = vector.shape_cast %add3A_93 : vector<16xi32> to vector<16xi32>
        tpu.vector_store %arg8[%swap3A_94], %swap3A_97 {strides = array<i32>} : memref<128xi32, #tpu.memory_space<vmem>>, vector<16xi32>,
        %add3A_98 = arith.constant 16 : i32
        %add3A_99 = arith.addi %mul3A_68, %add3A_98 : i32
        %get3A_100 = arith.index_cast %add3A_99 : i32 to index
        %get3A_101 = tpu.vector_load %arg7[%get3A_100] {strides = array<i32>} : memref<4096xi32, #tpu.memory_space<vmem>>, vector<16xi32>,
        %get3A_102 = vector.shape_cast %get3A_101 : vector<16xi32> to vector<16xi32>
        %swap3A_103 = arith.constant 16 : index
        %swap3A_104 = tpu.vector_load %arg9[%swap3A_103] {strides = array<i32>} : memref<128xi32, #tpu.memory_space<vmem>>, vector<16xi32>,
        %swap3A_105 = vector.shape_cast %swap3A_104 : vector<16xi32> to vector<16xi32>
        %swap3A_106 = vector.shape_cast %get3A_102 : vector<16xi32> to vector<16xi32>
        tpu.vector_store %arg9[%swap3A_103], %swap3A_106 {strides = array<i32>} : memref<128xi32, #tpu.memory_space<vmem>>, vector<16xi32>,
        %add3A_107 = arith.constant 32 : i32
        %add3A_108 = arith.addi %mul3A_68, %add3A_107 : i32
        %get3A_109 = arith.index_cast %add3A_108 : i32 to index
        %get3A_110 = tpu.vector_load %arg6[%get3A_109] {strides = array<i32>} : memref<4096xi32, #tpu.memory_space<vmem>>, vector<16xi32>,
        %get3A_111 = vector.shape_cast %get3A_110 : vector<16xi32> to vector<16xi32>
        %add3A_112 = vector.broadcast %mul3A_20 : i32 to vector<16xi32>
        %add3A_113 = arith.addi %get3A_111, %add3A_112 : vector<16xi32>
        %swap3A_114 = arith.constant 32 : index
        %swap3A_115 = tpu.vector_load %arg8[%swap3A_114] {strides = array<i32>} : memref<128xi32, #tpu.memory_space<vmem>>, vector<16xi32>,
        %swap3A_116 = vector.shape_cast %swap3A_115 : vector<16xi32> to vector<16xi32>
        %swap3A_117 = vector.shape_cast %add3A_113 : vector<16xi32> to vector<16xi32>
        tpu.vector_store %arg8[%swap3A_114], %swap3A_117 {strides = array<i32>} : memref<128xi32, #tpu.memory_space<vmem>>, vector<16xi32>,
        %add3A_118 = arith.constant 32 : i32
        %add3A_119 = arith.addi %mul3A_68, %add3A_118 : i32
        %get3A_120 = arith.index_cast %add3A_119 : i32 to index
        %get3A_121 = tpu.vector_load %arg7[%get3A_120] {strides = array<i32>} : memref<4096xi32, #tpu.memory_space<vmem>>, vector<16xi32>,
        %get3A_122 = vector.shape_cast %get3A_121 : vector<16xi32> to vector<16xi32>
        %swap3A_123 = arith.constant 32 : index
        %swap3A_124 = tpu.vector_load %arg9[%swap3A_123] {strides = array<i32>} : memref<128xi32, #tpu.memory_space<vmem>>, vector<16xi32>,
        %swap3A_125 = vector.shape_cast %swap3A_124 : vector<16xi32> to vector<16xi32>
        %swap3A_126 = vector.shape_cast %get3A_122 : vector<16xi32> to vector<16xi32>
        tpu.vector_store %arg9[%swap3A_123], %swap3A_126 {strides = array<i32>} : memref<128xi32, #tpu.memory_space<vmem>>, vector<16xi32>,
        %add3A_127 = arith.constant 48 : i32
        %add3A_128 = arith.addi %mul3A_68, %add3A_127 : i32
        %get3A_129 = arith.index_cast %add3A_128 : i32 to index
        %get3A_130 = tpu.vector_load %arg6[%get3A_129] {strides = array<i32>} : memref<4096xi32, #tpu.memory_space<vmem>>, vector<16xi32>,
        %get3A_131 = vector.shape_cast %get3A_130 : vector<16xi32> to vector<16xi32>
        %add3A_132 = vector.broadcast %mul3A_20 : i32 to vector<16xi32>
        %add3A_133 = arith.addi %get3A_131, %add3A_132 : vector<16xi32>
        %swap3A_134 = arith.constant 48 : index
        %swap3A_135 = tpu.vector_load %arg8[%swap3A_134] {strides = array<i32>} : memref<128xi32, #tpu.memory_space<vmem>>, vector<16xi32>,
        %swap3A_136 = vector.shape_cast %swap3A_135 : vector<16xi32> to vector<16xi32>
        %swap3A_137 = vector.shape_cast %add3A_133 : vector<16xi32> to vector<16xi32>
        tpu.vector_store %arg8[%swap3A_134], %swap3A_137 {strides = array<i32>} : memref<128xi32, #tpu.memory_space<vmem>>, vector<16xi32>,
        %add3A_138 = arith.constant 48 : i32
        %add3A_139 = arith.addi %mul3A_68, %add3A_138 : i32
        %get3A_140 = arith.index_cast %add3A_139 : i32 to index
        %get3A_141 = tpu.vector_load %arg7[%get3A_140] {strides = array<i32>} : memref<4096xi32, #tpu.memory_space<vmem>>, vector<16xi32>,
        %get3A_142 = vector.shape_cast %get3A_141 : vector<16xi32> to vector<16xi32>
        %swap3A_143 = arith.constant 48 : index
        %swap3A_144 = tpu.vector_load %arg9[%swap3A_143] {strides = array<i32>} : memref<128xi32, #tpu.memory_space<vmem>>, vector<16xi32>,
        %swap3A_145 = vector.shape_cast %swap3A_144 : vector<16xi32> to vector<16xi32>
        %swap3A_146 = vector.shape_cast %get3A_142 : vector<16xi32> to vector<16xi32>
        tpu.vector_store %arg9[%swap3A_143], %swap3A_146 {strides = array<i32>} : memref<128xi32, #tpu.memory_space<vmem>>, vector<16xi32>,
        %add3A_147 = arith.constant 64 : i32
        %add3A_148 = arith.addi %mul3A_68, %add3A_147 : i32
        %get3A_149 = arith.index_cast %add3A_148 : i32 to index
        %get3A_150 = tpu.vector_load %arg6[%get3A_149] {strides = array<i32>} : memref<4096xi32, #tpu.memory_space<vmem>>, vector<16xi32>,
        %get3A_151 = vector.shape_cast %get3A_150 : vector<16xi32> to vector<16xi32>
        %add3A_152 = vector.broadcast %mul3A_20 : i32 to vector<16xi32>
        %add3A_153 = arith.addi %get3A_151, %add3A_152 : vector<16xi32>
        %swap3A_154 = arith.constant 64 : index
        %swap3A_155 = tpu.vector_load %arg8[%swap3A_154] {strides = array<i32>} : memref<128xi32, #tpu.memory_space<vmem>>, vector<16xi32>,
        %swap3A_156 = vector.shape_cast %swap3A_155 : vector<16xi32> to vector<16xi32>
        %swap3A_157 = vector.shape_cast %add3A_153 : vector<16xi32> to vector<16xi32>
        tpu.vector_store %arg8[%swap3A_154], %swap3A_157 {strides = array<i32>} : memref<128xi32, #tpu.memory_space<vmem>>, vector<16xi32>,
        %add3A_158 = arith.constant 64 : i32
        %add3A_159 = arith.addi %mul3A_68, %add3A_158 : i32
        %get3A_160 = arith.index_cast %add3A_159 : i32 to index
        %get3A_161 = tpu.vector_load %arg7[%get3A_160] {strides = array<i32>} : memref<4096xi32, #tpu.memory_space<vmem>>, vector<16xi32>,
        %get3A_162 = vector.shape_cast %get3A_161 : vector<16xi32> to vector<16xi32>
        %swap3A_163 = arith.constant 64 : index
        %swap3A_164 = tpu.vector_load %arg9[%swap3A_163] {strides = array<i32>} : memref<128xi32, #tpu.memory_space<vmem>>, vector<16xi32>,
        %swap3A_165 = vector.shape_cast %swap3A_164 : vector<16xi32> to vector<16xi32>
        %swap3A_166 = vector.shape_cast %get3A_162 : vector<16xi32> to vector<16xi32>
        tpu.vector_store %arg9[%swap3A_163], %swap3A_166 {strides = array<i32>} : memref<128xi32, #tpu.memory_space<vmem>>, vector<16xi32>,
        %add3A_167 = arith.constant 80 : i32
        %add3A_168 = arith.addi %mul3A_68, %add3A_167 : i32
        %get3A_169 = arith.index_cast %add3A_168 : i32 to index
        %get3A_170 = tpu.vector_load %arg6[%get3A_169] {strides = array<i32>} : memref<4096xi32, #tpu.memory_space<vmem>>, vector<16xi32>,
        %get3A_171 = vector.shape_cast %get3A_170 : vector<16xi32> to vector<16xi32>
        %add3A_172 = vector.broadcast %mul3A_20 : i32 to vector<16xi32>
        %add3A_173 = arith.addi %get3A_171, %add3A_172 : vector<16xi32>
        %swap3A_174 = arith.constant 80 : index
        %swap3A_175 = tpu.vector_load %arg8[%swap3A_174] {strides = array<i32>} : memref<128xi32, #tpu.memory_space<vmem>>, vector<16xi32>,
        %swap3A_176 = vector.shape_cast %swap3A_175 : vector<16xi32> to vector<16xi32>
        %swap3A_177 = vector.shape_cast %add3A_173 : vector<16xi32> to vector<16xi32>
        tpu.vector_store %arg8[%swap3A_174], %swap3A_177 {strides = array<i32>} : memref<128xi32, #tpu.memory_space<vmem>>, vector<16xi32>,
        %add3A_178 = arith.constant 80 : i32
        %add3A_179 = arith.addi %mul3A_68, %add3A_178 : i32
        %get3A_180 = arith.index_cast %add3A_179 : i32 to index
        %get3A_181 = tpu.vector_load %arg7[%get3A_180] {strides = array<i32>} : memref<4096xi32, #tpu.memory_space<vmem>>, vector<16xi32>,
        %get3A_182 = vector.shape_cast %get3A_181 : vector<16xi32> to vector<16xi32>
        %swap3A_183 = arith.constant 80 : index
        %swap3A_184 = tpu.vector_load %arg9[%swap3A_183] {strides = array<i32>} : memref<128xi32, #tpu.memory_space<vmem>>, vector<16xi32>,
        %swap3A_185 = vector.shape_cast %swap3A_184 : vector<16xi32> to vector<16xi32>
        %swap3A_186 = vector.shape_cast %get3A_182 : vector<16xi32> to vector<16xi32>
        tpu.vector_store %arg9[%swap3A_183], %swap3A_186 {strides = array<i32>} : memref<128xi32, #tpu.memory_space<vmem>>, vector<16xi32>,
        %add3A_187 = arith.constant 96 : i32
        %add3A_188 = arith.addi %mul3A_68, %add3A_187 : i32
        %get3A_189 = arith.index_cast %add3A_188 : i32 to index
        %get3A_190 = tpu.vector_load %arg6[%get3A_189] {strides = array<i32>} : memref<4096xi32, #tpu.memory_space<vmem>>, vector<16xi32>,
        %get3A_191 = vector.shape_cast %get3A_190 : vector<16xi32> to vector<16xi32>
        %add3A_192 = vector.broadcast %mul3A_20 : i32 to vector<16xi32>
        %add3A_193 = arith.addi %get3A_191, %add3A_192 : vector<16xi32>
        %swap3A_194 = arith.constant 96 : index
        %swap3A_195 = tpu.vector_load %arg8[%swap3A_194] {strides = array<i32>} : memref<128xi32, #tpu.memory_space<vmem>>, vector<16xi32>,
        %swap3A_196 = vector.shape_cast %swap3A_195 : vector<16xi32> to vector<16xi32>
        %swap3A_197 = vector.shape_cast %add3A_193 : vector<16xi32> to vector<16xi32>
        tpu.vector_store %arg8[%swap3A_194], %swap3A_197 {strides = array<i32>} : memref<128xi32, #tpu.memory_space<vmem>>, vector<16xi32>,
        %add3A_198 = arith.constant 96 : i32
        %add3A_199 = arith.addi %mul3A_68, %add3A_198 : i32
        %get3A_200 = arith.index_cast %add3A_199 : i32 to index
        %get3A_201 = tpu.vector_load %arg7[%get3A_200] {strides = array<i32>} : memref<4096xi32, #tpu.memory_space<vmem>>, vector<16xi32>,
        %get3A_202 = vector.shape_cast %get3A_201 : vector<16xi32> to vector<16xi32>
        %swap3A_203 = arith.constant 96 : index
        %swap3A_204 = tpu.vector_load %arg9[%swap3A_203] {strides = array<i32>} : memref<128xi32, #tpu.memory_space<vmem>>, vector<16xi32>,
        %swap3A_205 = vector.shape_cast %swap3A_204 : vector<16xi32> to vector<16xi32>
        %swap3A_206 = vector.shape_cast %get3A_202 : vector<16xi32> to vector<16xi32>
        tpu.vector_store %arg9[%swap3A_203], %swap3A_206 {strides = array<i32>} : memref<128xi32, #tpu.memory_space<vmem>>, vector<16xi32>,
        %add3A_207 = arith.constant 112 : i32
        %add3A_208 = arith.addi %mul3A_68, %add3A_207 : i32
        %get3A_209 = arith.index_cast %add3A_208 : i32 to index
        %get3A_210 = tpu.vector_load %arg6[%get3A_209] {strides = array<i32>} : memref<4096xi32, #tpu.memory_space<vmem>>, vector<16xi32>,
        %get3A_211 = vector.shape_cast %get3A_210 : vector<16xi32> to vector<16xi32>
        %add3A_212 = vector.broadcast %mul3A_20 : i32 to vector<16xi32>
        %add3A_213 = arith.addi %get3A_211, %add3A_212 : vector<16xi32>
        %swap3A_214 = arith.constant 112 : index
        %swap3A_215 = tpu.vector_load %arg8[%swap3A_214] {strides = array<i32>} : memref<128xi32, #tpu.memory_space<vmem>>, vector<16xi32>,
        %swap3A_216 = vector.shape_cast %swap3A_215 : vector<16xi32> to vector<16xi32>
        %swap3A_217 = vector.shape_cast %add3A_213 : vector<16xi32> to vector<16xi32>
        tpu.vector_store %arg8[%swap3A_214], %swap3A_217 {strides = array<i32>} : memref<128xi32, #tpu.memory_space<vmem>>, vector<16xi32>,
        %add3A_218 = arith.constant 112 : i32
        %add3A_219 = arith.addi %mul3A_68, %add3A_218 : i32
        %get3A_220 = arith.index_cast %add3A_219 : i32 to index
        %get3A_221 = tpu.vector_load %arg7[%get3A_220] {strides = array<i32>} : memref<4096xi32, #tpu.memory_space<vmem>>, vector<16xi32>,
        %get3A_222 = vector.shape_cast %get3A_221 : vector<16xi32> to vector<16xi32>
        %swap3A_223 = arith.constant 112 : index
        %swap3A_224 = tpu.vector_load %arg9[%swap3A_223] {strides = array<i32>} : memref<128xi32, #tpu.memory_space<vmem>>, vector<16xi32>,
        %swap3A_225 = vector.shape_cast %swap3A_224 : vector<16xi32> to vector<16xi32>
        %swap3A_226 = vector.shape_cast %get3A_222 : vector<16xi32> to vector<16xi32>
        tpu.vector_store %arg9[%swap3A_223], %swap3A_226 {strides = array<i32>} : memref<128xi32, #tpu.memory_space<vmem>>, vector<16xi32>,
        "tpu.region"() ({
          %run_scoped3A = tpu.sem_alloc : memref<!tpu.dma_semaphore, #tpu.memory_space<semaphore_mem>>
          %dma_start3A = arith.constant 0 : i32
          %dma_start3A_228 = arith.constant 0 : i32
          %dma_start3A_229 = tpu.memref_slice %arg2[%dma_start3A, %dma_start3A_228] : memref<20480x64xf32, #tpu.memory_space<hbm>> -> memref<20480x64xf32, #tpu.memory_space<hbm>>
          tpu.enqueue_indirect_dma source(%dma_start3A_229 : memref<20480x64xf32, #tpu.memory_space<hbm>>) target(%arg10 : memref<128x64xf32, #tpu.memory_space<vmem>>) offsets(%arg8 : memref<128xi32, #tpu.memory_space<vmem>>) semaphore(%run_scoped3A : memref<!tpu.dma_semaphore, #tpu.memory_space<semaphore_mem>>)
          %dma_wait3A = arith.constant 0 : i32
          %dma_wait3A_230 = arith.constant 0 : i32
          %dma_wait3A_231 = tpu.memref_slice %arg2[%dma_wait3A, %dma_wait3A_230] : memref<20480x64xf32, #tpu.memory_space<hbm>> -> memref<20480x64xf32, #tpu.memory_space<hbm>>
          tpu.wait_indirect_dma semaphore(%run_scoped3A : memref<!tpu.dma_semaphore, #tpu.memory_space<semaphore_mem>>) src(%dma_wait3A_231 : memref<20480x64xf32, #tpu.memory_space<hbm>>) dst(%arg10 : memref<128x64xf32, #tpu.memory_space<vmem>>)
          tpu.yield
        }) : () -> ()
        "tpu.region"() ({
          %run_scoped3A = tpu.sem_alloc : memref<!tpu.dma_semaphore, #tpu.memory_space<semaphore_mem>>
          %dma_start3A = arith.constant 0 : i32
          %dma_start3A_228 = arith.constant 0 : i32
          %dma_start3A_229 = tpu.memref_slice %arg11[%dma_start3A, %dma_start3A_228] : memref<10240x64xf32, #tpu.memory_space<vmem_shared>> -> memref<10240x64xf32, #tpu.memory_space<vmem_shared>>
          tpu.enqueue_indirect_dma source(%arg10 : memref<128x64xf32, #tpu.memory_space<vmem>>) target(%dma_start3A_229 : memref<10240x64xf32, #tpu.memory_space<vmem_shared>>) offsets(%arg9 : memref<128xi32, #tpu.memory_space<vmem>>) semaphore(%run_scoped3A : memref<!tpu.dma_semaphore, #tpu.memory_space<semaphore_mem>>) {add = true}
          %dma_wait3A = arith.constant 0 : i32
          %dma_wait3A_230 = arith.constant 0 : i32
          %dma_wait3A_231 = tpu.memref_slice %arg11[%dma_wait3A, %dma_wait3A_230] : memref<10240x64xf32, #tpu.memory_space<vmem_shared>> -> memref<10240x64xf32, #tpu.memory_space<vmem_shared>>
          tpu.wait_indirect_dma semaphore(%run_scoped3A : memref<!tpu.dma_semaphore, #tpu.memory_space<semaphore_mem>>) src(%arg10 : memref<128x64xf32, #tpu.memory_space<vmem>>) dst(%dma_wait3A_231 : memref<10240x64xf32, #tpu.memory_space<vmem_shared>>)
          tpu.yield
        }) : () -> ()
        %scan3A_227 = arith.constant 0 : i32
        scf.yield %scan3A_227 : i32
      }
      %scan3A_63 = arith.constant 32 : i32
      %scan3A_64 = arith.constant 0 : i32
      scf.yield %scan3A_64 : i32
    }
    %scan3A_27 = arith.constant 5 : i32
    %barrier3A_28 = arith.constant 0 : index
    tpu.barrier barrier_id(%barrier3A_28)
    %mul3A_29 = arith.constant 10240 : i32
    %mul3A_30 = arith.muli %arg0, %mul3A_29 : i32
    %add3A_31 = arith.addi %mul3A_30, %mul3A_7 : i32
    %add3A_32 = arith.constant 0 : i32
    %add3A_33 = arith.addi %mul3A_7, %add3A_32 : i32
    "tpu.region"() ({
      %run_scoped3A = tpu.sem_alloc : memref<!tpu.dma_semaphore, #tpu.memory_space<semaphore_mem>>
      %dma_start3A = arith.constant 0 : i32
      %dma_start3A_52 = tpu.memref_slice %arg11[%add3A_33, %dma_start3A] : memref<10240x64xf32, #tpu.memory_space<vmem_shared>> -> memref<128x64xf32, #tpu.memory_space<vmem_shared>>
      %dma_start3A_53 = arith.constant 0 : i32
      %dma_start3A_54 = tpu.memref_slice %arg11[%add3A_33, %dma_start3A_53] : memref<10240x64xf32, #tpu.memory_space<vmem_shared>> -> memref<128x64xf32, #tpu.memory_space<vmem_shared>>
      tpu.enqueue_dma source(%dma_start3A_54 : memref<128x64xf32, #tpu.memory_space<vmem_shared>>) target(%arg10 : memref<128x64xf32, #tpu.memory_space<vmem>>) target_semaphore(%run_scoped3A : memref<!tpu.dma_semaphore, #tpu.memory_space<semaphore_mem>>)
      %dma_wait3A = arith.constant 0 : i32
      %dma_wait3A_55 = tpu.memref_slice %arg11[%add3A_33, %dma_wait3A] : memref<10240x64xf32, #tpu.memory_space<vmem_shared>> -> memref<128x64xf32, #tpu.memory_space<vmem_shared>>
      %dma_wait3A_56 = arith.constant 0 : i32
      %dma_wait3A_57 = tpu.memref_slice %arg11[%add3A_33, %dma_wait3A_56] : memref<10240x64xf32, #tpu.memory_space<vmem_shared>> -> memref<128x64xf32, #tpu.memory_space<vmem_shared>>
      tpu.wait_dma2 semaphore(%run_scoped3A : memref<!tpu.dma_semaphore, #tpu.memory_space<semaphore_mem>>) src(%dma_wait3A_57 : memref<128x64xf32, #tpu.memory_space<vmem_shared>>) dst(%arg10 : memref<128x64xf32, #tpu.memory_space<vmem>>)
      tpu.yield
    }) : () -> ()
    %add3A_34 = arith.constant 0 : i32
    %add3A_35 = arith.addi %add3A_31, %add3A_34 : i32
    "tpu.region"() ({
      %run_scoped3A = tpu.sem_alloc : memref<!tpu.dma_semaphore, #tpu.memory_space<semaphore_mem>>
      %dma_start3A = arith.constant 0 : i32
      %dma_start3A_52 = tpu.memref_slice %arg5[%add3A_35, %dma_start3A] : memref<20480x64xf32, #tpu.memory_space<hbm>> -> memref<128x64xf32, #tpu.memory_space<hbm>>
      %dma_start3A_53 = arith.constant 0 : i32
      %dma_start3A_54 = tpu.memref_slice %arg5[%add3A_35, %dma_start3A_53] : memref<20480x64xf32, #tpu.memory_space<hbm>> -> memref<128x64xf32, #tpu.memory_space<hbm>>
      tpu.enqueue_dma source(%arg10 : memref<128x64xf32, #tpu.memory_space<vmem>>) target(%dma_start3A_54 : memref<128x64xf32, #tpu.memory_space<hbm>>) target_semaphore(%run_scoped3A : memref<!tpu.dma_semaphore, #tpu.memory_space<semaphore_mem>>)
      %dma_wait3A = arith.constant 0 : i32
      %dma_wait3A_55 = tpu.memref_slice %arg5[%add3A_35, %dma_wait3A] : memref<20480x64xf32, #tpu.memory_space<hbm>> -> memref<128x64xf32, #tpu.memory_space<hbm>>
      %dma_wait3A_56 = arith.constant 0 : i32
      %dma_wait3A_57 = tpu.memref_slice %arg5[%add3A_35, %dma_wait3A_56] : memref<20480x64xf32, #tpu.memory_space<hbm>> -> memref<128x64xf32, #tpu.memory_space<hbm>>
      tpu.wait_dma2 semaphore(%run_scoped3A : memref<!tpu.dma_semaphore, #tpu.memory_space<semaphore_mem>>) src(%arg10 : memref<128x64xf32, #tpu.memory_space<vmem>>) dst(%dma_wait3A_57 : memref<128x64xf32, #tpu.memory_space<hbm>>)
      tpu.yield
    }) : () -> ()
    %add3A_36 = arith.constant 128 : i32
    %add3A_37 = arith.addi %mul3A_7, %add3A_36 : i32
    "tpu.region"() ({
      %run_scoped3A = tpu.sem_alloc : memref<!tpu.dma_semaphore, #tpu.memory_space<semaphore_mem>>
      %dma_start3A = arith.constant 0 : i32
      %dma_start3A_52 = tpu.memref_slice %arg11[%add3A_37, %dma_start3A] : memref<10240x64xf32, #tpu.memory_space<vmem_shared>> -> memref<128x64xf32, #tpu.memory_space<vmem_shared>>
      %dma_start3A_53 = arith.constant 0 : i32
      %dma_start3A_54 = tpu.memref_slice %arg11[%add3A_37, %dma_start3A_53] : memref<10240x64xf32, #tpu.memory_space<vmem_shared>> -> memref<128x64xf32, #tpu.memory_space<vmem_shared>>
      tpu.enqueue_dma source(%dma_start3A_54 : memref<128x64xf32, #tpu.memory_space<vmem_shared>>) target(%arg10 : memref<128x64xf32, #tpu.memory_space<vmem>>) target_semaphore(%run_scoped3A : memref<!tpu.dma_semaphore, #tpu.memory_space<semaphore_mem>>)
      %dma_wait3A = arith.constant 0 : i32
      %dma_wait3A_55 = tpu.memref_slice %arg11[%add3A_37, %dma_wait3A] : memref<10240x64xf32, #tpu.memory_space<vmem_shared>> -> memref<128x64xf32, #tpu.memory_space<vmem_shared>>
      %dma_wait3A_56 = arith.constant 0 : i32
      %dma_wait3A_57 = tpu.memref_slice %arg11[%add3A_37, %dma_wait3A_56] : memref<10240x64xf32, #tpu.memory_space<vmem_shared>> -> memref<128x64xf32, #tpu.memory_space<vmem_shared>>
      tpu.wait_dma2 semaphore(%run_scoped3A : memref<!tpu.dma_semaphore, #tpu.memory_space<semaphore_mem>>) src(%dma_wait3A_57 : memref<128x64xf32, #tpu.memory_space<vmem_shared>>) dst(%arg10 : memref<128x64xf32, #tpu.memory_space<vmem>>)
      tpu.yield
    }) : () -> ()
    %add3A_38 = arith.constant 128 : i32
    %add3A_39 = arith.addi %add3A_31, %add3A_38 : i32
    "tpu.region"() ({
      %run_scoped3A = tpu.sem_alloc : memref<!tpu.dma_semaphore, #tpu.memory_space<semaphore_mem>>
      %dma_start3A = arith.constant 0 : i32
      %dma_start3A_52 = tpu.memref_slice %arg5[%add3A_39, %dma_start3A] : memref<20480x64xf32, #tpu.memory_space<hbm>> -> memref<128x64xf32, #tpu.memory_space<hbm>>
      %dma_start3A_53 = arith.constant 0 : i32
      %dma_start3A_54 = tpu.memref_slice %arg5[%add3A_39, %dma_start3A_53] : memref<20480x64xf32, #tpu.memory_space<hbm>> -> memref<128x64xf32, #tpu.memory_space<hbm>>
      tpu.enqueue_dma source(%arg10 : memref<128x64xf32, #tpu.memory_space<vmem>>) target(%dma_start3A_54 : memref<128x64xf32, #tpu.memory_space<hbm>>) target_semaphore(%run_scoped3A : memref<!tpu.dma_semaphore, #tpu.memory_space<semaphore_mem>>)
      %dma_wait3A = arith.constant 0 : i32
      %dma_wait3A_55 = tpu.memref_slice %arg5[%add3A_39, %dma_wait3A] : memref<20480x64xf32, #tpu.memory_space<hbm>> -> memref<128x64xf32, #tpu.memory_space<hbm>>
      %dma_wait3A_56 = arith.constant 0 : i32
      %dma_wait3A_57 = tpu.memref_slice %arg5[%add3A_39, %dma_wait3A_56] : memref<20480x64xf32, #tpu.memory_space<hbm>> -> memref<128x64xf32, #tpu.memory_space<hbm>>
      tpu.wait_dma2 semaphore(%run_scoped3A : memref<!tpu.dma_semaphore, #tpu.memory_space<semaphore_mem>>) src(%arg10 : memref<128x64xf32, #tpu.memory_space<vmem>>) dst(%dma_wait3A_57 : memref<128x64xf32, #tpu.memory_space<hbm>>)
      tpu.yield
    }) : () -> ()
    %add3A_40 = arith.constant 256 : i32
    %add3A_41 = arith.addi %mul3A_7, %add3A_40 : i32
    "tpu.region"() ({
      %run_scoped3A = tpu.sem_alloc : memref<!tpu.dma_semaphore, #tpu.memory_space<semaphore_mem>>
      %dma_start3A = arith.constant 0 : i32
      %dma_start3A_52 = tpu.memref_slice %arg11[%add3A_41, %dma_start3A] : memref<10240x64xf32, #tpu.memory_space<vmem_shared>> -> memref<128x64xf32, #tpu.memory_space<vmem_shared>>
      %dma_start3A_53 = arith.constant 0 : i32
      %dma_start3A_54 = tpu.memref_slice %arg11[%add3A_41, %dma_start3A_53] : memref<10240x64xf32, #tpu.memory_space<vmem_shared>> -> memref<128x64xf32, #tpu.memory_space<vmem_shared>>
      tpu.enqueue_dma source(%dma_start3A_54 : memref<128x64xf32, #tpu.memory_space<vmem_shared>>) target(%arg10 : memref<128x64xf32, #tpu.memory_space<vmem>>) target_semaphore(%run_scoped3A : memref<!tpu.dma_semaphore, #tpu.memory_space<semaphore_mem>>)
      %dma_wait3A = arith.constant 0 : i32
      %dma_wait3A_55 = tpu.memref_slice %arg11[%add3A_41, %dma_wait3A] : memref<10240x64xf32, #tpu.memory_space<vmem_shared>> -> memref<128x64xf32, #tpu.memory_space<vmem_shared>>
      %dma_wait3A_56 = arith.constant 0 : i32
      %dma_wait3A_57 = tpu.memref_slice %arg11[%add3A_41, %dma_wait3A_56] : memref<10240x64xf32, #tpu.memory_space<vmem_shared>> -> memref<128x64xf32, #tpu.memory_space<vmem_shared>>
      tpu.wait_dma2 semaphore(%run_scoped3A : memref<!tpu.dma_semaphore, #tpu.memory_space<semaphore_mem>>) src(%dma_wait3A_57 : memref<128x64xf32, #tpu.memory_space<vmem_shared>>) dst(%arg10 : memref<128x64xf32, #tpu.memory_space<vmem>>)
      tpu.yield
    }) : () -> ()
    %add3A_42 = arith.constant 256 : i32
    %add3A_43 = arith.addi %add3A_31, %add3A_42 : i32
    "tpu.region"() ({
      %run_scoped3A = tpu.sem_alloc : memref<!tpu.dma_semaphore, #tpu.memory_space<semaphore_mem>>
      %dma_start3A = arith.constant 0 : i32
      %dma_start3A_52 = tpu.memref_slice %arg5[%add3A_43, %dma_start3A] : memref<20480x64xf32, #tpu.memory_space<hbm>> -> memref<128x64xf32, #tpu.memory_space<hbm>>
      %dma_start3A_53 = arith.constant 0 : i32
      %dma_start3A_54 = tpu.memref_slice %arg5[%add3A_43, %dma_start3A_53] : memref<20480x64xf32, #tpu.memory_space<hbm>> -> memref<128x64xf32, #tpu.memory_space<hbm>>
      tpu.enqueue_dma source(%arg10 : memref<128x64xf32, #tpu.memory_space<vmem>>) target(%dma_start3A_54 : memref<128x64xf32, #tpu.memory_space<hbm>>) target_semaphore(%run_scoped3A : memref<!tpu.dma_semaphore, #tpu.memory_space<semaphore_mem>>)
      %dma_wait3A = arith.constant 0 : i32
      %dma_wait3A_55 = tpu.memref_slice %arg5[%add3A_43, %dma_wait3A] : memref<20480x64xf32, #tpu.memory_space<hbm>> -> memref<128x64xf32, #tpu.memory_space<hbm>>
      %dma_wait3A_56 = arith.constant 0 : i32
      %dma_wait3A_57 = tpu.memref_slice %arg5[%add3A_43, %dma_wait3A_56] : memref<20480x64xf32, #tpu.memory_space<hbm>> -> memref<128x64xf32, #tpu.memory_space<hbm>>
      tpu.wait_dma2 semaphore(%run_scoped3A : memref<!tpu.dma_semaphore, #tpu.memory_space<semaphore_mem>>) src(%arg10 : memref<128x64xf32, #tpu.memory_space<vmem>>) dst(%dma_wait3A_57 : memref<128x64xf32, #tpu.memory_space<hbm>>)
      tpu.yield
    }) : () -> ()
    %add3A_44 = arith.constant 384 : i32
    %add3A_45 = arith.addi %mul3A_7, %add3A_44 : i32
    "tpu.region"() ({
      %run_scoped3A = tpu.sem_alloc : memref<!tpu.dma_semaphore, #tpu.memory_space<semaphore_mem>>
      %dma_start3A = arith.constant 0 : i32
      %dma_start3A_52 = tpu.memref_slice %arg11[%add3A_45, %dma_start3A] : memref<10240x64xf32, #tpu.memory_space<vmem_shared>> -> memref<128x64xf32, #tpu.memory_space<vmem_shared>>
      %dma_start3A_53 = arith.constant 0 : i32
      %dma_start3A_54 = tpu.memref_slice %arg11[%add3A_45, %dma_start3A_53] : memref<10240x64xf32, #tpu.memory_space<vmem_shared>> -> memref<128x64xf32, #tpu.memory_space<vmem_shared>>
      tpu.enqueue_dma source(%dma_start3A_54 : memref<128x64xf32, #tpu.memory_space<vmem_shared>>) target(%arg10 : memref<128x64xf32, #tpu.memory_space<vmem>>) target_semaphore(%run_scoped3A : memref<!tpu.dma_semaphore, #tpu.memory_space<semaphore_mem>>)
      %dma_wait3A = arith.constant 0 : i32
      %dma_wait3A_55 = tpu.memref_slice %arg11[%add3A_45, %dma_wait3A] : memref<10240x64xf32, #tpu.memory_space<vmem_shared>> -> memref<128x64xf32, #tpu.memory_space<vmem_shared>>
      %dma_wait3A_56 = arith.constant 0 : i32
      %dma_wait3A_57 = tpu.memref_slice %arg11[%add3A_45, %dma_wait3A_56] : memref<10240x64xf32, #tpu.memory_space<vmem_shared>> -> memref<128x64xf32, #tpu.memory_space<vmem_shared>>
      tpu.wait_dma2 semaphore(%run_scoped3A : memref<!tpu.dma_semaphore, #tpu.memory_space<semaphore_mem>>) src(%dma_wait3A_57 : memref<128x64xf32, #tpu.memory_space<vmem_shared>>) dst(%arg10 : memref<128x64xf32, #tpu.memory_space<vmem>>)
      tpu.yield
    }) : () -> ()
    %add3A_46 = arith.constant 384 : i32
    %add3A_47 = arith.addi %add3A_31, %add3A_46 : i32
    "tpu.region"() ({
      %run_scoped3A = tpu.sem_alloc : memref<!tpu.dma_semaphore, #tpu.memory_space<semaphore_mem>>
      %dma_start3A = arith.constant 0 : i32
      %dma_start3A_52 = tpu.memref_slice %arg5[%add3A_47, %dma_start3A] : memref<20480x64xf32, #tpu.memory_space<hbm>> -> memref<128x64xf32, #tpu.memory_space<hbm>>
      %dma_start3A_53 = arith.constant 0 : i32
      %dma_start3A_54 = tpu.memref_slice %arg5[%add3A_47, %dma_start3A_53] : memref<20480x64xf32, #tpu.memory_space<hbm>> -> memref<128x64xf32, #tpu.memory_space<hbm>>
      tpu.enqueue_dma source(%arg10 : memref<128x64xf32, #tpu.memory_space<vmem>>) target(%dma_start3A_54 : memref<128x64xf32, #tpu.memory_space<hbm>>) target_semaphore(%run_scoped3A : memref<!tpu.dma_semaphore, #tpu.memory_space<semaphore_mem>>)
      %dma_wait3A = arith.constant 0 : i32
      %dma_wait3A_55 = tpu.memref_slice %arg5[%add3A_47, %dma_wait3A] : memref<20480x64xf32, #tpu.memory_space<hbm>> -> memref<128x64xf32, #tpu.memory_space<hbm>>
      %dma_wait3A_56 = arith.constant 0 : i32
      %dma_wait3A_57 = tpu.memref_slice %arg5[%add3A_47, %dma_wait3A_56] : memref<20480x64xf32, #tpu.memory_space<hbm>> -> memref<128x64xf32, #tpu.memory_space<hbm>>
      tpu.wait_dma2 semaphore(%run_scoped3A : memref<!tpu.dma_semaphore, #tpu.memory_space<semaphore_mem>>) src(%arg10 : memref<128x64xf32, #tpu.memory_space<vmem>>) dst(%dma_wait3A_57 : memref<128x64xf32, #tpu.memory_space<hbm>>)
      tpu.yield
    }) : () -> ()
    %add3A_48 = arith.constant 512 : i32
    %add3A_49 = arith.addi %mul3A_7, %add3A_48 : i32
    "tpu.region"() ({
      %run_scoped3A = tpu.sem_alloc : memref<!tpu.dma_semaphore, #tpu.memory_space<semaphore_mem>>
      %dma_start3A = arith.constant 0 : i32
      %dma_start3A_52 = tpu.memref_slice %arg11[%add3A_49, %dma_start3A] : memref<10240x64xf32, #tpu.memory_space<vmem_shared>> -> memref<128x64xf32, #tpu.memory_space<vmem_shared>>
      %dma_start3A_53 = arith.constant 0 : i32
      %dma_start3A_54 = tpu.memref_slice %arg11[%add3A_49, %dma_start3A_53] : memref<10240x64xf32, #tpu.memory_space<vmem_shared>> -> memref<128x64xf32, #tpu.memory_space<vmem_shared>>
      tpu.enqueue_dma source(%dma_start3A_54 : memref<128x64xf32, #tpu.memory_space<vmem_shared>>) target(%arg10 : memref<128x64xf32, #tpu.memory_space<vmem>>) target_semaphore(%run_scoped3A : memref<!tpu.dma_semaphore, #tpu.memory_space<semaphore_mem>>)
      %dma_wait3A = arith.constant 0 : i32
      %dma_wait3A_55 = tpu.memref_slice %arg11[%add3A_49, %dma_wait3A] : memref<10240x64xf32, #tpu.memory_space<vmem_shared>> -> memref<128x64xf32, #tpu.memory_space<vmem_shared>>
      %dma_wait3A_56 = arith.constant 0 : i32
      %dma_wait3A_57 = tpu.memref_slice %arg11[%add3A_49, %dma_wait3A_56] : memref<10240x64xf32, #tpu.memory_space<vmem_shared>> -> memref<128x64xf32, #tpu.memory_space<vmem_shared>>
      tpu.wait_dma2 semaphore(%run_scoped3A : memref<!tpu.dma_semaphore, #tpu.memory_space<semaphore_mem>>) src(%dma_wait3A_57 : memref<128x64xf32, #tpu.memory_space<vmem_shared>>) dst(%arg10 : memref<128x64xf32, #tpu.memory_space<vmem>>)
      tpu.yield
    }) : () -> ()
    %add3A_50 = arith.constant 512 : i32
    %add3A_51 = arith.addi %add3A_31, %add3A_50 : i32
    "tpu.region"() ({
      %run_scoped3A = tpu.sem_alloc : memref<!tpu.dma_semaphore, #tpu.memory_space<semaphore_mem>>
      %dma_start3A = arith.constant 0 : i32
      %dma_start3A_52 = tpu.memref_slice %arg5[%add3A_51, %dma_start3A] : memref<20480x64xf32, #tpu.memory_space<hbm>> -> memref<128x64xf32, #tpu.memory_space<hbm>>
      %dma_start3A_53 = arith.constant 0 : i32
      %dma_start3A_54 = tpu.memref_slice %arg5[%add3A_51, %dma_start3A_53] : memref<20480x64xf32, #tpu.memory_space<hbm>> -> memref<128x64xf32, #tpu.memory_space<hbm>>
      tpu.enqueue_dma source(%arg10 : memref<128x64xf32, #tpu.memory_space<vmem>>) target(%dma_start3A_54 : memref<128x64xf32, #tpu.memory_space<hbm>>) target_semaphore(%run_scoped3A : memref<!tpu.dma_semaphore, #tpu.memory_space<semaphore_mem>>)
      %dma_wait3A = arith.constant 0 : i32
      %dma_wait3A_55 = tpu.memref_slice %arg5[%add3A_51, %dma_wait3A] : memref<20480x64xf32, #tpu.memory_space<hbm>> -> memref<128x64xf32, #tpu.memory_space<hbm>>
      %dma_wait3A_56 = arith.constant 0 : i32
      %dma_wait3A_57 = tpu.memref_slice %arg5[%add3A_51, %dma_wait3A_56] : memref<20480x64xf32, #tpu.memory_space<hbm>> -> memref<128x64xf32, #tpu.memory_space<hbm>>
      tpu.wait_dma2 semaphore(%run_scoped3A : memref<!tpu.dma_semaphore, #tpu.memory_space<semaphore_mem>>) src(%arg10 : memref<128x64xf32, #tpu.memory_space<vmem>>) dst(%dma_wait3A_57 : memref<128x64xf32, #tpu.memory_space<hbm>>)
      tpu.yield
    }) : () -> ()
    return
  }
}

#map = affine_map<(d0, d1) -> (0, 0)>
#map1 = affine_map<(d0, d1) -> (0)>
module attributes {stable_mosaic.version = 14 : i64} {
  func.func @agg(%arg0: i32, %arg1: i32, %arg2: memref<20480x128xf32, #tpu.memory_space<hbm>>, %arg3: memref<327680xi32, #tpu.memory_space<hbm>>, %arg4: memref<327680xi32, #tpu.memory_space<hbm>>, %arg5: memref<20480x128xf32, #tpu.memory_space<hbm>>, %arg6: memref<4096xi32, #tpu.memory_space<vmem>>, %arg7: memref<4096xi32, #tpu.memory_space<vmem>>, %arg8: memref<128xi32, #tpu.memory_space<vmem>>, %arg9: memref<128xi32, #tpu.memory_space<vmem>>, %arg10: memref<128x128xf32, #tpu.memory_space<vmem>>, %arg11: memref<10240x128xf32, #tpu.memory_space<vmem_shared>>) attributes {dimension_semantics = [#tpu.dimension_semantics<core_parallel>, #tpu.dimension_semantics<subcore_parallel>], iteration_bounds = array<i64: 2, 16>, scalar_prefetch = 0 : i64, scratch_operands = 6 : i64, tpu.core_type = #tpu.core_type<sc_vector_subcore>, window_params = [{transform_indices = #map}, {transform_indices = #map1}, {transform_indices = #map1}, {transform_indices = #map}]} {
    %broadcast_in_dim3A = arith.constant 0.000000e+00 : f32
    %broadcast_in_dim3A_0 = vector.broadcast %broadcast_in_dim3A : f32 to vector<16xf32>
    %scan3A = arith.constant 0 : i32
    %scan3A_1 = arith.constant 0 : i32
    %scan3A_2 = arith.constant 128 : i32
    %scan3A_3 = arith.addi %scan3A_1, %scan3A_2 : i32
    %scan3A_4 = arith.constant 1 : i32
    %scan3A_5 = scf.for %scan3A_52 = %scan3A_1 to %scan3A_3 step %scan3A_4 iter_args(%scan3A_53 = %scan3A) -> (i32)  : i32 {
      %swap3A = arith.index_cast %scan3A_52 : i32 to index
      %swap3A_54 = arith.constant 0 : index
      %swap3A_55 = tpu.vector_load %arg10[%swap3A, %swap3A_54] {strides = array<i32>} : memref<128x128xf32, #tpu.memory_space<vmem>>, vector<1x16xf32>,
      %swap3A_56 = vector.shape_cast %swap3A_55 : vector<1x16xf32> to vector<16xf32>
      %swap3A_57 = vector.shape_cast %broadcast_in_dim3A_0 : vector<16xf32> to vector<1x16xf32>
      tpu.vector_store %arg10[%swap3A, %swap3A_54], %swap3A_57 {strides = array<i32>} : memref<128x128xf32, #tpu.memory_space<vmem>>, vector<1x16xf32>,
      %swap3A_58 = arith.index_cast %scan3A_52 : i32 to index
      %swap3A_59 = arith.constant 16 : index
      %swap3A_60 = tpu.vector_load %arg10[%swap3A_58, %swap3A_59] {strides = array<i32>} : memref<128x128xf32, #tpu.memory_space<vmem>>, vector<1x16xf32>,
      %swap3A_61 = vector.shape_cast %swap3A_60 : vector<1x16xf32> to vector<16xf32>
      %swap3A_62 = vector.shape_cast %broadcast_in_dim3A_0 : vector<16xf32> to vector<1x16xf32>
      tpu.vector_store %arg10[%swap3A_58, %swap3A_59], %swap3A_62 {strides = array<i32>} : memref<128x128xf32, #tpu.memory_space<vmem>>, vector<1x16xf32>,
      %swap3A_63 = arith.index_cast %scan3A_52 : i32 to index
      %swap3A_64 = arith.constant 32 : index
      %swap3A_65 = tpu.vector_load %arg10[%swap3A_63, %swap3A_64] {strides = array<i32>} : memref<128x128xf32, #tpu.memory_space<vmem>>, vector<1x16xf32>,
      %swap3A_66 = vector.shape_cast %swap3A_65 : vector<1x16xf32> to vector<16xf32>
      %swap3A_67 = vector.shape_cast %broadcast_in_dim3A_0 : vector<16xf32> to vector<1x16xf32>
      tpu.vector_store %arg10[%swap3A_63, %swap3A_64], %swap3A_67 {strides = array<i32>} : memref<128x128xf32, #tpu.memory_space<vmem>>, vector<1x16xf32>,
      %swap3A_68 = arith.index_cast %scan3A_52 : i32 to index
      %swap3A_69 = arith.constant 48 : index
      %swap3A_70 = tpu.vector_load %arg10[%swap3A_68, %swap3A_69] {strides = array<i32>} : memref<128x128xf32, #tpu.memory_space<vmem>>, vector<1x16xf32>,
      %swap3A_71 = vector.shape_cast %swap3A_70 : vector<1x16xf32> to vector<16xf32>
      %swap3A_72 = vector.shape_cast %broadcast_in_dim3A_0 : vector<16xf32> to vector<1x16xf32>
      tpu.vector_store %arg10[%swap3A_68, %swap3A_69], %swap3A_72 {strides = array<i32>} : memref<128x128xf32, #tpu.memory_space<vmem>>, vector<1x16xf32>,
      %swap3A_73 = arith.index_cast %scan3A_52 : i32 to index
      %swap3A_74 = arith.constant 64 : index
      %swap3A_75 = tpu.vector_load %arg10[%swap3A_73, %swap3A_74] {strides = array<i32>} : memref<128x128xf32, #tpu.memory_space<vmem>>, vector<1x16xf32>,
      %swap3A_76 = vector.shape_cast %swap3A_75 : vector<1x16xf32> to vector<16xf32>
      %swap3A_77 = vector.shape_cast %broadcast_in_dim3A_0 : vector<16xf32> to vector<1x16xf32>
      tpu.vector_store %arg10[%swap3A_73, %swap3A_74], %swap3A_77 {strides = array<i32>} : memref<128x128xf32, #tpu.memory_space<vmem>>, vector<1x16xf32>,
      %swap3A_78 = arith.index_cast %scan3A_52 : i32 to index
      %swap3A_79 = arith.constant 80 : index
      %swap3A_80 = tpu.vector_load %arg10[%swap3A_78, %swap3A_79] {strides = array<i32>} : memref<128x128xf32, #tpu.memory_space<vmem>>, vector<1x16xf32>,
      %swap3A_81 = vector.shape_cast %swap3A_80 : vector<1x16xf32> to vector<16xf32>
      %swap3A_82 = vector.shape_cast %broadcast_in_dim3A_0 : vector<16xf32> to vector<1x16xf32>
      tpu.vector_store %arg10[%swap3A_78, %swap3A_79], %swap3A_82 {strides = array<i32>} : memref<128x128xf32, #tpu.memory_space<vmem>>, vector<1x16xf32>,
      %swap3A_83 = arith.index_cast %scan3A_52 : i32 to index
      %swap3A_84 = arith.constant 96 : index
      %swap3A_85 = tpu.vector_load %arg10[%swap3A_83, %swap3A_84] {strides = array<i32>} : memref<128x128xf32, #tpu.memory_space<vmem>>, vector<1x16xf32>,
      %swap3A_86 = vector.shape_cast %swap3A_85 : vector<1x16xf32> to vector<16xf32>
      %swap3A_87 = vector.shape_cast %broadcast_in_dim3A_0 : vector<16xf32> to vector<1x16xf32>
      tpu.vector_store %arg10[%swap3A_83, %swap3A_84], %swap3A_87 {strides = array<i32>} : memref<128x128xf32, #tpu.memory_space<vmem>>, vector<1x16xf32>,
      %swap3A_88 = arith.index_cast %scan3A_52 : i32 to index
      %swap3A_89 = arith.constant 112 : index
      %swap3A_90 = tpu.vector_load %arg10[%swap3A_88, %swap3A_89] {strides = array<i32>} : memref<128x128xf32, #tpu.memory_space<vmem>>, vector<1x16xf32>,
      %swap3A_91 = vector.shape_cast %swap3A_90 : vector<1x16xf32> to vector<16xf32>
      %swap3A_92 = vector.shape_cast %broadcast_in_dim3A_0 : vector<16xf32> to vector<1x16xf32>
      tpu.vector_store %arg10[%swap3A_88, %swap3A_89], %swap3A_92 {strides = array<i32>} : memref<128x128xf32, #tpu.memory_space<vmem>>, vector<1x16xf32>,
      %scan3A_93 = arith.constant 0 : i32
      scf.yield %scan3A_93 : i32
    }
    %scan3A_6 = arith.constant 128 : i32
    %mul3A = arith.constant 640 : i32
    %mul3A_7 = arith.muli %arg1, %mul3A : i32
    %add3A = arith.constant 0 : i32
    %add3A_8 = arith.addi %mul3A_7, %add3A : i32
    "tpu.region"() ({
      %run_scoped3A = tpu.sem_alloc : memref<!tpu.dma_semaphore, #tpu.memory_space<semaphore_mem>>
      %dma_start3A = arith.constant 0 : i32
      %dma_start3A_52 = tpu.memref_slice %arg11[%add3A_8, %dma_start3A] : memref<10240x128xf32, #tpu.memory_space<vmem_shared>> -> memref<128x128xf32, #tpu.memory_space<vmem_shared>>
      %dma_start3A_53 = arith.constant 0 : i32
      %dma_start3A_54 = tpu.memref_slice %arg11[%add3A_8, %dma_start3A_53] : memref<10240x128xf32, #tpu.memory_space<vmem_shared>> -> memref<128x128xf32, #tpu.memory_space<vmem_shared>>
      tpu.enqueue_dma source(%arg10 : memref<128x128xf32, #tpu.memory_space<vmem>>) target(%dma_start3A_54 : memref<128x128xf32, #tpu.memory_space<vmem_shared>>) target_semaphore(%run_scoped3A : memref<!tpu.dma_semaphore, #tpu.memory_space<semaphore_mem>>)
      %dma_wait3A = arith.constant 0 : i32
      %dma_wait3A_55 = tpu.memref_slice %arg11[%add3A_8, %dma_wait3A] : memref<10240x128xf32, #tpu.memory_space<vmem_shared>> -> memref<128x128xf32, #tpu.memory_space<vmem_shared>>
      %dma_wait3A_56 = arith.constant 0 : i32
      %dma_wait3A_57 = tpu.memref_slice %arg11[%add3A_8, %dma_wait3A_56] : memref<10240x128xf32, #tpu.memory_space<vmem_shared>> -> memref<128x128xf32, #tpu.memory_space<vmem_shared>>
      tpu.wait_dma2 semaphore(%run_scoped3A : memref<!tpu.dma_semaphore, #tpu.memory_space<semaphore_mem>>) src(%arg10 : memref<128x128xf32, #tpu.memory_space<vmem>>) dst(%dma_wait3A_57 : memref<128x128xf32, #tpu.memory_space<vmem_shared>>)
      tpu.yield
    }) : () -> ()
    %add3A_9 = arith.constant 128 : i32
    %add3A_10 = arith.addi %mul3A_7, %add3A_9 : i32
    "tpu.region"() ({
      %run_scoped3A = tpu.sem_alloc : memref<!tpu.dma_semaphore, #tpu.memory_space<semaphore_mem>>
      %dma_start3A = arith.constant 0 : i32
      %dma_start3A_52 = tpu.memref_slice %arg11[%add3A_10, %dma_start3A] : memref<10240x128xf32, #tpu.memory_space<vmem_shared>> -> memref<128x128xf32, #tpu.memory_space<vmem_shared>>
      %dma_start3A_53 = arith.constant 0 : i32
      %dma_start3A_54 = tpu.memref_slice %arg11[%add3A_10, %dma_start3A_53] : memref<10240x128xf32, #tpu.memory_space<vmem_shared>> -> memref<128x128xf32, #tpu.memory_space<vmem_shared>>
      tpu.enqueue_dma source(%arg10 : memref<128x128xf32, #tpu.memory_space<vmem>>) target(%dma_start3A_54 : memref<128x128xf32, #tpu.memory_space<vmem_shared>>) target_semaphore(%run_scoped3A : memref<!tpu.dma_semaphore, #tpu.memory_space<semaphore_mem>>)
      %dma_wait3A = arith.constant 0 : i32
      %dma_wait3A_55 = tpu.memref_slice %arg11[%add3A_10, %dma_wait3A] : memref<10240x128xf32, #tpu.memory_space<vmem_shared>> -> memref<128x128xf32, #tpu.memory_space<vmem_shared>>
      %dma_wait3A_56 = arith.constant 0 : i32
      %dma_wait3A_57 = tpu.memref_slice %arg11[%add3A_10, %dma_wait3A_56] : memref<10240x128xf32, #tpu.memory_space<vmem_shared>> -> memref<128x128xf32, #tpu.memory_space<vmem_shared>>
      tpu.wait_dma2 semaphore(%run_scoped3A : memref<!tpu.dma_semaphore, #tpu.memory_space<semaphore_mem>>) src(%arg10 : memref<128x128xf32, #tpu.memory_space<vmem>>) dst(%dma_wait3A_57 : memref<128x128xf32, #tpu.memory_space<vmem_shared>>)
      tpu.yield
    }) : () -> ()
    %add3A_11 = arith.constant 256 : i32
    %add3A_12 = arith.addi %mul3A_7, %add3A_11 : i32
    "tpu.region"() ({
      %run_scoped3A = tpu.sem_alloc : memref<!tpu.dma_semaphore, #tpu.memory_space<semaphore_mem>>
      %dma_start3A = arith.constant 0 : i32
      %dma_start3A_52 = tpu.memref_slice %arg11[%add3A_12, %dma_start3A] : memref<10240x128xf32, #tpu.memory_space<vmem_shared>> -> memref<128x128xf32, #tpu.memory_space<vmem_shared>>
      %dma_start3A_53 = arith.constant 0 : i32
      %dma_start3A_54 = tpu.memref_slice %arg11[%add3A_12, %dma_start3A_53] : memref<10240x128xf32, #tpu.memory_space<vmem_shared>> -> memref<128x128xf32, #tpu.memory_space<vmem_shared>>
      tpu.enqueue_dma source(%arg10 : memref<128x128xf32, #tpu.memory_space<vmem>>) target(%dma_start3A_54 : memref<128x128xf32, #tpu.memory_space<vmem_shared>>) target_semaphore(%run_scoped3A : memref<!tpu.dma_semaphore, #tpu.memory_space<semaphore_mem>>)
      %dma_wait3A = arith.constant 0 : i32
      %dma_wait3A_55 = tpu.memref_slice %arg11[%add3A_12, %dma_wait3A] : memref<10240x128xf32, #tpu.memory_space<vmem_shared>> -> memref<128x128xf32, #tpu.memory_space<vmem_shared>>
      %dma_wait3A_56 = arith.constant 0 : i32
      %dma_wait3A_57 = tpu.memref_slice %arg11[%add3A_12, %dma_wait3A_56] : memref<10240x128xf32, #tpu.memory_space<vmem_shared>> -> memref<128x128xf32, #tpu.memory_space<vmem_shared>>
      tpu.wait_dma2 semaphore(%run_scoped3A : memref<!tpu.dma_semaphore, #tpu.memory_space<semaphore_mem>>) src(%arg10 : memref<128x128xf32, #tpu.memory_space<vmem>>) dst(%dma_wait3A_57 : memref<128x128xf32, #tpu.memory_space<vmem_shared>>)
      tpu.yield
    }) : () -> ()
    %add3A_13 = arith.constant 384 : i32
    %add3A_14 = arith.addi %mul3A_7, %add3A_13 : i32
    "tpu.region"() ({
      %run_scoped3A = tpu.sem_alloc : memref<!tpu.dma_semaphore, #tpu.memory_space<semaphore_mem>>
      %dma_start3A = arith.constant 0 : i32
      %dma_start3A_52 = tpu.memref_slice %arg11[%add3A_14, %dma_start3A] : memref<10240x128xf32, #tpu.memory_space<vmem_shared>> -> memref<128x128xf32, #tpu.memory_space<vmem_shared>>
      %dma_start3A_53 = arith.constant 0 : i32
      %dma_start3A_54 = tpu.memref_slice %arg11[%add3A_14, %dma_start3A_53] : memref<10240x128xf32, #tpu.memory_space<vmem_shared>> -> memref<128x128xf32, #tpu.memory_space<vmem_shared>>
      tpu.enqueue_dma source(%arg10 : memref<128x128xf32, #tpu.memory_space<vmem>>) target(%dma_start3A_54 : memref<128x128xf32, #tpu.memory_space<vmem_shared>>) target_semaphore(%run_scoped3A : memref<!tpu.dma_semaphore, #tpu.memory_space<semaphore_mem>>)
      %dma_wait3A = arith.constant 0 : i32
      %dma_wait3A_55 = tpu.memref_slice %arg11[%add3A_14, %dma_wait3A] : memref<10240x128xf32, #tpu.memory_space<vmem_shared>> -> memref<128x128xf32, #tpu.memory_space<vmem_shared>>
      %dma_wait3A_56 = arith.constant 0 : i32
      %dma_wait3A_57 = tpu.memref_slice %arg11[%add3A_14, %dma_wait3A_56] : memref<10240x128xf32, #tpu.memory_space<vmem_shared>> -> memref<128x128xf32, #tpu.memory_space<vmem_shared>>
      tpu.wait_dma2 semaphore(%run_scoped3A : memref<!tpu.dma_semaphore, #tpu.memory_space<semaphore_mem>>) src(%arg10 : memref<128x128xf32, #tpu.memory_space<vmem>>) dst(%dma_wait3A_57 : memref<128x128xf32, #tpu.memory_space<vmem_shared>>)
      tpu.yield
    }) : () -> ()
    %add3A_15 = arith.constant 512 : i32
    %add3A_16 = arith.addi %mul3A_7, %add3A_15 : i32
    "tpu.region"() ({
      %run_scoped3A = tpu.sem_alloc : memref<!tpu.dma_semaphore, #tpu.memory_space<semaphore_mem>>
      %dma_start3A = arith.constant 0 : i32
      %dma_start3A_52 = tpu.memref_slice %arg11[%add3A_16, %dma_start3A] : memref<10240x128xf32, #tpu.memory_space<vmem_shared>> -> memref<128x128xf32, #tpu.memory_space<vmem_shared>>
      %dma_start3A_53 = arith.constant 0 : i32
      %dma_start3A_54 = tpu.memref_slice %arg11[%add3A_16, %dma_start3A_53] : memref<10240x128xf32, #tpu.memory_space<vmem_shared>> -> memref<128x128xf32, #tpu.memory_space<vmem_shared>>
      tpu.enqueue_dma source(%arg10 : memref<128x128xf32, #tpu.memory_space<vmem>>) target(%dma_start3A_54 : memref<128x128xf32, #tpu.memory_space<vmem_shared>>) target_semaphore(%run_scoped3A : memref<!tpu.dma_semaphore, #tpu.memory_space<semaphore_mem>>)
      %dma_wait3A = arith.constant 0 : i32
      %dma_wait3A_55 = tpu.memref_slice %arg11[%add3A_16, %dma_wait3A] : memref<10240x128xf32, #tpu.memory_space<vmem_shared>> -> memref<128x128xf32, #tpu.memory_space<vmem_shared>>
      %dma_wait3A_56 = arith.constant 0 : i32
      %dma_wait3A_57 = tpu.memref_slice %arg11[%add3A_16, %dma_wait3A_56] : memref<10240x128xf32, #tpu.memory_space<vmem_shared>> -> memref<128x128xf32, #tpu.memory_space<vmem_shared>>
      tpu.wait_dma2 semaphore(%run_scoped3A : memref<!tpu.dma_semaphore, #tpu.memory_space<semaphore_mem>>) src(%arg10 : memref<128x128xf32, #tpu.memory_space<vmem>>) dst(%dma_wait3A_57 : memref<128x128xf32, #tpu.memory_space<vmem_shared>>)
      tpu.yield
    }) : () -> ()
    %barrier3A = arith.constant 0 : index
    tpu.barrier barrier_id(%barrier3A)
    %mul3A_17 = arith.constant 20480 : i32
    %mul3A_18 = arith.muli %arg1, %mul3A_17 : i32
    %mul3A_19 = arith.constant 10240 : i32
    %mul3A_20 = arith.muli %arg0, %mul3A_19 : i32
    %scan3A_21 = arith.constant 0 : i32
    %scan3A_22 = arith.constant 0 : i32
    %scan3A_23 = arith.constant 5 : i32
    %scan3A_24 = arith.addi %scan3A_22, %scan3A_23 : i32
    %scan3A_25 = arith.constant 1 : i32
    %scan3A_26 = scf.for %scan3A_52 = %scan3A_22 to %scan3A_24 step %scan3A_25 iter_args(%scan3A_53 = %scan3A_21) -> (i32)  : i32 {
      %mul3A_54 = arith.constant 4096 : i32
      %mul3A_55 = arith.muli %scan3A_52, %mul3A_54 : i32
      %add3A_56 = arith.addi %mul3A_18, %mul3A_55 : i32
      "tpu.region"() ({
        %run_scoped3A = tpu.sem_alloc : memref<!tpu.dma_semaphore, #tpu.memory_space<semaphore_mem>>
        %dma_start3A = tpu.memref_slice %arg3[%add3A_56] : memref<327680xi32, #tpu.memory_space<hbm>> -> memref<4096xi32, #tpu.memory_space<hbm>>
        %dma_start3A_65 = tpu.memref_slice %arg3[%add3A_56] : memref<327680xi32, #tpu.memory_space<hbm>> -> memref<4096xi32, #tpu.memory_space<hbm>>
        tpu.enqueue_dma source(%dma_start3A_65 : memref<4096xi32, #tpu.memory_space<hbm>>) target(%arg6 : memref<4096xi32, #tpu.memory_space<vmem>>) target_semaphore(%run_scoped3A : memref<!tpu.dma_semaphore, #tpu.memory_space<semaphore_mem>>)
        %dma_wait3A = tpu.memref_slice %arg3[%add3A_56] : memref<327680xi32, #tpu.memory_space<hbm>> -> memref<4096xi32, #tpu.memory_space<hbm>>
        %dma_wait3A_66 = tpu.memref_slice %arg3[%add3A_56] : memref<327680xi32, #tpu.memory_space<hbm>> -> memref<4096xi32, #tpu.memory_space<hbm>>
        tpu.wait_dma2 semaphore(%run_scoped3A : memref<!tpu.dma_semaphore, #tpu.memory_space<semaphore_mem>>) src(%dma_wait3A_66 : memref<4096xi32, #tpu.memory_space<hbm>>) dst(%arg6 : memref<4096xi32, #tpu.memory_space<vmem>>)
        tpu.yield
      }) : () -> ()
      "tpu.region"() ({
        %run_scoped3A = tpu.sem_alloc : memref<!tpu.dma_semaphore, #tpu.memory_space<semaphore_mem>>
        %dma_start3A = tpu.memref_slice %arg4[%add3A_56] : memref<327680xi32, #tpu.memory_space<hbm>> -> memref<4096xi32, #tpu.memory_space<hbm>>
        %dma_start3A_65 = tpu.memref_slice %arg4[%add3A_56] : memref<327680xi32, #tpu.memory_space<hbm>> -> memref<4096xi32, #tpu.memory_space<hbm>>
        tpu.enqueue_dma source(%dma_start3A_65 : memref<4096xi32, #tpu.memory_space<hbm>>) target(%arg7 : memref<4096xi32, #tpu.memory_space<vmem>>) target_semaphore(%run_scoped3A : memref<!tpu.dma_semaphore, #tpu.memory_space<semaphore_mem>>)
        %dma_wait3A = tpu.memref_slice %arg4[%add3A_56] : memref<327680xi32, #tpu.memory_space<hbm>> -> memref<4096xi32, #tpu.memory_space<hbm>>
        %dma_wait3A_66 = tpu.memref_slice %arg4[%add3A_56] : memref<327680xi32, #tpu.memory_space<hbm>> -> memref<4096xi32, #tpu.memory_space<hbm>>
        tpu.wait_dma2 semaphore(%run_scoped3A : memref<!tpu.dma_semaphore, #tpu.memory_space<semaphore_mem>>) src(%dma_wait3A_66 : memref<4096xi32, #tpu.memory_space<hbm>>) dst(%arg7 : memref<4096xi32, #tpu.memory_space<vmem>>)
        tpu.yield
      }) : () -> ()
      %scan3A_57 = arith.constant 0 : i32
      %scan3A_58 = arith.constant 0 : i32
      %scan3A_59 = arith.constant 32 : i32
      %scan3A_60 = arith.addi %scan3A_58, %scan3A_59 : i32
      %scan3A_61 = arith.constant 1 : i32
      %scan3A_62 = scf.for %scan3A_65 = %scan3A_58 to %scan3A_60 step %scan3A_61 iter_args(%scan3A_66 = %scan3A_57) -> (i32)  : i32 {
        %mul3A_67 = arith.constant 128 : i32
        %mul3A_68 = arith.muli %scan3A_65, %mul3A_67 : i32
        %add3A_69 = arith.constant 0 : i32
        %add3A_70 = arith.addi %mul3A_68, %add3A_69 : i32
        %get3A = arith.index_cast %add3A_70 : i32 to index
        %get3A_71 = tpu.vector_load %arg6[%get3A] {strides = array<i32>} : memref<4096xi32, #tpu.memory_space<vmem>>, vector<16xi32>,
        %get3A_72 = vector.shape_cast %get3A_71 : vector<16xi32> to vector<16xi32>
        %add3A_73 = vector.broadcast %mul3A_20 : i32 to vector<16xi32>
        %add3A_74 = arith.addi %get3A_72, %add3A_73 : vector<16xi32>
        %swap3A = arith.constant 0 : index
        %swap3A_75 = tpu.vector_load %arg8[%swap3A] {strides = array<i32>} : memref<128xi32, #tpu.memory_space<vmem>>, vector<16xi32>,
        %swap3A_76 = vector.shape_cast %swap3A_75 : vector<16xi32> to vector<16xi32>
        %swap3A_77 = vector.shape_cast %add3A_74 : vector<16xi32> to vector<16xi32>
        tpu.vector_store %arg8[%swap3A], %swap3A_77 {strides = array<i32>} : memref<128xi32, #tpu.memory_space<vmem>>, vector<16xi32>,
        %add3A_78 = arith.constant 0 : i32
        %add3A_79 = arith.addi %mul3A_68, %add3A_78 : i32
        %get3A_80 = arith.index_cast %add3A_79 : i32 to index
        %get3A_81 = tpu.vector_load %arg7[%get3A_80] {strides = array<i32>} : memref<4096xi32, #tpu.memory_space<vmem>>, vector<16xi32>,
        %get3A_82 = vector.shape_cast %get3A_81 : vector<16xi32> to vector<16xi32>
        %swap3A_83 = arith.constant 0 : index
        %swap3A_84 = tpu.vector_load %arg9[%swap3A_83] {strides = array<i32>} : memref<128xi32, #tpu.memory_space<vmem>>, vector<16xi32>,
        %swap3A_85 = vector.shape_cast %swap3A_84 : vector<16xi32> to vector<16xi32>
        %swap3A_86 = vector.shape_cast %get3A_82 : vector<16xi32> to vector<16xi32>
        tpu.vector_store %arg9[%swap3A_83], %swap3A_86 {strides = array<i32>} : memref<128xi32, #tpu.memory_space<vmem>>, vector<16xi32>,
        %add3A_87 = arith.constant 16 : i32
        %add3A_88 = arith.addi %mul3A_68, %add3A_87 : i32
        %get3A_89 = arith.index_cast %add3A_88 : i32 to index
        %get3A_90 = tpu.vector_load %arg6[%get3A_89] {strides = array<i32>} : memref<4096xi32, #tpu.memory_space<vmem>>, vector<16xi32>,
        %get3A_91 = vector.shape_cast %get3A_90 : vector<16xi32> to vector<16xi32>
        %add3A_92 = vector.broadcast %mul3A_20 : i32 to vector<16xi32>
        %add3A_93 = arith.addi %get3A_91, %add3A_92 : vector<16xi32>
        %swap3A_94 = arith.constant 16 : index
        %swap3A_95 = tpu.vector_load %arg8[%swap3A_94] {strides = array<i32>} : memref<128xi32, #tpu.memory_space<vmem>>, vector<16xi32>,
        %swap3A_96 = vector.shape_cast %swap3A_95 : vector<16xi32> to vector<16xi32>
        %swap3A_97 = vector.shape_cast %add3A_93 : vector<16xi32> to vector<16xi32>
        tpu.vector_store %arg8[%swap3A_94], %swap3A_97 {strides = array<i32>} : memref<128xi32, #tpu.memory_space<vmem>>, vector<16xi32>,
        %add3A_98 = arith.constant 16 : i32
        %add3A_99 = arith.addi %mul3A_68, %add3A_98 : i32
        %get3A_100 = arith.index_cast %add3A_99 : i32 to index
        %get3A_101 = tpu.vector_load %arg7[%get3A_100] {strides = array<i32>} : memref<4096xi32, #tpu.memory_space<vmem>>, vector<16xi32>,
        %get3A_102 = vector.shape_cast %get3A_101 : vector<16xi32> to vector<16xi32>
        %swap3A_103 = arith.constant 16 : index
        %swap3A_104 = tpu.vector_load %arg9[%swap3A_103] {strides = array<i32>} : memref<128xi32, #tpu.memory_space<vmem>>, vector<16xi32>,
        %swap3A_105 = vector.shape_cast %swap3A_104 : vector<16xi32> to vector<16xi32>
        %swap3A_106 = vector.shape_cast %get3A_102 : vector<16xi32> to vector<16xi32>
        tpu.vector_store %arg9[%swap3A_103], %swap3A_106 {strides = array<i32>} : memref<128xi32, #tpu.memory_space<vmem>>, vector<16xi32>,
        %add3A_107 = arith.constant 32 : i32
        %add3A_108 = arith.addi %mul3A_68, %add3A_107 : i32
        %get3A_109 = arith.index_cast %add3A_108 : i32 to index
        %get3A_110 = tpu.vector_load %arg6[%get3A_109] {strides = array<i32>} : memref<4096xi32, #tpu.memory_space<vmem>>, vector<16xi32>,
        %get3A_111 = vector.shape_cast %get3A_110 : vector<16xi32> to vector<16xi32>
        %add3A_112 = vector.broadcast %mul3A_20 : i32 to vector<16xi32>
        %add3A_113 = arith.addi %get3A_111, %add3A_112 : vector<16xi32>
        %swap3A_114 = arith.constant 32 : index
        %swap3A_115 = tpu.vector_load %arg8[%swap3A_114] {strides = array<i32>} : memref<128xi32, #tpu.memory_space<vmem>>, vector<16xi32>,
        %swap3A_116 = vector.shape_cast %swap3A_115 : vector<16xi32> to vector<16xi32>
        %swap3A_117 = vector.shape_cast %add3A_113 : vector<16xi32> to vector<16xi32>
        tpu.vector_store %arg8[%swap3A_114], %swap3A_117 {strides = array<i32>} : memref<128xi32, #tpu.memory_space<vmem>>, vector<16xi32>,
        %add3A_118 = arith.constant 32 : i32
        %add3A_119 = arith.addi %mul3A_68, %add3A_118 : i32
        %get3A_120 = arith.index_cast %add3A_119 : i32 to index
        %get3A_121 = tpu.vector_load %arg7[%get3A_120] {strides = array<i32>} : memref<4096xi32, #tpu.memory_space<vmem>>, vector<16xi32>,
        %get3A_122 = vector.shape_cast %get3A_121 : vector<16xi32> to vector<16xi32>
        %swap3A_123 = arith.constant 32 : index
        %swap3A_124 = tpu.vector_load %arg9[%swap3A_123] {strides = array<i32>} : memref<128xi32, #tpu.memory_space<vmem>>, vector<16xi32>,
        %swap3A_125 = vector.shape_cast %swap3A_124 : vector<16xi32> to vector<16xi32>
        %swap3A_126 = vector.shape_cast %get3A_122 : vector<16xi32> to vector<16xi32>
        tpu.vector_store %arg9[%swap3A_123], %swap3A_126 {strides = array<i32>} : memref<128xi32, #tpu.memory_space<vmem>>, vector<16xi32>,
        %add3A_127 = arith.constant 48 : i32
        %add3A_128 = arith.addi %mul3A_68, %add3A_127 : i32
        %get3A_129 = arith.index_cast %add3A_128 : i32 to index
        %get3A_130 = tpu.vector_load %arg6[%get3A_129] {strides = array<i32>} : memref<4096xi32, #tpu.memory_space<vmem>>, vector<16xi32>,
        %get3A_131 = vector.shape_cast %get3A_130 : vector<16xi32> to vector<16xi32>
        %add3A_132 = vector.broadcast %mul3A_20 : i32 to vector<16xi32>
        %add3A_133 = arith.addi %get3A_131, %add3A_132 : vector<16xi32>
        %swap3A_134 = arith.constant 48 : index
        %swap3A_135 = tpu.vector_load %arg8[%swap3A_134] {strides = array<i32>} : memref<128xi32, #tpu.memory_space<vmem>>, vector<16xi32>,
        %swap3A_136 = vector.shape_cast %swap3A_135 : vector<16xi32> to vector<16xi32>
        %swap3A_137 = vector.shape_cast %add3A_133 : vector<16xi32> to vector<16xi32>
        tpu.vector_store %arg8[%swap3A_134], %swap3A_137 {strides = array<i32>} : memref<128xi32, #tpu.memory_space<vmem>>, vector<16xi32>,
        %add3A_138 = arith.constant 48 : i32
        %add3A_139 = arith.addi %mul3A_68, %add3A_138 : i32
        %get3A_140 = arith.index_cast %add3A_139 : i32 to index
        %get3A_141 = tpu.vector_load %arg7[%get3A_140] {strides = array<i32>} : memref<4096xi32, #tpu.memory_space<vmem>>, vector<16xi32>,
        %get3A_142 = vector.shape_cast %get3A_141 : vector<16xi32> to vector<16xi32>
        %swap3A_143 = arith.constant 48 : index
        %swap3A_144 = tpu.vector_load %arg9[%swap3A_143] {strides = array<i32>} : memref<128xi32, #tpu.memory_space<vmem>>, vector<16xi32>,
        %swap3A_145 = vector.shape_cast %swap3A_144 : vector<16xi32> to vector<16xi32>
        %swap3A_146 = vector.shape_cast %get3A_142 : vector<16xi32> to vector<16xi32>
        tpu.vector_store %arg9[%swap3A_143], %swap3A_146 {strides = array<i32>} : memref<128xi32, #tpu.memory_space<vmem>>, vector<16xi32>,
        %add3A_147 = arith.constant 64 : i32
        %add3A_148 = arith.addi %mul3A_68, %add3A_147 : i32
        %get3A_149 = arith.index_cast %add3A_148 : i32 to index
        %get3A_150 = tpu.vector_load %arg6[%get3A_149] {strides = array<i32>} : memref<4096xi32, #tpu.memory_space<vmem>>, vector<16xi32>,
        %get3A_151 = vector.shape_cast %get3A_150 : vector<16xi32> to vector<16xi32>
        %add3A_152 = vector.broadcast %mul3A_20 : i32 to vector<16xi32>
        %add3A_153 = arith.addi %get3A_151, %add3A_152 : vector<16xi32>
        %swap3A_154 = arith.constant 64 : index
        %swap3A_155 = tpu.vector_load %arg8[%swap3A_154] {strides = array<i32>} : memref<128xi32, #tpu.memory_space<vmem>>, vector<16xi32>,
        %swap3A_156 = vector.shape_cast %swap3A_155 : vector<16xi32> to vector<16xi32>
        %swap3A_157 = vector.shape_cast %add3A_153 : vector<16xi32> to vector<16xi32>
        tpu.vector_store %arg8[%swap3A_154], %swap3A_157 {strides = array<i32>} : memref<128xi32, #tpu.memory_space<vmem>>, vector<16xi32>,
        %add3A_158 = arith.constant 64 : i32
        %add3A_159 = arith.addi %mul3A_68, %add3A_158 : i32
        %get3A_160 = arith.index_cast %add3A_159 : i32 to index
        %get3A_161 = tpu.vector_load %arg7[%get3A_160] {strides = array<i32>} : memref<4096xi32, #tpu.memory_space<vmem>>, vector<16xi32>,
        %get3A_162 = vector.shape_cast %get3A_161 : vector<16xi32> to vector<16xi32>
        %swap3A_163 = arith.constant 64 : index
        %swap3A_164 = tpu.vector_load %arg9[%swap3A_163] {strides = array<i32>} : memref<128xi32, #tpu.memory_space<vmem>>, vector<16xi32>,
        %swap3A_165 = vector.shape_cast %swap3A_164 : vector<16xi32> to vector<16xi32>
        %swap3A_166 = vector.shape_cast %get3A_162 : vector<16xi32> to vector<16xi32>
        tpu.vector_store %arg9[%swap3A_163], %swap3A_166 {strides = array<i32>} : memref<128xi32, #tpu.memory_space<vmem>>, vector<16xi32>,
        %add3A_167 = arith.constant 80 : i32
        %add3A_168 = arith.addi %mul3A_68, %add3A_167 : i32
        %get3A_169 = arith.index_cast %add3A_168 : i32 to index
        %get3A_170 = tpu.vector_load %arg6[%get3A_169] {strides = array<i32>} : memref<4096xi32, #tpu.memory_space<vmem>>, vector<16xi32>,
        %get3A_171 = vector.shape_cast %get3A_170 : vector<16xi32> to vector<16xi32>
        %add3A_172 = vector.broadcast %mul3A_20 : i32 to vector<16xi32>
        %add3A_173 = arith.addi %get3A_171, %add3A_172 : vector<16xi32>
        %swap3A_174 = arith.constant 80 : index
        %swap3A_175 = tpu.vector_load %arg8[%swap3A_174] {strides = array<i32>} : memref<128xi32, #tpu.memory_space<vmem>>, vector<16xi32>,
        %swap3A_176 = vector.shape_cast %swap3A_175 : vector<16xi32> to vector<16xi32>
        %swap3A_177 = vector.shape_cast %add3A_173 : vector<16xi32> to vector<16xi32>
        tpu.vector_store %arg8[%swap3A_174], %swap3A_177 {strides = array<i32>} : memref<128xi32, #tpu.memory_space<vmem>>, vector<16xi32>,
        %add3A_178 = arith.constant 80 : i32
        %add3A_179 = arith.addi %mul3A_68, %add3A_178 : i32
        %get3A_180 = arith.index_cast %add3A_179 : i32 to index
        %get3A_181 = tpu.vector_load %arg7[%get3A_180] {strides = array<i32>} : memref<4096xi32, #tpu.memory_space<vmem>>, vector<16xi32>,
        %get3A_182 = vector.shape_cast %get3A_181 : vector<16xi32> to vector<16xi32>
        %swap3A_183 = arith.constant 80 : index
        %swap3A_184 = tpu.vector_load %arg9[%swap3A_183] {strides = array<i32>} : memref<128xi32, #tpu.memory_space<vmem>>, vector<16xi32>,
        %swap3A_185 = vector.shape_cast %swap3A_184 : vector<16xi32> to vector<16xi32>
        %swap3A_186 = vector.shape_cast %get3A_182 : vector<16xi32> to vector<16xi32>
        tpu.vector_store %arg9[%swap3A_183], %swap3A_186 {strides = array<i32>} : memref<128xi32, #tpu.memory_space<vmem>>, vector<16xi32>,
        %add3A_187 = arith.constant 96 : i32
        %add3A_188 = arith.addi %mul3A_68, %add3A_187 : i32
        %get3A_189 = arith.index_cast %add3A_188 : i32 to index
        %get3A_190 = tpu.vector_load %arg6[%get3A_189] {strides = array<i32>} : memref<4096xi32, #tpu.memory_space<vmem>>, vector<16xi32>,
        %get3A_191 = vector.shape_cast %get3A_190 : vector<16xi32> to vector<16xi32>
        %add3A_192 = vector.broadcast %mul3A_20 : i32 to vector<16xi32>
        %add3A_193 = arith.addi %get3A_191, %add3A_192 : vector<16xi32>
        %swap3A_194 = arith.constant 96 : index
        %swap3A_195 = tpu.vector_load %arg8[%swap3A_194] {strides = array<i32>} : memref<128xi32, #tpu.memory_space<vmem>>, vector<16xi32>,
        %swap3A_196 = vector.shape_cast %swap3A_195 : vector<16xi32> to vector<16xi32>
        %swap3A_197 = vector.shape_cast %add3A_193 : vector<16xi32> to vector<16xi32>
        tpu.vector_store %arg8[%swap3A_194], %swap3A_197 {strides = array<i32>} : memref<128xi32, #tpu.memory_space<vmem>>, vector<16xi32>,
        %add3A_198 = arith.constant 96 : i32
        %add3A_199 = arith.addi %mul3A_68, %add3A_198 : i32
        %get3A_200 = arith.index_cast %add3A_199 : i32 to index
        %get3A_201 = tpu.vector_load %arg7[%get3A_200] {strides = array<i32>} : memref<4096xi32, #tpu.memory_space<vmem>>, vector<16xi32>,
        %get3A_202 = vector.shape_cast %get3A_201 : vector<16xi32> to vector<16xi32>
        %swap3A_203 = arith.constant 96 : index
        %swap3A_204 = tpu.vector_load %arg9[%swap3A_203] {strides = array<i32>} : memref<128xi32, #tpu.memory_space<vmem>>, vector<16xi32>,
        %swap3A_205 = vector.shape_cast %swap3A_204 : vector<16xi32> to vector<16xi32>
        %swap3A_206 = vector.shape_cast %get3A_202 : vector<16xi32> to vector<16xi32>
        tpu.vector_store %arg9[%swap3A_203], %swap3A_206 {strides = array<i32>} : memref<128xi32, #tpu.memory_space<vmem>>, vector<16xi32>,
        %add3A_207 = arith.constant 112 : i32
        %add3A_208 = arith.addi %mul3A_68, %add3A_207 : i32
        %get3A_209 = arith.index_cast %add3A_208 : i32 to index
        %get3A_210 = tpu.vector_load %arg6[%get3A_209] {strides = array<i32>} : memref<4096xi32, #tpu.memory_space<vmem>>, vector<16xi32>,
        %get3A_211 = vector.shape_cast %get3A_210 : vector<16xi32> to vector<16xi32>
        %add3A_212 = vector.broadcast %mul3A_20 : i32 to vector<16xi32>
        %add3A_213 = arith.addi %get3A_211, %add3A_212 : vector<16xi32>
        %swap3A_214 = arith.constant 112 : index
        %swap3A_215 = tpu.vector_load %arg8[%swap3A_214] {strides = array<i32>} : memref<128xi32, #tpu.memory_space<vmem>>, vector<16xi32>,
        %swap3A_216 = vector.shape_cast %swap3A_215 : vector<16xi32> to vector<16xi32>
        %swap3A_217 = vector.shape_cast %add3A_213 : vector<16xi32> to vector<16xi32>
        tpu.vector_store %arg8[%swap3A_214], %swap3A_217 {strides = array<i32>} : memref<128xi32, #tpu.memory_space<vmem>>, vector<16xi32>,
        %add3A_218 = arith.constant 112 : i32
        %add3A_219 = arith.addi %mul3A_68, %add3A_218 : i32
        %get3A_220 = arith.index_cast %add3A_219 : i32 to index
        %get3A_221 = tpu.vector_load %arg7[%get3A_220] {strides = array<i32>} : memref<4096xi32, #tpu.memory_space<vmem>>, vector<16xi32>,
        %get3A_222 = vector.shape_cast %get3A_221 : vector<16xi32> to vector<16xi32>
        %swap3A_223 = arith.constant 112 : index
        %swap3A_224 = tpu.vector_load %arg9[%swap3A_223] {strides = array<i32>} : memref<128xi32, #tpu.memory_space<vmem>>, vector<16xi32>,
        %swap3A_225 = vector.shape_cast %swap3A_224 : vector<16xi32> to vector<16xi32>
        %swap3A_226 = vector.shape_cast %get3A_222 : vector<16xi32> to vector<16xi32>
        tpu.vector_store %arg9[%swap3A_223], %swap3A_226 {strides = array<i32>} : memref<128xi32, #tpu.memory_space<vmem>>, vector<16xi32>,
        "tpu.region"() ({
          %run_scoped3A = tpu.sem_alloc : memref<!tpu.dma_semaphore, #tpu.memory_space<semaphore_mem>>
          %dma_start3A = arith.constant 0 : i32
          %dma_start3A_228 = arith.constant 0 : i32
          %dma_start3A_229 = tpu.memref_slice %arg2[%dma_start3A, %dma_start3A_228] : memref<20480x128xf32, #tpu.memory_space<hbm>> -> memref<20480x128xf32, #tpu.memory_space<hbm>>
          tpu.enqueue_indirect_dma source(%dma_start3A_229 : memref<20480x128xf32, #tpu.memory_space<hbm>>) target(%arg10 : memref<128x128xf32, #tpu.memory_space<vmem>>) offsets(%arg8 : memref<128xi32, #tpu.memory_space<vmem>>) semaphore(%run_scoped3A : memref<!tpu.dma_semaphore, #tpu.memory_space<semaphore_mem>>)
          %dma_wait3A = arith.constant 0 : i32
          %dma_wait3A_230 = arith.constant 0 : i32
          %dma_wait3A_231 = tpu.memref_slice %arg2[%dma_wait3A, %dma_wait3A_230] : memref<20480x128xf32, #tpu.memory_space<hbm>> -> memref<20480x128xf32, #tpu.memory_space<hbm>>
          tpu.wait_indirect_dma semaphore(%run_scoped3A : memref<!tpu.dma_semaphore, #tpu.memory_space<semaphore_mem>>) src(%dma_wait3A_231 : memref<20480x128xf32, #tpu.memory_space<hbm>>) dst(%arg10 : memref<128x128xf32, #tpu.memory_space<vmem>>)
          tpu.yield
        }) : () -> ()
        "tpu.region"() ({
          %run_scoped3A = tpu.sem_alloc : memref<!tpu.dma_semaphore, #tpu.memory_space<semaphore_mem>>
          %dma_start3A = arith.constant 0 : i32
          %dma_start3A_228 = arith.constant 0 : i32
          %dma_start3A_229 = tpu.memref_slice %arg11[%dma_start3A, %dma_start3A_228] : memref<10240x128xf32, #tpu.memory_space<vmem_shared>> -> memref<10240x128xf32, #tpu.memory_space<vmem_shared>>
          tpu.enqueue_indirect_dma source(%arg10 : memref<128x128xf32, #tpu.memory_space<vmem>>) target(%dma_start3A_229 : memref<10240x128xf32, #tpu.memory_space<vmem_shared>>) offsets(%arg9 : memref<128xi32, #tpu.memory_space<vmem>>) semaphore(%run_scoped3A : memref<!tpu.dma_semaphore, #tpu.memory_space<semaphore_mem>>) {add = true}
          %dma_wait3A = arith.constant 0 : i32
          %dma_wait3A_230 = arith.constant 0 : i32
          %dma_wait3A_231 = tpu.memref_slice %arg11[%dma_wait3A, %dma_wait3A_230] : memref<10240x128xf32, #tpu.memory_space<vmem_shared>> -> memref<10240x128xf32, #tpu.memory_space<vmem_shared>>
          tpu.wait_indirect_dma semaphore(%run_scoped3A : memref<!tpu.dma_semaphore, #tpu.memory_space<semaphore_mem>>) src(%arg10 : memref<128x128xf32, #tpu.memory_space<vmem>>) dst(%dma_wait3A_231 : memref<10240x128xf32, #tpu.memory_space<vmem_shared>>)
          tpu.yield
        }) : () -> ()
        %scan3A_227 = arith.constant 0 : i32
        scf.yield %scan3A_227 : i32
      }
      %scan3A_63 = arith.constant 32 : i32
      %scan3A_64 = arith.constant 0 : i32
      scf.yield %scan3A_64 : i32
    }
    %scan3A_27 = arith.constant 5 : i32
    %barrier3A_28 = arith.constant 0 : index
    tpu.barrier barrier_id(%barrier3A_28)
    %mul3A_29 = arith.constant 10240 : i32
    %mul3A_30 = arith.muli %arg0, %mul3A_29 : i32
    %add3A_31 = arith.addi %mul3A_30, %mul3A_7 : i32
    %add3A_32 = arith.constant 0 : i32
    %add3A_33 = arith.addi %mul3A_7, %add3A_32 : i32
    "tpu.region"() ({
      %run_scoped3A = tpu.sem_alloc : memref<!tpu.dma_semaphore, #tpu.memory_space<semaphore_mem>>
      %dma_start3A = arith.constant 0 : i32
      %dma_start3A_52 = tpu.memref_slice %arg11[%add3A_33, %dma_start3A] : memref<10240x128xf32, #tpu.memory_space<vmem_shared>> -> memref<128x128xf32, #tpu.memory_space<vmem_shared>>
      %dma_start3A_53 = arith.constant 0 : i32
      %dma_start3A_54 = tpu.memref_slice %arg11[%add3A_33, %dma_start3A_53] : memref<10240x128xf32, #tpu.memory_space<vmem_shared>> -> memref<128x128xf32, #tpu.memory_space<vmem_shared>>
      tpu.enqueue_dma source(%dma_start3A_54 : memref<128x128xf32, #tpu.memory_space<vmem_shared>>) target(%arg10 : memref<128x128xf32, #tpu.memory_space<vmem>>) target_semaphore(%run_scoped3A : memref<!tpu.dma_semaphore, #tpu.memory_space<semaphore_mem>>)
      %dma_wait3A = arith.constant 0 : i32
      %dma_wait3A_55 = tpu.memref_slice %arg11[%add3A_33, %dma_wait3A] : memref<10240x128xf32, #tpu.memory_space<vmem_shared>> -> memref<128x128xf32, #tpu.memory_space<vmem_shared>>
      %dma_wait3A_56 = arith.constant 0 : i32
      %dma_wait3A_57 = tpu.memref_slice %arg11[%add3A_33, %dma_wait3A_56] : memref<10240x128xf32, #tpu.memory_space<vmem_shared>> -> memref<128x128xf32, #tpu.memory_space<vmem_shared>>
      tpu.wait_dma2 semaphore(%run_scoped3A : memref<!tpu.dma_semaphore, #tpu.memory_space<semaphore_mem>>) src(%dma_wait3A_57 : memref<128x128xf32, #tpu.memory_space<vmem_shared>>) dst(%arg10 : memref<128x128xf32, #tpu.memory_space<vmem>>)
      tpu.yield
    }) : () -> ()
    %add3A_34 = arith.constant 0 : i32
    %add3A_35 = arith.addi %add3A_31, %add3A_34 : i32
    "tpu.region"() ({
      %run_scoped3A = tpu.sem_alloc : memref<!tpu.dma_semaphore, #tpu.memory_space<semaphore_mem>>
      %dma_start3A = arith.constant 0 : i32
      %dma_start3A_52 = tpu.memref_slice %arg5[%add3A_35, %dma_start3A] : memref<20480x128xf32, #tpu.memory_space<hbm>> -> memref<128x128xf32, #tpu.memory_space<hbm>>
      %dma_start3A_53 = arith.constant 0 : i32
      %dma_start3A_54 = tpu.memref_slice %arg5[%add3A_35, %dma_start3A_53] : memref<20480x128xf32, #tpu.memory_space<hbm>> -> memref<128x128xf32, #tpu.memory_space<hbm>>
      tpu.enqueue_dma source(%arg10 : memref<128x128xf32, #tpu.memory_space<vmem>>) target(%dma_start3A_54 : memref<128x128xf32, #tpu.memory_space<hbm>>) target_semaphore(%run_scoped3A : memref<!tpu.dma_semaphore, #tpu.memory_space<semaphore_mem>>)
      %dma_wait3A = arith.constant 0 : i32
      %dma_wait3A_55 = tpu.memref_slice %arg5[%add3A_35, %dma_wait3A] : memref<20480x128xf32, #tpu.memory_space<hbm>> -> memref<128x128xf32, #tpu.memory_space<hbm>>
      %dma_wait3A_56 = arith.constant 0 : i32
      %dma_wait3A_57 = tpu.memref_slice %arg5[%add3A_35, %dma_wait3A_56] : memref<20480x128xf32, #tpu.memory_space<hbm>> -> memref<128x128xf32, #tpu.memory_space<hbm>>
      tpu.wait_dma2 semaphore(%run_scoped3A : memref<!tpu.dma_semaphore, #tpu.memory_space<semaphore_mem>>) src(%arg10 : memref<128x128xf32, #tpu.memory_space<vmem>>) dst(%dma_wait3A_57 : memref<128x128xf32, #tpu.memory_space<hbm>>)
      tpu.yield
    }) : () -> ()
    %add3A_36 = arith.constant 128 : i32
    %add3A_37 = arith.addi %mul3A_7, %add3A_36 : i32
    "tpu.region"() ({
      %run_scoped3A = tpu.sem_alloc : memref<!tpu.dma_semaphore, #tpu.memory_space<semaphore_mem>>
      %dma_start3A = arith.constant 0 : i32
      %dma_start3A_52 = tpu.memref_slice %arg11[%add3A_37, %dma_start3A] : memref<10240x128xf32, #tpu.memory_space<vmem_shared>> -> memref<128x128xf32, #tpu.memory_space<vmem_shared>>
      %dma_start3A_53 = arith.constant 0 : i32
      %dma_start3A_54 = tpu.memref_slice %arg11[%add3A_37, %dma_start3A_53] : memref<10240x128xf32, #tpu.memory_space<vmem_shared>> -> memref<128x128xf32, #tpu.memory_space<vmem_shared>>
      tpu.enqueue_dma source(%dma_start3A_54 : memref<128x128xf32, #tpu.memory_space<vmem_shared>>) target(%arg10 : memref<128x128xf32, #tpu.memory_space<vmem>>) target_semaphore(%run_scoped3A : memref<!tpu.dma_semaphore, #tpu.memory_space<semaphore_mem>>)
      %dma_wait3A = arith.constant 0 : i32
      %dma_wait3A_55 = tpu.memref_slice %arg11[%add3A_37, %dma_wait3A] : memref<10240x128xf32, #tpu.memory_space<vmem_shared>> -> memref<128x128xf32, #tpu.memory_space<vmem_shared>>
      %dma_wait3A_56 = arith.constant 0 : i32
      %dma_wait3A_57 = tpu.memref_slice %arg11[%add3A_37, %dma_wait3A_56] : memref<10240x128xf32, #tpu.memory_space<vmem_shared>> -> memref<128x128xf32, #tpu.memory_space<vmem_shared>>
      tpu.wait_dma2 semaphore(%run_scoped3A : memref<!tpu.dma_semaphore, #tpu.memory_space<semaphore_mem>>) src(%dma_wait3A_57 : memref<128x128xf32, #tpu.memory_space<vmem_shared>>) dst(%arg10 : memref<128x128xf32, #tpu.memory_space<vmem>>)
      tpu.yield
    }) : () -> ()
    %add3A_38 = arith.constant 128 : i32
    %add3A_39 = arith.addi %add3A_31, %add3A_38 : i32
    "tpu.region"() ({
      %run_scoped3A = tpu.sem_alloc : memref<!tpu.dma_semaphore, #tpu.memory_space<semaphore_mem>>
      %dma_start3A = arith.constant 0 : i32
      %dma_start3A_52 = tpu.memref_slice %arg5[%add3A_39, %dma_start3A] : memref<20480x128xf32, #tpu.memory_space<hbm>> -> memref<128x128xf32, #tpu.memory_space<hbm>>
      %dma_start3A_53 = arith.constant 0 : i32
      %dma_start3A_54 = tpu.memref_slice %arg5[%add3A_39, %dma_start3A_53] : memref<20480x128xf32, #tpu.memory_space<hbm>> -> memref<128x128xf32, #tpu.memory_space<hbm>>
      tpu.enqueue_dma source(%arg10 : memref<128x128xf32, #tpu.memory_space<vmem>>) target(%dma_start3A_54 : memref<128x128xf32, #tpu.memory_space<hbm>>) target_semaphore(%run_scoped3A : memref<!tpu.dma_semaphore, #tpu.memory_space<semaphore_mem>>)
      %dma_wait3A = arith.constant 0 : i32
      %dma_wait3A_55 = tpu.memref_slice %arg5[%add3A_39, %dma_wait3A] : memref<20480x128xf32, #tpu.memory_space<hbm>> -> memref<128x128xf32, #tpu.memory_space<hbm>>
      %dma_wait3A_56 = arith.constant 0 : i32
      %dma_wait3A_57 = tpu.memref_slice %arg5[%add3A_39, %dma_wait3A_56] : memref<20480x128xf32, #tpu.memory_space<hbm>> -> memref<128x128xf32, #tpu.memory_space<hbm>>
      tpu.wait_dma2 semaphore(%run_scoped3A : memref<!tpu.dma_semaphore, #tpu.memory_space<semaphore_mem>>) src(%arg10 : memref<128x128xf32, #tpu.memory_space<vmem>>) dst(%dma_wait3A_57 : memref<128x128xf32, #tpu.memory_space<hbm>>)
      tpu.yield
    }) : () -> ()
    %add3A_40 = arith.constant 256 : i32
    %add3A_41 = arith.addi %mul3A_7, %add3A_40 : i32
    "tpu.region"() ({
      %run_scoped3A = tpu.sem_alloc : memref<!tpu.dma_semaphore, #tpu.memory_space<semaphore_mem>>
      %dma_start3A = arith.constant 0 : i32
      %dma_start3A_52 = tpu.memref_slice %arg11[%add3A_41, %dma_start3A] : memref<10240x128xf32, #tpu.memory_space<vmem_shared>> -> memref<128x128xf32, #tpu.memory_space<vmem_shared>>
      %dma_start3A_53 = arith.constant 0 : i32
      %dma_start3A_54 = tpu.memref_slice %arg11[%add3A_41, %dma_start3A_53] : memref<10240x128xf32, #tpu.memory_space<vmem_shared>> -> memref<128x128xf32, #tpu.memory_space<vmem_shared>>
      tpu.enqueue_dma source(%dma_start3A_54 : memref<128x128xf32, #tpu.memory_space<vmem_shared>>) target(%arg10 : memref<128x128xf32, #tpu.memory_space<vmem>>) target_semaphore(%run_scoped3A : memref<!tpu.dma_semaphore, #tpu.memory_space<semaphore_mem>>)
      %dma_wait3A = arith.constant 0 : i32
      %dma_wait3A_55 = tpu.memref_slice %arg11[%add3A_41, %dma_wait3A] : memref<10240x128xf32, #tpu.memory_space<vmem_shared>> -> memref<128x128xf32, #tpu.memory_space<vmem_shared>>
      %dma_wait3A_56 = arith.constant 0 : i32
      %dma_wait3A_57 = tpu.memref_slice %arg11[%add3A_41, %dma_wait3A_56] : memref<10240x128xf32, #tpu.memory_space<vmem_shared>> -> memref<128x128xf32, #tpu.memory_space<vmem_shared>>
      tpu.wait_dma2 semaphore(%run_scoped3A : memref<!tpu.dma_semaphore, #tpu.memory_space<semaphore_mem>>) src(%dma_wait3A_57 : memref<128x128xf32, #tpu.memory_space<vmem_shared>>) dst(%arg10 : memref<128x128xf32, #tpu.memory_space<vmem>>)
      tpu.yield
    }) : () -> ()
    %add3A_42 = arith.constant 256 : i32
    %add3A_43 = arith.addi %add3A_31, %add3A_42 : i32
    "tpu.region"() ({
      %run_scoped3A = tpu.sem_alloc : memref<!tpu.dma_semaphore, #tpu.memory_space<semaphore_mem>>
      %dma_start3A = arith.constant 0 : i32
      %dma_start3A_52 = tpu.memref_slice %arg5[%add3A_43, %dma_start3A] : memref<20480x128xf32, #tpu.memory_space<hbm>> -> memref<128x128xf32, #tpu.memory_space<hbm>>
      %dma_start3A_53 = arith.constant 0 : i32
      %dma_start3A_54 = tpu.memref_slice %arg5[%add3A_43, %dma_start3A_53] : memref<20480x128xf32, #tpu.memory_space<hbm>> -> memref<128x128xf32, #tpu.memory_space<hbm>>
      tpu.enqueue_dma source(%arg10 : memref<128x128xf32, #tpu.memory_space<vmem>>) target(%dma_start3A_54 : memref<128x128xf32, #tpu.memory_space<hbm>>) target_semaphore(%run_scoped3A : memref<!tpu.dma_semaphore, #tpu.memory_space<semaphore_mem>>)
      %dma_wait3A = arith.constant 0 : i32
      %dma_wait3A_55 = tpu.memref_slice %arg5[%add3A_43, %dma_wait3A] : memref<20480x128xf32, #tpu.memory_space<hbm>> -> memref<128x128xf32, #tpu.memory_space<hbm>>
      %dma_wait3A_56 = arith.constant 0 : i32
      %dma_wait3A_57 = tpu.memref_slice %arg5[%add3A_43, %dma_wait3A_56] : memref<20480x128xf32, #tpu.memory_space<hbm>> -> memref<128x128xf32, #tpu.memory_space<hbm>>
      tpu.wait_dma2 semaphore(%run_scoped3A : memref<!tpu.dma_semaphore, #tpu.memory_space<semaphore_mem>>) src(%arg10 : memref<128x128xf32, #tpu.memory_space<vmem>>) dst(%dma_wait3A_57 : memref<128x128xf32, #tpu.memory_space<hbm>>)
      tpu.yield
    }) : () -> ()
    %add3A_44 = arith.constant 384 : i32
    %add3A_45 = arith.addi %mul3A_7, %add3A_44 : i32
    "tpu.region"() ({
      %run_scoped3A = tpu.sem_alloc : memref<!tpu.dma_semaphore, #tpu.memory_space<semaphore_mem>>
      %dma_start3A = arith.constant 0 : i32
      %dma_start3A_52 = tpu.memref_slice %arg11[%add3A_45, %dma_start3A] : memref<10240x128xf32, #tpu.memory_space<vmem_shared>> -> memref<128x128xf32, #tpu.memory_space<vmem_shared>>
      %dma_start3A_53 = arith.constant 0 : i32
      %dma_start3A_54 = tpu.memref_slice %arg11[%add3A_45, %dma_start3A_53] : memref<10240x128xf32, #tpu.memory_space<vmem_shared>> -> memref<128x128xf32, #tpu.memory_space<vmem_shared>>
      tpu.enqueue_dma source(%dma_start3A_54 : memref<128x128xf32, #tpu.memory_space<vmem_shared>>) target(%arg10 : memref<128x128xf32, #tpu.memory_space<vmem>>) target_semaphore(%run_scoped3A : memref<!tpu.dma_semaphore, #tpu.memory_space<semaphore_mem>>)
      %dma_wait3A = arith.constant 0 : i32
      %dma_wait3A_55 = tpu.memref_slice %arg11[%add3A_45, %dma_wait3A] : memref<10240x128xf32, #tpu.memory_space<vmem_shared>> -> memref<128x128xf32, #tpu.memory_space<vmem_shared>>
      %dma_wait3A_56 = arith.constant 0 : i32
      %dma_wait3A_57 = tpu.memref_slice %arg11[%add3A_45, %dma_wait3A_56] : memref<10240x128xf32, #tpu.memory_space<vmem_shared>> -> memref<128x128xf32, #tpu.memory_space<vmem_shared>>
      tpu.wait_dma2 semaphore(%run_scoped3A : memref<!tpu.dma_semaphore, #tpu.memory_space<semaphore_mem>>) src(%dma_wait3A_57 : memref<128x128xf32, #tpu.memory_space<vmem_shared>>) dst(%arg10 : memref<128x128xf32, #tpu.memory_space<vmem>>)
      tpu.yield
    }) : () -> ()
    %add3A_46 = arith.constant 384 : i32
    %add3A_47 = arith.addi %add3A_31, %add3A_46 : i32
    "tpu.region"() ({
      %run_scoped3A = tpu.sem_alloc : memref<!tpu.dma_semaphore, #tpu.memory_space<semaphore_mem>>
      %dma_start3A = arith.constant 0 : i32
      %dma_start3A_52 = tpu.memref_slice %arg5[%add3A_47, %dma_start3A] : memref<20480x128xf32, #tpu.memory_space<hbm>> -> memref<128x128xf32, #tpu.memory_space<hbm>>
      %dma_start3A_53 = arith.constant 0 : i32
      %dma_start3A_54 = tpu.memref_slice %arg5[%add3A_47, %dma_start3A_53] : memref<20480x128xf32, #tpu.memory_space<hbm>> -> memref<128x128xf32, #tpu.memory_space<hbm>>
      tpu.enqueue_dma source(%arg10 : memref<128x128xf32, #tpu.memory_space<vmem>>) target(%dma_start3A_54 : memref<128x128xf32, #tpu.memory_space<hbm>>) target_semaphore(%run_scoped3A : memref<!tpu.dma_semaphore, #tpu.memory_space<semaphore_mem>>)
      %dma_wait3A = arith.constant 0 : i32
      %dma_wait3A_55 = tpu.memref_slice %arg5[%add3A_47, %dma_wait3A] : memref<20480x128xf32, #tpu.memory_space<hbm>> -> memref<128x128xf32, #tpu.memory_space<hbm>>
      %dma_wait3A_56 = arith.constant 0 : i32
      %dma_wait3A_57 = tpu.memref_slice %arg5[%add3A_47, %dma_wait3A_56] : memref<20480x128xf32, #tpu.memory_space<hbm>> -> memref<128x128xf32, #tpu.memory_space<hbm>>
      tpu.wait_dma2 semaphore(%run_scoped3A : memref<!tpu.dma_semaphore, #tpu.memory_space<semaphore_mem>>) src(%arg10 : memref<128x128xf32, #tpu.memory_space<vmem>>) dst(%dma_wait3A_57 : memref<128x128xf32, #tpu.memory_space<hbm>>)
      tpu.yield
    }) : () -> ()
    %add3A_48 = arith.constant 512 : i32
    %add3A_49 = arith.addi %mul3A_7, %add3A_48 : i32
    "tpu.region"() ({
      %run_scoped3A = tpu.sem_alloc : memref<!tpu.dma_semaphore, #tpu.memory_space<semaphore_mem>>
      %dma_start3A = arith.constant 0 : i32
      %dma_start3A_52 = tpu.memref_slice %arg11[%add3A_49, %dma_start3A] : memref<10240x128xf32, #tpu.memory_space<vmem_shared>> -> memref<128x128xf32, #tpu.memory_space<vmem_shared>>
      %dma_start3A_53 = arith.constant 0 : i32
      %dma_start3A_54 = tpu.memref_slice %arg11[%add3A_49, %dma_start3A_53] : memref<10240x128xf32, #tpu.memory_space<vmem_shared>> -> memref<128x128xf32, #tpu.memory_space<vmem_shared>>
      tpu.enqueue_dma source(%dma_start3A_54 : memref<128x128xf32, #tpu.memory_space<vmem_shared>>) target(%arg10 : memref<128x128xf32, #tpu.memory_space<vmem>>) target_semaphore(%run_scoped3A : memref<!tpu.dma_semaphore, #tpu.memory_space<semaphore_mem>>)
      %dma_wait3A = arith.constant 0 : i32
      %dma_wait3A_55 = tpu.memref_slice %arg11[%add3A_49, %dma_wait3A] : memref<10240x128xf32, #tpu.memory_space<vmem_shared>> -> memref<128x128xf32, #tpu.memory_space<vmem_shared>>
      %dma_wait3A_56 = arith.constant 0 : i32
      %dma_wait3A_57 = tpu.memref_slice %arg11[%add3A_49, %dma_wait3A_56] : memref<10240x128xf32, #tpu.memory_space<vmem_shared>> -> memref<128x128xf32, #tpu.memory_space<vmem_shared>>
      tpu.wait_dma2 semaphore(%run_scoped3A : memref<!tpu.dma_semaphore, #tpu.memory_space<semaphore_mem>>) src(%dma_wait3A_57 : memref<128x128xf32, #tpu.memory_space<vmem_shared>>) dst(%arg10 : memref<128x128xf32, #tpu.memory_space<vmem>>)
      tpu.yield
    }) : () -> ()
    %add3A_50 = arith.constant 512 : i32
    %add3A_51 = arith.addi %add3A_31, %add3A_50 : i32
    "tpu.region"() ({
      %run_scoped3A = tpu.sem_alloc : memref<!tpu.dma_semaphore, #tpu.memory_space<semaphore_mem>>
      %dma_start3A = arith.constant 0 : i32
      %dma_start3A_52 = tpu.memref_slice %arg5[%add3A_51, %dma_start3A] : memref<20480x128xf32, #tpu.memory_space<hbm>> -> memref<128x128xf32, #tpu.memory_space<hbm>>
      %dma_start3A_53 = arith.constant 0 : i32
      %dma_start3A_54 = tpu.memref_slice %arg5[%add3A_51, %dma_start3A_53] : memref<20480x128xf32, #tpu.memory_space<hbm>> -> memref<128x128xf32, #tpu.memory_space<hbm>>
      tpu.enqueue_dma source(%arg10 : memref<128x128xf32, #tpu.memory_space<vmem>>) target(%dma_start3A_54 : memref<128x128xf32, #tpu.memory_space<hbm>>) target_semaphore(%run_scoped3A : memref<!tpu.dma_semaphore, #tpu.memory_space<semaphore_mem>>)
      %dma_wait3A = arith.constant 0 : i32
      %dma_wait3A_55 = tpu.memref_slice %arg5[%add3A_51, %dma_wait3A] : memref<20480x128xf32, #tpu.memory_space<hbm>> -> memref<128x128xf32, #tpu.memory_space<hbm>>
      %dma_wait3A_56 = arith.constant 0 : i32
      %dma_wait3A_57 = tpu.memref_slice %arg5[%add3A_51, %dma_wait3A_56] : memref<20480x128xf32, #tpu.memory_space<hbm>> -> memref<128x128xf32, #tpu.memory_space<hbm>>
      tpu.wait_dma2 semaphore(%run_scoped3A : memref<!tpu.dma_semaphore, #tpu.memory_space<semaphore_mem>>) src(%arg10 : memref<128x128xf32, #tpu.memory_space<vmem>>) dst(%dma_wait3A_57 : memref<128x128xf32, #tpu.memory_space<hbm>>)
      tpu.yield
    }) : () -> ()
    return
  }
}

#map = affine_map<(d0, d1) -> (0, 0)>
#map1 = affine_map<(d0, d1) -> (0)>
module attributes {stable_mosaic.version = 14 : i64} {
  func.func @agg(%arg0: i32, %arg1: i32, %arg2: memref<20480x128xf32, #tpu.memory_space<hbm>>, %arg3: memref<327680xi32, #tpu.memory_space<hbm>>, %arg4: memref<327680xi32, #tpu.memory_space<hbm>>, %arg5: memref<20480x128xf32, #tpu.memory_space<hbm>>, %arg6: memref<4096xi32, #tpu.memory_space<vmem>>, %arg7: memref<4096xi32, #tpu.memory_space<vmem>>, %arg8: memref<128xi32, #tpu.memory_space<vmem>>, %arg9: memref<128xi32, #tpu.memory_space<vmem>>, %arg10: memref<128x128xf32, #tpu.memory_space<vmem>>, %arg11: memref<10240x128xf32, #tpu.memory_space<vmem_shared>>) attributes {dimension_semantics = [#tpu.dimension_semantics<core_parallel>, #tpu.dimension_semantics<subcore_parallel>], iteration_bounds = array<i64: 2, 16>, scalar_prefetch = 0 : i64, scratch_operands = 6 : i64, tpu.core_type = #tpu.core_type<sc_vector_subcore>, window_params = [{transform_indices = #map}, {transform_indices = #map1}, {transform_indices = #map1}, {transform_indices = #map}]} {
    %broadcast_in_dim3A = arith.constant 0.000000e+00 : f32
    %broadcast_in_dim3A_0 = vector.broadcast %broadcast_in_dim3A : f32 to vector<16xf32>
    %scan3A = arith.constant 0 : i32
    %scan3A_1 = arith.constant 0 : i32
    %scan3A_2 = arith.constant 128 : i32
    %scan3A_3 = arith.addi %scan3A_1, %scan3A_2 : i32
    %scan3A_4 = arith.constant 1 : i32
    %scan3A_5 = scf.for %scan3A_52 = %scan3A_1 to %scan3A_3 step %scan3A_4 iter_args(%scan3A_53 = %scan3A) -> (i32)  : i32 {
      %swap3A = arith.index_cast %scan3A_52 : i32 to index
      %swap3A_54 = arith.constant 0 : index
      %swap3A_55 = tpu.vector_load %arg10[%swap3A, %swap3A_54] {strides = array<i32>} : memref<128x128xf32, #tpu.memory_space<vmem>>, vector<1x16xf32>,
      %swap3A_56 = vector.shape_cast %swap3A_55 : vector<1x16xf32> to vector<16xf32>
      %swap3A_57 = vector.shape_cast %broadcast_in_dim3A_0 : vector<16xf32> to vector<1x16xf32>
      tpu.vector_store %arg10[%swap3A, %swap3A_54], %swap3A_57 {strides = array<i32>} : memref<128x128xf32, #tpu.memory_space<vmem>>, vector<1x16xf32>,
      %swap3A_58 = arith.index_cast %scan3A_52 : i32 to index
      %swap3A_59 = arith.constant 16 : index
      %swap3A_60 = tpu.vector_load %arg10[%swap3A_58, %swap3A_59] {strides = array<i32>} : memref<128x128xf32, #tpu.memory_space<vmem>>, vector<1x16xf32>,
      %swap3A_61 = vector.shape_cast %swap3A_60 : vector<1x16xf32> to vector<16xf32>
      %swap3A_62 = vector.shape_cast %broadcast_in_dim3A_0 : vector<16xf32> to vector<1x16xf32>
      tpu.vector_store %arg10[%swap3A_58, %swap3A_59], %swap3A_62 {strides = array<i32>} : memref<128x128xf32, #tpu.memory_space<vmem>>, vector<1x16xf32>,
      %swap3A_63 = arith.index_cast %scan3A_52 : i32 to index
      %swap3A_64 = arith.constant 32 : index
      %swap3A_65 = tpu.vector_load %arg10[%swap3A_63, %swap3A_64] {strides = array<i32>} : memref<128x128xf32, #tpu.memory_space<vmem>>, vector<1x16xf32>,
      %swap3A_66 = vector.shape_cast %swap3A_65 : vector<1x16xf32> to vector<16xf32>
      %swap3A_67 = vector.shape_cast %broadcast_in_dim3A_0 : vector<16xf32> to vector<1x16xf32>
      tpu.vector_store %arg10[%swap3A_63, %swap3A_64], %swap3A_67 {strides = array<i32>} : memref<128x128xf32, #tpu.memory_space<vmem>>, vector<1x16xf32>,
      %swap3A_68 = arith.index_cast %scan3A_52 : i32 to index
      %swap3A_69 = arith.constant 48 : index
      %swap3A_70 = tpu.vector_load %arg10[%swap3A_68, %swap3A_69] {strides = array<i32>} : memref<128x128xf32, #tpu.memory_space<vmem>>, vector<1x16xf32>,
      %swap3A_71 = vector.shape_cast %swap3A_70 : vector<1x16xf32> to vector<16xf32>
      %swap3A_72 = vector.shape_cast %broadcast_in_dim3A_0 : vector<16xf32> to vector<1x16xf32>
      tpu.vector_store %arg10[%swap3A_68, %swap3A_69], %swap3A_72 {strides = array<i32>} : memref<128x128xf32, #tpu.memory_space<vmem>>, vector<1x16xf32>,
      %swap3A_73 = arith.index_cast %scan3A_52 : i32 to index
      %swap3A_74 = arith.constant 64 : index
      %swap3A_75 = tpu.vector_load %arg10[%swap3A_73, %swap3A_74] {strides = array<i32>} : memref<128x128xf32, #tpu.memory_space<vmem>>, vector<1x16xf32>,
      %swap3A_76 = vector.shape_cast %swap3A_75 : vector<1x16xf32> to vector<16xf32>
      %swap3A_77 = vector.shape_cast %broadcast_in_dim3A_0 : vector<16xf32> to vector<1x16xf32>
      tpu.vector_store %arg10[%swap3A_73, %swap3A_74], %swap3A_77 {strides = array<i32>} : memref<128x128xf32, #tpu.memory_space<vmem>>, vector<1x16xf32>,
      %swap3A_78 = arith.index_cast %scan3A_52 : i32 to index
      %swap3A_79 = arith.constant 80 : index
      %swap3A_80 = tpu.vector_load %arg10[%swap3A_78, %swap3A_79] {strides = array<i32>} : memref<128x128xf32, #tpu.memory_space<vmem>>, vector<1x16xf32>,
      %swap3A_81 = vector.shape_cast %swap3A_80 : vector<1x16xf32> to vector<16xf32>
      %swap3A_82 = vector.shape_cast %broadcast_in_dim3A_0 : vector<16xf32> to vector<1x16xf32>
      tpu.vector_store %arg10[%swap3A_78, %swap3A_79], %swap3A_82 {strides = array<i32>} : memref<128x128xf32, #tpu.memory_space<vmem>>, vector<1x16xf32>,
      %swap3A_83 = arith.index_cast %scan3A_52 : i32 to index
      %swap3A_84 = arith.constant 96 : index
      %swap3A_85 = tpu.vector_load %arg10[%swap3A_83, %swap3A_84] {strides = array<i32>} : memref<128x128xf32, #tpu.memory_space<vmem>>, vector<1x16xf32>,
      %swap3A_86 = vector.shape_cast %swap3A_85 : vector<1x16xf32> to vector<16xf32>
      %swap3A_87 = vector.shape_cast %broadcast_in_dim3A_0 : vector<16xf32> to vector<1x16xf32>
      tpu.vector_store %arg10[%swap3A_83, %swap3A_84], %swap3A_87 {strides = array<i32>} : memref<128x128xf32, #tpu.memory_space<vmem>>, vector<1x16xf32>,
      %swap3A_88 = arith.index_cast %scan3A_52 : i32 to index
      %swap3A_89 = arith.constant 112 : index
      %swap3A_90 = tpu.vector_load %arg10[%swap3A_88, %swap3A_89] {strides = array<i32>} : memref<128x128xf32, #tpu.memory_space<vmem>>, vector<1x16xf32>,
      %swap3A_91 = vector.shape_cast %swap3A_90 : vector<1x16xf32> to vector<16xf32>
      %swap3A_92 = vector.shape_cast %broadcast_in_dim3A_0 : vector<16xf32> to vector<1x16xf32>
      tpu.vector_store %arg10[%swap3A_88, %swap3A_89], %swap3A_92 {strides = array<i32>} : memref<128x128xf32, #tpu.memory_space<vmem>>, vector<1x16xf32>,
      %scan3A_93 = arith.constant 0 : i32
      scf.yield %scan3A_93 : i32
    }
    %scan3A_6 = arith.constant 128 : i32
    %mul3A = arith.constant 640 : i32
    %mul3A_7 = arith.muli %arg1, %mul3A : i32
    %add3A = arith.constant 0 : i32
    %add3A_8 = arith.addi %mul3A_7, %add3A : i32
    "tpu.region"() ({
      %run_scoped3A = tpu.sem_alloc : memref<!tpu.dma_semaphore, #tpu.memory_space<semaphore_mem>>
      %dma_start3A = arith.constant 0 : i32
      %dma_start3A_52 = tpu.memref_slice %arg11[%add3A_8, %dma_start3A] : memref<10240x128xf32, #tpu.memory_space<vmem_shared>> -> memref<128x128xf32, #tpu.memory_space<vmem_shared>>
      %dma_start3A_53 = arith.constant 0 : i32
      %dma_start3A_54 = tpu.memref_slice %arg11[%add3A_8, %dma_start3A_53] : memref<10240x128xf32, #tpu.memory_space<vmem_shared>> -> memref<128x128xf32, #tpu.memory_space<vmem_shared>>
      tpu.enqueue_dma source(%arg10 : memref<128x128xf32, #tpu.memory_space<vmem>>) target(%dma_start3A_54 : memref<128x128xf32, #tpu.memory_space<vmem_shared>>) target_semaphore(%run_scoped3A : memref<!tpu.dma_semaphore, #tpu.memory_space<semaphore_mem>>)
      %dma_wait3A = arith.constant 0 : i32
      %dma_wait3A_55 = tpu.memref_slice %arg11[%add3A_8, %dma_wait3A] : memref<10240x128xf32, #tpu.memory_space<vmem_shared>> -> memref<128x128xf32, #tpu.memory_space<vmem_shared>>
      %dma_wait3A_56 = arith.constant 0 : i32
      %dma_wait3A_57 = tpu.memref_slice %arg11[%add3A_8, %dma_wait3A_56] : memref<10240x128xf32, #tpu.memory_space<vmem_shared>> -> memref<128x128xf32, #tpu.memory_space<vmem_shared>>
      tpu.wait_dma2 semaphore(%run_scoped3A : memref<!tpu.dma_semaphore, #tpu.memory_space<semaphore_mem>>) src(%arg10 : memref<128x128xf32, #tpu.memory_space<vmem>>) dst(%dma_wait3A_57 : memref<128x128xf32, #tpu.memory_space<vmem_shared>>)
      tpu.yield
    }) : () -> ()
    %add3A_9 = arith.constant 128 : i32
    %add3A_10 = arith.addi %mul3A_7, %add3A_9 : i32
    "tpu.region"() ({
      %run_scoped3A = tpu.sem_alloc : memref<!tpu.dma_semaphore, #tpu.memory_space<semaphore_mem>>
      %dma_start3A = arith.constant 0 : i32
      %dma_start3A_52 = tpu.memref_slice %arg11[%add3A_10, %dma_start3A] : memref<10240x128xf32, #tpu.memory_space<vmem_shared>> -> memref<128x128xf32, #tpu.memory_space<vmem_shared>>
      %dma_start3A_53 = arith.constant 0 : i32
      %dma_start3A_54 = tpu.memref_slice %arg11[%add3A_10, %dma_start3A_53] : memref<10240x128xf32, #tpu.memory_space<vmem_shared>> -> memref<128x128xf32, #tpu.memory_space<vmem_shared>>
      tpu.enqueue_dma source(%arg10 : memref<128x128xf32, #tpu.memory_space<vmem>>) target(%dma_start3A_54 : memref<128x128xf32, #tpu.memory_space<vmem_shared>>) target_semaphore(%run_scoped3A : memref<!tpu.dma_semaphore, #tpu.memory_space<semaphore_mem>>)
      %dma_wait3A = arith.constant 0 : i32
      %dma_wait3A_55 = tpu.memref_slice %arg11[%add3A_10, %dma_wait3A] : memref<10240x128xf32, #tpu.memory_space<vmem_shared>> -> memref<128x128xf32, #tpu.memory_space<vmem_shared>>
      %dma_wait3A_56 = arith.constant 0 : i32
      %dma_wait3A_57 = tpu.memref_slice %arg11[%add3A_10, %dma_wait3A_56] : memref<10240x128xf32, #tpu.memory_space<vmem_shared>> -> memref<128x128xf32, #tpu.memory_space<vmem_shared>>
      tpu.wait_dma2 semaphore(%run_scoped3A : memref<!tpu.dma_semaphore, #tpu.memory_space<semaphore_mem>>) src(%arg10 : memref<128x128xf32, #tpu.memory_space<vmem>>) dst(%dma_wait3A_57 : memref<128x128xf32, #tpu.memory_space<vmem_shared>>)
      tpu.yield
    }) : () -> ()
    %add3A_11 = arith.constant 256 : i32
    %add3A_12 = arith.addi %mul3A_7, %add3A_11 : i32
    "tpu.region"() ({
      %run_scoped3A = tpu.sem_alloc : memref<!tpu.dma_semaphore, #tpu.memory_space<semaphore_mem>>
      %dma_start3A = arith.constant 0 : i32
      %dma_start3A_52 = tpu.memref_slice %arg11[%add3A_12, %dma_start3A] : memref<10240x128xf32, #tpu.memory_space<vmem_shared>> -> memref<128x128xf32, #tpu.memory_space<vmem_shared>>
      %dma_start3A_53 = arith.constant 0 : i32
      %dma_start3A_54 = tpu.memref_slice %arg11[%add3A_12, %dma_start3A_53] : memref<10240x128xf32, #tpu.memory_space<vmem_shared>> -> memref<128x128xf32, #tpu.memory_space<vmem_shared>>
      tpu.enqueue_dma source(%arg10 : memref<128x128xf32, #tpu.memory_space<vmem>>) target(%dma_start3A_54 : memref<128x128xf32, #tpu.memory_space<vmem_shared>>) target_semaphore(%run_scoped3A : memref<!tpu.dma_semaphore, #tpu.memory_space<semaphore_mem>>)
      %dma_wait3A = arith.constant 0 : i32
      %dma_wait3A_55 = tpu.memref_slice %arg11[%add3A_12, %dma_wait3A] : memref<10240x128xf32, #tpu.memory_space<vmem_shared>> -> memref<128x128xf32, #tpu.memory_space<vmem_shared>>
      %dma_wait3A_56 = arith.constant 0 : i32
      %dma_wait3A_57 = tpu.memref_slice %arg11[%add3A_12, %dma_wait3A_56] : memref<10240x128xf32, #tpu.memory_space<vmem_shared>> -> memref<128x128xf32, #tpu.memory_space<vmem_shared>>
      tpu.wait_dma2 semaphore(%run_scoped3A : memref<!tpu.dma_semaphore, #tpu.memory_space<semaphore_mem>>) src(%arg10 : memref<128x128xf32, #tpu.memory_space<vmem>>) dst(%dma_wait3A_57 : memref<128x128xf32, #tpu.memory_space<vmem_shared>>)
      tpu.yield
    }) : () -> ()
    %add3A_13 = arith.constant 384 : i32
    %add3A_14 = arith.addi %mul3A_7, %add3A_13 : i32
    "tpu.region"() ({
      %run_scoped3A = tpu.sem_alloc : memref<!tpu.dma_semaphore, #tpu.memory_space<semaphore_mem>>
      %dma_start3A = arith.constant 0 : i32
      %dma_start3A_52 = tpu.memref_slice %arg11[%add3A_14, %dma_start3A] : memref<10240x128xf32, #tpu.memory_space<vmem_shared>> -> memref<128x128xf32, #tpu.memory_space<vmem_shared>>
      %dma_start3A_53 = arith.constant 0 : i32
      %dma_start3A_54 = tpu.memref_slice %arg11[%add3A_14, %dma_start3A_53] : memref<10240x128xf32, #tpu.memory_space<vmem_shared>> -> memref<128x128xf32, #tpu.memory_space<vmem_shared>>
      tpu.enqueue_dma source(%arg10 : memref<128x128xf32, #tpu.memory_space<vmem>>) target(%dma_start3A_54 : memref<128x128xf32, #tpu.memory_space<vmem_shared>>) target_semaphore(%run_scoped3A : memref<!tpu.dma_semaphore, #tpu.memory_space<semaphore_mem>>)
      %dma_wait3A = arith.constant 0 : i32
      %dma_wait3A_55 = tpu.memref_slice %arg11[%add3A_14, %dma_wait3A] : memref<10240x128xf32, #tpu.memory_space<vmem_shared>> -> memref<128x128xf32, #tpu.memory_space<vmem_shared>>
      %dma_wait3A_56 = arith.constant 0 : i32
      %dma_wait3A_57 = tpu.memref_slice %arg11[%add3A_14, %dma_wait3A_56] : memref<10240x128xf32, #tpu.memory_space<vmem_shared>> -> memref<128x128xf32, #tpu.memory_space<vmem_shared>>
      tpu.wait_dma2 semaphore(%run_scoped3A : memref<!tpu.dma_semaphore, #tpu.memory_space<semaphore_mem>>) src(%arg10 : memref<128x128xf32, #tpu.memory_space<vmem>>) dst(%dma_wait3A_57 : memref<128x128xf32, #tpu.memory_space<vmem_shared>>)
      tpu.yield
    }) : () -> ()
    %add3A_15 = arith.constant 512 : i32
    %add3A_16 = arith.addi %mul3A_7, %add3A_15 : i32
    "tpu.region"() ({
      %run_scoped3A = tpu.sem_alloc : memref<!tpu.dma_semaphore, #tpu.memory_space<semaphore_mem>>
      %dma_start3A = arith.constant 0 : i32
      %dma_start3A_52 = tpu.memref_slice %arg11[%add3A_16, %dma_start3A] : memref<10240x128xf32, #tpu.memory_space<vmem_shared>> -> memref<128x128xf32, #tpu.memory_space<vmem_shared>>
      %dma_start3A_53 = arith.constant 0 : i32
      %dma_start3A_54 = tpu.memref_slice %arg11[%add3A_16, %dma_start3A_53] : memref<10240x128xf32, #tpu.memory_space<vmem_shared>> -> memref<128x128xf32, #tpu.memory_space<vmem_shared>>
      tpu.enqueue_dma source(%arg10 : memref<128x128xf32, #tpu.memory_space<vmem>>) target(%dma_start3A_54 : memref<128x128xf32, #tpu.memory_space<vmem_shared>>) target_semaphore(%run_scoped3A : memref<!tpu.dma_semaphore, #tpu.memory_space<semaphore_mem>>)
      %dma_wait3A = arith.constant 0 : i32
      %dma_wait3A_55 = tpu.memref_slice %arg11[%add3A_16, %dma_wait3A] : memref<10240x128xf32, #tpu.memory_space<vmem_shared>> -> memref<128x128xf32, #tpu.memory_space<vmem_shared>>
      %dma_wait3A_56 = arith.constant 0 : i32
      %dma_wait3A_57 = tpu.memref_slice %arg11[%add3A_16, %dma_wait3A_56] : memref<10240x128xf32, #tpu.memory_space<vmem_shared>> -> memref<128x128xf32, #tpu.memory_space<vmem_shared>>
      tpu.wait_dma2 semaphore(%run_scoped3A : memref<!tpu.dma_semaphore, #tpu.memory_space<semaphore_mem>>) src(%arg10 : memref<128x128xf32, #tpu.memory_space<vmem>>) dst(%dma_wait3A_57 : memref<128x128xf32, #tpu.memory_space<vmem_shared>>)
      tpu.yield
    }) : () -> ()
    %barrier3A = arith.constant 0 : index
    tpu.barrier barrier_id(%barrier3A)
    %mul3A_17 = arith.constant 20480 : i32
    %mul3A_18 = arith.muli %arg1, %mul3A_17 : i32
    %mul3A_19 = arith.constant 10240 : i32
    %mul3A_20 = arith.muli %arg0, %mul3A_19 : i32
    %scan3A_21 = arith.constant 0 : i32
    %scan3A_22 = arith.constant 0 : i32
    %scan3A_23 = arith.constant 5 : i32
    %scan3A_24 = arith.addi %scan3A_22, %scan3A_23 : i32
    %scan3A_25 = arith.constant 1 : i32
    %scan3A_26 = scf.for %scan3A_52 = %scan3A_22 to %scan3A_24 step %scan3A_25 iter_args(%scan3A_53 = %scan3A_21) -> (i32)  : i32 {
      %mul3A_54 = arith.constant 4096 : i32
      %mul3A_55 = arith.muli %scan3A_52, %mul3A_54 : i32
      %add3A_56 = arith.addi %mul3A_18, %mul3A_55 : i32
      "tpu.region"() ({
        %run_scoped3A = tpu.sem_alloc : memref<!tpu.dma_semaphore, #tpu.memory_space<semaphore_mem>>
        %dma_start3A = tpu.memref_slice %arg3[%add3A_56] : memref<327680xi32, #tpu.memory_space<hbm>> -> memref<4096xi32, #tpu.memory_space<hbm>>
        %dma_start3A_65 = tpu.memref_slice %arg3[%add3A_56] : memref<327680xi32, #tpu.memory_space<hbm>> -> memref<4096xi32, #tpu.memory_space<hbm>>
        tpu.enqueue_dma source(%dma_start3A_65 : memref<4096xi32, #tpu.memory_space<hbm>>) target(%arg6 : memref<4096xi32, #tpu.memory_space<vmem>>) target_semaphore(%run_scoped3A : memref<!tpu.dma_semaphore, #tpu.memory_space<semaphore_mem>>)
        %dma_wait3A = tpu.memref_slice %arg3[%add3A_56] : memref<327680xi32, #tpu.memory_space<hbm>> -> memref<4096xi32, #tpu.memory_space<hbm>>
        %dma_wait3A_66 = tpu.memref_slice %arg3[%add3A_56] : memref<327680xi32, #tpu.memory_space<hbm>> -> memref<4096xi32, #tpu.memory_space<hbm>>
        tpu.wait_dma2 semaphore(%run_scoped3A : memref<!tpu.dma_semaphore, #tpu.memory_space<semaphore_mem>>) src(%dma_wait3A_66 : memref<4096xi32, #tpu.memory_space<hbm>>) dst(%arg6 : memref<4096xi32, #tpu.memory_space<vmem>>)
        tpu.yield
      }) : () -> ()
      "tpu.region"() ({
        %run_scoped3A = tpu.sem_alloc : memref<!tpu.dma_semaphore, #tpu.memory_space<semaphore_mem>>
        %dma_start3A = tpu.memref_slice %arg4[%add3A_56] : memref<327680xi32, #tpu.memory_space<hbm>> -> memref<4096xi32, #tpu.memory_space<hbm>>
        %dma_start3A_65 = tpu.memref_slice %arg4[%add3A_56] : memref<327680xi32, #tpu.memory_space<hbm>> -> memref<4096xi32, #tpu.memory_space<hbm>>
        tpu.enqueue_dma source(%dma_start3A_65 : memref<4096xi32, #tpu.memory_space<hbm>>) target(%arg7 : memref<4096xi32, #tpu.memory_space<vmem>>) target_semaphore(%run_scoped3A : memref<!tpu.dma_semaphore, #tpu.memory_space<semaphore_mem>>)
        %dma_wait3A = tpu.memref_slice %arg4[%add3A_56] : memref<327680xi32, #tpu.memory_space<hbm>> -> memref<4096xi32, #tpu.memory_space<hbm>>
        %dma_wait3A_66 = tpu.memref_slice %arg4[%add3A_56] : memref<327680xi32, #tpu.memory_space<hbm>> -> memref<4096xi32, #tpu.memory_space<hbm>>
        tpu.wait_dma2 semaphore(%run_scoped3A : memref<!tpu.dma_semaphore, #tpu.memory_space<semaphore_mem>>) src(%dma_wait3A_66 : memref<4096xi32, #tpu.memory_space<hbm>>) dst(%arg7 : memref<4096xi32, #tpu.memory_space<vmem>>)
        tpu.yield
      }) : () -> ()
      %scan3A_57 = arith.constant 0 : i32
      %scan3A_58 = arith.constant 0 : i32
      %scan3A_59 = arith.constant 32 : i32
      %scan3A_60 = arith.addi %scan3A_58, %scan3A_59 : i32
      %scan3A_61 = arith.constant 1 : i32
      %scan3A_62 = scf.for %scan3A_65 = %scan3A_58 to %scan3A_60 step %scan3A_61 iter_args(%scan3A_66 = %scan3A_57) -> (i32)  : i32 {
        %mul3A_67 = arith.constant 128 : i32
        %mul3A_68 = arith.muli %scan3A_65, %mul3A_67 : i32
        %add3A_69 = arith.constant 0 : i32
        %add3A_70 = arith.addi %mul3A_68, %add3A_69 : i32
        %get3A = arith.index_cast %add3A_70 : i32 to index
        %get3A_71 = tpu.vector_load %arg6[%get3A] {strides = array<i32>} : memref<4096xi32, #tpu.memory_space<vmem>>, vector<16xi32>,
        %get3A_72 = vector.shape_cast %get3A_71 : vector<16xi32> to vector<16xi32>
        %add3A_73 = vector.broadcast %mul3A_20 : i32 to vector<16xi32>
        %add3A_74 = arith.addi %get3A_72, %add3A_73 : vector<16xi32>
        %swap3A = arith.constant 0 : index
        %swap3A_75 = tpu.vector_load %arg8[%swap3A] {strides = array<i32>} : memref<128xi32, #tpu.memory_space<vmem>>, vector<16xi32>,
        %swap3A_76 = vector.shape_cast %swap3A_75 : vector<16xi32> to vector<16xi32>
        %swap3A_77 = vector.shape_cast %add3A_74 : vector<16xi32> to vector<16xi32>
        tpu.vector_store %arg8[%swap3A], %swap3A_77 {strides = array<i32>} : memref<128xi32, #tpu.memory_space<vmem>>, vector<16xi32>,
        %add3A_78 = arith.constant 0 : i32
        %add3A_79 = arith.addi %mul3A_68, %add3A_78 : i32
        %get3A_80 = arith.index_cast %add3A_79 : i32 to index
        %get3A_81 = tpu.vector_load %arg7[%get3A_80] {strides = array<i32>} : memref<4096xi32, #tpu.memory_space<vmem>>, vector<16xi32>,
        %get3A_82 = vector.shape_cast %get3A_81 : vector<16xi32> to vector<16xi32>
        %swap3A_83 = arith.constant 0 : index
        %swap3A_84 = tpu.vector_load %arg9[%swap3A_83] {strides = array<i32>} : memref<128xi32, #tpu.memory_space<vmem>>, vector<16xi32>,
        %swap3A_85 = vector.shape_cast %swap3A_84 : vector<16xi32> to vector<16xi32>
        %swap3A_86 = vector.shape_cast %get3A_82 : vector<16xi32> to vector<16xi32>
        tpu.vector_store %arg9[%swap3A_83], %swap3A_86 {strides = array<i32>} : memref<128xi32, #tpu.memory_space<vmem>>, vector<16xi32>,
        %add3A_87 = arith.constant 16 : i32
        %add3A_88 = arith.addi %mul3A_68, %add3A_87 : i32
        %get3A_89 = arith.index_cast %add3A_88 : i32 to index
        %get3A_90 = tpu.vector_load %arg6[%get3A_89] {strides = array<i32>} : memref<4096xi32, #tpu.memory_space<vmem>>, vector<16xi32>,
        %get3A_91 = vector.shape_cast %get3A_90 : vector<16xi32> to vector<16xi32>
        %add3A_92 = vector.broadcast %mul3A_20 : i32 to vector<16xi32>
        %add3A_93 = arith.addi %get3A_91, %add3A_92 : vector<16xi32>
        %swap3A_94 = arith.constant 16 : index
        %swap3A_95 = tpu.vector_load %arg8[%swap3A_94] {strides = array<i32>} : memref<128xi32, #tpu.memory_space<vmem>>, vector<16xi32>,
        %swap3A_96 = vector.shape_cast %swap3A_95 : vector<16xi32> to vector<16xi32>
        %swap3A_97 = vector.shape_cast %add3A_93 : vector<16xi32> to vector<16xi32>
        tpu.vector_store %arg8[%swap3A_94], %swap3A_97 {strides = array<i32>} : memref<128xi32, #tpu.memory_space<vmem>>, vector<16xi32>,
        %add3A_98 = arith.constant 16 : i32
        %add3A_99 = arith.addi %mul3A_68, %add3A_98 : i32
        %get3A_100 = arith.index_cast %add3A_99 : i32 to index
        %get3A_101 = tpu.vector_load %arg7[%get3A_100] {strides = array<i32>} : memref<4096xi32, #tpu.memory_space<vmem>>, vector<16xi32>,
        %get3A_102 = vector.shape_cast %get3A_101 : vector<16xi32> to vector<16xi32>
        %swap3A_103 = arith.constant 16 : index
        %swap3A_104 = tpu.vector_load %arg9[%swap3A_103] {strides = array<i32>} : memref<128xi32, #tpu.memory_space<vmem>>, vector<16xi32>,
        %swap3A_105 = vector.shape_cast %swap3A_104 : vector<16xi32> to vector<16xi32>
        %swap3A_106 = vector.shape_cast %get3A_102 : vector<16xi32> to vector<16xi32>
        tpu.vector_store %arg9[%swap3A_103], %swap3A_106 {strides = array<i32>} : memref<128xi32, #tpu.memory_space<vmem>>, vector<16xi32>,
        %add3A_107 = arith.constant 32 : i32
        %add3A_108 = arith.addi %mul3A_68, %add3A_107 : i32
        %get3A_109 = arith.index_cast %add3A_108 : i32 to index
        %get3A_110 = tpu.vector_load %arg6[%get3A_109] {strides = array<i32>} : memref<4096xi32, #tpu.memory_space<vmem>>, vector<16xi32>,
        %get3A_111 = vector.shape_cast %get3A_110 : vector<16xi32> to vector<16xi32>
        %add3A_112 = vector.broadcast %mul3A_20 : i32 to vector<16xi32>
        %add3A_113 = arith.addi %get3A_111, %add3A_112 : vector<16xi32>
        %swap3A_114 = arith.constant 32 : index
        %swap3A_115 = tpu.vector_load %arg8[%swap3A_114] {strides = array<i32>} : memref<128xi32, #tpu.memory_space<vmem>>, vector<16xi32>,
        %swap3A_116 = vector.shape_cast %swap3A_115 : vector<16xi32> to vector<16xi32>
        %swap3A_117 = vector.shape_cast %add3A_113 : vector<16xi32> to vector<16xi32>
        tpu.vector_store %arg8[%swap3A_114], %swap3A_117 {strides = array<i32>} : memref<128xi32, #tpu.memory_space<vmem>>, vector<16xi32>,
        %add3A_118 = arith.constant 32 : i32
        %add3A_119 = arith.addi %mul3A_68, %add3A_118 : i32
        %get3A_120 = arith.index_cast %add3A_119 : i32 to index
        %get3A_121 = tpu.vector_load %arg7[%get3A_120] {strides = array<i32>} : memref<4096xi32, #tpu.memory_space<vmem>>, vector<16xi32>,
        %get3A_122 = vector.shape_cast %get3A_121 : vector<16xi32> to vector<16xi32>
        %swap3A_123 = arith.constant 32 : index
        %swap3A_124 = tpu.vector_load %arg9[%swap3A_123] {strides = array<i32>} : memref<128xi32, #tpu.memory_space<vmem>>, vector<16xi32>,
        %swap3A_125 = vector.shape_cast %swap3A_124 : vector<16xi32> to vector<16xi32>
        %swap3A_126 = vector.shape_cast %get3A_122 : vector<16xi32> to vector<16xi32>
        tpu.vector_store %arg9[%swap3A_123], %swap3A_126 {strides = array<i32>} : memref<128xi32, #tpu.memory_space<vmem>>, vector<16xi32>,
        %add3A_127 = arith.constant 48 : i32
        %add3A_128 = arith.addi %mul3A_68, %add3A_127 : i32
        %get3A_129 = arith.index_cast %add3A_128 : i32 to index
        %get3A_130 = tpu.vector_load %arg6[%get3A_129] {strides = array<i32>} : memref<4096xi32, #tpu.memory_space<vmem>>, vector<16xi32>,
        %get3A_131 = vector.shape_cast %get3A_130 : vector<16xi32> to vector<16xi32>
        %add3A_132 = vector.broadcast %mul3A_20 : i32 to vector<16xi32>
        %add3A_133 = arith.addi %get3A_131, %add3A_132 : vector<16xi32>
        %swap3A_134 = arith.constant 48 : index
        %swap3A_135 = tpu.vector_load %arg8[%swap3A_134] {strides = array<i32>} : memref<128xi32, #tpu.memory_space<vmem>>, vector<16xi32>,
        %swap3A_136 = vector.shape_cast %swap3A_135 : vector<16xi32> to vector<16xi32>
        %swap3A_137 = vector.shape_cast %add3A_133 : vector<16xi32> to vector<16xi32>
        tpu.vector_store %arg8[%swap3A_134], %swap3A_137 {strides = array<i32>} : memref<128xi32, #tpu.memory_space<vmem>>, vector<16xi32>,
        %add3A_138 = arith.constant 48 : i32
        %add3A_139 = arith.addi %mul3A_68, %add3A_138 : i32
        %get3A_140 = arith.index_cast %add3A_139 : i32 to index
        %get3A_141 = tpu.vector_load %arg7[%get3A_140] {strides = array<i32>} : memref<4096xi32, #tpu.memory_space<vmem>>, vector<16xi32>,
        %get3A_142 = vector.shape_cast %get3A_141 : vector<16xi32> to vector<16xi32>
        %swap3A_143 = arith.constant 48 : index
        %swap3A_144 = tpu.vector_load %arg9[%swap3A_143] {strides = array<i32>} : memref<128xi32, #tpu.memory_space<vmem>>, vector<16xi32>,
        %swap3A_145 = vector.shape_cast %swap3A_144 : vector<16xi32> to vector<16xi32>
        %swap3A_146 = vector.shape_cast %get3A_142 : vector<16xi32> to vector<16xi32>
        tpu.vector_store %arg9[%swap3A_143], %swap3A_146 {strides = array<i32>} : memref<128xi32, #tpu.memory_space<vmem>>, vector<16xi32>,
        %add3A_147 = arith.constant 64 : i32
        %add3A_148 = arith.addi %mul3A_68, %add3A_147 : i32
        %get3A_149 = arith.index_cast %add3A_148 : i32 to index
        %get3A_150 = tpu.vector_load %arg6[%get3A_149] {strides = array<i32>} : memref<4096xi32, #tpu.memory_space<vmem>>, vector<16xi32>,
        %get3A_151 = vector.shape_cast %get3A_150 : vector<16xi32> to vector<16xi32>
        %add3A_152 = vector.broadcast %mul3A_20 : i32 to vector<16xi32>
        %add3A_153 = arith.addi %get3A_151, %add3A_152 : vector<16xi32>
        %swap3A_154 = arith.constant 64 : index
        %swap3A_155 = tpu.vector_load %arg8[%swap3A_154] {strides = array<i32>} : memref<128xi32, #tpu.memory_space<vmem>>, vector<16xi32>,
        %swap3A_156 = vector.shape_cast %swap3A_155 : vector<16xi32> to vector<16xi32>
        %swap3A_157 = vector.shape_cast %add3A_153 : vector<16xi32> to vector<16xi32>
        tpu.vector_store %arg8[%swap3A_154], %swap3A_157 {strides = array<i32>} : memref<128xi32, #tpu.memory_space<vmem>>, vector<16xi32>,
        %add3A_158 = arith.constant 64 : i32
        %add3A_159 = arith.addi %mul3A_68, %add3A_158 : i32
        %get3A_160 = arith.index_cast %add3A_159 : i32 to index
        %get3A_161 = tpu.vector_load %arg7[%get3A_160] {strides = array<i32>} : memref<4096xi32, #tpu.memory_space<vmem>>, vector<16xi32>,
        %get3A_162 = vector.shape_cast %get3A_161 : vector<16xi32> to vector<16xi32>
        %swap3A_163 = arith.constant 64 : index
        %swap3A_164 = tpu.vector_load %arg9[%swap3A_163] {strides = array<i32>} : memref<128xi32, #tpu.memory_space<vmem>>, vector<16xi32>,
        %swap3A_165 = vector.shape_cast %swap3A_164 : vector<16xi32> to vector<16xi32>
        %swap3A_166 = vector.shape_cast %get3A_162 : vector<16xi32> to vector<16xi32>
        tpu.vector_store %arg9[%swap3A_163], %swap3A_166 {strides = array<i32>} : memref<128xi32, #tpu.memory_space<vmem>>, vector<16xi32>,
        %add3A_167 = arith.constant 80 : i32
        %add3A_168 = arith.addi %mul3A_68, %add3A_167 : i32
        %get3A_169 = arith.index_cast %add3A_168 : i32 to index
        %get3A_170 = tpu.vector_load %arg6[%get3A_169] {strides = array<i32>} : memref<4096xi32, #tpu.memory_space<vmem>>, vector<16xi32>,
        %get3A_171 = vector.shape_cast %get3A_170 : vector<16xi32> to vector<16xi32>
        %add3A_172 = vector.broadcast %mul3A_20 : i32 to vector<16xi32>
        %add3A_173 = arith.addi %get3A_171, %add3A_172 : vector<16xi32>
        %swap3A_174 = arith.constant 80 : index
        %swap3A_175 = tpu.vector_load %arg8[%swap3A_174] {strides = array<i32>} : memref<128xi32, #tpu.memory_space<vmem>>, vector<16xi32>,
        %swap3A_176 = vector.shape_cast %swap3A_175 : vector<16xi32> to vector<16xi32>
        %swap3A_177 = vector.shape_cast %add3A_173 : vector<16xi32> to vector<16xi32>
        tpu.vector_store %arg8[%swap3A_174], %swap3A_177 {strides = array<i32>} : memref<128xi32, #tpu.memory_space<vmem>>, vector<16xi32>,
        %add3A_178 = arith.constant 80 : i32
        %add3A_179 = arith.addi %mul3A_68, %add3A_178 : i32
        %get3A_180 = arith.index_cast %add3A_179 : i32 to index
        %get3A_181 = tpu.vector_load %arg7[%get3A_180] {strides = array<i32>} : memref<4096xi32, #tpu.memory_space<vmem>>, vector<16xi32>,
        %get3A_182 = vector.shape_cast %get3A_181 : vector<16xi32> to vector<16xi32>
        %swap3A_183 = arith.constant 80 : index
        %swap3A_184 = tpu.vector_load %arg9[%swap3A_183] {strides = array<i32>} : memref<128xi32, #tpu.memory_space<vmem>>, vector<16xi32>,
        %swap3A_185 = vector.shape_cast %swap3A_184 : vector<16xi32> to vector<16xi32>
        %swap3A_186 = vector.shape_cast %get3A_182 : vector<16xi32> to vector<16xi32>
        tpu.vector_store %arg9[%swap3A_183], %swap3A_186 {strides = array<i32>} : memref<128xi32, #tpu.memory_space<vmem>>, vector<16xi32>,
        %add3A_187 = arith.constant 96 : i32
        %add3A_188 = arith.addi %mul3A_68, %add3A_187 : i32
        %get3A_189 = arith.index_cast %add3A_188 : i32 to index
        %get3A_190 = tpu.vector_load %arg6[%get3A_189] {strides = array<i32>} : memref<4096xi32, #tpu.memory_space<vmem>>, vector<16xi32>,
        %get3A_191 = vector.shape_cast %get3A_190 : vector<16xi32> to vector<16xi32>
        %add3A_192 = vector.broadcast %mul3A_20 : i32 to vector<16xi32>
        %add3A_193 = arith.addi %get3A_191, %add3A_192 : vector<16xi32>
        %swap3A_194 = arith.constant 96 : index
        %swap3A_195 = tpu.vector_load %arg8[%swap3A_194] {strides = array<i32>} : memref<128xi32, #tpu.memory_space<vmem>>, vector<16xi32>,
        %swap3A_196 = vector.shape_cast %swap3A_195 : vector<16xi32> to vector<16xi32>
        %swap3A_197 = vector.shape_cast %add3A_193 : vector<16xi32> to vector<16xi32>
        tpu.vector_store %arg8[%swap3A_194], %swap3A_197 {strides = array<i32>} : memref<128xi32, #tpu.memory_space<vmem>>, vector<16xi32>,
        %add3A_198 = arith.constant 96 : i32
        %add3A_199 = arith.addi %mul3A_68, %add3A_198 : i32
        %get3A_200 = arith.index_cast %add3A_199 : i32 to index
        %get3A_201 = tpu.vector_load %arg7[%get3A_200] {strides = array<i32>} : memref<4096xi32, #tpu.memory_space<vmem>>, vector<16xi32>,
        %get3A_202 = vector.shape_cast %get3A_201 : vector<16xi32> to vector<16xi32>
        %swap3A_203 = arith.constant 96 : index
        %swap3A_204 = tpu.vector_load %arg9[%swap3A_203] {strides = array<i32>} : memref<128xi32, #tpu.memory_space<vmem>>, vector<16xi32>,
        %swap3A_205 = vector.shape_cast %swap3A_204 : vector<16xi32> to vector<16xi32>
        %swap3A_206 = vector.shape_cast %get3A_202 : vector<16xi32> to vector<16xi32>
        tpu.vector_store %arg9[%swap3A_203], %swap3A_206 {strides = array<i32>} : memref<128xi32, #tpu.memory_space<vmem>>, vector<16xi32>,
        %add3A_207 = arith.constant 112 : i32
        %add3A_208 = arith.addi %mul3A_68, %add3A_207 : i32
        %get3A_209 = arith.index_cast %add3A_208 : i32 to index
        %get3A_210 = tpu.vector_load %arg6[%get3A_209] {strides = array<i32>} : memref<4096xi32, #tpu.memory_space<vmem>>, vector<16xi32>,
        %get3A_211 = vector.shape_cast %get3A_210 : vector<16xi32> to vector<16xi32>
        %add3A_212 = vector.broadcast %mul3A_20 : i32 to vector<16xi32>
        %add3A_213 = arith.addi %get3A_211, %add3A_212 : vector<16xi32>
        %swap3A_214 = arith.constant 112 : index
        %swap3A_215 = tpu.vector_load %arg8[%swap3A_214] {strides = array<i32>} : memref<128xi32, #tpu.memory_space<vmem>>, vector<16xi32>,
        %swap3A_216 = vector.shape_cast %swap3A_215 : vector<16xi32> to vector<16xi32>
        %swap3A_217 = vector.shape_cast %add3A_213 : vector<16xi32> to vector<16xi32>
        tpu.vector_store %arg8[%swap3A_214], %swap3A_217 {strides = array<i32>} : memref<128xi32, #tpu.memory_space<vmem>>, vector<16xi32>,
        %add3A_218 = arith.constant 112 : i32
        %add3A_219 = arith.addi %mul3A_68, %add3A_218 : i32
        %get3A_220 = arith.index_cast %add3A_219 : i32 to index
        %get3A_221 = tpu.vector_load %arg7[%get3A_220] {strides = array<i32>} : memref<4096xi32, #tpu.memory_space<vmem>>, vector<16xi32>,
        %get3A_222 = vector.shape_cast %get3A_221 : vector<16xi32> to vector<16xi32>
        %swap3A_223 = arith.constant 112 : index
        %swap3A_224 = tpu.vector_load %arg9[%swap3A_223] {strides = array<i32>} : memref<128xi32, #tpu.memory_space<vmem>>, vector<16xi32>,
        %swap3A_225 = vector.shape_cast %swap3A_224 : vector<16xi32> to vector<16xi32>
        %swap3A_226 = vector.shape_cast %get3A_222 : vector<16xi32> to vector<16xi32>
        tpu.vector_store %arg9[%swap3A_223], %swap3A_226 {strides = array<i32>} : memref<128xi32, #tpu.memory_space<vmem>>, vector<16xi32>,
        "tpu.region"() ({
          %run_scoped3A = tpu.sem_alloc : memref<!tpu.dma_semaphore, #tpu.memory_space<semaphore_mem>>
          %dma_start3A = arith.constant 0 : i32
          %dma_start3A_228 = arith.constant 0 : i32
          %dma_start3A_229 = tpu.memref_slice %arg2[%dma_start3A, %dma_start3A_228] : memref<20480x128xf32, #tpu.memory_space<hbm>> -> memref<20480x128xf32, #tpu.memory_space<hbm>>
          tpu.enqueue_indirect_dma source(%dma_start3A_229 : memref<20480x128xf32, #tpu.memory_space<hbm>>) target(%arg10 : memref<128x128xf32, #tpu.memory_space<vmem>>) offsets(%arg8 : memref<128xi32, #tpu.memory_space<vmem>>) semaphore(%run_scoped3A : memref<!tpu.dma_semaphore, #tpu.memory_space<semaphore_mem>>)
          %dma_wait3A = arith.constant 0 : i32
          %dma_wait3A_230 = arith.constant 0 : i32
          %dma_wait3A_231 = tpu.memref_slice %arg2[%dma_wait3A, %dma_wait3A_230] : memref<20480x128xf32, #tpu.memory_space<hbm>> -> memref<20480x128xf32, #tpu.memory_space<hbm>>
          tpu.wait_indirect_dma semaphore(%run_scoped3A : memref<!tpu.dma_semaphore, #tpu.memory_space<semaphore_mem>>) src(%dma_wait3A_231 : memref<20480x128xf32, #tpu.memory_space<hbm>>) dst(%arg10 : memref<128x128xf32, #tpu.memory_space<vmem>>)
          tpu.yield
        }) : () -> ()
        "tpu.region"() ({
          %run_scoped3A = tpu.sem_alloc : memref<!tpu.dma_semaphore, #tpu.memory_space<semaphore_mem>>
          %dma_start3A = arith.constant 0 : i32
          %dma_start3A_228 = arith.constant 0 : i32
          %dma_start3A_229 = tpu.memref_slice %arg11[%dma_start3A, %dma_start3A_228] : memref<10240x128xf32, #tpu.memory_space<vmem_shared>> -> memref<10240x128xf32, #tpu.memory_space<vmem_shared>>
          tpu.enqueue_indirect_dma source(%arg10 : memref<128x128xf32, #tpu.memory_space<vmem>>) target(%dma_start3A_229 : memref<10240x128xf32, #tpu.memory_space<vmem_shared>>) offsets(%arg9 : memref<128xi32, #tpu.memory_space<vmem>>) semaphore(%run_scoped3A : memref<!tpu.dma_semaphore, #tpu.memory_space<semaphore_mem>>) {add = true}
          %dma_wait3A = arith.constant 0 : i32
          %dma_wait3A_230 = arith.constant 0 : i32
          %dma_wait3A_231 = tpu.memref_slice %arg11[%dma_wait3A, %dma_wait3A_230] : memref<10240x128xf32, #tpu.memory_space<vmem_shared>> -> memref<10240x128xf32, #tpu.memory_space<vmem_shared>>
          tpu.wait_indirect_dma semaphore(%run_scoped3A : memref<!tpu.dma_semaphore, #tpu.memory_space<semaphore_mem>>) src(%arg10 : memref<128x128xf32, #tpu.memory_space<vmem>>) dst(%dma_wait3A_231 : memref<10240x128xf32, #tpu.memory_space<vmem_shared>>)
          tpu.yield
        }) : () -> ()
        %scan3A_227 = arith.constant 0 : i32
        scf.yield %scan3A_227 : i32
      }
      %scan3A_63 = arith.constant 32 : i32
      %scan3A_64 = arith.constant 0 : i32
      scf.yield %scan3A_64 : i32
    }
    %scan3A_27 = arith.constant 5 : i32
    %barrier3A_28 = arith.constant 0 : index
    tpu.barrier barrier_id(%barrier3A_28)
    %mul3A_29 = arith.constant 10240 : i32
    %mul3A_30 = arith.muli %arg0, %mul3A_29 : i32
    %add3A_31 = arith.addi %mul3A_30, %mul3A_7 : i32
    %add3A_32 = arith.constant 0 : i32
    %add3A_33 = arith.addi %mul3A_7, %add3A_32 : i32
    "tpu.region"() ({
      %run_scoped3A = tpu.sem_alloc : memref<!tpu.dma_semaphore, #tpu.memory_space<semaphore_mem>>
      %dma_start3A = arith.constant 0 : i32
      %dma_start3A_52 = tpu.memref_slice %arg11[%add3A_33, %dma_start3A] : memref<10240x128xf32, #tpu.memory_space<vmem_shared>> -> memref<128x128xf32, #tpu.memory_space<vmem_shared>>
      %dma_start3A_53 = arith.constant 0 : i32
      %dma_start3A_54 = tpu.memref_slice %arg11[%add3A_33, %dma_start3A_53] : memref<10240x128xf32, #tpu.memory_space<vmem_shared>> -> memref<128x128xf32, #tpu.memory_space<vmem_shared>>
      tpu.enqueue_dma source(%dma_start3A_54 : memref<128x128xf32, #tpu.memory_space<vmem_shared>>) target(%arg10 : memref<128x128xf32, #tpu.memory_space<vmem>>) target_semaphore(%run_scoped3A : memref<!tpu.dma_semaphore, #tpu.memory_space<semaphore_mem>>)
      %dma_wait3A = arith.constant 0 : i32
      %dma_wait3A_55 = tpu.memref_slice %arg11[%add3A_33, %dma_wait3A] : memref<10240x128xf32, #tpu.memory_space<vmem_shared>> -> memref<128x128xf32, #tpu.memory_space<vmem_shared>>
      %dma_wait3A_56 = arith.constant 0 : i32
      %dma_wait3A_57 = tpu.memref_slice %arg11[%add3A_33, %dma_wait3A_56] : memref<10240x128xf32, #tpu.memory_space<vmem_shared>> -> memref<128x128xf32, #tpu.memory_space<vmem_shared>>
      tpu.wait_dma2 semaphore(%run_scoped3A : memref<!tpu.dma_semaphore, #tpu.memory_space<semaphore_mem>>) src(%dma_wait3A_57 : memref<128x128xf32, #tpu.memory_space<vmem_shared>>) dst(%arg10 : memref<128x128xf32, #tpu.memory_space<vmem>>)
      tpu.yield
    }) : () -> ()
    %add3A_34 = arith.constant 0 : i32
    %add3A_35 = arith.addi %add3A_31, %add3A_34 : i32
    "tpu.region"() ({
      %run_scoped3A = tpu.sem_alloc : memref<!tpu.dma_semaphore, #tpu.memory_space<semaphore_mem>>
      %dma_start3A = arith.constant 0 : i32
      %dma_start3A_52 = tpu.memref_slice %arg5[%add3A_35, %dma_start3A] : memref<20480x128xf32, #tpu.memory_space<hbm>> -> memref<128x128xf32, #tpu.memory_space<hbm>>
      %dma_start3A_53 = arith.constant 0 : i32
      %dma_start3A_54 = tpu.memref_slice %arg5[%add3A_35, %dma_start3A_53] : memref<20480x128xf32, #tpu.memory_space<hbm>> -> memref<128x128xf32, #tpu.memory_space<hbm>>
      tpu.enqueue_dma source(%arg10 : memref<128x128xf32, #tpu.memory_space<vmem>>) target(%dma_start3A_54 : memref<128x128xf32, #tpu.memory_space<hbm>>) target_semaphore(%run_scoped3A : memref<!tpu.dma_semaphore, #tpu.memory_space<semaphore_mem>>)
      %dma_wait3A = arith.constant 0 : i32
      %dma_wait3A_55 = tpu.memref_slice %arg5[%add3A_35, %dma_wait3A] : memref<20480x128xf32, #tpu.memory_space<hbm>> -> memref<128x128xf32, #tpu.memory_space<hbm>>
      %dma_wait3A_56 = arith.constant 0 : i32
      %dma_wait3A_57 = tpu.memref_slice %arg5[%add3A_35, %dma_wait3A_56] : memref<20480x128xf32, #tpu.memory_space<hbm>> -> memref<128x128xf32, #tpu.memory_space<hbm>>
      tpu.wait_dma2 semaphore(%run_scoped3A : memref<!tpu.dma_semaphore, #tpu.memory_space<semaphore_mem>>) src(%arg10 : memref<128x128xf32, #tpu.memory_space<vmem>>) dst(%dma_wait3A_57 : memref<128x128xf32, #tpu.memory_space<hbm>>)
      tpu.yield
    }) : () -> ()
    %add3A_36 = arith.constant 128 : i32
    %add3A_37 = arith.addi %mul3A_7, %add3A_36 : i32
    "tpu.region"() ({
      %run_scoped3A = tpu.sem_alloc : memref<!tpu.dma_semaphore, #tpu.memory_space<semaphore_mem>>
      %dma_start3A = arith.constant 0 : i32
      %dma_start3A_52 = tpu.memref_slice %arg11[%add3A_37, %dma_start3A] : memref<10240x128xf32, #tpu.memory_space<vmem_shared>> -> memref<128x128xf32, #tpu.memory_space<vmem_shared>>
      %dma_start3A_53 = arith.constant 0 : i32
      %dma_start3A_54 = tpu.memref_slice %arg11[%add3A_37, %dma_start3A_53] : memref<10240x128xf32, #tpu.memory_space<vmem_shared>> -> memref<128x128xf32, #tpu.memory_space<vmem_shared>>
      tpu.enqueue_dma source(%dma_start3A_54 : memref<128x128xf32, #tpu.memory_space<vmem_shared>>) target(%arg10 : memref<128x128xf32, #tpu.memory_space<vmem>>) target_semaphore(%run_scoped3A : memref<!tpu.dma_semaphore, #tpu.memory_space<semaphore_mem>>)
      %dma_wait3A = arith.constant 0 : i32
      %dma_wait3A_55 = tpu.memref_slice %arg11[%add3A_37, %dma_wait3A] : memref<10240x128xf32, #tpu.memory_space<vmem_shared>> -> memref<128x128xf32, #tpu.memory_space<vmem_shared>>
      %dma_wait3A_56 = arith.constant 0 : i32
      %dma_wait3A_57 = tpu.memref_slice %arg11[%add3A_37, %dma_wait3A_56] : memref<10240x128xf32, #tpu.memory_space<vmem_shared>> -> memref<128x128xf32, #tpu.memory_space<vmem_shared>>
      tpu.wait_dma2 semaphore(%run_scoped3A : memref<!tpu.dma_semaphore, #tpu.memory_space<semaphore_mem>>) src(%dma_wait3A_57 : memref<128x128xf32, #tpu.memory_space<vmem_shared>>) dst(%arg10 : memref<128x128xf32, #tpu.memory_space<vmem>>)
      tpu.yield
    }) : () -> ()
    %add3A_38 = arith.constant 128 : i32
    %add3A_39 = arith.addi %add3A_31, %add3A_38 : i32
    "tpu.region"() ({
      %run_scoped3A = tpu.sem_alloc : memref<!tpu.dma_semaphore, #tpu.memory_space<semaphore_mem>>
      %dma_start3A = arith.constant 0 : i32
      %dma_start3A_52 = tpu.memref_slice %arg5[%add3A_39, %dma_start3A] : memref<20480x128xf32, #tpu.memory_space<hbm>> -> memref<128x128xf32, #tpu.memory_space<hbm>>
      %dma_start3A_53 = arith.constant 0 : i32
      %dma_start3A_54 = tpu.memref_slice %arg5[%add3A_39, %dma_start3A_53] : memref<20480x128xf32, #tpu.memory_space<hbm>> -> memref<128x128xf32, #tpu.memory_space<hbm>>
      tpu.enqueue_dma source(%arg10 : memref<128x128xf32, #tpu.memory_space<vmem>>) target(%dma_start3A_54 : memref<128x128xf32, #tpu.memory_space<hbm>>) target_semaphore(%run_scoped3A : memref<!tpu.dma_semaphore, #tpu.memory_space<semaphore_mem>>)
      %dma_wait3A = arith.constant 0 : i32
      %dma_wait3A_55 = tpu.memref_slice %arg5[%add3A_39, %dma_wait3A] : memref<20480x128xf32, #tpu.memory_space<hbm>> -> memref<128x128xf32, #tpu.memory_space<hbm>>
      %dma_wait3A_56 = arith.constant 0 : i32
      %dma_wait3A_57 = tpu.memref_slice %arg5[%add3A_39, %dma_wait3A_56] : memref<20480x128xf32, #tpu.memory_space<hbm>> -> memref<128x128xf32, #tpu.memory_space<hbm>>
      tpu.wait_dma2 semaphore(%run_scoped3A : memref<!tpu.dma_semaphore, #tpu.memory_space<semaphore_mem>>) src(%arg10 : memref<128x128xf32, #tpu.memory_space<vmem>>) dst(%dma_wait3A_57 : memref<128x128xf32, #tpu.memory_space<hbm>>)
      tpu.yield
    }) : () -> ()
    %add3A_40 = arith.constant 256 : i32
    %add3A_41 = arith.addi %mul3A_7, %add3A_40 : i32
    "tpu.region"() ({
      %run_scoped3A = tpu.sem_alloc : memref<!tpu.dma_semaphore, #tpu.memory_space<semaphore_mem>>
      %dma_start3A = arith.constant 0 : i32
      %dma_start3A_52 = tpu.memref_slice %arg11[%add3A_41, %dma_start3A] : memref<10240x128xf32, #tpu.memory_space<vmem_shared>> -> memref<128x128xf32, #tpu.memory_space<vmem_shared>>
      %dma_start3A_53 = arith.constant 0 : i32
      %dma_start3A_54 = tpu.memref_slice %arg11[%add3A_41, %dma_start3A_53] : memref<10240x128xf32, #tpu.memory_space<vmem_shared>> -> memref<128x128xf32, #tpu.memory_space<vmem_shared>>
      tpu.enqueue_dma source(%dma_start3A_54 : memref<128x128xf32, #tpu.memory_space<vmem_shared>>) target(%arg10 : memref<128x128xf32, #tpu.memory_space<vmem>>) target_semaphore(%run_scoped3A : memref<!tpu.dma_semaphore, #tpu.memory_space<semaphore_mem>>)
      %dma_wait3A = arith.constant 0 : i32
      %dma_wait3A_55 = tpu.memref_slice %arg11[%add3A_41, %dma_wait3A] : memref<10240x128xf32, #tpu.memory_space<vmem_shared>> -> memref<128x128xf32, #tpu.memory_space<vmem_shared>>
      %dma_wait3A_56 = arith.constant 0 : i32
      %dma_wait3A_57 = tpu.memref_slice %arg11[%add3A_41, %dma_wait3A_56] : memref<10240x128xf32, #tpu.memory_space<vmem_shared>> -> memref<128x128xf32, #tpu.memory_space<vmem_shared>>
      tpu.wait_dma2 semaphore(%run_scoped3A : memref<!tpu.dma_semaphore, #tpu.memory_space<semaphore_mem>>) src(%dma_wait3A_57 : memref<128x128xf32, #tpu.memory_space<vmem_shared>>) dst(%arg10 : memref<128x128xf32, #tpu.memory_space<vmem>>)
      tpu.yield
    }) : () -> ()
    %add3A_42 = arith.constant 256 : i32
    %add3A_43 = arith.addi %add3A_31, %add3A_42 : i32
    "tpu.region"() ({
      %run_scoped3A = tpu.sem_alloc : memref<!tpu.dma_semaphore, #tpu.memory_space<semaphore_mem>>
      %dma_start3A = arith.constant 0 : i32
      %dma_start3A_52 = tpu.memref_slice %arg5[%add3A_43, %dma_start3A] : memref<20480x128xf32, #tpu.memory_space<hbm>> -> memref<128x128xf32, #tpu.memory_space<hbm>>
      %dma_start3A_53 = arith.constant 0 : i32
      %dma_start3A_54 = tpu.memref_slice %arg5[%add3A_43, %dma_start3A_53] : memref<20480x128xf32, #tpu.memory_space<hbm>> -> memref<128x128xf32, #tpu.memory_space<hbm>>
      tpu.enqueue_dma source(%arg10 : memref<128x128xf32, #tpu.memory_space<vmem>>) target(%dma_start3A_54 : memref<128x128xf32, #tpu.memory_space<hbm>>) target_semaphore(%run_scoped3A : memref<!tpu.dma_semaphore, #tpu.memory_space<semaphore_mem>>)
      %dma_wait3A = arith.constant 0 : i32
      %dma_wait3A_55 = tpu.memref_slice %arg5[%add3A_43, %dma_wait3A] : memref<20480x128xf32, #tpu.memory_space<hbm>> -> memref<128x128xf32, #tpu.memory_space<hbm>>
      %dma_wait3A_56 = arith.constant 0 : i32
      %dma_wait3A_57 = tpu.memref_slice %arg5[%add3A_43, %dma_wait3A_56] : memref<20480x128xf32, #tpu.memory_space<hbm>> -> memref<128x128xf32, #tpu.memory_space<hbm>>
      tpu.wait_dma2 semaphore(%run_scoped3A : memref<!tpu.dma_semaphore, #tpu.memory_space<semaphore_mem>>) src(%arg10 : memref<128x128xf32, #tpu.memory_space<vmem>>) dst(%dma_wait3A_57 : memref<128x128xf32, #tpu.memory_space<hbm>>)
      tpu.yield
    }) : () -> ()
    %add3A_44 = arith.constant 384 : i32
    %add3A_45 = arith.addi %mul3A_7, %add3A_44 : i32
    "tpu.region"() ({
      %run_scoped3A = tpu.sem_alloc : memref<!tpu.dma_semaphore, #tpu.memory_space<semaphore_mem>>
      %dma_start3A = arith.constant 0 : i32
      %dma_start3A_52 = tpu.memref_slice %arg11[%add3A_45, %dma_start3A] : memref<10240x128xf32, #tpu.memory_space<vmem_shared>> -> memref<128x128xf32, #tpu.memory_space<vmem_shared>>
      %dma_start3A_53 = arith.constant 0 : i32
      %dma_start3A_54 = tpu.memref_slice %arg11[%add3A_45, %dma_start3A_53] : memref<10240x128xf32, #tpu.memory_space<vmem_shared>> -> memref<128x128xf32, #tpu.memory_space<vmem_shared>>
      tpu.enqueue_dma source(%dma_start3A_54 : memref<128x128xf32, #tpu.memory_space<vmem_shared>>) target(%arg10 : memref<128x128xf32, #tpu.memory_space<vmem>>) target_semaphore(%run_scoped3A : memref<!tpu.dma_semaphore, #tpu.memory_space<semaphore_mem>>)
      %dma_wait3A = arith.constant 0 : i32
      %dma_wait3A_55 = tpu.memref_slice %arg11[%add3A_45, %dma_wait3A] : memref<10240x128xf32, #tpu.memory_space<vmem_shared>> -> memref<128x128xf32, #tpu.memory_space<vmem_shared>>
      %dma_wait3A_56 = arith.constant 0 : i32
      %dma_wait3A_57 = tpu.memref_slice %arg11[%add3A_45, %dma_wait3A_56] : memref<10240x128xf32, #tpu.memory_space<vmem_shared>> -> memref<128x128xf32, #tpu.memory_space<vmem_shared>>
      tpu.wait_dma2 semaphore(%run_scoped3A : memref<!tpu.dma_semaphore, #tpu.memory_space<semaphore_mem>>) src(%dma_wait3A_57 : memref<128x128xf32, #tpu.memory_space<vmem_shared>>) dst(%arg10 : memref<128x128xf32, #tpu.memory_space<vmem>>)
      tpu.yield
    }) : () -> ()
    %add3A_46 = arith.constant 384 : i32
    %add3A_47 = arith.addi %add3A_31, %add3A_46 : i32
    "tpu.region"() ({
      %run_scoped3A = tpu.sem_alloc : memref<!tpu.dma_semaphore, #tpu.memory_space<semaphore_mem>>
      %dma_start3A = arith.constant 0 : i32
      %dma_start3A_52 = tpu.memref_slice %arg5[%add3A_47, %dma_start3A] : memref<20480x128xf32, #tpu.memory_space<hbm>> -> memref<128x128xf32, #tpu.memory_space<hbm>>
      %dma_start3A_53 = arith.constant 0 : i32
      %dma_start3A_54 = tpu.memref_slice %arg5[%add3A_47, %dma_start3A_53] : memref<20480x128xf32, #tpu.memory_space<hbm>> -> memref<128x128xf32, #tpu.memory_space<hbm>>
      tpu.enqueue_dma source(%arg10 : memref<128x128xf32, #tpu.memory_space<vmem>>) target(%dma_start3A_54 : memref<128x128xf32, #tpu.memory_space<hbm>>) target_semaphore(%run_scoped3A : memref<!tpu.dma_semaphore, #tpu.memory_space<semaphore_mem>>)
      %dma_wait3A = arith.constant 0 : i32
      %dma_wait3A_55 = tpu.memref_slice %arg5[%add3A_47, %dma_wait3A] : memref<20480x128xf32, #tpu.memory_space<hbm>> -> memref<128x128xf32, #tpu.memory_space<hbm>>
      %dma_wait3A_56 = arith.constant 0 : i32
      %dma_wait3A_57 = tpu.memref_slice %arg5[%add3A_47, %dma_wait3A_56] : memref<20480x128xf32, #tpu.memory_space<hbm>> -> memref<128x128xf32, #tpu.memory_space<hbm>>
      tpu.wait_dma2 semaphore(%run_scoped3A : memref<!tpu.dma_semaphore, #tpu.memory_space<semaphore_mem>>) src(%arg10 : memref<128x128xf32, #tpu.memory_space<vmem>>) dst(%dma_wait3A_57 : memref<128x128xf32, #tpu.memory_space<hbm>>)
      tpu.yield
    }) : () -> ()
    %add3A_48 = arith.constant 512 : i32
    %add3A_49 = arith.addi %mul3A_7, %add3A_48 : i32
    "tpu.region"() ({
      %run_scoped3A = tpu.sem_alloc : memref<!tpu.dma_semaphore, #tpu.memory_space<semaphore_mem>>
      %dma_start3A = arith.constant 0 : i32
      %dma_start3A_52 = tpu.memref_slice %arg11[%add3A_49, %dma_start3A] : memref<10240x128xf32, #tpu.memory_space<vmem_shared>> -> memref<128x128xf32, #tpu.memory_space<vmem_shared>>
      %dma_start3A_53 = arith.constant 0 : i32
      %dma_start3A_54 = tpu.memref_slice %arg11[%add3A_49, %dma_start3A_53] : memref<10240x128xf32, #tpu.memory_space<vmem_shared>> -> memref<128x128xf32, #tpu.memory_space<vmem_shared>>
      tpu.enqueue_dma source(%dma_start3A_54 : memref<128x128xf32, #tpu.memory_space<vmem_shared>>) target(%arg10 : memref<128x128xf32, #tpu.memory_space<vmem>>) target_semaphore(%run_scoped3A : memref<!tpu.dma_semaphore, #tpu.memory_space<semaphore_mem>>)
      %dma_wait3A = arith.constant 0 : i32
      %dma_wait3A_55 = tpu.memref_slice %arg11[%add3A_49, %dma_wait3A] : memref<10240x128xf32, #tpu.memory_space<vmem_shared>> -> memref<128x128xf32, #tpu.memory_space<vmem_shared>>
      %dma_wait3A_56 = arith.constant 0 : i32
      %dma_wait3A_57 = tpu.memref_slice %arg11[%add3A_49, %dma_wait3A_56] : memref<10240x128xf32, #tpu.memory_space<vmem_shared>> -> memref<128x128xf32, #tpu.memory_space<vmem_shared>>
      tpu.wait_dma2 semaphore(%run_scoped3A : memref<!tpu.dma_semaphore, #tpu.memory_space<semaphore_mem>>) src(%dma_wait3A_57 : memref<128x128xf32, #tpu.memory_space<vmem_shared>>) dst(%arg10 : memref<128x128xf32, #tpu.memory_space<vmem>>)
      tpu.yield
    }) : () -> ()
    %add3A_50 = arith.constant 512 : i32
    %add3A_51 = arith.addi %add3A_31, %add3A_50 : i32
    "tpu.region"() ({
      %run_scoped3A = tpu.sem_alloc : memref<!tpu.dma_semaphore, #tpu.memory_space<semaphore_mem>>
      %dma_start3A = arith.constant 0 : i32
      %dma_start3A_52 = tpu.memref_slice %arg5[%add3A_51, %dma_start3A] : memref<20480x128xf32, #tpu.memory_space<hbm>> -> memref<128x128xf32, #tpu.memory_space<hbm>>
      %dma_start3A_53 = arith.constant 0 : i32
      %dma_start3A_54 = tpu.memref_slice %arg5[%add3A_51, %dma_start3A_53] : memref<20480x128xf32, #tpu.memory_space<hbm>> -> memref<128x128xf32, #tpu.memory_space<hbm>>
      tpu.enqueue_dma source(%arg10 : memref<128x128xf32, #tpu.memory_space<vmem>>) target(%dma_start3A_54 : memref<128x128xf32, #tpu.memory_space<hbm>>) target_semaphore(%run_scoped3A : memref<!tpu.dma_semaphore, #tpu.memory_space<semaphore_mem>>)
      %dma_wait3A = arith.constant 0 : i32
      %dma_wait3A_55 = tpu.memref_slice %arg5[%add3A_51, %dma_wait3A] : memref<20480x128xf32, #tpu.memory_space<hbm>> -> memref<128x128xf32, #tpu.memory_space<hbm>>
      %dma_wait3A_56 = arith.constant 0 : i32
      %dma_wait3A_57 = tpu.memref_slice %arg5[%add3A_51, %dma_wait3A_56] : memref<20480x128xf32, #tpu.memory_space<hbm>> -> memref<128x128xf32, #tpu.memory_space<hbm>>
      tpu.wait_dma2 semaphore(%run_scoped3A : memref<!tpu.dma_semaphore, #tpu.memory_space<semaphore_mem>>) src(%arg10 : memref<128x128xf32, #tpu.memory_space<vmem>>) dst(%dma_wait3A_57 : memref<128x128xf32, #tpu.memory_space<hbm>>)
      tpu.yield
    }) : () -> ()
    return
  }
}

#map = affine_map<(d0, d1) -> (0, 0)>
#map1 = affine_map<(d0, d1) -> (0)>
module attributes {stable_mosaic.version = 14 : i64} {
  func.func @agg(%arg0: i32, %arg1: i32, %arg2: memref<20480x32xf32, #tpu.memory_space<hbm>>, %arg3: memref<327680xi32, #tpu.memory_space<hbm>>, %arg4: memref<327680xi32, #tpu.memory_space<hbm>>, %arg5: memref<20480x32xf32, #tpu.memory_space<hbm>>, %arg6: memref<4096xi32, #tpu.memory_space<vmem>>, %arg7: memref<4096xi32, #tpu.memory_space<vmem>>, %arg8: memref<128xi32, #tpu.memory_space<vmem>>, %arg9: memref<128xi32, #tpu.memory_space<vmem>>, %arg10: memref<128x32xf32, #tpu.memory_space<vmem>>, %arg11: memref<10240x32xf32, #tpu.memory_space<vmem_shared>>) attributes {dimension_semantics = [#tpu.dimension_semantics<core_parallel>, #tpu.dimension_semantics<subcore_parallel>], iteration_bounds = array<i64: 2, 16>, scalar_prefetch = 0 : i64, scratch_operands = 6 : i64, tpu.core_type = #tpu.core_type<sc_vector_subcore>, window_params = [{transform_indices = #map}, {transform_indices = #map1}, {transform_indices = #map1}, {transform_indices = #map}]} {
    %broadcast_in_dim3A = arith.constant 0.000000e+00 : f32
    %broadcast_in_dim3A_0 = vector.broadcast %broadcast_in_dim3A : f32 to vector<16xf32>
    %scan3A = arith.constant 0 : i32
    %scan3A_1 = arith.constant 0 : i32
    %scan3A_2 = arith.constant 128 : i32
    %scan3A_3 = arith.addi %scan3A_1, %scan3A_2 : i32
    %scan3A_4 = arith.constant 1 : i32
    %scan3A_5 = scf.for %scan3A_52 = %scan3A_1 to %scan3A_3 step %scan3A_4 iter_args(%scan3A_53 = %scan3A) -> (i32)  : i32 {
      %swap3A = arith.index_cast %scan3A_52 : i32 to index
      %swap3A_54 = arith.constant 0 : index
      %swap3A_55 = tpu.vector_load %arg10[%swap3A, %swap3A_54] {strides = array<i32>} : memref<128x32xf32, #tpu.memory_space<vmem>>, vector<1x16xf32>,
      %swap3A_56 = vector.shape_cast %swap3A_55 : vector<1x16xf32> to vector<16xf32>
      %swap3A_57 = vector.shape_cast %broadcast_in_dim3A_0 : vector<16xf32> to vector<1x16xf32>
      tpu.vector_store %arg10[%swap3A, %swap3A_54], %swap3A_57 {strides = array<i32>} : memref<128x32xf32, #tpu.memory_space<vmem>>, vector<1x16xf32>,
      %swap3A_58 = arith.index_cast %scan3A_52 : i32 to index
      %swap3A_59 = arith.constant 16 : index
      %swap3A_60 = tpu.vector_load %arg10[%swap3A_58, %swap3A_59] {strides = array<i32>} : memref<128x32xf32, #tpu.memory_space<vmem>>, vector<1x16xf32>,
      %swap3A_61 = vector.shape_cast %swap3A_60 : vector<1x16xf32> to vector<16xf32>
      %swap3A_62 = vector.shape_cast %broadcast_in_dim3A_0 : vector<16xf32> to vector<1x16xf32>
      tpu.vector_store %arg10[%swap3A_58, %swap3A_59], %swap3A_62 {strides = array<i32>} : memref<128x32xf32, #tpu.memory_space<vmem>>, vector<1x16xf32>,
      %scan3A_63 = arith.constant 0 : i32
      scf.yield %scan3A_63 : i32
    }
    %scan3A_6 = arith.constant 128 : i32
    %mul3A = arith.constant 640 : i32
    %mul3A_7 = arith.muli %arg1, %mul3A : i32
    %add3A = arith.constant 0 : i32
    %add3A_8 = arith.addi %mul3A_7, %add3A : i32
    "tpu.region"() ({
      %run_scoped3A = tpu.sem_alloc : memref<!tpu.dma_semaphore, #tpu.memory_space<semaphore_mem>>
      %dma_start3A = arith.constant 0 : i32
      %dma_start3A_52 = tpu.memref_slice %arg11[%add3A_8, %dma_start3A] : memref<10240x32xf32, #tpu.memory_space<vmem_shared>> -> memref<128x32xf32, #tpu.memory_space<vmem_shared>>
      %dma_start3A_53 = arith.constant 0 : i32
      %dma_start3A_54 = tpu.memref_slice %arg11[%add3A_8, %dma_start3A_53] : memref<10240x32xf32, #tpu.memory_space<vmem_shared>> -> memref<128x32xf32, #tpu.memory_space<vmem_shared>>
      tpu.enqueue_dma source(%arg10 : memref<128x32xf32, #tpu.memory_space<vmem>>) target(%dma_start3A_54 : memref<128x32xf32, #tpu.memory_space<vmem_shared>>) target_semaphore(%run_scoped3A : memref<!tpu.dma_semaphore, #tpu.memory_space<semaphore_mem>>)
      %dma_wait3A = arith.constant 0 : i32
      %dma_wait3A_55 = tpu.memref_slice %arg11[%add3A_8, %dma_wait3A] : memref<10240x32xf32, #tpu.memory_space<vmem_shared>> -> memref<128x32xf32, #tpu.memory_space<vmem_shared>>
      %dma_wait3A_56 = arith.constant 0 : i32
      %dma_wait3A_57 = tpu.memref_slice %arg11[%add3A_8, %dma_wait3A_56] : memref<10240x32xf32, #tpu.memory_space<vmem_shared>> -> memref<128x32xf32, #tpu.memory_space<vmem_shared>>
      tpu.wait_dma2 semaphore(%run_scoped3A : memref<!tpu.dma_semaphore, #tpu.memory_space<semaphore_mem>>) src(%arg10 : memref<128x32xf32, #tpu.memory_space<vmem>>) dst(%dma_wait3A_57 : memref<128x32xf32, #tpu.memory_space<vmem_shared>>)
      tpu.yield
    }) : () -> ()
    %add3A_9 = arith.constant 128 : i32
    %add3A_10 = arith.addi %mul3A_7, %add3A_9 : i32
    "tpu.region"() ({
      %run_scoped3A = tpu.sem_alloc : memref<!tpu.dma_semaphore, #tpu.memory_space<semaphore_mem>>
      %dma_start3A = arith.constant 0 : i32
      %dma_start3A_52 = tpu.memref_slice %arg11[%add3A_10, %dma_start3A] : memref<10240x32xf32, #tpu.memory_space<vmem_shared>> -> memref<128x32xf32, #tpu.memory_space<vmem_shared>>
      %dma_start3A_53 = arith.constant 0 : i32
      %dma_start3A_54 = tpu.memref_slice %arg11[%add3A_10, %dma_start3A_53] : memref<10240x32xf32, #tpu.memory_space<vmem_shared>> -> memref<128x32xf32, #tpu.memory_space<vmem_shared>>
      tpu.enqueue_dma source(%arg10 : memref<128x32xf32, #tpu.memory_space<vmem>>) target(%dma_start3A_54 : memref<128x32xf32, #tpu.memory_space<vmem_shared>>) target_semaphore(%run_scoped3A : memref<!tpu.dma_semaphore, #tpu.memory_space<semaphore_mem>>)
      %dma_wait3A = arith.constant 0 : i32
      %dma_wait3A_55 = tpu.memref_slice %arg11[%add3A_10, %dma_wait3A] : memref<10240x32xf32, #tpu.memory_space<vmem_shared>> -> memref<128x32xf32, #tpu.memory_space<vmem_shared>>
      %dma_wait3A_56 = arith.constant 0 : i32
      %dma_wait3A_57 = tpu.memref_slice %arg11[%add3A_10, %dma_wait3A_56] : memref<10240x32xf32, #tpu.memory_space<vmem_shared>> -> memref<128x32xf32, #tpu.memory_space<vmem_shared>>
      tpu.wait_dma2 semaphore(%run_scoped3A : memref<!tpu.dma_semaphore, #tpu.memory_space<semaphore_mem>>) src(%arg10 : memref<128x32xf32, #tpu.memory_space<vmem>>) dst(%dma_wait3A_57 : memref<128x32xf32, #tpu.memory_space<vmem_shared>>)
      tpu.yield
    }) : () -> ()
    %add3A_11 = arith.constant 256 : i32
    %add3A_12 = arith.addi %mul3A_7, %add3A_11 : i32
    "tpu.region"() ({
      %run_scoped3A = tpu.sem_alloc : memref<!tpu.dma_semaphore, #tpu.memory_space<semaphore_mem>>
      %dma_start3A = arith.constant 0 : i32
      %dma_start3A_52 = tpu.memref_slice %arg11[%add3A_12, %dma_start3A] : memref<10240x32xf32, #tpu.memory_space<vmem_shared>> -> memref<128x32xf32, #tpu.memory_space<vmem_shared>>
      %dma_start3A_53 = arith.constant 0 : i32
      %dma_start3A_54 = tpu.memref_slice %arg11[%add3A_12, %dma_start3A_53] : memref<10240x32xf32, #tpu.memory_space<vmem_shared>> -> memref<128x32xf32, #tpu.memory_space<vmem_shared>>
      tpu.enqueue_dma source(%arg10 : memref<128x32xf32, #tpu.memory_space<vmem>>) target(%dma_start3A_54 : memref<128x32xf32, #tpu.memory_space<vmem_shared>>) target_semaphore(%run_scoped3A : memref<!tpu.dma_semaphore, #tpu.memory_space<semaphore_mem>>)
      %dma_wait3A = arith.constant 0 : i32
      %dma_wait3A_55 = tpu.memref_slice %arg11[%add3A_12, %dma_wait3A] : memref<10240x32xf32, #tpu.memory_space<vmem_shared>> -> memref<128x32xf32, #tpu.memory_space<vmem_shared>>
      %dma_wait3A_56 = arith.constant 0 : i32
      %dma_wait3A_57 = tpu.memref_slice %arg11[%add3A_12, %dma_wait3A_56] : memref<10240x32xf32, #tpu.memory_space<vmem_shared>> -> memref<128x32xf32, #tpu.memory_space<vmem_shared>>
      tpu.wait_dma2 semaphore(%run_scoped3A : memref<!tpu.dma_semaphore, #tpu.memory_space<semaphore_mem>>) src(%arg10 : memref<128x32xf32, #tpu.memory_space<vmem>>) dst(%dma_wait3A_57 : memref<128x32xf32, #tpu.memory_space<vmem_shared>>)
      tpu.yield
    }) : () -> ()
    %add3A_13 = arith.constant 384 : i32
    %add3A_14 = arith.addi %mul3A_7, %add3A_13 : i32
    "tpu.region"() ({
      %run_scoped3A = tpu.sem_alloc : memref<!tpu.dma_semaphore, #tpu.memory_space<semaphore_mem>>
      %dma_start3A = arith.constant 0 : i32
      %dma_start3A_52 = tpu.memref_slice %arg11[%add3A_14, %dma_start3A] : memref<10240x32xf32, #tpu.memory_space<vmem_shared>> -> memref<128x32xf32, #tpu.memory_space<vmem_shared>>
      %dma_start3A_53 = arith.constant 0 : i32
      %dma_start3A_54 = tpu.memref_slice %arg11[%add3A_14, %dma_start3A_53] : memref<10240x32xf32, #tpu.memory_space<vmem_shared>> -> memref<128x32xf32, #tpu.memory_space<vmem_shared>>
      tpu.enqueue_dma source(%arg10 : memref<128x32xf32, #tpu.memory_space<vmem>>) target(%dma_start3A_54 : memref<128x32xf32, #tpu.memory_space<vmem_shared>>) target_semaphore(%run_scoped3A : memref<!tpu.dma_semaphore, #tpu.memory_space<semaphore_mem>>)
      %dma_wait3A = arith.constant 0 : i32
      %dma_wait3A_55 = tpu.memref_slice %arg11[%add3A_14, %dma_wait3A] : memref<10240x32xf32, #tpu.memory_space<vmem_shared>> -> memref<128x32xf32, #tpu.memory_space<vmem_shared>>
      %dma_wait3A_56 = arith.constant 0 : i32
      %dma_wait3A_57 = tpu.memref_slice %arg11[%add3A_14, %dma_wait3A_56] : memref<10240x32xf32, #tpu.memory_space<vmem_shared>> -> memref<128x32xf32, #tpu.memory_space<vmem_shared>>
      tpu.wait_dma2 semaphore(%run_scoped3A : memref<!tpu.dma_semaphore, #tpu.memory_space<semaphore_mem>>) src(%arg10 : memref<128x32xf32, #tpu.memory_space<vmem>>) dst(%dma_wait3A_57 : memref<128x32xf32, #tpu.memory_space<vmem_shared>>)
      tpu.yield
    }) : () -> ()
    %add3A_15 = arith.constant 512 : i32
    %add3A_16 = arith.addi %mul3A_7, %add3A_15 : i32
    "tpu.region"() ({
      %run_scoped3A = tpu.sem_alloc : memref<!tpu.dma_semaphore, #tpu.memory_space<semaphore_mem>>
      %dma_start3A = arith.constant 0 : i32
      %dma_start3A_52 = tpu.memref_slice %arg11[%add3A_16, %dma_start3A] : memref<10240x32xf32, #tpu.memory_space<vmem_shared>> -> memref<128x32xf32, #tpu.memory_space<vmem_shared>>
      %dma_start3A_53 = arith.constant 0 : i32
      %dma_start3A_54 = tpu.memref_slice %arg11[%add3A_16, %dma_start3A_53] : memref<10240x32xf32, #tpu.memory_space<vmem_shared>> -> memref<128x32xf32, #tpu.memory_space<vmem_shared>>
      tpu.enqueue_dma source(%arg10 : memref<128x32xf32, #tpu.memory_space<vmem>>) target(%dma_start3A_54 : memref<128x32xf32, #tpu.memory_space<vmem_shared>>) target_semaphore(%run_scoped3A : memref<!tpu.dma_semaphore, #tpu.memory_space<semaphore_mem>>)
      %dma_wait3A = arith.constant 0 : i32
      %dma_wait3A_55 = tpu.memref_slice %arg11[%add3A_16, %dma_wait3A] : memref<10240x32xf32, #tpu.memory_space<vmem_shared>> -> memref<128x32xf32, #tpu.memory_space<vmem_shared>>
      %dma_wait3A_56 = arith.constant 0 : i32
      %dma_wait3A_57 = tpu.memref_slice %arg11[%add3A_16, %dma_wait3A_56] : memref<10240x32xf32, #tpu.memory_space<vmem_shared>> -> memref<128x32xf32, #tpu.memory_space<vmem_shared>>
      tpu.wait_dma2 semaphore(%run_scoped3A : memref<!tpu.dma_semaphore, #tpu.memory_space<semaphore_mem>>) src(%arg10 : memref<128x32xf32, #tpu.memory_space<vmem>>) dst(%dma_wait3A_57 : memref<128x32xf32, #tpu.memory_space<vmem_shared>>)
      tpu.yield
    }) : () -> ()
    %barrier3A = arith.constant 0 : index
    tpu.barrier barrier_id(%barrier3A)
    %mul3A_17 = arith.constant 20480 : i32
    %mul3A_18 = arith.muli %arg1, %mul3A_17 : i32
    %mul3A_19 = arith.constant 10240 : i32
    %mul3A_20 = arith.muli %arg0, %mul3A_19 : i32
    %scan3A_21 = arith.constant 0 : i32
    %scan3A_22 = arith.constant 0 : i32
    %scan3A_23 = arith.constant 5 : i32
    %scan3A_24 = arith.addi %scan3A_22, %scan3A_23 : i32
    %scan3A_25 = arith.constant 1 : i32
    %scan3A_26 = scf.for %scan3A_52 = %scan3A_22 to %scan3A_24 step %scan3A_25 iter_args(%scan3A_53 = %scan3A_21) -> (i32)  : i32 {
      %mul3A_54 = arith.constant 4096 : i32
      %mul3A_55 = arith.muli %scan3A_52, %mul3A_54 : i32
      %add3A_56 = arith.addi %mul3A_18, %mul3A_55 : i32
      "tpu.region"() ({
        %run_scoped3A = tpu.sem_alloc : memref<!tpu.dma_semaphore, #tpu.memory_space<semaphore_mem>>
        %dma_start3A = tpu.memref_slice %arg3[%add3A_56] : memref<327680xi32, #tpu.memory_space<hbm>> -> memref<4096xi32, #tpu.memory_space<hbm>>
        %dma_start3A_65 = tpu.memref_slice %arg3[%add3A_56] : memref<327680xi32, #tpu.memory_space<hbm>> -> memref<4096xi32, #tpu.memory_space<hbm>>
        tpu.enqueue_dma source(%dma_start3A_65 : memref<4096xi32, #tpu.memory_space<hbm>>) target(%arg6 : memref<4096xi32, #tpu.memory_space<vmem>>) target_semaphore(%run_scoped3A : memref<!tpu.dma_semaphore, #tpu.memory_space<semaphore_mem>>)
        %dma_wait3A = tpu.memref_slice %arg3[%add3A_56] : memref<327680xi32, #tpu.memory_space<hbm>> -> memref<4096xi32, #tpu.memory_space<hbm>>
        %dma_wait3A_66 = tpu.memref_slice %arg3[%add3A_56] : memref<327680xi32, #tpu.memory_space<hbm>> -> memref<4096xi32, #tpu.memory_space<hbm>>
        tpu.wait_dma2 semaphore(%run_scoped3A : memref<!tpu.dma_semaphore, #tpu.memory_space<semaphore_mem>>) src(%dma_wait3A_66 : memref<4096xi32, #tpu.memory_space<hbm>>) dst(%arg6 : memref<4096xi32, #tpu.memory_space<vmem>>)
        tpu.yield
      }) : () -> ()
      "tpu.region"() ({
        %run_scoped3A = tpu.sem_alloc : memref<!tpu.dma_semaphore, #tpu.memory_space<semaphore_mem>>
        %dma_start3A = tpu.memref_slice %arg4[%add3A_56] : memref<327680xi32, #tpu.memory_space<hbm>> -> memref<4096xi32, #tpu.memory_space<hbm>>
        %dma_start3A_65 = tpu.memref_slice %arg4[%add3A_56] : memref<327680xi32, #tpu.memory_space<hbm>> -> memref<4096xi32, #tpu.memory_space<hbm>>
        tpu.enqueue_dma source(%dma_start3A_65 : memref<4096xi32, #tpu.memory_space<hbm>>) target(%arg7 : memref<4096xi32, #tpu.memory_space<vmem>>) target_semaphore(%run_scoped3A : memref<!tpu.dma_semaphore, #tpu.memory_space<semaphore_mem>>)
        %dma_wait3A = tpu.memref_slice %arg4[%add3A_56] : memref<327680xi32, #tpu.memory_space<hbm>> -> memref<4096xi32, #tpu.memory_space<hbm>>
        %dma_wait3A_66 = tpu.memref_slice %arg4[%add3A_56] : memref<327680xi32, #tpu.memory_space<hbm>> -> memref<4096xi32, #tpu.memory_space<hbm>>
        tpu.wait_dma2 semaphore(%run_scoped3A : memref<!tpu.dma_semaphore, #tpu.memory_space<semaphore_mem>>) src(%dma_wait3A_66 : memref<4096xi32, #tpu.memory_space<hbm>>) dst(%arg7 : memref<4096xi32, #tpu.memory_space<vmem>>)
        tpu.yield
      }) : () -> ()
      %scan3A_57 = arith.constant 0 : i32
      %scan3A_58 = arith.constant 0 : i32
      %scan3A_59 = arith.constant 32 : i32
      %scan3A_60 = arith.addi %scan3A_58, %scan3A_59 : i32
      %scan3A_61 = arith.constant 1 : i32
      %scan3A_62 = scf.for %scan3A_65 = %scan3A_58 to %scan3A_60 step %scan3A_61 iter_args(%scan3A_66 = %scan3A_57) -> (i32)  : i32 {
        %mul3A_67 = arith.constant 128 : i32
        %mul3A_68 = arith.muli %scan3A_65, %mul3A_67 : i32
        %add3A_69 = arith.constant 0 : i32
        %add3A_70 = arith.addi %mul3A_68, %add3A_69 : i32
        %get3A = arith.index_cast %add3A_70 : i32 to index
        %get3A_71 = tpu.vector_load %arg6[%get3A] {strides = array<i32>} : memref<4096xi32, #tpu.memory_space<vmem>>, vector<16xi32>,
        %get3A_72 = vector.shape_cast %get3A_71 : vector<16xi32> to vector<16xi32>
        %add3A_73 = vector.broadcast %mul3A_20 : i32 to vector<16xi32>
        %add3A_74 = arith.addi %get3A_72, %add3A_73 : vector<16xi32>
        %swap3A = arith.constant 0 : index
        %swap3A_75 = tpu.vector_load %arg8[%swap3A] {strides = array<i32>} : memref<128xi32, #tpu.memory_space<vmem>>, vector<16xi32>,
        %swap3A_76 = vector.shape_cast %swap3A_75 : vector<16xi32> to vector<16xi32>
        %swap3A_77 = vector.shape_cast %add3A_74 : vector<16xi32> to vector<16xi32>
        tpu.vector_store %arg8[%swap3A], %swap3A_77 {strides = array<i32>} : memref<128xi32, #tpu.memory_space<vmem>>, vector<16xi32>,
        %add3A_78 = arith.constant 0 : i32
        %add3A_79 = arith.addi %mul3A_68, %add3A_78 : i32
        %get3A_80 = arith.index_cast %add3A_79 : i32 to index
        %get3A_81 = tpu.vector_load %arg7[%get3A_80] {strides = array<i32>} : memref<4096xi32, #tpu.memory_space<vmem>>, vector<16xi32>,
        %get3A_82 = vector.shape_cast %get3A_81 : vector<16xi32> to vector<16xi32>
        %swap3A_83 = arith.constant 0 : index
        %swap3A_84 = tpu.vector_load %arg9[%swap3A_83] {strides = array<i32>} : memref<128xi32, #tpu.memory_space<vmem>>, vector<16xi32>,
        %swap3A_85 = vector.shape_cast %swap3A_84 : vector<16xi32> to vector<16xi32>
        %swap3A_86 = vector.shape_cast %get3A_82 : vector<16xi32> to vector<16xi32>
        tpu.vector_store %arg9[%swap3A_83], %swap3A_86 {strides = array<i32>} : memref<128xi32, #tpu.memory_space<vmem>>, vector<16xi32>,
        %add3A_87 = arith.constant 16 : i32
        %add3A_88 = arith.addi %mul3A_68, %add3A_87 : i32
        %get3A_89 = arith.index_cast %add3A_88 : i32 to index
        %get3A_90 = tpu.vector_load %arg6[%get3A_89] {strides = array<i32>} : memref<4096xi32, #tpu.memory_space<vmem>>, vector<16xi32>,
        %get3A_91 = vector.shape_cast %get3A_90 : vector<16xi32> to vector<16xi32>
        %add3A_92 = vector.broadcast %mul3A_20 : i32 to vector<16xi32>
        %add3A_93 = arith.addi %get3A_91, %add3A_92 : vector<16xi32>
        %swap3A_94 = arith.constant 16 : index
        %swap3A_95 = tpu.vector_load %arg8[%swap3A_94] {strides = array<i32>} : memref<128xi32, #tpu.memory_space<vmem>>, vector<16xi32>,
        %swap3A_96 = vector.shape_cast %swap3A_95 : vector<16xi32> to vector<16xi32>
        %swap3A_97 = vector.shape_cast %add3A_93 : vector<16xi32> to vector<16xi32>
        tpu.vector_store %arg8[%swap3A_94], %swap3A_97 {strides = array<i32>} : memref<128xi32, #tpu.memory_space<vmem>>, vector<16xi32>,
        %add3A_98 = arith.constant 16 : i32
        %add3A_99 = arith.addi %mul3A_68, %add3A_98 : i32
        %get3A_100 = arith.index_cast %add3A_99 : i32 to index
        %get3A_101 = tpu.vector_load %arg7[%get3A_100] {strides = array<i32>} : memref<4096xi32, #tpu.memory_space<vmem>>, vector<16xi32>,
        %get3A_102 = vector.shape_cast %get3A_101 : vector<16xi32> to vector<16xi32>
        %swap3A_103 = arith.constant 16 : index
        %swap3A_104 = tpu.vector_load %arg9[%swap3A_103] {strides = array<i32>} : memref<128xi32, #tpu.memory_space<vmem>>, vector<16xi32>,
        %swap3A_105 = vector.shape_cast %swap3A_104 : vector<16xi32> to vector<16xi32>
        %swap3A_106 = vector.shape_cast %get3A_102 : vector<16xi32> to vector<16xi32>
        tpu.vector_store %arg9[%swap3A_103], %swap3A_106 {strides = array<i32>} : memref<128xi32, #tpu.memory_space<vmem>>, vector<16xi32>,
        %add3A_107 = arith.constant 32 : i32
        %add3A_108 = arith.addi %mul3A_68, %add3A_107 : i32
        %get3A_109 = arith.index_cast %add3A_108 : i32 to index
        %get3A_110 = tpu.vector_load %arg6[%get3A_109] {strides = array<i32>} : memref<4096xi32, #tpu.memory_space<vmem>>, vector<16xi32>,
        %get3A_111 = vector.shape_cast %get3A_110 : vector<16xi32> to vector<16xi32>
        %add3A_112 = vector.broadcast %mul3A_20 : i32 to vector<16xi32>
        %add3A_113 = arith.addi %get3A_111, %add3A_112 : vector<16xi32>
        %swap3A_114 = arith.constant 32 : index
        %swap3A_115 = tpu.vector_load %arg8[%swap3A_114] {strides = array<i32>} : memref<128xi32, #tpu.memory_space<vmem>>, vector<16xi32>,
        %swap3A_116 = vector.shape_cast %swap3A_115 : vector<16xi32> to vector<16xi32>
        %swap3A_117 = vector.shape_cast %add3A_113 : vector<16xi32> to vector<16xi32>
        tpu.vector_store %arg8[%swap3A_114], %swap3A_117 {strides = array<i32>} : memref<128xi32, #tpu.memory_space<vmem>>, vector<16xi32>,
        %add3A_118 = arith.constant 32 : i32
        %add3A_119 = arith.addi %mul3A_68, %add3A_118 : i32
        %get3A_120 = arith.index_cast %add3A_119 : i32 to index
        %get3A_121 = tpu.vector_load %arg7[%get3A_120] {strides = array<i32>} : memref<4096xi32, #tpu.memory_space<vmem>>, vector<16xi32>,
        %get3A_122 = vector.shape_cast %get3A_121 : vector<16xi32> to vector<16xi32>
        %swap3A_123 = arith.constant 32 : index
        %swap3A_124 = tpu.vector_load %arg9[%swap3A_123] {strides = array<i32>} : memref<128xi32, #tpu.memory_space<vmem>>, vector<16xi32>,
        %swap3A_125 = vector.shape_cast %swap3A_124 : vector<16xi32> to vector<16xi32>
        %swap3A_126 = vector.shape_cast %get3A_122 : vector<16xi32> to vector<16xi32>
        tpu.vector_store %arg9[%swap3A_123], %swap3A_126 {strides = array<i32>} : memref<128xi32, #tpu.memory_space<vmem>>, vector<16xi32>,
        %add3A_127 = arith.constant 48 : i32
        %add3A_128 = arith.addi %mul3A_68, %add3A_127 : i32
        %get3A_129 = arith.index_cast %add3A_128 : i32 to index
        %get3A_130 = tpu.vector_load %arg6[%get3A_129] {strides = array<i32>} : memref<4096xi32, #tpu.memory_space<vmem>>, vector<16xi32>,
        %get3A_131 = vector.shape_cast %get3A_130 : vector<16xi32> to vector<16xi32>
        %add3A_132 = vector.broadcast %mul3A_20 : i32 to vector<16xi32>
        %add3A_133 = arith.addi %get3A_131, %add3A_132 : vector<16xi32>
        %swap3A_134 = arith.constant 48 : index
        %swap3A_135 = tpu.vector_load %arg8[%swap3A_134] {strides = array<i32>} : memref<128xi32, #tpu.memory_space<vmem>>, vector<16xi32>,
        %swap3A_136 = vector.shape_cast %swap3A_135 : vector<16xi32> to vector<16xi32>
        %swap3A_137 = vector.shape_cast %add3A_133 : vector<16xi32> to vector<16xi32>
        tpu.vector_store %arg8[%swap3A_134], %swap3A_137 {strides = array<i32>} : memref<128xi32, #tpu.memory_space<vmem>>, vector<16xi32>,
        %add3A_138 = arith.constant 48 : i32
        %add3A_139 = arith.addi %mul3A_68, %add3A_138 : i32
        %get3A_140 = arith.index_cast %add3A_139 : i32 to index
        %get3A_141 = tpu.vector_load %arg7[%get3A_140] {strides = array<i32>} : memref<4096xi32, #tpu.memory_space<vmem>>, vector<16xi32>,
        %get3A_142 = vector.shape_cast %get3A_141 : vector<16xi32> to vector<16xi32>
        %swap3A_143 = arith.constant 48 : index
        %swap3A_144 = tpu.vector_load %arg9[%swap3A_143] {strides = array<i32>} : memref<128xi32, #tpu.memory_space<vmem>>, vector<16xi32>,
        %swap3A_145 = vector.shape_cast %swap3A_144 : vector<16xi32> to vector<16xi32>
        %swap3A_146 = vector.shape_cast %get3A_142 : vector<16xi32> to vector<16xi32>
        tpu.vector_store %arg9[%swap3A_143], %swap3A_146 {strides = array<i32>} : memref<128xi32, #tpu.memory_space<vmem>>, vector<16xi32>,
        %add3A_147 = arith.constant 64 : i32
        %add3A_148 = arith.addi %mul3A_68, %add3A_147 : i32
        %get3A_149 = arith.index_cast %add3A_148 : i32 to index
        %get3A_150 = tpu.vector_load %arg6[%get3A_149] {strides = array<i32>} : memref<4096xi32, #tpu.memory_space<vmem>>, vector<16xi32>,
        %get3A_151 = vector.shape_cast %get3A_150 : vector<16xi32> to vector<16xi32>
        %add3A_152 = vector.broadcast %mul3A_20 : i32 to vector<16xi32>
        %add3A_153 = arith.addi %get3A_151, %add3A_152 : vector<16xi32>
        %swap3A_154 = arith.constant 64 : index
        %swap3A_155 = tpu.vector_load %arg8[%swap3A_154] {strides = array<i32>} : memref<128xi32, #tpu.memory_space<vmem>>, vector<16xi32>,
        %swap3A_156 = vector.shape_cast %swap3A_155 : vector<16xi32> to vector<16xi32>
        %swap3A_157 = vector.shape_cast %add3A_153 : vector<16xi32> to vector<16xi32>
        tpu.vector_store %arg8[%swap3A_154], %swap3A_157 {strides = array<i32>} : memref<128xi32, #tpu.memory_space<vmem>>, vector<16xi32>,
        %add3A_158 = arith.constant 64 : i32
        %add3A_159 = arith.addi %mul3A_68, %add3A_158 : i32
        %get3A_160 = arith.index_cast %add3A_159 : i32 to index
        %get3A_161 = tpu.vector_load %arg7[%get3A_160] {strides = array<i32>} : memref<4096xi32, #tpu.memory_space<vmem>>, vector<16xi32>,
        %get3A_162 = vector.shape_cast %get3A_161 : vector<16xi32> to vector<16xi32>
        %swap3A_163 = arith.constant 64 : index
        %swap3A_164 = tpu.vector_load %arg9[%swap3A_163] {strides = array<i32>} : memref<128xi32, #tpu.memory_space<vmem>>, vector<16xi32>,
        %swap3A_165 = vector.shape_cast %swap3A_164 : vector<16xi32> to vector<16xi32>
        %swap3A_166 = vector.shape_cast %get3A_162 : vector<16xi32> to vector<16xi32>
        tpu.vector_store %arg9[%swap3A_163], %swap3A_166 {strides = array<i32>} : memref<128xi32, #tpu.memory_space<vmem>>, vector<16xi32>,
        %add3A_167 = arith.constant 80 : i32
        %add3A_168 = arith.addi %mul3A_68, %add3A_167 : i32
        %get3A_169 = arith.index_cast %add3A_168 : i32 to index
        %get3A_170 = tpu.vector_load %arg6[%get3A_169] {strides = array<i32>} : memref<4096xi32, #tpu.memory_space<vmem>>, vector<16xi32>,
        %get3A_171 = vector.shape_cast %get3A_170 : vector<16xi32> to vector<16xi32>
        %add3A_172 = vector.broadcast %mul3A_20 : i32 to vector<16xi32>
        %add3A_173 = arith.addi %get3A_171, %add3A_172 : vector<16xi32>
        %swap3A_174 = arith.constant 80 : index
        %swap3A_175 = tpu.vector_load %arg8[%swap3A_174] {strides = array<i32>} : memref<128xi32, #tpu.memory_space<vmem>>, vector<16xi32>,
        %swap3A_176 = vector.shape_cast %swap3A_175 : vector<16xi32> to vector<16xi32>
        %swap3A_177 = vector.shape_cast %add3A_173 : vector<16xi32> to vector<16xi32>
        tpu.vector_store %arg8[%swap3A_174], %swap3A_177 {strides = array<i32>} : memref<128xi32, #tpu.memory_space<vmem>>, vector<16xi32>,
        %add3A_178 = arith.constant 80 : i32
        %add3A_179 = arith.addi %mul3A_68, %add3A_178 : i32
        %get3A_180 = arith.index_cast %add3A_179 : i32 to index
        %get3A_181 = tpu.vector_load %arg7[%get3A_180] {strides = array<i32>} : memref<4096xi32, #tpu.memory_space<vmem>>, vector<16xi32>,
        %get3A_182 = vector.shape_cast %get3A_181 : vector<16xi32> to vector<16xi32>
        %swap3A_183 = arith.constant 80 : index
        %swap3A_184 = tpu.vector_load %arg9[%swap3A_183] {strides = array<i32>} : memref<128xi32, #tpu.memory_space<vmem>>, vector<16xi32>,
        %swap3A_185 = vector.shape_cast %swap3A_184 : vector<16xi32> to vector<16xi32>
        %swap3A_186 = vector.shape_cast %get3A_182 : vector<16xi32> to vector<16xi32>
        tpu.vector_store %arg9[%swap3A_183], %swap3A_186 {strides = array<i32>} : memref<128xi32, #tpu.memory_space<vmem>>, vector<16xi32>,
        %add3A_187 = arith.constant 96 : i32
        %add3A_188 = arith.addi %mul3A_68, %add3A_187 : i32
        %get3A_189 = arith.index_cast %add3A_188 : i32 to index
        %get3A_190 = tpu.vector_load %arg6[%get3A_189] {strides = array<i32>} : memref<4096xi32, #tpu.memory_space<vmem>>, vector<16xi32>,
        %get3A_191 = vector.shape_cast %get3A_190 : vector<16xi32> to vector<16xi32>
        %add3A_192 = vector.broadcast %mul3A_20 : i32 to vector<16xi32>
        %add3A_193 = arith.addi %get3A_191, %add3A_192 : vector<16xi32>
        %swap3A_194 = arith.constant 96 : index
        %swap3A_195 = tpu.vector_load %arg8[%swap3A_194] {strides = array<i32>} : memref<128xi32, #tpu.memory_space<vmem>>, vector<16xi32>,
        %swap3A_196 = vector.shape_cast %swap3A_195 : vector<16xi32> to vector<16xi32>
        %swap3A_197 = vector.shape_cast %add3A_193 : vector<16xi32> to vector<16xi32>
        tpu.vector_store %arg8[%swap3A_194], %swap3A_197 {strides = array<i32>} : memref<128xi32, #tpu.memory_space<vmem>>, vector<16xi32>,
        %add3A_198 = arith.constant 96 : i32
        %add3A_199 = arith.addi %mul3A_68, %add3A_198 : i32
        %get3A_200 = arith.index_cast %add3A_199 : i32 to index
        %get3A_201 = tpu.vector_load %arg7[%get3A_200] {strides = array<i32>} : memref<4096xi32, #tpu.memory_space<vmem>>, vector<16xi32>,
        %get3A_202 = vector.shape_cast %get3A_201 : vector<16xi32> to vector<16xi32>
        %swap3A_203 = arith.constant 96 : index
        %swap3A_204 = tpu.vector_load %arg9[%swap3A_203] {strides = array<i32>} : memref<128xi32, #tpu.memory_space<vmem>>, vector<16xi32>,
        %swap3A_205 = vector.shape_cast %swap3A_204 : vector<16xi32> to vector<16xi32>
        %swap3A_206 = vector.shape_cast %get3A_202 : vector<16xi32> to vector<16xi32>
        tpu.vector_store %arg9[%swap3A_203], %swap3A_206 {strides = array<i32>} : memref<128xi32, #tpu.memory_space<vmem>>, vector<16xi32>,
        %add3A_207 = arith.constant 112 : i32
        %add3A_208 = arith.addi %mul3A_68, %add3A_207 : i32
        %get3A_209 = arith.index_cast %add3A_208 : i32 to index
        %get3A_210 = tpu.vector_load %arg6[%get3A_209] {strides = array<i32>} : memref<4096xi32, #tpu.memory_space<vmem>>, vector<16xi32>,
        %get3A_211 = vector.shape_cast %get3A_210 : vector<16xi32> to vector<16xi32>
        %add3A_212 = vector.broadcast %mul3A_20 : i32 to vector<16xi32>
        %add3A_213 = arith.addi %get3A_211, %add3A_212 : vector<16xi32>
        %swap3A_214 = arith.constant 112 : index
        %swap3A_215 = tpu.vector_load %arg8[%swap3A_214] {strides = array<i32>} : memref<128xi32, #tpu.memory_space<vmem>>, vector<16xi32>,
        %swap3A_216 = vector.shape_cast %swap3A_215 : vector<16xi32> to vector<16xi32>
        %swap3A_217 = vector.shape_cast %add3A_213 : vector<16xi32> to vector<16xi32>
        tpu.vector_store %arg8[%swap3A_214], %swap3A_217 {strides = array<i32>} : memref<128xi32, #tpu.memory_space<vmem>>, vector<16xi32>,
        %add3A_218 = arith.constant 112 : i32
        %add3A_219 = arith.addi %mul3A_68, %add3A_218 : i32
        %get3A_220 = arith.index_cast %add3A_219 : i32 to index
        %get3A_221 = tpu.vector_load %arg7[%get3A_220] {strides = array<i32>} : memref<4096xi32, #tpu.memory_space<vmem>>, vector<16xi32>,
        %get3A_222 = vector.shape_cast %get3A_221 : vector<16xi32> to vector<16xi32>
        %swap3A_223 = arith.constant 112 : index
        %swap3A_224 = tpu.vector_load %arg9[%swap3A_223] {strides = array<i32>} : memref<128xi32, #tpu.memory_space<vmem>>, vector<16xi32>,
        %swap3A_225 = vector.shape_cast %swap3A_224 : vector<16xi32> to vector<16xi32>
        %swap3A_226 = vector.shape_cast %get3A_222 : vector<16xi32> to vector<16xi32>
        tpu.vector_store %arg9[%swap3A_223], %swap3A_226 {strides = array<i32>} : memref<128xi32, #tpu.memory_space<vmem>>, vector<16xi32>,
        "tpu.region"() ({
          %run_scoped3A = tpu.sem_alloc : memref<!tpu.dma_semaphore, #tpu.memory_space<semaphore_mem>>
          %dma_start3A = arith.constant 0 : i32
          %dma_start3A_228 = arith.constant 0 : i32
          %dma_start3A_229 = tpu.memref_slice %arg2[%dma_start3A, %dma_start3A_228] : memref<20480x32xf32, #tpu.memory_space<hbm>> -> memref<20480x32xf32, #tpu.memory_space<hbm>>
          tpu.enqueue_indirect_dma source(%dma_start3A_229 : memref<20480x32xf32, #tpu.memory_space<hbm>>) target(%arg10 : memref<128x32xf32, #tpu.memory_space<vmem>>) offsets(%arg8 : memref<128xi32, #tpu.memory_space<vmem>>) semaphore(%run_scoped3A : memref<!tpu.dma_semaphore, #tpu.memory_space<semaphore_mem>>)
          %dma_wait3A = arith.constant 0 : i32
          %dma_wait3A_230 = arith.constant 0 : i32
          %dma_wait3A_231 = tpu.memref_slice %arg2[%dma_wait3A, %dma_wait3A_230] : memref<20480x32xf32, #tpu.memory_space<hbm>> -> memref<20480x32xf32, #tpu.memory_space<hbm>>
          tpu.wait_indirect_dma semaphore(%run_scoped3A : memref<!tpu.dma_semaphore, #tpu.memory_space<semaphore_mem>>) src(%dma_wait3A_231 : memref<20480x32xf32, #tpu.memory_space<hbm>>) dst(%arg10 : memref<128x32xf32, #tpu.memory_space<vmem>>)
          tpu.yield
        }) : () -> ()
        "tpu.region"() ({
          %run_scoped3A = tpu.sem_alloc : memref<!tpu.dma_semaphore, #tpu.memory_space<semaphore_mem>>
          %dma_start3A = arith.constant 0 : i32
          %dma_start3A_228 = arith.constant 0 : i32
          %dma_start3A_229 = tpu.memref_slice %arg11[%dma_start3A, %dma_start3A_228] : memref<10240x32xf32, #tpu.memory_space<vmem_shared>> -> memref<10240x32xf32, #tpu.memory_space<vmem_shared>>
          tpu.enqueue_indirect_dma source(%arg10 : memref<128x32xf32, #tpu.memory_space<vmem>>) target(%dma_start3A_229 : memref<10240x32xf32, #tpu.memory_space<vmem_shared>>) offsets(%arg9 : memref<128xi32, #tpu.memory_space<vmem>>) semaphore(%run_scoped3A : memref<!tpu.dma_semaphore, #tpu.memory_space<semaphore_mem>>) {add = true}
          %dma_wait3A = arith.constant 0 : i32
          %dma_wait3A_230 = arith.constant 0 : i32
          %dma_wait3A_231 = tpu.memref_slice %arg11[%dma_wait3A, %dma_wait3A_230] : memref<10240x32xf32, #tpu.memory_space<vmem_shared>> -> memref<10240x32xf32, #tpu.memory_space<vmem_shared>>
          tpu.wait_indirect_dma semaphore(%run_scoped3A : memref<!tpu.dma_semaphore, #tpu.memory_space<semaphore_mem>>) src(%arg10 : memref<128x32xf32, #tpu.memory_space<vmem>>) dst(%dma_wait3A_231 : memref<10240x32xf32, #tpu.memory_space<vmem_shared>>)
          tpu.yield
        }) : () -> ()
        %scan3A_227 = arith.constant 0 : i32
        scf.yield %scan3A_227 : i32
      }
      %scan3A_63 = arith.constant 32 : i32
      %scan3A_64 = arith.constant 0 : i32
      scf.yield %scan3A_64 : i32
    }
    %scan3A_27 = arith.constant 5 : i32
    %barrier3A_28 = arith.constant 0 : index
    tpu.barrier barrier_id(%barrier3A_28)
    %mul3A_29 = arith.constant 10240 : i32
    %mul3A_30 = arith.muli %arg0, %mul3A_29 : i32
    %add3A_31 = arith.addi %mul3A_30, %mul3A_7 : i32
    %add3A_32 = arith.constant 0 : i32
    %add3A_33 = arith.addi %mul3A_7, %add3A_32 : i32
    "tpu.region"() ({
      %run_scoped3A = tpu.sem_alloc : memref<!tpu.dma_semaphore, #tpu.memory_space<semaphore_mem>>
      %dma_start3A = arith.constant 0 : i32
      %dma_start3A_52 = tpu.memref_slice %arg11[%add3A_33, %dma_start3A] : memref<10240x32xf32, #tpu.memory_space<vmem_shared>> -> memref<128x32xf32, #tpu.memory_space<vmem_shared>>
      %dma_start3A_53 = arith.constant 0 : i32
      %dma_start3A_54 = tpu.memref_slice %arg11[%add3A_33, %dma_start3A_53] : memref<10240x32xf32, #tpu.memory_space<vmem_shared>> -> memref<128x32xf32, #tpu.memory_space<vmem_shared>>
      tpu.enqueue_dma source(%dma_start3A_54 : memref<128x32xf32, #tpu.memory_space<vmem_shared>>) target(%arg10 : memref<128x32xf32, #tpu.memory_space<vmem>>) target_semaphore(%run_scoped3A : memref<!tpu.dma_semaphore, #tpu.memory_space<semaphore_mem>>)
      %dma_wait3A = arith.constant 0 : i32
      %dma_wait3A_55 = tpu.memref_slice %arg11[%add3A_33, %dma_wait3A] : memref<10240x32xf32, #tpu.memory_space<vmem_shared>> -> memref<128x32xf32, #tpu.memory_space<vmem_shared>>
      %dma_wait3A_56 = arith.constant 0 : i32
      %dma_wait3A_57 = tpu.memref_slice %arg11[%add3A_33, %dma_wait3A_56] : memref<10240x32xf32, #tpu.memory_space<vmem_shared>> -> memref<128x32xf32, #tpu.memory_space<vmem_shared>>
      tpu.wait_dma2 semaphore(%run_scoped3A : memref<!tpu.dma_semaphore, #tpu.memory_space<semaphore_mem>>) src(%dma_wait3A_57 : memref<128x32xf32, #tpu.memory_space<vmem_shared>>) dst(%arg10 : memref<128x32xf32, #tpu.memory_space<vmem>>)
      tpu.yield
    }) : () -> ()
    %add3A_34 = arith.constant 0 : i32
    %add3A_35 = arith.addi %add3A_31, %add3A_34 : i32
    "tpu.region"() ({
      %run_scoped3A = tpu.sem_alloc : memref<!tpu.dma_semaphore, #tpu.memory_space<semaphore_mem>>
      %dma_start3A = arith.constant 0 : i32
      %dma_start3A_52 = tpu.memref_slice %arg5[%add3A_35, %dma_start3A] : memref<20480x32xf32, #tpu.memory_space<hbm>> -> memref<128x32xf32, #tpu.memory_space<hbm>>
      %dma_start3A_53 = arith.constant 0 : i32
      %dma_start3A_54 = tpu.memref_slice %arg5[%add3A_35, %dma_start3A_53] : memref<20480x32xf32, #tpu.memory_space<hbm>> -> memref<128x32xf32, #tpu.memory_space<hbm>>
      tpu.enqueue_dma source(%arg10 : memref<128x32xf32, #tpu.memory_space<vmem>>) target(%dma_start3A_54 : memref<128x32xf32, #tpu.memory_space<hbm>>) target_semaphore(%run_scoped3A : memref<!tpu.dma_semaphore, #tpu.memory_space<semaphore_mem>>)
      %dma_wait3A = arith.constant 0 : i32
      %dma_wait3A_55 = tpu.memref_slice %arg5[%add3A_35, %dma_wait3A] : memref<20480x32xf32, #tpu.memory_space<hbm>> -> memref<128x32xf32, #tpu.memory_space<hbm>>
      %dma_wait3A_56 = arith.constant 0 : i32
      %dma_wait3A_57 = tpu.memref_slice %arg5[%add3A_35, %dma_wait3A_56] : memref<20480x32xf32, #tpu.memory_space<hbm>> -> memref<128x32xf32, #tpu.memory_space<hbm>>
      tpu.wait_dma2 semaphore(%run_scoped3A : memref<!tpu.dma_semaphore, #tpu.memory_space<semaphore_mem>>) src(%arg10 : memref<128x32xf32, #tpu.memory_space<vmem>>) dst(%dma_wait3A_57 : memref<128x32xf32, #tpu.memory_space<hbm>>)
      tpu.yield
    }) : () -> ()
    %add3A_36 = arith.constant 128 : i32
    %add3A_37 = arith.addi %mul3A_7, %add3A_36 : i32
    "tpu.region"() ({
      %run_scoped3A = tpu.sem_alloc : memref<!tpu.dma_semaphore, #tpu.memory_space<semaphore_mem>>
      %dma_start3A = arith.constant 0 : i32
      %dma_start3A_52 = tpu.memref_slice %arg11[%add3A_37, %dma_start3A] : memref<10240x32xf32, #tpu.memory_space<vmem_shared>> -> memref<128x32xf32, #tpu.memory_space<vmem_shared>>
      %dma_start3A_53 = arith.constant 0 : i32
      %dma_start3A_54 = tpu.memref_slice %arg11[%add3A_37, %dma_start3A_53] : memref<10240x32xf32, #tpu.memory_space<vmem_shared>> -> memref<128x32xf32, #tpu.memory_space<vmem_shared>>
      tpu.enqueue_dma source(%dma_start3A_54 : memref<128x32xf32, #tpu.memory_space<vmem_shared>>) target(%arg10 : memref<128x32xf32, #tpu.memory_space<vmem>>) target_semaphore(%run_scoped3A : memref<!tpu.dma_semaphore, #tpu.memory_space<semaphore_mem>>)
      %dma_wait3A = arith.constant 0 : i32
      %dma_wait3A_55 = tpu.memref_slice %arg11[%add3A_37, %dma_wait3A] : memref<10240x32xf32, #tpu.memory_space<vmem_shared>> -> memref<128x32xf32, #tpu.memory_space<vmem_shared>>
      %dma_wait3A_56 = arith.constant 0 : i32
      %dma_wait3A_57 = tpu.memref_slice %arg11[%add3A_37, %dma_wait3A_56] : memref<10240x32xf32, #tpu.memory_space<vmem_shared>> -> memref<128x32xf32, #tpu.memory_space<vmem_shared>>
      tpu.wait_dma2 semaphore(%run_scoped3A : memref<!tpu.dma_semaphore, #tpu.memory_space<semaphore_mem>>) src(%dma_wait3A_57 : memref<128x32xf32, #tpu.memory_space<vmem_shared>>) dst(%arg10 : memref<128x32xf32, #tpu.memory_space<vmem>>)
      tpu.yield
    }) : () -> ()
    %add3A_38 = arith.constant 128 : i32
    %add3A_39 = arith.addi %add3A_31, %add3A_38 : i32
    "tpu.region"() ({
      %run_scoped3A = tpu.sem_alloc : memref<!tpu.dma_semaphore, #tpu.memory_space<semaphore_mem>>
      %dma_start3A = arith.constant 0 : i32
      %dma_start3A_52 = tpu.memref_slice %arg5[%add3A_39, %dma_start3A] : memref<20480x32xf32, #tpu.memory_space<hbm>> -> memref<128x32xf32, #tpu.memory_space<hbm>>
      %dma_start3A_53 = arith.constant 0 : i32
      %dma_start3A_54 = tpu.memref_slice %arg5[%add3A_39, %dma_start3A_53] : memref<20480x32xf32, #tpu.memory_space<hbm>> -> memref<128x32xf32, #tpu.memory_space<hbm>>
      tpu.enqueue_dma source(%arg10 : memref<128x32xf32, #tpu.memory_space<vmem>>) target(%dma_start3A_54 : memref<128x32xf32, #tpu.memory_space<hbm>>) target_semaphore(%run_scoped3A : memref<!tpu.dma_semaphore, #tpu.memory_space<semaphore_mem>>)
      %dma_wait3A = arith.constant 0 : i32
      %dma_wait3A_55 = tpu.memref_slice %arg5[%add3A_39, %dma_wait3A] : memref<20480x32xf32, #tpu.memory_space<hbm>> -> memref<128x32xf32, #tpu.memory_space<hbm>>
      %dma_wait3A_56 = arith.constant 0 : i32
      %dma_wait3A_57 = tpu.memref_slice %arg5[%add3A_39, %dma_wait3A_56] : memref<20480x32xf32, #tpu.memory_space<hbm>> -> memref<128x32xf32, #tpu.memory_space<hbm>>
      tpu.wait_dma2 semaphore(%run_scoped3A : memref<!tpu.dma_semaphore, #tpu.memory_space<semaphore_mem>>) src(%arg10 : memref<128x32xf32, #tpu.memory_space<vmem>>) dst(%dma_wait3A_57 : memref<128x32xf32, #tpu.memory_space<hbm>>)
      tpu.yield
    }) : () -> ()
    %add3A_40 = arith.constant 256 : i32
    %add3A_41 = arith.addi %mul3A_7, %add3A_40 : i32
    "tpu.region"() ({
      %run_scoped3A = tpu.sem_alloc : memref<!tpu.dma_semaphore, #tpu.memory_space<semaphore_mem>>
      %dma_start3A = arith.constant 0 : i32
      %dma_start3A_52 = tpu.memref_slice %arg11[%add3A_41, %dma_start3A] : memref<10240x32xf32, #tpu.memory_space<vmem_shared>> -> memref<128x32xf32, #tpu.memory_space<vmem_shared>>
      %dma_start3A_53 = arith.constant 0 : i32
      %dma_start3A_54 = tpu.memref_slice %arg11[%add3A_41, %dma_start3A_53] : memref<10240x32xf32, #tpu.memory_space<vmem_shared>> -> memref<128x32xf32, #tpu.memory_space<vmem_shared>>
      tpu.enqueue_dma source(%dma_start3A_54 : memref<128x32xf32, #tpu.memory_space<vmem_shared>>) target(%arg10 : memref<128x32xf32, #tpu.memory_space<vmem>>) target_semaphore(%run_scoped3A : memref<!tpu.dma_semaphore, #tpu.memory_space<semaphore_mem>>)
      %dma_wait3A = arith.constant 0 : i32
      %dma_wait3A_55 = tpu.memref_slice %arg11[%add3A_41, %dma_wait3A] : memref<10240x32xf32, #tpu.memory_space<vmem_shared>> -> memref<128x32xf32, #tpu.memory_space<vmem_shared>>
      %dma_wait3A_56 = arith.constant 0 : i32
      %dma_wait3A_57 = tpu.memref_slice %arg11[%add3A_41, %dma_wait3A_56] : memref<10240x32xf32, #tpu.memory_space<vmem_shared>> -> memref<128x32xf32, #tpu.memory_space<vmem_shared>>
      tpu.wait_dma2 semaphore(%run_scoped3A : memref<!tpu.dma_semaphore, #tpu.memory_space<semaphore_mem>>) src(%dma_wait3A_57 : memref<128x32xf32, #tpu.memory_space<vmem_shared>>) dst(%arg10 : memref<128x32xf32, #tpu.memory_space<vmem>>)
      tpu.yield
    }) : () -> ()
    %add3A_42 = arith.constant 256 : i32
    %add3A_43 = arith.addi %add3A_31, %add3A_42 : i32
    "tpu.region"() ({
      %run_scoped3A = tpu.sem_alloc : memref<!tpu.dma_semaphore, #tpu.memory_space<semaphore_mem>>
      %dma_start3A = arith.constant 0 : i32
      %dma_start3A_52 = tpu.memref_slice %arg5[%add3A_43, %dma_start3A] : memref<20480x32xf32, #tpu.memory_space<hbm>> -> memref<128x32xf32, #tpu.memory_space<hbm>>
      %dma_start3A_53 = arith.constant 0 : i32
      %dma_start3A_54 = tpu.memref_slice %arg5[%add3A_43, %dma_start3A_53] : memref<20480x32xf32, #tpu.memory_space<hbm>> -> memref<128x32xf32, #tpu.memory_space<hbm>>
      tpu.enqueue_dma source(%arg10 : memref<128x32xf32, #tpu.memory_space<vmem>>) target(%dma_start3A_54 : memref<128x32xf32, #tpu.memory_space<hbm>>) target_semaphore(%run_scoped3A : memref<!tpu.dma_semaphore, #tpu.memory_space<semaphore_mem>>)
      %dma_wait3A = arith.constant 0 : i32
      %dma_wait3A_55 = tpu.memref_slice %arg5[%add3A_43, %dma_wait3A] : memref<20480x32xf32, #tpu.memory_space<hbm>> -> memref<128x32xf32, #tpu.memory_space<hbm>>
      %dma_wait3A_56 = arith.constant 0 : i32
      %dma_wait3A_57 = tpu.memref_slice %arg5[%add3A_43, %dma_wait3A_56] : memref<20480x32xf32, #tpu.memory_space<hbm>> -> memref<128x32xf32, #tpu.memory_space<hbm>>
      tpu.wait_dma2 semaphore(%run_scoped3A : memref<!tpu.dma_semaphore, #tpu.memory_space<semaphore_mem>>) src(%arg10 : memref<128x32xf32, #tpu.memory_space<vmem>>) dst(%dma_wait3A_57 : memref<128x32xf32, #tpu.memory_space<hbm>>)
      tpu.yield
    }) : () -> ()
    %add3A_44 = arith.constant 384 : i32
    %add3A_45 = arith.addi %mul3A_7, %add3A_44 : i32
    "tpu.region"() ({
      %run_scoped3A = tpu.sem_alloc : memref<!tpu.dma_semaphore, #tpu.memory_space<semaphore_mem>>
      %dma_start3A = arith.constant 0 : i32
      %dma_start3A_52 = tpu.memref_slice %arg11[%add3A_45, %dma_start3A] : memref<10240x32xf32, #tpu.memory_space<vmem_shared>> -> memref<128x32xf32, #tpu.memory_space<vmem_shared>>
      %dma_start3A_53 = arith.constant 0 : i32
      %dma_start3A_54 = tpu.memref_slice %arg11[%add3A_45, %dma_start3A_53] : memref<10240x32xf32, #tpu.memory_space<vmem_shared>> -> memref<128x32xf32, #tpu.memory_space<vmem_shared>>
      tpu.enqueue_dma source(%dma_start3A_54 : memref<128x32xf32, #tpu.memory_space<vmem_shared>>) target(%arg10 : memref<128x32xf32, #tpu.memory_space<vmem>>) target_semaphore(%run_scoped3A : memref<!tpu.dma_semaphore, #tpu.memory_space<semaphore_mem>>)
      %dma_wait3A = arith.constant 0 : i32
      %dma_wait3A_55 = tpu.memref_slice %arg11[%add3A_45, %dma_wait3A] : memref<10240x32xf32, #tpu.memory_space<vmem_shared>> -> memref<128x32xf32, #tpu.memory_space<vmem_shared>>
      %dma_wait3A_56 = arith.constant 0 : i32
      %dma_wait3A_57 = tpu.memref_slice %arg11[%add3A_45, %dma_wait3A_56] : memref<10240x32xf32, #tpu.memory_space<vmem_shared>> -> memref<128x32xf32, #tpu.memory_space<vmem_shared>>
      tpu.wait_dma2 semaphore(%run_scoped3A : memref<!tpu.dma_semaphore, #tpu.memory_space<semaphore_mem>>) src(%dma_wait3A_57 : memref<128x32xf32, #tpu.memory_space<vmem_shared>>) dst(%arg10 : memref<128x32xf32, #tpu.memory_space<vmem>>)
      tpu.yield
    }) : () -> ()
    %add3A_46 = arith.constant 384 : i32
    %add3A_47 = arith.addi %add3A_31, %add3A_46 : i32
    "tpu.region"() ({
      %run_scoped3A = tpu.sem_alloc : memref<!tpu.dma_semaphore, #tpu.memory_space<semaphore_mem>>
      %dma_start3A = arith.constant 0 : i32
      %dma_start3A_52 = tpu.memref_slice %arg5[%add3A_47, %dma_start3A] : memref<20480x32xf32, #tpu.memory_space<hbm>> -> memref<128x32xf32, #tpu.memory_space<hbm>>
      %dma_start3A_53 = arith.constant 0 : i32
      %dma_start3A_54 = tpu.memref_slice %arg5[%add3A_47, %dma_start3A_53] : memref<20480x32xf32, #tpu.memory_space<hbm>> -> memref<128x32xf32, #tpu.memory_space<hbm>>
      tpu.enqueue_dma source(%arg10 : memref<128x32xf32, #tpu.memory_space<vmem>>) target(%dma_start3A_54 : memref<128x32xf32, #tpu.memory_space<hbm>>) target_semaphore(%run_scoped3A : memref<!tpu.dma_semaphore, #tpu.memory_space<semaphore_mem>>)
      %dma_wait3A = arith.constant 0 : i32
      %dma_wait3A_55 = tpu.memref_slice %arg5[%add3A_47, %dma_wait3A] : memref<20480x32xf32, #tpu.memory_space<hbm>> -> memref<128x32xf32, #tpu.memory_space<hbm>>
      %dma_wait3A_56 = arith.constant 0 : i32
      %dma_wait3A_57 = tpu.memref_slice %arg5[%add3A_47, %dma_wait3A_56] : memref<20480x32xf32, #tpu.memory_space<hbm>> -> memref<128x32xf32, #tpu.memory_space<hbm>>
      tpu.wait_dma2 semaphore(%run_scoped3A : memref<!tpu.dma_semaphore, #tpu.memory_space<semaphore_mem>>) src(%arg10 : memref<128x32xf32, #tpu.memory_space<vmem>>) dst(%dma_wait3A_57 : memref<128x32xf32, #tpu.memory_space<hbm>>)
      tpu.yield
    }) : () -> ()
    %add3A_48 = arith.constant 512 : i32
    %add3A_49 = arith.addi %mul3A_7, %add3A_48 : i32
    "tpu.region"() ({
      %run_scoped3A = tpu.sem_alloc : memref<!tpu.dma_semaphore, #tpu.memory_space<semaphore_mem>>
      %dma_start3A = arith.constant 0 : i32
      %dma_start3A_52 = tpu.memref_slice %arg11[%add3A_49, %dma_start3A] : memref<10240x32xf32, #tpu.memory_space<vmem_shared>> -> memref<128x32xf32, #tpu.memory_space<vmem_shared>>
      %dma_start3A_53 = arith.constant 0 : i32
      %dma_start3A_54 = tpu.memref_slice %arg11[%add3A_49, %dma_start3A_53] : memref<10240x32xf32, #tpu.memory_space<vmem_shared>> -> memref<128x32xf32, #tpu.memory_space<vmem_shared>>
      tpu.enqueue_dma source(%dma_start3A_54 : memref<128x32xf32, #tpu.memory_space<vmem_shared>>) target(%arg10 : memref<128x32xf32, #tpu.memory_space<vmem>>) target_semaphore(%run_scoped3A : memref<!tpu.dma_semaphore, #tpu.memory_space<semaphore_mem>>)
      %dma_wait3A = arith.constant 0 : i32
      %dma_wait3A_55 = tpu.memref_slice %arg11[%add3A_49, %dma_wait3A] : memref<10240x32xf32, #tpu.memory_space<vmem_shared>> -> memref<128x32xf32, #tpu.memory_space<vmem_shared>>
      %dma_wait3A_56 = arith.constant 0 : i32
      %dma_wait3A_57 = tpu.memref_slice %arg11[%add3A_49, %dma_wait3A_56] : memref<10240x32xf32, #tpu.memory_space<vmem_shared>> -> memref<128x32xf32, #tpu.memory_space<vmem_shared>>
      tpu.wait_dma2 semaphore(%run_scoped3A : memref<!tpu.dma_semaphore, #tpu.memory_space<semaphore_mem>>) src(%dma_wait3A_57 : memref<128x32xf32, #tpu.memory_space<vmem_shared>>) dst(%arg10 : memref<128x32xf32, #tpu.memory_space<vmem>>)
      tpu.yield
    }) : () -> ()
    %add3A_50 = arith.constant 512 : i32
    %add3A_51 = arith.addi %add3A_31, %add3A_50 : i32
    "tpu.region"() ({
      %run_scoped3A = tpu.sem_alloc : memref<!tpu.dma_semaphore, #tpu.memory_space<semaphore_mem>>
      %dma_start3A = arith.constant 0 : i32
      %dma_start3A_52 = tpu.memref_slice %arg5[%add3A_51, %dma_start3A] : memref<20480x32xf32, #tpu.memory_space<hbm>> -> memref<128x32xf32, #tpu.memory_space<hbm>>
      %dma_start3A_53 = arith.constant 0 : i32
      %dma_start3A_54 = tpu.memref_slice %arg5[%add3A_51, %dma_start3A_53] : memref<20480x32xf32, #tpu.memory_space<hbm>> -> memref<128x32xf32, #tpu.memory_space<hbm>>
      tpu.enqueue_dma source(%arg10 : memref<128x32xf32, #tpu.memory_space<vmem>>) target(%dma_start3A_54 : memref<128x32xf32, #tpu.memory_space<hbm>>) target_semaphore(%run_scoped3A : memref<!tpu.dma_semaphore, #tpu.memory_space<semaphore_mem>>)
      %dma_wait3A = arith.constant 0 : i32
      %dma_wait3A_55 = tpu.memref_slice %arg5[%add3A_51, %dma_wait3A] : memref<20480x32xf32, #tpu.memory_space<hbm>> -> memref<128x32xf32, #tpu.memory_space<hbm>>
      %dma_wait3A_56 = arith.constant 0 : i32
      %dma_wait3A_57 = tpu.memref_slice %arg5[%add3A_51, %dma_wait3A_56] : memref<20480x32xf32, #tpu.memory_space<hbm>> -> memref<128x32xf32, #tpu.memory_space<hbm>>
      tpu.wait_dma2 semaphore(%run_scoped3A : memref<!tpu.dma_semaphore, #tpu.memory_space<semaphore_mem>>) src(%arg10 : memref<128x32xf32, #tpu.memory_space<vmem>>) dst(%dma_wait3A_57 : memref<128x32xf32, #tpu.memory_space<hbm>>)
      tpu.yield
    }) : () -> ()
    return
  }
}

module attributes {stable_mosaic.version = 14 : i64} {
  func.func @body(%arg0: i32, %arg1: i32, %arg2: memref<2x512x64xf32, #tpu.memory_space<vmem>>, %arg3: memref<2x512x64xf32, #tpu.memory_space<vmem>>, %arg4: memref<512x1xf32, #tpu.memory_space<vmem>>, %arg5: memref<128x128xf32, #tpu.memory_space<vmem>>, %arg6: memref<128x128xf32, #tpu.memory_space<vmem>>, %arg7: memref<1x128xf32, #tpu.memory_space<vmem>>, %arg8: memref<1x512x128xf32, #tpu.memory_space<vmem>>) attributes {dimension_semantics = [#tpu.dimension_semantics<arbitrary>, #tpu.dimension_semantics<arbitrary>], iteration_bounds = array<i64: 2, 20>, scalar_prefetch = 0 : i64, scratch_operands = 0 : i64, tpu.core_type = #tpu.core_type<tc>, window_params = [{transform_indices = @transform_0, window_bounds = array<i64: 2, 512, 64>}, {transform_indices = @transform_1, window_bounds = array<i64: 2, 512, 64>}, {transform_indices = @transform_2, window_bounds = array<i64: 512, 1>}, {transform_indices = @transform_3, window_bounds = array<i64: 128, 128>}, {transform_indices = @transform_4, window_bounds = array<i64: 128, 128>}, {transform_indices = @transform_5, window_bounds = array<i64: 1, 128>}, {transform_indices = @transform_6, window_bounds = array<i64: 1, 512, 128>}]} {
    %get3A = arith.constant 0 : index
    %get3A_0 = arith.constant 0 : index
    %get3A_1 = vector.load %arg4[%get3A, %get3A_0] : memref<512x1xf32, #tpu.memory_space<vmem>>, vector<512x1xf32>
    %max3A = arith.constant 1.000000e+00 : f32
    %max3A_2 = vector.broadcast %max3A : f32 to vector<512x1xf32>
    %max3A_3 = arith.maximumf %get3A_1, %max3A_2 : vector<512x1xf32>
    %div3A = arith.constant 1.000000e+00 : f32
    %div3A_4 = vector.broadcast %div3A : f32 to vector<512x1xf32>
    %div3A_5 = arith.divf %div3A_4, %max3A_3 : vector<512x1xf32>
    %get3A_6 = arith.constant 0 : index
    %get3A_7 = arith.constant 0 : index
    %get3A_8 = arith.constant 0 : index
    %get3A_9 = vector.load %arg2[%get3A_6, %get3A_7, %get3A_8] : memref<2x512x64xf32, #tpu.memory_space<vmem>>, vector<1x512x64xf32>
    %get3A_10 = vector.shape_cast %get3A_9 : vector<1x512x64xf32> to vector<512x64xf32>
    %get3A_11 = arith.constant 0 : index
    %get3A_12 = arith.constant 0 : index
    %get3A_13 = vector.load %arg5[%get3A_11, %get3A_12] : memref<128x128xf32, #tpu.memory_space<vmem>>, vector<64x128xf32>
    %dot_general3A = arith.constant dense<0.000000e+00> : vector<512x128xf32>
    %dot_general3A_14 = tpu.matmul %get3A_10, %get3A_13, %dot_general3A {dimension_numbers = #tpu.dot_dimension_numbers<[1], [0], [0], [1], [0, 0, 1, 1], [], []>, transpose_lhs_hint = false} : vector<512x64xf32>, vector<64x128xf32>, vector<512x128xf32> -> vector<512x128xf32>
    %get3A_15 = arith.constant 1 : index
    %get3A_16 = arith.constant 0 : index
    %get3A_17 = arith.constant 0 : index
    %get3A_18 = vector.load %arg2[%get3A_15, %get3A_16, %get3A_17] : memref<2x512x64xf32, #tpu.memory_space<vmem>>, vector<1x512x64xf32>
    %get3A_19 = vector.shape_cast %get3A_18 : vector<1x512x64xf32> to vector<512x64xf32>
    %get3A_20 = arith.constant 64 : index
    %get3A_21 = arith.constant 0 : index
    %get3A_22 = vector.load %arg5[%get3A_20, %get3A_21] : memref<128x128xf32, #tpu.memory_space<vmem>>, vector<64x128xf32>
    %dot_general3A_23 = arith.constant dense<0.000000e+00> : vector<512x128xf32>
    %dot_general3A_24 = tpu.matmul %get3A_19, %get3A_22, %dot_general3A_23 {dimension_numbers = #tpu.dot_dimension_numbers<[1], [0], [0], [1], [0, 0, 1, 1], [], []>, transpose_lhs_hint = false} : vector<512x64xf32>, vector<64x128xf32>, vector<512x128xf32> -> vector<512x128xf32>
    %add3A = arith.addf %dot_general3A_14, %dot_general3A_24 : vector<512x128xf32>
    %get3A_25 = arith.constant 0 : index
    %get3A_26 = arith.constant 0 : index
    %get3A_27 = arith.constant 0 : index
    %get3A_28 = vector.load %arg3[%get3A_25, %get3A_26, %get3A_27] : memref<2x512x64xf32, #tpu.memory_space<vmem>>, vector<1x512x64xf32>
    %get3A_29 = vector.shape_cast %get3A_28 : vector<1x512x64xf32> to vector<512x64xf32>
    %mul3A = vector.broadcast %div3A_5 : vector<512x1xf32> to vector<512x64xf32>
    %mul3A_30 = arith.mulf %get3A_29, %mul3A : vector<512x64xf32>
    %get3A_31 = arith.constant 0 : index
    %get3A_32 = arith.constant 0 : index
    %get3A_33 = vector.load %arg6[%get3A_31, %get3A_32] : memref<128x128xf32, #tpu.memory_space<vmem>>, vector<64x128xf32>
    %dot_general3A_34 = arith.constant dense<0.000000e+00> : vector<512x128xf32>
    %dot_general3A_35 = tpu.matmul %mul3A_30, %get3A_33, %dot_general3A_34 {dimension_numbers = #tpu.dot_dimension_numbers<[1], [0], [0], [1], [0, 0, 1, 1], [], []>, transpose_lhs_hint = false} : vector<512x64xf32>, vector<64x128xf32>, vector<512x128xf32> -> vector<512x128xf32>
    %add3A_36 = arith.addf %add3A, %dot_general3A_35 : vector<512x128xf32>
    %get3A_37 = arith.constant 1 : index
    %get3A_38 = arith.constant 0 : index
    %get3A_39 = arith.constant 0 : index
    %get3A_40 = vector.load %arg3[%get3A_37, %get3A_38, %get3A_39] : memref<2x512x64xf32, #tpu.memory_space<vmem>>, vector<1x512x64xf32>
    %get3A_41 = vector.shape_cast %get3A_40 : vector<1x512x64xf32> to vector<512x64xf32>
    %mul3A_42 = vector.broadcast %div3A_5 : vector<512x1xf32> to vector<512x64xf32>
    %mul3A_43 = arith.mulf %get3A_41, %mul3A_42 : vector<512x64xf32>
    %get3A_44 = arith.constant 64 : index
    %get3A_45 = arith.constant 0 : index
    %get3A_46 = vector.load %arg6[%get3A_44, %get3A_45] : memref<128x128xf32, #tpu.memory_space<vmem>>, vector<64x128xf32>
    %dot_general3A_47 = arith.constant dense<0.000000e+00> : vector<512x128xf32>
    %dot_general3A_48 = tpu.matmul %mul3A_43, %get3A_46, %dot_general3A_47 {dimension_numbers = #tpu.dot_dimension_numbers<[1], [0], [0], [1], [0, 0, 1, 1], [], []>, transpose_lhs_hint = false} : vector<512x64xf32>, vector<64x128xf32>, vector<512x128xf32> -> vector<512x128xf32>
    %add3A_49 = arith.addf %add3A_36, %dot_general3A_48 : vector<512x128xf32>
    %get3A_50 = arith.constant 0 : index
    %get3A_51 = arith.constant 0 : index
    %get3A_52 = vector.load %arg7[%get3A_50, %get3A_51] : memref<1x128xf32, #tpu.memory_space<vmem>>, vector<1x128xf32>
    %add3A_53 = vector.broadcast %get3A_52 : vector<1x128xf32> to vector<512x128xf32>
    %add3A_54 = arith.addf %add3A_49, %add3A_53 : vector<512x128xf32>
    %max3A_55 = arith.constant 0.000000e+00 : f32
    %max3A_56 = vector.broadcast %max3A_55 : f32 to vector<512x128xf32>
    %max3A_57 = arith.maximumf %add3A_54, %max3A_56 : vector<512x128xf32>
    %swap3A = arith.constant 0 : index
    %swap3A_58 = arith.constant 0 : index
    %swap3A_59 = arith.constant 0 : index
    %swap3A_60 = vector.load %arg8[%swap3A, %swap3A_58, %swap3A_59] : memref<1x512x128xf32, #tpu.memory_space<vmem>>, vector<1x512x128xf32>
    %swap3A_61 = vector.shape_cast %swap3A_60 : vector<1x512x128xf32> to vector<512x128xf32>
    %swap3A_62 = vector.shape_cast %max3A_57 : vector<512x128xf32> to vector<1x512x128xf32>
    tpu.vector_store %arg8[%swap3A, %swap3A_58, %swap3A_59], %swap3A_62 {strides = array<i32>} : memref<1x512x128xf32, #tpu.memory_space<vmem>>, vector<1x512x128xf32>,
    return
  }
  func.func @transform_0(%arg0: i32, %arg1: i32) -> (i32, i32, i32) {
    %c0_i32 = arith.constant 0 : i32
    %c0_i32_0 = arith.constant 0 : i32
    %c0_i32_1 = arith.constant 0 : i32
    return %c0_i32, %arg1, %c0_i32_0 : i32, i32, i32
  }
  func.func @transform_1(%arg0: i32, %arg1: i32) -> (i32, i32, i32) {
    %c0_i32 = arith.constant 0 : i32
    %c0_i32_0 = arith.constant 0 : i32
    %c0_i32_1 = arith.constant 0 : i32
    return %c0_i32, %arg1, %c0_i32_0 : i32, i32, i32
  }
  func.func @transform_2(%arg0: i32, %arg1: i32) -> (i32, i32) {
    %c0_i32 = arith.constant 0 : i32
    %c0_i32_0 = arith.constant 0 : i32
    return %arg1, %c0_i32 : i32, i32
  }
  func.func @transform_3(%arg0: i32, %arg1: i32) -> (i32, i32) {
    %c0_i32 = arith.constant 0 : i32
    %c0_i32_0 = arith.constant 0 : i32
    return %c0_i32, %arg0 : i32, i32
  }
  func.func @transform_4(%arg0: i32, %arg1: i32) -> (i32, i32) {
    %c0_i32 = arith.constant 0 : i32
    %c0_i32_0 = arith.constant 0 : i32
    return %c0_i32, %arg0 : i32, i32
  }
  func.func @transform_5(%arg0: i32, %arg1: i32) -> (i32, i32) {
    %c0_i32 = arith.constant 0 : i32
    %c0_i32_0 = arith.constant 0 : i32
    return %c0_i32, %arg0 : i32, i32
  }
  func.func @transform_6(%arg0: i32, %arg1: i32) -> (i32, i32, i32) {
    %c0_i32 = arith.constant 0 : i32
    %c0_i32_0 = arith.constant 0 : i32
    return %arg0, %arg1, %c0_i32 : i32, i32, i32
  }
}

module attributes {stable_mosaic.version = 14 : i64} {
  func.func @body(%arg0: i32, %arg1: i32, %arg2: memref<2x512x128xf32, #tpu.memory_space<vmem>>, %arg3: memref<2x512x128xf32, #tpu.memory_space<vmem>>, %arg4: memref<512x1xf32, #tpu.memory_space<vmem>>, %arg5: memref<256x128xf32, #tpu.memory_space<vmem>>, %arg6: memref<256x128xf32, #tpu.memory_space<vmem>>, %arg7: memref<1x128xf32, #tpu.memory_space<vmem>>, %arg8: memref<1x512x128xf32, #tpu.memory_space<vmem>>) attributes {dimension_semantics = [#tpu.dimension_semantics<arbitrary>, #tpu.dimension_semantics<arbitrary>], iteration_bounds = array<i64: 2, 20>, scalar_prefetch = 0 : i64, scratch_operands = 0 : i64, tpu.core_type = #tpu.core_type<tc>, window_params = [{transform_indices = @transform_0, window_bounds = array<i64: 2, 512, 128>}, {transform_indices = @transform_1, window_bounds = array<i64: 2, 512, 128>}, {transform_indices = @transform_2, window_bounds = array<i64: 512, 1>}, {transform_indices = @transform_3, window_bounds = array<i64: 256, 128>}, {transform_indices = @transform_4, window_bounds = array<i64: 256, 128>}, {transform_indices = @transform_5, window_bounds = array<i64: 1, 128>}, {transform_indices = @transform_6, window_bounds = array<i64: 1, 512, 128>}]} {
    %get3A = arith.constant 0 : index
    %get3A_0 = arith.constant 0 : index
    %get3A_1 = vector.load %arg4[%get3A, %get3A_0] : memref<512x1xf32, #tpu.memory_space<vmem>>, vector<512x1xf32>
    %max3A = arith.constant 1.000000e+00 : f32
    %max3A_2 = vector.broadcast %max3A : f32 to vector<512x1xf32>
    %max3A_3 = arith.maximumf %get3A_1, %max3A_2 : vector<512x1xf32>
    %div3A = arith.constant 1.000000e+00 : f32
    %div3A_4 = vector.broadcast %div3A : f32 to vector<512x1xf32>
    %div3A_5 = arith.divf %div3A_4, %max3A_3 : vector<512x1xf32>
    %get3A_6 = arith.constant 0 : index
    %get3A_7 = arith.constant 0 : index
    %get3A_8 = arith.constant 0 : index
    %get3A_9 = vector.load %arg2[%get3A_6, %get3A_7, %get3A_8] : memref<2x512x128xf32, #tpu.memory_space<vmem>>, vector<1x512x128xf32>
    %get3A_10 = vector.shape_cast %get3A_9 : vector<1x512x128xf32> to vector<512x128xf32>
    %get3A_11 = arith.constant 0 : index
    %get3A_12 = arith.constant 0 : index
    %get3A_13 = vector.load %arg5[%get3A_11, %get3A_12] : memref<256x128xf32, #tpu.memory_space<vmem>>, vector<128x128xf32>
    %dot_general3A = arith.constant dense<0.000000e+00> : vector<512x128xf32>
    %dot_general3A_14 = tpu.matmul %get3A_10, %get3A_13, %dot_general3A {dimension_numbers = #tpu.dot_dimension_numbers<[1], [0], [0], [1], [0, 0, 1, 1], [], []>, transpose_lhs_hint = false} : vector<512x128xf32>, vector<128x128xf32>, vector<512x128xf32> -> vector<512x128xf32>
    %get3A_15 = arith.constant 1 : index
    %get3A_16 = arith.constant 0 : index
    %get3A_17 = arith.constant 0 : index
    %get3A_18 = vector.load %arg2[%get3A_15, %get3A_16, %get3A_17] : memref<2x512x128xf32, #tpu.memory_space<vmem>>, vector<1x512x128xf32>
    %get3A_19 = vector.shape_cast %get3A_18 : vector<1x512x128xf32> to vector<512x128xf32>
    %get3A_20 = arith.constant 128 : index
    %get3A_21 = arith.constant 0 : index
    %get3A_22 = vector.load %arg5[%get3A_20, %get3A_21] : memref<256x128xf32, #tpu.memory_space<vmem>>, vector<128x128xf32>
    %dot_general3A_23 = arith.constant dense<0.000000e+00> : vector<512x128xf32>
    %dot_general3A_24 = tpu.matmul %get3A_19, %get3A_22, %dot_general3A_23 {dimension_numbers = #tpu.dot_dimension_numbers<[1], [0], [0], [1], [0, 0, 1, 1], [], []>, transpose_lhs_hint = false} : vector<512x128xf32>, vector<128x128xf32>, vector<512x128xf32> -> vector<512x128xf32>
    %add3A = arith.addf %dot_general3A_14, %dot_general3A_24 : vector<512x128xf32>
    %get3A_25 = arith.constant 0 : index
    %get3A_26 = arith.constant 0 : index
    %get3A_27 = arith.constant 0 : index
    %get3A_28 = vector.load %arg3[%get3A_25, %get3A_26, %get3A_27] : memref<2x512x128xf32, #tpu.memory_space<vmem>>, vector<1x512x128xf32>
    %get3A_29 = vector.shape_cast %get3A_28 : vector<1x512x128xf32> to vector<512x128xf32>
    %mul3A = vector.broadcast %div3A_5 : vector<512x1xf32> to vector<512x128xf32>
    %mul3A_30 = arith.mulf %get3A_29, %mul3A : vector<512x128xf32>
    %get3A_31 = arith.constant 0 : index
    %get3A_32 = arith.constant 0 : index
    %get3A_33 = vector.load %arg6[%get3A_31, %get3A_32] : memref<256x128xf32, #tpu.memory_space<vmem>>, vector<128x128xf32>
    %dot_general3A_34 = arith.constant dense<0.000000e+00> : vector<512x128xf32>
    %dot_general3A_35 = tpu.matmul %mul3A_30, %get3A_33, %dot_general3A_34 {dimension_numbers = #tpu.dot_dimension_numbers<[1], [0], [0], [1], [0, 0, 1, 1], [], []>, transpose_lhs_hint = false} : vector<512x128xf32>, vector<128x128xf32>, vector<512x128xf32> -> vector<512x128xf32>
    %add3A_36 = arith.addf %add3A, %dot_general3A_35 : vector<512x128xf32>
    %get3A_37 = arith.constant 1 : index
    %get3A_38 = arith.constant 0 : index
    %get3A_39 = arith.constant 0 : index
    %get3A_40 = vector.load %arg3[%get3A_37, %get3A_38, %get3A_39] : memref<2x512x128xf32, #tpu.memory_space<vmem>>, vector<1x512x128xf32>
    %get3A_41 = vector.shape_cast %get3A_40 : vector<1x512x128xf32> to vector<512x128xf32>
    %mul3A_42 = vector.broadcast %div3A_5 : vector<512x1xf32> to vector<512x128xf32>
    %mul3A_43 = arith.mulf %get3A_41, %mul3A_42 : vector<512x128xf32>
    %get3A_44 = arith.constant 128 : index
    %get3A_45 = arith.constant 0 : index
    %get3A_46 = vector.load %arg6[%get3A_44, %get3A_45] : memref<256x128xf32, #tpu.memory_space<vmem>>, vector<128x128xf32>
    %dot_general3A_47 = arith.constant dense<0.000000e+00> : vector<512x128xf32>
    %dot_general3A_48 = tpu.matmul %mul3A_43, %get3A_46, %dot_general3A_47 {dimension_numbers = #tpu.dot_dimension_numbers<[1], [0], [0], [1], [0, 0, 1, 1], [], []>, transpose_lhs_hint = false} : vector<512x128xf32>, vector<128x128xf32>, vector<512x128xf32> -> vector<512x128xf32>
    %add3A_49 = arith.addf %add3A_36, %dot_general3A_48 : vector<512x128xf32>
    %get3A_50 = arith.constant 0 : index
    %get3A_51 = arith.constant 0 : index
    %get3A_52 = vector.load %arg7[%get3A_50, %get3A_51] : memref<1x128xf32, #tpu.memory_space<vmem>>, vector<1x128xf32>
    %add3A_53 = vector.broadcast %get3A_52 : vector<1x128xf32> to vector<512x128xf32>
    %add3A_54 = arith.addf %add3A_49, %add3A_53 : vector<512x128xf32>
    %max3A_55 = arith.constant 0.000000e+00 : f32
    %max3A_56 = vector.broadcast %max3A_55 : f32 to vector<512x128xf32>
    %max3A_57 = arith.maximumf %add3A_54, %max3A_56 : vector<512x128xf32>
    %swap3A = arith.constant 0 : index
    %swap3A_58 = arith.constant 0 : index
    %swap3A_59 = arith.constant 0 : index
    %swap3A_60 = vector.load %arg8[%swap3A, %swap3A_58, %swap3A_59] : memref<1x512x128xf32, #tpu.memory_space<vmem>>, vector<1x512x128xf32>
    %swap3A_61 = vector.shape_cast %swap3A_60 : vector<1x512x128xf32> to vector<512x128xf32>
    %swap3A_62 = vector.shape_cast %max3A_57 : vector<512x128xf32> to vector<1x512x128xf32>
    tpu.vector_store %arg8[%swap3A, %swap3A_58, %swap3A_59], %swap3A_62 {strides = array<i32>} : memref<1x512x128xf32, #tpu.memory_space<vmem>>, vector<1x512x128xf32>,
    return
  }
  func.func @transform_0(%arg0: i32, %arg1: i32) -> (i32, i32, i32) {
    %c0_i32 = arith.constant 0 : i32
    %c0_i32_0 = arith.constant 0 : i32
    %c0_i32_1 = arith.constant 0 : i32
    return %c0_i32, %arg1, %c0_i32_0 : i32, i32, i32
  }
  func.func @transform_1(%arg0: i32, %arg1: i32) -> (i32, i32, i32) {
    %c0_i32 = arith.constant 0 : i32
    %c0_i32_0 = arith.constant 0 : i32
    %c0_i32_1 = arith.constant 0 : i32
    return %c0_i32, %arg1, %c0_i32_0 : i32, i32, i32
  }
  func.func @transform_2(%arg0: i32, %arg1: i32) -> (i32, i32) {
    %c0_i32 = arith.constant 0 : i32
    %c0_i32_0 = arith.constant 0 : i32
    return %arg1, %c0_i32 : i32, i32
  }
  func.func @transform_3(%arg0: i32, %arg1: i32) -> (i32, i32) {
    %c0_i32 = arith.constant 0 : i32
    %c0_i32_0 = arith.constant 0 : i32
    return %c0_i32, %arg0 : i32, i32
  }
  func.func @transform_4(%arg0: i32, %arg1: i32) -> (i32, i32) {
    %c0_i32 = arith.constant 0 : i32
    %c0_i32_0 = arith.constant 0 : i32
    return %c0_i32, %arg0 : i32, i32
  }
  func.func @transform_5(%arg0: i32, %arg1: i32) -> (i32, i32) {
    %c0_i32 = arith.constant 0 : i32
    %c0_i32_0 = arith.constant 0 : i32
    return %c0_i32, %arg0 : i32, i32
  }
  func.func @transform_6(%arg0: i32, %arg1: i32) -> (i32, i32, i32) {
    %c0_i32 = arith.constant 0 : i32
    %c0_i32_0 = arith.constant 0 : i32
    return %arg0, %arg1, %c0_i32 : i32, i32, i32
  }
}

module attributes {stable_mosaic.version = 14 : i64} {
  func.func @body(%arg0: i32, %arg1: memref<2x512x128xf32, #tpu.memory_space<vmem>>, %arg2: memref<256x64xf32, #tpu.memory_space<vmem>>, %arg3: memref<2x512x32xf32, #tpu.memory_space<vmem>>) attributes {dimension_semantics = [#tpu.dimension_semantics<arbitrary>], iteration_bounds = array<i64: 20>, scalar_prefetch = 0 : i64, scratch_operands = 0 : i64, tpu.core_type = #tpu.core_type<tc>, window_params = [{transform_indices = @transform_0, window_bounds = array<i64: 2, 512, 128>}, {pipeline_mode = #tpu.pipeline_mode<synchronous>, transform_indices = @transform_1, window_bounds = array<i64: 256, 64>}, {transform_indices = @transform_2, window_bounds = array<i64: 2, 512, 32>}]} {
    %get3A = arith.constant 0 : index
    %get3A_0 = arith.constant 0 : index
    %get3A_1 = arith.constant 0 : index
    %get3A_2 = vector.load %arg1[%get3A, %get3A_0, %get3A_1] : memref<2x512x128xf32, #tpu.memory_space<vmem>>, vector<1x512x128xf32>
    %get3A_3 = vector.shape_cast %get3A_2 : vector<1x512x128xf32> to vector<512x128xf32>
    %get3A_4 = arith.constant 0 : index
    %get3A_5 = arith.constant 0 : index
    %get3A_6 = vector.load %arg2[%get3A_4, %get3A_5] : memref<256x64xf32, #tpu.memory_space<vmem>>, vector<128x64xf32>
    %dot_general3A = arith.constant dense<0.000000e+00> : vector<512x64xf32>
    %dot_general3A_7 = tpu.matmul %get3A_3, %get3A_6, %dot_general3A {dimension_numbers = #tpu.dot_dimension_numbers<[1], [0], [0], [1], [0, 0, 1, 1], [], []>, transpose_lhs_hint = false} : vector<512x128xf32>, vector<128x64xf32>, vector<512x64xf32> -> vector<512x64xf32>
    %get3A_8 = arith.constant 1 : index
    %get3A_9 = arith.constant 0 : index
    %get3A_10 = arith.constant 0 : index
    %get3A_11 = vector.load %arg1[%get3A_8, %get3A_9, %get3A_10] : memref<2x512x128xf32, #tpu.memory_space<vmem>>, vector<1x512x128xf32>
    %get3A_12 = vector.shape_cast %get3A_11 : vector<1x512x128xf32> to vector<512x128xf32>
    %get3A_13 = arith.constant 128 : index
    %get3A_14 = arith.constant 0 : index
    %get3A_15 = vector.load %arg2[%get3A_13, %get3A_14] : memref<256x64xf32, #tpu.memory_space<vmem>>, vector<128x64xf32>
    %dot_general3A_16 = arith.constant dense<0.000000e+00> : vector<512x64xf32>
    %dot_general3A_17 = tpu.matmul %get3A_12, %get3A_15, %dot_general3A_16 {dimension_numbers = #tpu.dot_dimension_numbers<[1], [0], [0], [1], [0, 0, 1, 1], [], []>, transpose_lhs_hint = false} : vector<512x128xf32>, vector<128x64xf32>, vector<512x64xf32> -> vector<512x64xf32>
    %add3A = arith.addf %dot_general3A_7, %dot_general3A_17 : vector<512x64xf32>
    %slice3A = vector.extract_strided_slice %add3A {offsets = [0, 0], sizes = [512, 32], strides = [1, 1]} : vector<512x64xf32> to vector<512x32xf32>
    %swap3A = arith.constant 0 : index
    %swap3A_18 = arith.constant 0 : index
    %swap3A_19 = arith.constant 0 : index
    %swap3A_20 = vector.load %arg3[%swap3A, %swap3A_18, %swap3A_19] : memref<2x512x32xf32, #tpu.memory_space<vmem>>, vector<1x512x32xf32>
    %swap3A_21 = vector.shape_cast %swap3A_20 : vector<1x512x32xf32> to vector<512x32xf32>
    %swap3A_22 = vector.shape_cast %slice3A : vector<512x32xf32> to vector<1x512x32xf32>
    tpu.vector_store %arg3[%swap3A, %swap3A_18, %swap3A_19], %swap3A_22 {strides = array<i32>} : memref<2x512x32xf32, #tpu.memory_space<vmem>>, vector<1x512x32xf32>,
    %slice3A_23 = vector.extract_strided_slice %add3A {offsets = [0, 32], sizes = [512, 32], strides = [1, 1]} : vector<512x64xf32> to vector<512x32xf32>
    %swap3A_24 = arith.constant 1 : index
    %swap3A_25 = arith.constant 0 : index
    %swap3A_26 = arith.constant 0 : index
    %swap3A_27 = vector.load %arg3[%swap3A_24, %swap3A_25, %swap3A_26] : memref<2x512x32xf32, #tpu.memory_space<vmem>>, vector<1x512x32xf32>
    %swap3A_28 = vector.shape_cast %swap3A_27 : vector<1x512x32xf32> to vector<512x32xf32>
    %swap3A_29 = vector.shape_cast %slice3A_23 : vector<512x32xf32> to vector<1x512x32xf32>
    tpu.vector_store %arg3[%swap3A_24, %swap3A_25, %swap3A_26], %swap3A_29 {strides = array<i32>} : memref<2x512x32xf32, #tpu.memory_space<vmem>>, vector<1x512x32xf32>,
    return
  }
  func.func @transform_0(%arg0: i32) -> (i32, i32, i32) {
    %c0_i32 = arith.constant 0 : i32
    %c0_i32_0 = arith.constant 0 : i32
    %c0_i32_1 = arith.constant 0 : i32
    return %c0_i32, %arg0, %c0_i32_0 : i32, i32, i32
  }
  func.func @transform_1(%arg0: i32) -> (i32, i32) {
    %c0_i32 = arith.constant 0 : i32
    %c0_i32_0 = arith.constant 0 : i32
    %c0_i32_1 = arith.constant 0 : i32
    return %c0_i32, %c0_i32_0 : i32, i32
  }
  func.func @transform_2(%arg0: i32) -> (i32, i32, i32) {
    %c0_i32 = arith.constant 0 : i32
    %c0_i32_0 = arith.constant 0 : i32
    %c0_i32_1 = arith.constant 0 : i32
    return %c0_i32, %arg0, %c0_i32_0 : i32, i32, i32
  }
}

module attributes {stable_mosaic.version = 14 : i64} {
  func.func @body(%arg0: i32, %arg1: memref<2x512x128xf32, #tpu.memory_space<vmem>>, %arg2: memref<2x512x32xf32, #tpu.memory_space<vmem>>, %arg3: memref<512x1xf32, #tpu.memory_space<vmem>>, %arg4: memref<256x64xf32, #tpu.memory_space<vmem>>, %arg5: memref<1x64xf32, #tpu.memory_space<vmem>>, %arg6: memref<512x64xf32, #tpu.memory_space<vmem>>) attributes {dimension_semantics = [#tpu.dimension_semantics<arbitrary>], iteration_bounds = array<i64: 20>, scalar_prefetch = 0 : i64, scratch_operands = 0 : i64, tpu.core_type = #tpu.core_type<tc>, window_params = [{transform_indices = @transform_0, window_bounds = array<i64: 2, 512, 128>}, {transform_indices = @transform_1, window_bounds = array<i64: 2, 512, 32>}, {transform_indices = @transform_2, window_bounds = array<i64: 512, 1>}, {pipeline_mode = #tpu.pipeline_mode<synchronous>, transform_indices = @transform_3, window_bounds = array<i64: 256, 64>}, {pipeline_mode = #tpu.pipeline_mode<synchronous>, transform_indices = @transform_4, window_bounds = array<i64: 1, 64>}, {transform_indices = @transform_5, window_bounds = array<i64: 512, 64>}]} {
    %get3A = arith.constant 0 : index
    %get3A_0 = arith.constant 0 : index
    %get3A_1 = vector.load %arg3[%get3A, %get3A_0] : memref<512x1xf32, #tpu.memory_space<vmem>>, vector<512x1xf32>
    %max3A = arith.constant 1.000000e+00 : f32
    %max3A_2 = vector.broadcast %max3A : f32 to vector<512x1xf32>
    %max3A_3 = arith.maximumf %get3A_1, %max3A_2 : vector<512x1xf32>
    %div3A = arith.constant 1.000000e+00 : f32
    %div3A_4 = vector.broadcast %div3A : f32 to vector<512x1xf32>
    %div3A_5 = arith.divf %div3A_4, %max3A_3 : vector<512x1xf32>
    %get3A_6 = arith.constant 0 : index
    %get3A_7 = arith.constant 0 : index
    %get3A_8 = arith.constant 0 : index
    %get3A_9 = vector.load %arg1[%get3A_6, %get3A_7, %get3A_8] : memref<2x512x128xf32, #tpu.memory_space<vmem>>, vector<1x512x128xf32>
    %get3A_10 = vector.shape_cast %get3A_9 : vector<1x512x128xf32> to vector<512x128xf32>
    %get3A_11 = arith.constant 0 : index
    %get3A_12 = arith.constant 0 : index
    %get3A_13 = vector.load %arg4[%get3A_11, %get3A_12] : memref<256x64xf32, #tpu.memory_space<vmem>>, vector<128x64xf32>
    %dot_general3A = arith.constant dense<0.000000e+00> : vector<512x64xf32>
    %dot_general3A_14 = tpu.matmul %get3A_10, %get3A_13, %dot_general3A {dimension_numbers = #tpu.dot_dimension_numbers<[1], [0], [0], [1], [0, 0, 1, 1], [], []>, transpose_lhs_hint = false} : vector<512x128xf32>, vector<128x64xf32>, vector<512x64xf32> -> vector<512x64xf32>
    %get3A_15 = arith.constant 1 : index
    %get3A_16 = arith.constant 0 : index
    %get3A_17 = arith.constant 0 : index
    %get3A_18 = vector.load %arg1[%get3A_15, %get3A_16, %get3A_17] : memref<2x512x128xf32, #tpu.memory_space<vmem>>, vector<1x512x128xf32>
    %get3A_19 = vector.shape_cast %get3A_18 : vector<1x512x128xf32> to vector<512x128xf32>
    %get3A_20 = arith.constant 128 : index
    %get3A_21 = arith.constant 0 : index
    %get3A_22 = vector.load %arg4[%get3A_20, %get3A_21] : memref<256x64xf32, #tpu.memory_space<vmem>>, vector<128x64xf32>
    %dot_general3A_23 = arith.constant dense<0.000000e+00> : vector<512x64xf32>
    %dot_general3A_24 = tpu.matmul %get3A_19, %get3A_22, %dot_general3A_23 {dimension_numbers = #tpu.dot_dimension_numbers<[1], [0], [0], [1], [0, 0, 1, 1], [], []>, transpose_lhs_hint = false} : vector<512x128xf32>, vector<128x64xf32>, vector<512x64xf32> -> vector<512x64xf32>
    %add3A = arith.addf %dot_general3A_14, %dot_general3A_24 : vector<512x64xf32>
    %get3A_25 = arith.constant 0 : index
    %get3A_26 = arith.constant 0 : index
    %get3A_27 = arith.constant 0 : index
    %get3A_28 = vector.load %arg2[%get3A_25, %get3A_26, %get3A_27] : memref<2x512x32xf32, #tpu.memory_space<vmem>>, vector<1x512x32xf32>
    %get3A_29 = vector.shape_cast %get3A_28 : vector<1x512x32xf32> to vector<512x32xf32>
    %get3A_30 = arith.constant 1 : index
    %get3A_31 = arith.constant 0 : index
    %get3A_32 = arith.constant 0 : index
    %get3A_33 = vector.load %arg2[%get3A_30, %get3A_31, %get3A_32] : memref<2x512x32xf32, #tpu.memory_space<vmem>>, vector<1x512x32xf32>
    %get3A_34 = vector.shape_cast %get3A_33 : vector<1x512x32xf32> to vector<512x32xf32>
    %concatenate3A = tpu.concatenate %get3A_29, %get3A_34 in 1 : vector<512x32xf32>, vector<512x32xf32> -> vector<512x64xf32>
    %mul3A = vector.broadcast %div3A_5 : vector<512x1xf32> to vector<512x64xf32>
    %mul3A_35 = arith.mulf %concatenate3A, %mul3A : vector<512x64xf32>
    %add3A_36 = arith.addf %add3A, %mul3A_35 : vector<512x64xf32>
    %get3A_37 = arith.constant 0 : index
    %get3A_38 = arith.constant 0 : index
    %get3A_39 = vector.load %arg5[%get3A_37, %get3A_38] : memref<1x64xf32, #tpu.memory_space<vmem>>, vector<1x64xf32>
    %add3A_40 = vector.broadcast %get3A_39 : vector<1x64xf32> to vector<512x64xf32>
    %add3A_41 = arith.addf %add3A_36, %add3A_40 : vector<512x64xf32>
    %swap3A = arith.constant 0 : index
    %swap3A_42 = arith.constant 0 : index
    %swap3A_43 = vector.load %arg6[%swap3A, %swap3A_42] : memref<512x64xf32, #tpu.memory_space<vmem>>, vector<512x64xf32>
    tpu.vector_store %arg6[%swap3A, %swap3A_42], %add3A_41 {strides = array<i32>} : memref<512x64xf32, #tpu.memory_space<vmem>>, vector<512x64xf32>,
    return
  }
  func.func @transform_0(%arg0: i32) -> (i32, i32, i32) {
    %c0_i32 = arith.constant 0 : i32
    %c0_i32_0 = arith.constant 0 : i32
    %c0_i32_1 = arith.constant 0 : i32
    return %c0_i32, %arg0, %c0_i32_0 : i32, i32, i32
  }
  func.func @transform_1(%arg0: i32) -> (i32, i32, i32) {
    %c0_i32 = arith.constant 0 : i32
    %c0_i32_0 = arith.constant 0 : i32
    %c0_i32_1 = arith.constant 0 : i32
    return %c0_i32, %arg0, %c0_i32_0 : i32, i32, i32
  }
  func.func @transform_2(%arg0: i32) -> (i32, i32) {
    %c0_i32 = arith.constant 0 : i32
    %c0_i32_0 = arith.constant 0 : i32
    return %arg0, %c0_i32 : i32, i32
  }
  func.func @transform_3(%arg0: i32) -> (i32, i32) {
    %c0_i32 = arith.constant 0 : i32
    %c0_i32_0 = arith.constant 0 : i32
    %c0_i32_1 = arith.constant 0 : i32
    return %c0_i32, %c0_i32_0 : i32, i32
  }
  func.func @transform_4(%arg0: i32) -> (i32, i32) {
    %c0_i32 = arith.constant 0 : i32
    %c0_i32_0 = arith.constant 0 : i32
    %c0_i32_1 = arith.constant 0 : i32
    return %c0_i32, %c0_i32_0 : i32, i32
  }
  func.func @transform_5(%arg0: i32) -> (i32, i32) {
    %c0_i32 = arith.constant 0 : i32
    %c0_i32_0 = arith.constant 0 : i32
    return %arg0, %c0_i32 : i32, i32
  }
}

</mosaic_0001>

<sc_bundles>
// kernel: kernel.12.cloned.1.call-start
scs
__scs_entry_jumppad:
0x0: {  	(pc) =	sbr.rel $0x88, $3  }
0x1: {  	(tag) =	ssettag $0x0;
	lr =	simm.s32 $0x1  }
0x2: {  	[smem:$0x3F93] =	sst lr;
	_ =	strace $0xD0000000  }
0x3: {  	_ = 	snop  }
0x4: {  	_ = 	snop  }
0x5: {  	_ = 	snop  }
0x6: {  	_ = 	snop  }
0x7: {  	_ = 	snop  }
__scs_overlays_trampoline_lowered:
0x8: {  	[smem:$0x3FA2] =	sst s0  }
0x9: {  	[smem:$0x3FA3] =	sst s1  }
0xa: {  	[smem:$0x3FA4] =	sst s2  }
0xb: {  	[smem:$0x3FA5] =	sst s3  }
0xc: {  	[smem:$0x3FA6] =	sst s4  }
0xd: {  	[smem:$0x3FA7] =	sst s5  }
0xe: {  	[smem:$0x3FA8] =	sst s6  }
0xf: {  	[smem:$0x3FA9] =	sst s7  }
0x10: {  	[smem:$0x3FAA] =	sst s8  }
0x11: {  	[smem:$0x3FAB] =	sst s9;
	s0 =	simm.s32 @!p0 $0x0  }
0x12: {  	s1 =	sld [smem:$0x3F91];
	s0 =	simm.s32 @p0 $0x1  }
0x13: {  	[smem:$0x3FAC] =	sst s0;
	s0 =	simm.s32 @!p1 $0x0  }
0x14: {  	s2 =	sld [smem:$0x3F90];
	s0 =	simm.s32 @p1 $0x1  }
0x15: {  	[smem:$0x3FAD] =	sst s0;
	s0 =	simm.s32 @!p2 $0x0  }
0x16: {  	s3 =	sld [smem:$0x3FDB];
	s0 =	simm.s32 @p2 $0x1  }
0x17: {  	s4 =	simm.s32 $0x1BF5;
	[smem:$0x3FAF] =	sst s0  }
0x18: {  	s0 =	sld [smem:$0x3F92];
	_ =	swait.ge [sflag:s4], $0x0  }
0x19: {  	s7 =	sld [smem:$0x3F93]  }
0x1a: {  	s8 =	sadd.s32 $0xFFFFE003, lr  }
0x1b: {  	s9 =	sadd.s32 $0xFFFFFEF7, lr;
	s5 =	simm.s32 $0xFFFFFFFF;
	p2 =	slt.u32 s8, $0xFFFFF086  }
0x1c: {  	p1 =	slt.u32 s9, $0xF7A;
	s5 =	simm.s32 @!p2 $0x0  }
0x1d: {  	s5 =	simm.s32 @p1 $0x1;
	p0 =	seq.s32 s7, s2  }
0x1e: {  	s7 =	smul.u32 @!p0 $0xF7A, s2;
	p2 =	seq.s32 @!p0 s5, $0x0  }
0x1f: {  	s9 =	smul.u32 $0xF7A, s1;
	s8 =	simm.s32 @!p0 $0x1BF5;
	p2 =	por !p2, p0  }
0x20: {  	[sflag:s8] =	ssyncset.s32 @!p0 $0xFFFFF086;
	s6 =	sadd.s32 @!p0 s3, s7;
	s7 =	simm.s32 @!p0 $0x108  }
0x21: {  	s3 =	sadd.s32 s3, s9;
	s6 =	sadd.s32 @!p0 $0x88, s6;
	s7 =	simm.s32 @p2 $0x1082  }
0x22: {  	[simem:s7], [sflag:s8] =	dma.local @!p0 [hbm:s6], $0xF7A  }
0x23: {  	s9 =	sor.u32 $0xD0000000, s2;
	s6 =	simm.s32 $0x108;
	_ =	swait.ge @!p0 [sflag:s8], $0x0  }
0x24: {  	s3 =	sadd.s32 $0x88, s3;
	s6 =	simm.s32 @!p1 $0x1082;
	[sflag:s4] =	ssyncset.s32 $0xFFFFF086  }
0x25: {  	[simem:s6], [sflag:s4] =	dma.local [hbm:s3], $0xF7A  }
0x26: {  	[smem:$0x3F93] =	sst s1;
	(tag) =	ssettag s2;
	_ =	strace s9  }
0x27: {  	s1 =	sld [smem:$0x3FA3]  }
0x28: {  	s2 =	sld [smem:$0x3FA4]  }
0x29: {  	s4 =	sld [smem:$0x3FA6]  }
0x2a: {  	p0 =	seq.s32 s5, $0x0;
	s5 =	sld [smem:$0x3FA7]  }
0x2b: {  	s6 =	sld [smem:$0x3FA8]  }
0x2c: {  	s7 =	sld [smem:$0x3FA9]  }
0x2d: {  	s3 =	simm.s32 $0x108;
	s8 =	sld [smem:$0x3FAA]  }
0x2e: {  	s3 =	simm.s32 @!p0 $0x1082;
	s9 =	sld [smem:$0x3FAB]  }
0x2f: {  	lr =	sadd.s32 s0, s3;
	s0 =	sld [smem:$0x3FA2]  }
0x30: {  	s3 =	sld [smem:$0x3FA5]  }
0x31: {  	[smem:$0x3FAE] =	sst s10  }
0x32: {  	s10 =	sld [smem:$0x3FAC];
	_ =	sdelay $0x3  }
0x33: {  	p0 =	seq.s32 s10, $0x1;
	s10 =	sld [smem:$0x3FAE];
	_ =	sdelay $0x3  }
0x34: {  	[smem:$0x3FAE] =	sst s10  }
0x35: {  	s10 =	sld [smem:$0x3FAD];
	_ =	sdelay $0x3  }
0x36: {  	p1 =	seq.s32 s10, $0x1;
	s10 =	sld [smem:$0x3FAE];
	_ =	sdelay $0x3  }
0x37: {  	[smem:$0x3FAE] =	sst s10  }
0x38: {  	s10 =	sld [smem:$0x3FAF]  }
0x39: {  	_ = 	snop;
	(pc) =	sbr.ind lr, $3  }
0x3a: {  	_ = 	snop  }
0x3b: {  	_ = 	snop  }
0x3c: {  	p2 =	seq.s32 s10, $0x1;
	s10 =	sld [smem:$0x3FAE]  }
0x3d: {  	_ =	shalt  }
0x3e: {  	_ =	shalt  }
0x3f: {  	_ =	shalt  }
0x40: {  	_ =	shalt  }
0x41: {  	_ =	shalt  }
0x42: {  	_ =	shalt  }
0x43: {  	_ =	shalt  }
0x44: {  	_ =	shalt  }
0x45: {  	_ =	shalt  }
0x46: {  	_ =	shalt  }
0x47: {  	_ =	shalt  }
0x48: {  	_ =	shalt  }
0x49: {  	_ =	shalt  }
0x4a: {  	_ =	shalt  }
0x4b: {  	_ =	shalt  }
0x4c: {  	_ =	shalt  }
0x4d: {  	_ =	shalt  }
0x4e: {  	_ =	shalt  }
0x4f: {  	_ =	shalt  }
0x50: {  	_ =	shalt  }
0x51: {  	_ =	shalt  }
0x52: {  	_ =	shalt  }
0x53: {  	_ =	shalt  }
0x54: {  	_ =	shalt  }
0x55: {  	_ =	shalt  }
0x56: {  	_ =	shalt  }
0x57: {  	_ =	shalt  }
0x58: {  	_ =	shalt  }
0x59: {  	_ =	shalt  }
0x5a: {  	_ =	shalt  }
0x5b: {  	_ =	shalt  }
0x5c: {  	_ =	shalt  }
0x5d: {  	_ =	shalt  }
0x5e: {  	_ =	shalt  }
0x5f: {  	_ =	shalt  }
0x60: {  	_ =	shalt  }
0x61: {  	_ =	shalt  }
0x62: {  	_ =	shalt  }
0x63: {  	_ =	shalt  }
0x64: {  	_ =	shalt  }
0x65: {  	_ =	shalt  }
0x66: {  	_ =	shalt  }
0x67: {  	_ =	shalt  }
0x68: {  	_ =	shalt  }
0x69: {  	_ =	shalt  }
0x6a: {  	_ =	shalt  }
0x6b: {  	_ =	shalt  }
0x6c: {  	_ =	shalt  }
0x6d: {  	_ =	shalt  }
0x6e: {  	_ =	shalt  }
0x6f: {  	_ =	shalt  }
0x70: {  	_ =	shalt  }
0x71: {  	_ =	shalt  }
0x72: {  	_ =	shalt  }
0x73: {  	_ =	shalt  }
0x74: {  	_ =	shalt  }
0x75: {  	_ =	shalt  }
0x76: {  	_ =	shalt  }
0x77: {  	_ =	shalt  }
0x78: {  	_ =	shalt  }
0x79: {  	_ =	shalt  }
0x7a: {  	_ =	shalt  }
0x7b: {  	_ =	shalt  }
0x7c: {  	_ =	shalt  }
0x7d: {  	_ =	shalt  }
0x7e: {  	_ =	shalt  }
0x7f: {  	_ =	shalt  }
0x80: {  	_ =	shalt  }
0x81: {  	_ =	shalt  }
0x82: {  	_ =	shalt  }
0x83: {  	_ =	shalt  }
0x84: {  	_ =	shalt  }
0x85: {  	_ =	shalt  }
0x86: {  	_ =	shalt  }
0x87: {  	_ =	shalt  }
.Lfunc_end0:
.L_simem_size_0:
called_computation_lowered:
.L_overlay_start_0:
0x88: {  	s2 =	sld [smem:$0x3FD9]  }
0x89: {  	s3 =	sld [smem:$0x3FFE];
	_ =	sdelay $0x1  }
0x8a: {  	s1 =	srdreg.scid  }
0x8b: {  	s0 =	sand.u32 $0x1, s1  }
0x8c: {  	s17 =	sshll.u32 s0, $0xA;
	s2 =	sadd.s32 s3, s2  }
0x8d: {  	s2 =	sadd.s32 s2, s17  }
0x8e: {  	[smem:$0x3FBA] =	sst s2  }
0x8f: {  	_ = 	snop  }
0x90: {  	(tm) =	ssettm $0x1  }
0x91: {  	s18 =	sld [smem:$0x3FFB];
	_ =	sdelay $0x3  }
0x92: {  	_ =	strace s18  }
0x93: {  	s2 =	sld [smem:$0x3FFC];
	_ =	sdelay $0x3  }
0x94: {  	_ =	strace s2  }
0x95: {  	s2 =	sld [smem:$0x3FFD];
	_ =	sdelay $0x3  }
0x96: {  	_ =	strace s2  }
0x97: {  	_ =	strace $0x8FFFFFFF  }
0x98: {  	s19 =	sld [smem:$0x3FDB];
	_ =	sdelay $0x1  }
0x99: {  	s20 =	simm.s32 $_scs_section_size  }
0x9a: {  	s4 =	simm.s32 $_size__tile_overlayer_lowered;
	s5 =	simm.s32 $_tile_overlayer_lowered  }
0x9b: {  	s6 =	simm.s32 $0x1BFF;
	s21 =	sshll.u32 s5, $0x1;
	s3 =	sadd.s32 s20, s19  }
0x9c: {  	s22 =	simm.s32 $0x0;
	s4 =	sshll.u32 s4, $0x1;
	s5 =	sadd.s32 s21, s3  }
0x9d: {  	[timem:s22], [sflag:s6] =	dma.local [hbm:s5], s4  }
0x9e: {  	_ =	swait.ge [sflag:s6], s4  }
0x9f: {  	s4 =	ssub.s32 $0x0, s4;
	[sflag:s6] =	ssyncset.done $0x0  }
0xa0: {  	[sflag:s6] =	ssyncadd.s32 s4;
	_ =	sdelay $0x1  }
0xa1: {  	s23 =	simm.s32 $0x1B8B  }
0xa2: {  	_ =	swait.ge [sflag:s23], $0x1  }
0xa3: {  	[sflag:s23] =	ssyncset.done $0x0  }
0xa4: {  	[sflag:s23] =	ssyncadd.s32 $0xFFFFFFFF  }
0xa5: {  	s4 =	sld [smem:$0x0]  }
0xa6: {  	s5 =	sand.u32 $0xFFFFFFFE, s1  }
0xa7: {  	p0 =	sne.s32 s1, s5  }
0xa8: {  	s5 =	sshll.u32 @p0 s5, $0xE  }
0xa9: {  	s5 =	sadd.s32 @p0 $0x11B8D, s5;
	s6 =	sshll.u32 @p0 s4, $0x11  }
0xaa: {  	s5 =	sor.u32 @p0 s6, s5  }
0xab: {  	[sflag:s5] =	ssyncadd.remote.s32 @p0 $0x1;
	_ =	sdelay $0x1  }
0xac: {  	s5 =	simm.s32 @p0 $0x1B8D  }
0xad: {  	_ =	swait.eq @p0 [sflag:s5], $0x1  }
0xae: {  	[sflag:s5] =	ssyncadd.s32 @p0 $0xFFFFFFFF  }
0xaf: {  	s6 =	sshll.u32 @!p0 s1, $0xE  }
0xb0: {  	s6 =	sor.u32 @!p0 $0x4000, s6;
	s5 =	simm.s32 @!p0 $0x1B8D  }
0xb1: {  	s4 =	sshll.u32 @!p0 s4, $0x11;
	s6 =	sadd.s32 @!p0 $0x11B8D, s6;
	_ =	swait.eq @!p0 [sflag:s5], $0x1  }
0xb2: {  	s4 =	sor.u32 @!p0 s4, s6;
	[sflag:s5] =	ssyncadd.s32 @!p0 $0xFFFFFFFF  }
0xb3: {  	s25 =	simm.s32 $0x1B8E;
	s24 =	sld [smem:$0x3FFE];
	[sflag:s4] =	ssyncadd.remote.s32 @!p0 $0x1  }
0xb4: {  	s26 =	simm.s32 $execute0_lowered;
	[smem:$0x3FD2] =	sst s25  }
0xb5: {  	s5 =	sshll.u32 s26, $0x1;
	_ =	strace $0x80000049;
	[dreg:$0x1] =	wrdreg $0xFFFFFFFF  }
0xb6: {  	s28 =	simm.s32 $_size_execute0_lowered;
	s3 =	sadd.s32 s3, s5;
	[dreg:$0x0] =	wrdreg $0x0  }
0xb7: {  	s5 =	sshll.u32 s28, $0x1;
	[dreg:$0x2] =	wrdreg s3  }
0xb8: {  	[dreg:$0x3] =	wrdreg s5  }
0xb9: {  	[dreg:$0x4] =	wrdreg $0xC0  }
0xba: {  	_ =	task [dreg:s22], $0x5FFFF  }
0xbb: {  	[dreg:$0x1] =	wrdreg $0xFFFFFFFF  }
0xbc: {  	[dreg:$0x0] =	wrdreg $0x60  }
0xbd: {  	[dreg:$0x2] =	wrdreg s24  }
0xbe: {  	[dreg:$0x3] =	wrdreg $0x18800  }
0xbf: {  	[dreg:$0x4] =	wrdreg $0x9  }
0xc0: {  	_ =	task.clear_ibuf [dreg:s22], $0x5FFFF;
	_ =	strace $0x90000049  }
0xc1: {  	s29 =	simm.s32 $0x9;
	_ =	strace $0x8000004B  }
0xc2: {  	_ =	swait.ge [sflag:s29], $0x1  }
0xc3: {  	[sflag:s29] =	ssyncadd.s32 $0xFFFFFFFF  }
0xc4: {  	_ =	strace $0x9000004B  }
0xc5: {  	_ =	sfence  }
0xc6: {  	s30 =	sld [smem:$0x0];
	_ =	sdelay $0x2  }
0xc7: {  	s31 =	sshll.u32 s1, $0xD;
	s1 =	sshrl.u32 s1, $0x2  }
0xc8: {  	s4 =	sand.u32 $0x4000, s31;
	s1 =	sadd.s32 s1, s30  }
0xc9: {  	s0 =	sor.u32 s4, s0;
	s1 =	sshll.u32 s1, $0x11  }
0xca: {  	s0 =	sor.u32 s1, s0  }
0xcb: {  	s0 =	sadd.s32 $0x8F2B, s0  }
0xcc: {  	[sflag:s0] =	ssyncadd.remote.s32 $0x1  }
0xcd: {  	_ =	sfence.sel $0xFFFF  }
0xce: {  	[dreg:$0x0] =	wrdreg $0xFFFFFFFF;
	(pc) =	sbr.abs _section_cstart, $3  }
0xcf: {  	[dreg:$0x1] =	wrdreg $0xFFFFFFFF  }
0xd0: {  	_ =	task.clear_ibuf [dreg:s22], $0x2FFFF;
	_ =	strace $0x9FFFFFFF  }
0xd1: {  	(tm) =	ssettm $0x7FFFFFFF  }
tec
execute0_lowered:
.L_overlay_start_1:
0x0: {  	(tag) =	ssettag $0x1  }
0x1: {  	s5 =	rddreg [dreg:$0x0]  }
0x2: {  	s1 =	rddreg [dreg:$0x1]  }
0x3: {  	s0 =	rddreg [dreg:$0x2];
	s3 =	simm.s32 $0x0;
	s4 =	srdreg.scid  }
0x4: {  	s2 =	stileid.u32;
	s19 =	simm.s32 $0x80;
	s20 =	simm.s32 $0x1000  }
0x5: {  	[smem:$0x7FF] =	sst s3;
	s21 =	sand.u32 $0x1, s4;
	s10 =	smul.u32 $0x2800, s2  }
0x6: {  	s4 =	sadd.s32 $0x7B000, s5;
	s15 =	sadd.s32 $0xAD000, s5;
	s6 =	ssub.s32 $0x2, s21  }
0x7: {  	_ =	strace $0x8000004A;
	p0 =	sne.s32 s21, $0x0;
	s31 =	sshrl.u32 s6, $0x1  }
0x8: {  	s5 =	sadd.s32 s10, s1;
	s11 =	sadd.s32 $0x800, s10;
	s13 =	sadd.s32 $0x1000, s10  }
0x9: {  	s14 =	sadd.s32 $0x1800, s10;
	s17 =	sadd.s32 $0x2000, s10;
	s12 =	sshrl.u32 s10, $0x3  }
0xa: {  	s10 =	smul.u32 $0x5000, s2;
	s16 =	ssub.s32 s6, s31;
	s6 =	sadd.s32 s11, s1  }
0xb: {  	s7 =	sadd.s32 s13, s1;
	s8 =	sadd.s32 s14, s1;
	s9 =	sadd.s32 s17, s1  }
0xc: {  	s18 =	sshrl.u32 s11, $0x3;
	s11 =	sadd.s32 s15, s12;
	s13 =	sshrl.u32 s13, $0x3  }
0xd: {  	s14 =	sshrl.u32 s14, $0x3;
	s17 =	sshrl.u32 s17, $0x3;
	s12 =	sadd.s32 s15, s18  }
0xe: {  	s13 =	sadd.s32 s15, s13;
	s14 =	sadd.s32 s15, s14;
	s15 =	sadd.s32 s15, s17  }
0xf: {  	v0 =	vimm.f32 $0.0e+00;
	v1 =	vimm.f32 $1.000000000e+00;
	s16 =	smax.u32 s16, $0x1;
	s17 =	simm.s32 $0x1080;
	s18 =	simm.s32 $0x1  }
.LBB2_1:
0x10: {  	s21 =	simm.s32 $0x40;
	s22 =	simm.s32 $0x0  }
.LBB2_2:
0x11: {  	p1 =	sne.s32 s21, $0x1FC0;
	[tilespmem:s22+$0x1080] =	vst v0;
	s22 =	smov.u32 s21;
	s21 =	sadd.s32 $0x40, s21  }
.Ltmp0:
0x12: {  	(pc) =	sbr.rel @p1 .LBB2_2-.Ltmp0, $2  }
0x13: {  	_ =	sdelay $0x2  }
0x14: {  	s22 =	sshra.s32 s22, $0x2  }
0x15: {  	[tilespmem:s22+$0x1080] =	vst v0  }
0x16: {  	[spmem:s5] =	stream.linear.scatter [tilespmem:s17], [sflag:$0x1], $0x800, $0x38;
	[tilespmem:$0x4080] =	vst v63  }
0x17: {  	_ =	swait.ge [sflag:s18], $0x800  }
0x18: {  	[sflag:s18] =	ssyncset.done $0x0  }
0x19: {  	[sflag:s18] =	ssyncadd.s32 $0xFFFFF800  }
0x1a: {  	[spmem:s6] =	stream.linear.scatter [tilespmem:s17], [sflag:$0x1], $0x800, $0x38;
	[tilespmem:$0x4080] =	vst v63  }
0x1b: {  	_ =	swait.ge [sflag:s18], $0x800  }
0x1c: {  	[sflag:s18] =	ssyncset.done $0x0  }
0x1d: {  	[sflag:s18] =	ssyncadd.s32 $0xFFFFF800  }
0x1e: {  	[spmem:s7] =	stream.linear.scatter [tilespmem:s17], [sflag:$0x1], $0x800, $0x38;
	[tilespmem:$0x4080] =	vst v63  }
0x1f: {  	_ =	swait.ge [sflag:s18], $0x800  }
0x20: {  	[sflag:s18] =	ssyncset.done $0x0  }
0x21: {  	[sflag:s18] =	ssyncadd.s32 $0xFFFFF800  }
0x22: {  	[spmem:s8] =	stream.linear.scatter [tilespmem:s17], [sflag:$0x1], $0x800, $0x38;
	[tilespmem:$0x4080] =	vst v63  }
0x23: {  	_ =	swait.ge [sflag:s18], $0x800  }
0x24: {  	[sflag:s18] =	ssyncset.done $0x0  }
0x25: {  	[sflag:s18] =	ssyncadd.s32 $0xFFFFF800  }
0x26: {  	[spmem:s9] =	stream.linear.scatter [tilespmem:s17], [sflag:$0x1], $0x800, $0x38;
	[tilespmem:$0x4080] =	vst v63  }
0x27: {  	_ =	swait.ge [sflag:s18], $0x800  }
0x28: {  	[sflag:s18] =	ssyncset.done $0x0  }
0x29: {  	s21 =	simm.s32 $0x0;
	[sflag:s18] =	ssyncadd.s32 $0xFFFFF800  }
0x2a: {  	s22 =	simm.s32 $0x40;
	s23 =	simm.s32 $0x0;
	[bflag:$0x0] =	sbarrier.arrive $0xFFFF  }
.LBB2_4:
0x2b: {  	p1 =	sne.s32 s22, $0x1FC0;
	[tilespmem:s23+$0x1080] =	vst v1;
	s23 =	smov.u32 s22;
	s22 =	sadd.s32 $0x40, s22  }
.Ltmp1:
0x2c: {  	(pc) =	sbr.rel @p1 .LBB2_4-.Ltmp1, $2  }
0x2d: {  	_ =	sdelay $0x2  }
0x2e: {  	s23 =	sshra.s32 s23, $0x2  }
0x2f: {  	[tilespmem:s23+$0x1080] =	vst v1  }
.LBB2_6:
0x30: {  	s22 =	sshll.u32 s21, $0xC  }
0x31: {  	s22 =	sadd.s32 s10, s22  }
0x32: {  	s22 =	sshrl.u32 s22, $0x3  }
0x33: {  	s23 =	simm.s32 $0x0;
	s22 =	sadd.s32 s4, s22  }
0x34: {  	[tilespmem:s23], [sflag:$0x1] =	stream.linear.gather [hbm4b:s22+s23], $0x1000, $0x38;
	[tilespmem:$0x4080] =	vst v63  }
0x35: {  	_ =	swait.ge [sflag:s18], $0x1000  }
0x36: {  	[sflag:s18] =	ssyncset.done $0x0  }
0x37: {  	s31 =	simm.s32 $0x0;
	[sflag:s18] =	ssyncadd.s32 $0xFFFFF000  }
0x38: {  	v2 =	vld [tilespmem:s31+$0x0];
	_ =	sdelay $0x4  }
0x39: {  	[tilespmem:$0x1000] =	vst v2  }
0x3a: {  	v2 =	vld [tilespmem:s31+$0x10];
	_ =	sdelay $0x4  }
0x3b: {  	[tilespmem:$0x1010] =	vst v2  }
0x3c: {  	v2 =	vld [tilespmem:s31+$0x20];
	_ =	sdelay $0x4  }
0x3d: {  	[tilespmem:$0x1020] =	vst v2  }
0x3e: {  	v2 =	vld [tilespmem:s31+$0x30];
	_ =	sdelay $0x4  }
0x3f: {  	[tilespmem:$0x1030] =	vst v2  }
0x40: {  	v2 =	vld [tilespmem:s31+$0x40];
	_ =	sdelay $0x4  }
0x41: {  	[tilespmem:$0x1040] =	vst v2  }
0x42: {  	v2 =	vld [tilespmem:s31+$0x50];
	_ =	sdelay $0x4  }
0x43: {  	[tilespmem:$0x1050] =	vst v2  }
0x44: {  	v2 =	vld [tilespmem:s31+$0x60];
	_ =	sdelay $0x4  }
0x45: {  	[tilespmem:$0x1060] =	vst v2  }
0x46: {  	v2 =	vld [tilespmem:s31+$0x70];
	_ =	sdelay $0x4  }
0x47: {  	[tilespmem:$0x1070] =	vst v2  }
0x48: {  	[spmem:s1] =	stream.indirect.scatter.add.f32 [tilespmem:s17], [sflag:$0x1], $0x10, s20, s19, $0xb8;
	[tilespmem:$0x4080] =	vst v63  }
0x49: {  	_ =	swait.ge [sflag:s18], $0x800  }
0x4a: {  	s24 =	simm.s32 $0x400;
	s22 =	simm.s32 $0x200;
	[sflag:s18] =	ssyncset.done $0x0  }
.LBB2_7:
0x4b: {  	s25 =	sshra.s32 s22, $0x2  }
0x4c: {  	[sflag:s18] =	ssyncadd.s32 $0xFFFFF800;
	s22 =	smov.u32 s24;
	s23 =	sadd.s32 $0x200, s24  }
0x4d: {  	p1 =	sne.s32 s24, $0x3E00;
	v2 =	vld [tilespmem:s25+$0x0];
	_ =	sdelay $0x4  }
0x4e: {  	[tilespmem:$0x1000] =	vst v2  }
0x4f: {  	v2 =	vld [tilespmem:s25+$0x10];
	_ =	sdelay $0x4  }
0x50: {  	[tilespmem:$0x1010] =	vst v2  }
0x51: {  	v2 =	vld [tilespmem:s25+$0x20];
	_ =	sdelay $0x4  }
0x52: {  	[tilespmem:$0x1020] =	vst v2  }
0x53: {  	v2 =	vld [tilespmem:s25+$0x30];
	_ =	sdelay $0x4  }
0x54: {  	[tilespmem:$0x1030] =	vst v2  }
0x55: {  	v2 =	vld [tilespmem:s25+$0x40];
	_ =	sdelay $0x4  }
0x56: {  	[tilespmem:$0x1040] =	vst v2  }
0x57: {  	v2 =	vld [tilespmem:s25+$0x50];
	_ =	sdelay $0x4  }
0x58: {  	[tilespmem:$0x1050] =	vst v2  }
0x59: {  	v2 =	vld [tilespmem:s25+$0x60];
	_ =	sdelay $0x4  }
0x5a: {  	[tilespmem:$0x1060] =	vst v2  }
0x5b: {  	v2 =	vld [tilespmem:s25+$0x70];
	_ =	sdelay $0x3  }
.Ltmp2:
0x5c: {  	(pc) =	sbr.rel @p1 .LBB2_7-.Ltmp2, $4  }
0x5d: {  	[tilespmem:$0x1070] =	vst v2  }
0x5e: {  	[spmem:s1] =	stream.indirect.scatter.add.f32 [tilespmem:s17], [sflag:$0x1], $0x10, s20, s19, $0xb8;
	[tilespmem:$0x4080] =	vst v63  }
0x5f: {  	_ =	swait.ge [sflag:s18], $0x800  }
0x60: {  	s24 =	smov.u32 s23;
	[sflag:s18] =	ssyncset.done $0x0  }
0x61: {  	s22 =	sshra.s32 s22, $0x2;
	[sflag:s18] =	ssyncadd.s32 $0xFFFFF800  }
0x62: {  	v2 =	vld [tilespmem:s22+$0x0];
	_ =	sdelay $0x4  }
0x63: {  	[tilespmem:$0x1000] =	vst v2  }
0x64: {  	v2 =	vld [tilespmem:s22+$0x10];
	_ =	sdelay $0x4  }
0x65: {  	[tilespmem:$0x1010] =	vst v2  }
0x66: {  	v2 =	vld [tilespmem:s22+$0x20];
	_ =	sdelay $0x4  }
0x67: {  	[tilespmem:$0x1020] =	vst v2  }
0x68: {  	v2 =	vld [tilespmem:s22+$0x30];
	_ =	sdelay $0x4  }
0x69: {  	[tilespmem:$0x1030] =	vst v2  }
0x6a: {  	v2 =	vld [tilespmem:s22+$0x40];
	_ =	sdelay $0x4  }
0x6b: {  	[tilespmem:$0x1040] =	vst v2  }
0x6c: {  	v2 =	vld [tilespmem:s22+$0x50];
	_ =	sdelay $0x4  }
0x6d: {  	[tilespmem:$0x1050] =	vst v2  }
0x6e: {  	v2 =	vld [tilespmem:s22+$0x60];
	_ =	sdelay $0x4  }
0x6f: {  	[tilespmem:$0x1060] =	vst v2  }
0x70: {  	v2 =	vld [tilespmem:s22+$0x70];
	_ =	sdelay $0x2  }
0x71: {  	s21 =	sadd.s32 $0x1, s21  }
0x72: {  	p1 =	sne.s32 s21, $0x5  }
.Ltmp3:
0x73: {  	[tilespmem:$0x1070] =	vst v2;
	(pc) =	sbr.rel @p1 .LBB2_6-.Ltmp3, $4  }
0x74: {  	[spmem:s1] =	stream.indirect.scatter.add.f32 [tilespmem:s17], [sflag:$0x1], $0x10, s20, s19, $0xb8;
	[tilespmem:$0x4080] =	vst v63  }
0x75: {  	_ =	swait.ge [sflag:s18], $0x800  }
0x76: {  	[sflag:s18] =	ssyncset.done $0x0  }
0x77: {  	[sflag:s18] =	ssyncadd.s32 $0xFFFFF800  }
0x78: {  	[bflag:$0x0] =	sbarrier.arrive $0xFFFF;
	s21 =	simm.s32 @!p0 $0x1080;
	s22 =	simm.s32 @!p0 $0x1  }
0x79: {  	[tilespmem:s21], [sflag:$0x1] =	stream.linear.gather @!p0 [spmem:s5], $0x800, $0x38;
	[tilespmem:$0x4080] =	vst v63  }
0x7a: {  	_ =	swait.ge @!p0 [sflag:s22], $0x800  }
0x7b: {  	[sflag:s22] =	ssyncset.done @!p0 $0x0  }
0x7c: {  	s23 =	simm.s32 @!p0 $0x0;
	[sflag:s22] =	ssyncadd.s32 @!p0 $0xFFFFF800  }
0x7d: {  	[hbm4b:s11+s23] =	stream.linear.scatter @!p0 [tilespmem:s21], [sflag:$0x1], $0x800, $0x38;
	[tilespmem:$0x4080] =	vst v63  }
0x7e: {  	_ =	swait.ge @!p0 [sflag:s22], $0x800  }
0x7f: {  	[sflag:s22] =	ssyncset.done @!p0 $0x0  }
0x80: {  	[sflag:s22] =	ssyncadd.s32 @!p0 $0xFFFFF800  }
0x81: {  	[tilespmem:s21], [sflag:$0x1] =	stream.linear.gather @!p0 [spmem:s6], $0x800, $0x38;
	[tilespmem:$0x4080] =	vst v63  }
0x82: {  	_ =	swait.ge @!p0 [sflag:s22], $0x800  }
0x83: {  	[sflag:s22] =	ssyncset.done @!p0 $0x0  }
0x84: {  	[sflag:s22] =	ssyncadd.s32 @!p0 $0xFFFFF800  }
0x85: {  	[hbm4b:s12+s23] =	stream.linear.scatter @!p0 [tilespmem:s21], [sflag:$0x1], $0x800, $0x38;
	[tilespmem:$0x4080] =	vst v63  }
0x86: {  	_ =	swait.ge @!p0 [sflag:s22], $0x800  }
0x87: {  	[sflag:s22] =	ssyncset.done @!p0 $0x0  }
0x88: {  	[sflag:s22] =	ssyncadd.s32 @!p0 $0xFFFFF800  }
0x89: {  	[tilespmem:s21], [sflag:$0x1] =	stream.linear.gather @!p0 [spmem:s7], $0x800, $0x38;
	[tilespmem:$0x4080] =	vst v63  }
0x8a: {  	_ =	swait.ge @!p0 [sflag:s22], $0x800  }
0x8b: {  	[sflag:s22] =	ssyncset.done @!p0 $0x0  }
0x8c: {  	[sflag:s22] =	ssyncadd.s32 @!p0 $0xFFFFF800  }
0x8d: {  	[hbm4b:s13+s23] =	stream.linear.scatter @!p0 [tilespmem:s21], [sflag:$0x1], $0x800, $0x38;
	[tilespmem:$0x4080] =	vst v63  }
0x8e: {  	_ =	swait.ge @!p0 [sflag:s22], $0x800  }
0x8f: {  	[sflag:s22] =	ssyncset.done @!p0 $0x0  }
0x90: {  	[sflag:s22] =	ssyncadd.s32 @!p0 $0xFFFFF800  }
0x91: {  	[tilespmem:s21], [sflag:$0x1] =	stream.linear.gather @!p0 [spmem:s8], $0x800, $0x38;
	[tilespmem:$0x4080] =	vst v63  }
0x92: {  	_ =	swait.ge @!p0 [sflag:s22], $0x800  }
0x93: {  	[sflag:s22] =	ssyncset.done @!p0 $0x0  }
0x94: {  	[sflag:s22] =	ssyncadd.s32 @!p0 $0xFFFFF800  }
0x95: {  	[hbm4b:s14+s23] =	stream.linear.scatter @!p0 [tilespmem:s21], [sflag:$0x1], $0x800, $0x38;
	[tilespmem:$0x4080] =	vst v63  }
0x96: {  	_ =	swait.ge @!p0 [sflag:s22], $0x800  }
0x97: {  	[sflag:s22] =	ssyncset.done @!p0 $0x0  }
0x98: {  	[sflag:s22] =	ssyncadd.s32 @!p0 $0xFFFFF800  }
0x99: {  	[tilespmem:s21], [sflag:$0x1] =	stream.linear.gather @!p0 [spmem:s9], $0x800, $0x38;
	[tilespmem:$0x4080] =	vst v63  }
0x9a: {  	s3 =	sadd.s32 $0x1, s3;
	_ =	swait.ge @!p0 [sflag:s22], $0x800  }
0x9b: {  	p1 =	sne.s32 s3, s16;
	[sflag:s22] =	ssyncset.done @!p0 $0x0  }
.Ltmp4:
0x9c: {  	[sflag:s22] =	ssyncadd.s32 @!p0 $0xFFFFF800;
	(pc) =	sbr.rel @p1 .LBB2_1-.Ltmp4, $4  }
0x9d: {  	[hbm4b:s15+s23] =	stream.linear.scatter @!p0 [tilespmem:s21], [sflag:$0x1], $0x800, $0x38;
	[tilespmem:$0x4080] =	vst v63  }
0x9e: {  	_ =	swait.ge @!p0 [sflag:s22], $0x800  }
0x9f: {  	[sflag:s22] =	ssyncset.done @!p0 $0x0  }
0xa0: {  	[sflag:s22] =	ssyncadd.s32 @!p0 $0xFFFFF800  }
0xa1: {  	_ =	sfence.sel $0x180000  }
0xa2: {  	[bflag:$0x0] =	sbarrier.arrive $0xFFFF  }
0xa3: {  	p0 =	sne.s32 s2, $0x0;
	_ =	strace $0x9000004A  }
0xa4: {  	s0 =	sadd.s32 @!p0 $0x100000, s0;
	[bflag:$0x2] =	sbarrier.arrive $0xFFFF  }
0xa5: {  	[sflag:s0] =	ssyncadd.tile.s32 @!p0 $0x1;
	_ =	shalt  }
.Lfunc_end2:
_tile_overlayer_lowered:
.L_overlay_start_2:
0xa6: {  	(tag) =	ssettag $0x2  }
0xa7: {  	s0 =	rddreg [dreg:$0x0];
	s2 =	stileid.u32  }
0xa8: {  	s1 =	rddreg [dreg:$0x1];
	p0 =	sne.s32 s2, $0x0  }
0xa9: {  	s3 =	rddreg [dreg:$0x2];
	[bflag:$0x3] =	sbarrier.arrive $0xFFFF;
	s2 =	simm.s32 @!p0 $0x1C01  }
0xaa: {  	[timem:s3], [sflag:s2] =	dma.local @!p0 [hbm:s0], s1  }
0xab: {  	s0 =	simm.s32 @!p0 $0x1  }
0xac: {  	_ =	swait.ge @!p0 [sflag:s0], s1  }
0xad: {  	s1 =	ssub.s32 @!p0 $0x0, s1;
	[sflag:s0] =	ssyncset.done @!p0 $0x0  }
0xae: {  	[sflag:s0] =	ssyncadd.s32 @!p0 s1  }
0xaf: {  	[bflag:$0x3] =	sbarrier.arrive $0xFFFF  }
0xb0: {  	_ =	shalt  }

// kernel: kernel.15.cloned.1.call-start
scs
__scs_entry_jumppad:
0x0: {  	(pc) =	sbr.rel $0x88, $3  }
0x1: {  	(tag) =	ssettag $0x0;
	lr =	simm.s32 $0x1  }
0x2: {  	[smem:$0x3F93] =	sst lr;
	_ =	strace $0xD0000000  }
0x3: {  	_ = 	snop  }
0x4: {  	_ = 	snop  }
0x5: {  	_ = 	snop  }
0x6: {  	_ = 	snop  }
0x7: {  	_ = 	snop  }
__scs_overlays_trampoline_lowered:
0x8: {  	[smem:$0x3FA2] =	sst s0  }
0x9: {  	[smem:$0x3FA3] =	sst s1  }
0xa: {  	[smem:$0x3FA4] =	sst s2  }
0xb: {  	[smem:$0x3FA5] =	sst s3  }
0xc: {  	[smem:$0x3FA6] =	sst s4  }
0xd: {  	[smem:$0x3FA7] =	sst s5  }
0xe: {  	[smem:$0x3FA8] =	sst s6  }
0xf: {  	[smem:$0x3FA9] =	sst s7  }
0x10: {  	[smem:$0x3FAA] =	sst s8  }
0x11: {  	[smem:$0x3FAB] =	sst s9;
	s0 =	simm.s32 @!p0 $0x0  }
0x12: {  	s1 =	sld [smem:$0x3F91];
	s0 =	simm.s32 @p0 $0x1  }
0x13: {  	[smem:$0x3FAC] =	sst s0;
	s0 =	simm.s32 @!p1 $0x0  }
0x14: {  	s2 =	sld [smem:$0x3F90];
	s0 =	simm.s32 @p1 $0x1  }
0x15: {  	[smem:$0x3FAD] =	sst s0;
	s0 =	simm.s32 @!p2 $0x0  }
0x16: {  	s3 =	sld [smem:$0x3FDB];
	s0 =	simm.s32 @p2 $0x1  }
0x17: {  	s4 =	simm.s32 $0x1BF5;
	[smem:$0x3FAF] =	sst s0  }
0x18: {  	s0 =	sld [smem:$0x3F92];
	_ =	swait.ge [sflag:s4], $0x0  }
0x19: {  	s7 =	sld [smem:$0x3F93]  }
0x1a: {  	s8 =	sadd.s32 $0xFFFFE003, lr  }
0x1b: {  	s9 =	sadd.s32 $0xFFFFFEF7, lr;
	s5 =	simm.s32 $0xFFFFFFFF;
	p2 =	slt.u32 s8, $0xFFFFF086  }
0x1c: {  	p1 =	slt.u32 s9, $0xF7A;
	s5 =	simm.s32 @!p2 $0x0  }
0x1d: {  	s5 =	simm.s32 @p1 $0x1;
	p0 =	seq.s32 s7, s2  }
0x1e: {  	s7 =	smul.u32 @!p0 $0xF7A, s2;
	p2 =	seq.s32 @!p0 s5, $0x0  }
0x1f: {  	s9 =	smul.u32 $0xF7A, s1;
	s8 =	simm.s32 @!p0 $0x1BF5;
	p2 =	por !p2, p0  }
0x20: {  	[sflag:s8] =	ssyncset.s32 @!p0 $0xFFFFF086;
	s6 =	sadd.s32 @!p0 s3, s7;
	s7 =	simm.s32 @!p0 $0x108  }
0x21: {  	s3 =	sadd.s32 s3, s9;
	s6 =	sadd.s32 @!p0 $0x88, s6;
	s7 =	simm.s32 @p2 $0x1082  }
0x22: {  	[simem:s7], [sflag:s8] =	dma.local @!p0 [hbm:s6], $0xF7A  }
0x23: {  	s9 =	sor.u32 $0xD0000000, s2;
	s6 =	simm.s32 $0x108;
	_ =	swait.ge @!p0 [sflag:s8], $0x0  }
0x24: {  	s3 =	sadd.s32 $0x88, s3;
	s6 =	simm.s32 @!p1 $0x1082;
	[sflag:s4] =	ssyncset.s32 $0xFFFFF086  }
0x25: {  	[simem:s6], [sflag:s4] =	dma.local [hbm:s3], $0xF7A  }
0x26: {  	[smem:$0x3F93] =	sst s1;
	(tag) =	ssettag s2;
	_ =	strace s9  }
0x27: {  	s1 =	sld [smem:$0x3FA3]  }
0x28: {  	s2 =	sld [smem:$0x3FA4]  }
0x29: {  	s4 =	sld [smem:$0x3FA6]  }
0x2a: {  	p0 =	seq.s32 s5, $0x0;
	s5 =	sld [smem:$0x3FA7]  }
0x2b: {  	s6 =	sld [smem:$0x3FA8]  }
0x2c: {  	s7 =	sld [smem:$0x3FA9]  }
0x2d: {  	s3 =	simm.s32 $0x108;
	s8 =	sld [smem:$0x3FAA]  }
0x2e: {  	s3 =	simm.s32 @!p0 $0x1082;
	s9 =	sld [smem:$0x3FAB]  }
0x2f: {  	lr =	sadd.s32 s0, s3;
	s0 =	sld [smem:$0x3FA2]  }
0x30: {  	s3 =	sld [smem:$0x3FA5]  }
0x31: {  	[smem:$0x3FAE] =	sst s10  }
0x32: {  	s10 =	sld [smem:$0x3FAC];
	_ =	sdelay $0x3  }
0x33: {  	p0 =	seq.s32 s10, $0x1;
	s10 =	sld [smem:$0x3FAE];
	_ =	sdelay $0x3  }
0x34: {  	[smem:$0x3FAE] =	sst s10  }
0x35: {  	s10 =	sld [smem:$0x3FAD];
	_ =	sdelay $0x3  }
0x36: {  	p1 =	seq.s32 s10, $0x1;
	s10 =	sld [smem:$0x3FAE];
	_ =	sdelay $0x3  }
0x37: {  	[smem:$0x3FAE] =	sst s10  }
0x38: {  	s10 =	sld [smem:$0x3FAF]  }
0x39: {  	_ = 	snop;
	(pc) =	sbr.ind lr, $3  }
0x3a: {  	_ = 	snop  }
0x3b: {  	_ = 	snop  }
0x3c: {  	p2 =	seq.s32 s10, $0x1;
	s10 =	sld [smem:$0x3FAE]  }
0x3d: {  	_ =	shalt  }
0x3e: {  	_ =	shalt  }
0x3f: {  	_ =	shalt  }
0x40: {  	_ =	shalt  }
0x41: {  	_ =	shalt  }
0x42: {  	_ =	shalt  }
0x43: {  	_ =	shalt  }
0x44: {  	_ =	shalt  }
0x45: {  	_ =	shalt  }
0x46: {  	_ =	shalt  }
0x47: {  	_ =	shalt  }
0x48: {  	_ =	shalt  }
0x49: {  	_ =	shalt  }
0x4a: {  	_ =	shalt  }
0x4b: {  	_ =	shalt  }
0x4c: {  	_ =	shalt  }
0x4d: {  	_ =	shalt  }
0x4e: {  	_ =	shalt  }
0x4f: {  	_ =	shalt  }
0x50: {  	_ =	shalt  }
0x51: {  	_ =	shalt  }
0x52: {  	_ =	shalt  }
0x53: {  	_ =	shalt  }
0x54: {  	_ =	shalt  }
0x55: {  	_ =	shalt  }
0x56: {  	_ =	shalt  }
0x57: {  	_ =	shalt  }
0x58: {  	_ =	shalt  }
0x59: {  	_ =	shalt  }
0x5a: {  	_ =	shalt  }
0x5b: {  	_ =	shalt  }
0x5c: {  	_ =	shalt  }
0x5d: {  	_ =	shalt  }
0x5e: {  	_ =	shalt  }
0x5f: {  	_ =	shalt  }
0x60: {  	_ =	shalt  }
0x61: {  	_ =	shalt  }
0x62: {  	_ =	shalt  }
0x63: {  	_ =	shalt  }
0x64: {  	_ =	shalt  }
0x65: {  	_ =	shalt  }
0x66: {  	_ =	shalt  }
0x67: {  	_ =	shalt  }
0x68: {  	_ =	shalt  }
0x69: {  	_ =	shalt  }
0x6a: {  	_ =	shalt  }
0x6b: {  	_ =	shalt  }
0x6c: {  	_ =	shalt  }
0x6d: {  	_ =	shalt  }
0x6e: {  	_ =	shalt  }
0x6f: {  	_ =	shalt  }
0x70: {  	_ =	shalt  }
0x71: {  	_ =	shalt  }
0x72: {  	_ =	shalt  }
0x73: {  	_ =	shalt  }
0x74: {  	_ =	shalt  }
0x75: {  	_ =	shalt  }
0x76: {  	_ =	shalt  }
0x77: {  	_ =	shalt  }
0x78: {  	_ =	shalt  }
0x79: {  	_ =	shalt  }
0x7a: {  	_ =	shalt  }
0x7b: {  	_ =	shalt  }
0x7c: {  	_ =	shalt  }
0x7d: {  	_ =	shalt  }
0x7e: {  	_ =	shalt  }
0x7f: {  	_ =	shalt  }
0x80: {  	_ =	shalt  }
0x81: {  	_ =	shalt  }
0x82: {  	_ =	shalt  }
0x83: {  	_ =	shalt  }
0x84: {  	_ =	shalt  }
0x85: {  	_ =	shalt  }
0x86: {  	_ =	shalt  }
0x87: {  	_ =	shalt  }
.Lfunc_end0:
.L_simem_size_0:
called_computation.1_lowered:
.L_overlay_start_0:
0x88: {  	s2 =	sld [smem:$0x3FD9]  }
0x89: {  	s3 =	sld [smem:$0x3FFE];
	_ =	sdelay $0x1  }
0x8a: {  	s1 =	srdreg.scid  }
0x8b: {  	s0 =	sand.u32 $0x1, s1  }
0x8c: {  	s17 =	sshll.u32 s0, $0xA;
	s2 =	sadd.s32 s3, s2  }
0x8d: {  	s2 =	sadd.s32 s2, s17  }
0x8e: {  	[smem:$0x3FBA] =	sst s2  }
0x8f: {  	_ = 	snop  }
0x90: {  	s2 =	sld [smem:$0x3FD0];
	(tm) =	ssettm $0x1  }
0x91: {  	s18 =	sld [smem:$0x3FFB];
	_ =	sdelay $0x3  }
0x92: {  	_ =	strace s18  }
0x93: {  	s3 =	sld [smem:$0x3FFC];
	_ =	sdelay $0x3  }
0x94: {  	_ =	strace s3  }
0x95: {  	s3 =	sld [smem:$0x3FFD];
	_ =	sdelay $0x3  }
0x96: {  	_ =	strace s3  }
0x97: {  	_ =	strace $0x8FFFFFFF  }
0x98: {  	s19 =	sld [smem:$0x3FDB];
	_ =	sdelay $0x1  }
0x99: {  	s4 =	simm.s32 $_scs_section_size  }
0x9a: {  	s5 =	simm.s32 $_size__tile_overlayer_lowered;
	s6 =	simm.s32 $_tile_overlayer_lowered  }
0x9b: {  	s22 =	simm.s32 $0x1BFF;
	s21 =	sshll.u32 s6, $0x1;
	s3 =	sadd.s32 s4, s19  }
0x9c: {  	s7 =	simm.s32 $0x0;
	s20 =	sshll.u32 s5, $0x1;
	s5 =	sadd.s32 s21, s3  }
0x9d: {  	[timem:s7], [sflag:s22] =	dma.local [hbm:s5], s20  }
0x9e: {  	_ =	swait.ge [sflag:s22], s20  }
0x9f: {  	s4 =	ssub.s32 $0x0, s20;
	[sflag:s22] =	ssyncset.done $0x0  }
0xa0: {  	[sflag:s22] =	ssyncadd.s32 s4;
	_ =	sdelay $0x1  }
0xa1: {  	s23 =	simm.s32 $0x1B8B  }
0xa2: {  	_ =	swait.ge [sflag:s23], $0x1  }
0xa3: {  	[sflag:s23] =	ssyncset.done $0x0  }
0xa4: {  	s25 =	simm.s32 $0x1B8E;
	s24 =	sld [smem:$0x3FFE];
	[sflag:s23] =	ssyncadd.s32 $0xFFFFFFFF  }
0xa5: {  	s26 =	simm.s32 $execute0_lowered;
	[smem:$0x3FD2] =	sst s25  }
0xa6: {  	s5 =	sshll.u32 s26, $0x1;
	_ =	strace $0x80000046;
	[dreg:$0x1] =	wrdreg $0xFFFFFFFF  }
0xa7: {  	s28 =	simm.s32 $_size_execute0_lowered;
	s3 =	sadd.s32 s3, s5;
	[dreg:$0x0] =	wrdreg $0x0  }
0xa8: {  	s5 =	sshll.u32 s28, $0x1;
	[dreg:$0x2] =	wrdreg s3  }
0xa9: {  	[dreg:$0x3] =	wrdreg s5  }
0xaa: {  	[dreg:$0x4] =	wrdreg $0xC0  }
0xab: {  	_ =	task [dreg:s7], $0x5FFFF  }
0xac: {  	[dreg:$0x1] =	wrdreg $0xFFFFFFFF  }
0xad: {  	[dreg:$0x0] =	wrdreg $0x60  }
0xae: {  	[dreg:$0x2] =	wrdreg s24  }
0xaf: {  	[dreg:$0x3] =	wrdreg s2  }
0xb0: {  	[dreg:$0x4] =	wrdreg $0x41000  }
0xb1: {  	[dreg:$0x5] =	wrdreg $0xA  }
0xb2: {  	_ =	task.clear_ibuf [dreg:s7], $0x6FFFF;
	_ =	strace $0x90000046  }
0xb3: {  	s29 =	simm.s32 $0xA;
	_ =	strace $0x80000048  }
0xb4: {  	_ =	swait.ge [sflag:s29], $0x1  }
0xb5: {  	[sflag:s29] =	ssyncadd.s32 $0xFFFFFFFF  }
0xb6: {  	_ =	strace $0x90000048  }
0xb7: {  	_ =	sfence  }
0xb8: {  	s30 =	sld [smem:$0x0];
	_ =	sdelay $0x2  }
0xb9: {  	s31 =	sshll.u32 s1, $0xD;
	s1 =	sshrl.u32 s1, $0x2  }
0xba: {  	s3 =	sand.u32 $0x4000, s31;
	s1 =	sadd.s32 s1, s30  }
0xbb: {  	s0 =	sor.u32 s3, s0;
	s1 =	sshll.u32 s1, $0x11  }
0xbc: {  	s0 =	sor.u32 s1, s0  }
0xbd: {  	s0 =	sadd.s32 $0x8F2B, s0  }
0xbe: {  	[sflag:s0] =	ssyncadd.remote.s32 $0x1  }
0xbf: {  	_ =	sfence.sel $0xFFFF  }
0xc0: {  	[dreg:$0x0] =	wrdreg $0xFFFFFFFF;
	(pc) =	sbr.abs _section_cstart, $3  }
0xc1: {  	[dreg:$0x1] =	wrdreg $0xFFFFFFFF  }
0xc2: {  	_ =	task.clear_ibuf [dreg:s7], $0x2FFFF;
	_ =	strace $0x9FFFFFFF  }
0xc3: {  	(tm) =	ssettm $0x7FFFFFFF  }
tec
execute0_lowered:
.L_overlay_start_1:
0x0: {  	(tag) =	ssettag $0x1  }
0x1: {  	s0 =	rddreg [dreg:$0x0]  }
0x2: {  	s2 =	rddreg [dreg:$0x1]  }
0x3: {  	s3 =	rddreg [dreg:$0x2];
	s5 =	srdreg.scid  }
0x4: {  	s1 =	stileid.u32;
	s4 =	simm.s32 $0x0;
	s19 =	simm.s32 $0x2100  }
0x5: {  	s20 =	simm.s32 $0x1;
	s21 =	simm.s32 $0x1000;
	s22 =	simm.s32 $0x80  }
0x6: {  	s24 =	simm.s32 $0x2080;
	s25 =	simm.s32 $0x0;
	s8 =	smul.u32 $0x280, s1  }
0x7: {  	s7 =	sand.u32 $0x1, s5;
	[smem:$0x7FF] =	sst s4;
	s9 =	smul.u32 $0x28000, s1  }
0x8: {  	s5 =	sadd.s32 $0x53000, s0;
	s6 =	sadd.s32 $0x7B000, s0;
	s23 =	smul.u32 $0x2800, s7  }
0x9: {  	s12 =	smul.u32 $0x5000, s1;
	_ =	strace $0x80000047;
	s7 =	ssub.s32 $0x2, s7  }
0xa: {  	s10 =	sshrl.u32 s7, $0x1;
	s9 =	sshrl.u32 s9, $0x2;
	s8 =	sadd.s32 s8, s23  }
0xb: {  	s18 =	ssub.s32 s7, s10;
	s7 =	sadd.s32 s9, s3;
	v0 =	vmov s23;
	s23 =	simm.s32 $0x2000  }
0xc: {  	s8 =	sshll.u32 s8, $0x3;
	s9 =	sadd.s32 $0x4000, s7;
	s10 =	sadd.s32 $0x6000, s7  }
0xd: {  	s11 =	sadd.s32 $0x8000, s7;
	s18 =	smax.u32 s18, $0x1;
	s0 =	sadd.s32 s8, s0  }
0xe: {  	s8 =	sadd.s32 $0x2000, s7;
	s13 =	sadd.s32 $0x85000, s0;
	s14 =	sadd.s32 $0x85400, s0  }
0xf: {  	v1 =	vimm.f32 $0.0e+00;
	s15 =	sadd.s32 $0x85800, s0;
	s16 =	sadd.s32 $0x85C00, s0;
	s17 =	sadd.s32 $0x86000, s0  }
.LBB2_1:
0x10: {  	s28 =	simm.s32 $0x100;
	s26 =	simm.s32 $0x0  }
.LBB2_2:
0x11: {  	p0 =	sne.s32 s28, $0x7F00;
	[tilespmem:s26+$0x2130] =	vst v1;
	s0 =	smov.u32 s28;
	s28 =	sadd.s32 $0x100, s28  }
.Ltmp0:
0x12: {  	[tilespmem:s26+$0x2120] =	vst v1;
	(pc) =	sbr.rel @p0 .LBB2_2-.Ltmp0, $3  }
0x13: {  	[tilespmem:s26+$0x2100] =	vst v1  }
0x14: {  	[tilespmem:s26+$0x2110] =	vst v1;
	_ =	sdelay $0x1  }
0x15: {  	s26 =	sshra.s32 s0, $0x2  }
0x16: {  	[tilespmem:s26+$0x2130] =	vst v1  }
0x17: {  	[tilespmem:s26+$0x2120] =	vst v1  }
0x18: {  	[tilespmem:s26+$0x2100] =	vst v1  }
0x19: {  	[tilespmem:s26+$0x2110] =	vst v1  }
0x1a: {  	[spmem:s7] =	stream.linear.scatter [tilespmem:s19], [sflag:$0x1], $0x2000, $0x38;
	[tilespmem:$0xE100] =	vst v63  }
0x1b: {  	_ =	swait.ge [sflag:s20], $0x2000  }
0x1c: {  	[sflag:s20] =	ssyncset.done $0x0  }
0x1d: {  	[sflag:s20] =	ssyncadd.s32 $0xFFFFE000  }
0x1e: {  	[spmem:s8] =	stream.linear.scatter [tilespmem:s19], [sflag:$0x1], $0x2000, $0x38;
	[tilespmem:$0xE100] =	vst v63  }
0x1f: {  	_ =	swait.ge [sflag:s20], $0x2000  }
0x20: {  	[sflag:s20] =	ssyncset.done $0x0  }
0x21: {  	[sflag:s20] =	ssyncadd.s32 $0xFFFFE000  }
0x22: {  	[spmem:s9] =	stream.linear.scatter [tilespmem:s19], [sflag:$0x1], $0x2000, $0x38;
	[tilespmem:$0xE100] =	vst v63  }
0x23: {  	_ =	swait.ge [sflag:s20], $0x2000  }
0x24: {  	[sflag:s20] =	ssyncset.done $0x0  }
0x25: {  	[sflag:s20] =	ssyncadd.s32 $0xFFFFE000  }
0x26: {  	[spmem:s10] =	stream.linear.scatter [tilespmem:s19], [sflag:$0x1], $0x2000, $0x38;
	[tilespmem:$0xE100] =	vst v63  }
0x27: {  	_ =	swait.ge [sflag:s20], $0x2000  }
0x28: {  	[sflag:s20] =	ssyncset.done $0x0  }
0x29: {  	[sflag:s20] =	ssyncadd.s32 $0xFFFFE000  }
0x2a: {  	[spmem:s11] =	stream.linear.scatter [tilespmem:s19], [sflag:$0x1], $0x2000, $0x38;
	[tilespmem:$0xE100] =	vst v63  }
0x2b: {  	_ =	swait.ge [sflag:s20], $0x2000  }
0x2c: {  	[sflag:s20] =	ssyncset.done $0x0  }
0x2d: {  	[sflag:s20] =	ssyncadd.s32 $0xFFFFE000  }
0x2e: {  	s26 =	simm.s32 $0x0;
	s28 =	simm.s32 $0x0;
	[bflag:$0x0] =	sbarrier.arrive $0xFFFF  }
.LBB2_4:
0x2f: {  	s0 =	sshll.u32 s28, $0xC  }
0x30: {  	s0 =	sadd.s32 s12, s0  }
0x31: {  	s0 =	sshrl.u32 s0, $0x3  }
0x32: {  	s29 =	sadd.s32 s2, s0  }
0x33: {  	[tilespmem:s26], [sflag:$0x1] =	stream.linear.gather [hbm4b:s29+s26], $0x1000, $0x38;
	[tilespmem:$0xE100] =	vst v63  }
0x34: {  	_ =	swait.ge [sflag:s20], $0x1000  }
0x35: {  	[sflag:s20] =	ssyncset.done $0x0  }
0x36: {  	s0 =	sadd.s32 s6, s0;
	[sflag:s20] =	ssyncadd.s32 $0xFFFFF000  }
0x37: {  	[tilespmem:s21], [sflag:$0x1] =	stream.linear.gather [hbm4b:s0+s26], $0x1000, $0x38;
	[tilespmem:$0xE100] =	vst v63  }
0x38: {  	_ =	swait.ge [sflag:s20], $0x1000  }
0x39: {  	[sflag:s20] =	ssyncset.done $0x0  }
0x3a: {  	s31 =	simm.s32 $0x0;
	[sflag:s20] =	ssyncadd.s32 $0xFFFFF000  }
0x3b: {  	v2 =	vld [tilespmem:s31+$0x0];
	_ =	sdelay $0x4  }
0x3c: {  	v2 =	vadd.s32 v0, v2  }
0x3d: {  	[tilespmem:$0x2000] =	vst v2  }
0x3e: {  	v2 =	vld [tilespmem:s31+$0x1000];
	_ =	sdelay $0x4  }
0x3f: {  	[tilespmem:$0x2080] =	vst v2  }
0x40: {  	v2 =	vld [tilespmem:s31+$0x10];
	_ =	sdelay $0x4  }
0x41: {  	v2 =	vadd.s32 v0, v2  }
0x42: {  	[tilespmem:$0x2010] =	vst v2  }
0x43: {  	v2 =	vld [tilespmem:s31+$0x1010];
	_ =	sdelay $0x4  }
0x44: {  	[tilespmem:$0x2090] =	vst v2  }
0x45: {  	v2 =	vld [tilespmem:s31+$0x20];
	_ =	sdelay $0x4  }
0x46: {  	v2 =	vadd.s32 v0, v2  }
0x47: {  	[tilespmem:$0x2020] =	vst v2  }
0x48: {  	v2 =	vld [tilespmem:s31+$0x1020];
	_ =	sdelay $0x4  }
0x49: {  	[tilespmem:$0x20A0] =	vst v2  }
0x4a: {  	v2 =	vld [tilespmem:s31+$0x30];
	_ =	sdelay $0x4  }
0x4b: {  	v2 =	vadd.s32 v0, v2  }
0x4c: {  	[tilespmem:$0x2030] =	vst v2  }
0x4d: {  	v2 =	vld [tilespmem:s31+$0x1030];
	_ =	sdelay $0x4  }
0x4e: {  	[tilespmem:$0x20B0] =	vst v2  }
0x4f: {  	v2 =	vld [tilespmem:s31+$0x40];
	_ =	sdelay $0x4  }
0x50: {  	v2 =	vadd.s32 v0, v2  }
0x51: {  	[tilespmem:$0x2040] =	vst v2  }
0x52: {  	v2 =	vld [tilespmem:s31+$0x1040];
	_ =	sdelay $0x4  }
0x53: {  	[tilespmem:$0x20C0] =	vst v2  }
0x54: {  	v2 =	vld [tilespmem:s31+$0x50];
	_ =	sdelay $0x4  }
0x55: {  	v2 =	vadd.s32 v0, v2  }
0x56: {  	[tilespmem:$0x2050] =	vst v2  }
0x57: {  	v2 =	vld [tilespmem:s31+$0x1050];
	_ =	sdelay $0x4  }
0x58: {  	[tilespmem:$0x20D0] =	vst v2  }
0x59: {  	v2 =	vld [tilespmem:s31+$0x60];
	_ =	sdelay $0x4  }
0x5a: {  	v2 =	vadd.s32 v0, v2  }
0x5b: {  	[tilespmem:$0x2060] =	vst v2  }
0x5c: {  	v2 =	vld [tilespmem:s31+$0x1060];
	_ =	sdelay $0x4  }
0x5d: {  	[tilespmem:$0x20E0] =	vst v2  }
0x5e: {  	v2 =	vld [tilespmem:s31+$0x70];
	_ =	sdelay $0x4  }
0x5f: {  	v2 =	vadd.s32 v0, v2  }
0x60: {  	[tilespmem:$0x2070] =	vst v2  }
0x61: {  	v2 =	vld [tilespmem:s31+$0x1070];
	_ =	sdelay $0x4  }
0x62: {  	[tilespmem:$0x20F0] =	vst v2  }
0x63: {  	[tilespmem:s19], [sflag:$0x1] =	stream.indirect.gather [hbm4b:s5+s22], $0x40, s23, s22, $0xb8;
	[tilespmem:$0xE100] =	vst v63  }
0x64: {  	_ =	swait.ge [sflag:s20], $0x2000  }
0x65: {  	[sflag:s20] =	ssyncset.done $0x0  }
0x66: {  	[sflag:s20] =	ssyncadd.s32 $0xFFFFE000  }
0x67: {  	[spmem:s3] =	stream.indirect.scatter.add.f32 [tilespmem:s19], [sflag:$0x1], $0x40, s24, s22, $0xb8;
	[tilespmem:$0xE100] =	vst v63  }
0x68: {  	_ =	swait.ge [sflag:s20], $0x2000  }
0x69: {  	s30 =	simm.s32 $0x400;
	s29 =	simm.s32 $0x200;
	[sflag:s20] =	ssyncset.done $0x0  }
.LBB2_5:
0x6a: {  	s31 =	sshra.s32 s29, $0x2  }
0x6b: {  	[sflag:s20] =	ssyncadd.s32 $0xFFFFE000;
	s29 =	smov.u32 s30;
	s0 =	sadd.s32 $0x200, s30  }
0x6c: {  	p0 =	sne.s32 s30, $0x3E00;
	v2 =	vld [tilespmem:s31+$0x0];
	_ =	sdelay $0x4  }
0x6d: {  	v2 =	vadd.s32 v0, v2  }
0x6e: {  	[tilespmem:$0x2000] =	vst v2  }
0x6f: {  	v2 =	vld [tilespmem:s31+$0x1000];
	_ =	sdelay $0x4  }
0x70: {  	[tilespmem:$0x2080] =	vst v2  }
0x71: {  	v2 =	vld [tilespmem:s31+$0x10];
	_ =	sdelay $0x4  }
0x72: {  	v2 =	vadd.s32 v0, v2  }
0x73: {  	[tilespmem:$0x2010] =	vst v2  }
0x74: {  	v2 =	vld [tilespmem:s31+$0x1010];
	_ =	sdelay $0x4  }
0x75: {  	[tilespmem:$0x2090] =	vst v2  }
0x76: {  	v2 =	vld [tilespmem:s31+$0x20];
	_ =	sdelay $0x4  }
0x77: {  	v2 =	vadd.s32 v0, v2  }
0x78: {  	[tilespmem:$0x2020] =	vst v2  }
0x79: {  	v2 =	vld [tilespmem:s31+$0x1020];
	_ =	sdelay $0x4  }
0x7a: {  	[tilespmem:$0x20A0] =	vst v2  }
0x7b: {  	v2 =	vld [tilespmem:s31+$0x30];
	_ =	sdelay $0x4  }
0x7c: {  	v2 =	vadd.s32 v0, v2  }
0x7d: {  	[tilespmem:$0x2030] =	vst v2  }
0x7e: {  	v2 =	vld [tilespmem:s31+$0x1030];
	_ =	sdelay $0x4  }
0x7f: {  	[tilespmem:$0x20B0] =	vst v2  }
0x80: {  	v2 =	vld [tilespmem:s31+$0x40];
	_ =	sdelay $0x4  }
0x81: {  	v2 =	vadd.s32 v0, v2  }
0x82: {  	[tilespmem:$0x2040] =	vst v2  }
0x83: {  	v2 =	vld [tilespmem:s31+$0x1040];
	_ =	sdelay $0x4  }
0x84: {  	[tilespmem:$0x20C0] =	vst v2  }
0x85: {  	v2 =	vld [tilespmem:s31+$0x50];
	_ =	sdelay $0x4  }
0x86: {  	v2 =	vadd.s32 v0, v2  }
0x87: {  	[tilespmem:$0x2050] =	vst v2  }
0x88: {  	v2 =	vld [tilespmem:s31+$0x1050];
	_ =	sdelay $0x4  }
0x89: {  	[tilespmem:$0x20D0] =	vst v2  }
0x8a: {  	v2 =	vld [tilespmem:s31+$0x60];
	_ =	sdelay $0x4  }
0x8b: {  	v2 =	vadd.s32 v0, v2  }
0x8c: {  	[tilespmem:$0x2060] =	vst v2  }
0x8d: {  	v2 =	vld [tilespmem:s31+$0x1060];
	_ =	sdelay $0x4  }
0x8e: {  	[tilespmem:$0x20E0] =	vst v2  }
0x8f: {  	v2 =	vld [tilespmem:s31+$0x70];
	_ =	sdelay $0x4  }
0x90: {  	v2 =	vadd.s32 v0, v2  }
0x91: {  	[tilespmem:$0x2070] =	vst v2  }
0x92: {  	v2 =	vld [tilespmem:s31+$0x1070];
	_ =	sdelay $0x4  }
0x93: {  	[tilespmem:$0x20F0] =	vst v2  }
0x94: {  	[tilespmem:s19], [sflag:$0x1] =	stream.indirect.gather [hbm4b:s5+s22], $0x40, s23, s22, $0xb8;
	[tilespmem:$0xE100] =	vst v63  }
0x95: {  	_ =	swait.ge [sflag:s20], $0x2000  }
.Ltmp1:
0x96: {  	[sflag:s20] =	ssyncset.done $0x0;
	(pc) =	sbr.rel @p0 .LBB2_5-.Ltmp1, $4  }
0x97: {  	[sflag:s20] =	ssyncadd.s32 $0xFFFFE000  }
0x98: {  	[spmem:s3] =	stream.indirect.scatter.add.f32 [tilespmem:s19], [sflag:$0x1], $0x40, s24, s22, $0xb8;
	[tilespmem:$0xE100] =	vst v63  }
0x99: {  	_ =	swait.ge [sflag:s20], $0x2000  }
0x9a: {  	s30 =	smov.u32 s0;
	[sflag:s20] =	ssyncset.done $0x0  }
0x9b: {  	s0 =	sshra.s32 s29, $0x2;
	[sflag:s20] =	ssyncadd.s32 $0xFFFFE000  }
0x9c: {  	v2 =	vld [tilespmem:s0+$0x0];
	_ =	sdelay $0x4  }
0x9d: {  	v2 =	vadd.s32 v0, v2  }
0x9e: {  	[tilespmem:$0x2000] =	vst v2  }
0x9f: {  	v2 =	vld [tilespmem:s0+$0x1000];
	_ =	sdelay $0x4  }
0xa0: {  	[tilespmem:$0x2080] =	vst v2  }
0xa1: {  	v2 =	vld [tilespmem:s0+$0x10];
	_ =	sdelay $0x4  }
0xa2: {  	v2 =	vadd.s32 v0, v2  }
0xa3: {  	[tilespmem:$0x2010] =	vst v2  }
0xa4: {  	v2 =	vld [tilespmem:s0+$0x1010];
	_ =	sdelay $0x4  }
0xa5: {  	[tilespmem:$0x2090] =	vst v2  }
0xa6: {  	v2 =	vld [tilespmem:s0+$0x20];
	_ =	sdelay $0x4  }
0xa7: {  	v2 =	vadd.s32 v0, v2  }
0xa8: {  	[tilespmem:$0x2020] =	vst v2  }
0xa9: {  	v2 =	vld [tilespmem:s0+$0x1020];
	_ =	sdelay $0x4  }
0xaa: {  	[tilespmem:$0x20A0] =	vst v2  }
0xab: {  	v2 =	vld [tilespmem:s0+$0x30];
	_ =	sdelay $0x4  }
0xac: {  	v2 =	vadd.s32 v0, v2  }
0xad: {  	[tilespmem:$0x2030] =	vst v2  }
0xae: {  	v2 =	vld [tilespmem:s0+$0x1030];
	_ =	sdelay $0x4  }
0xaf: {  	[tilespmem:$0x20B0] =	vst v2  }
0xb0: {  	v2 =	vld [tilespmem:s0+$0x40];
	_ =	sdelay $0x4  }
0xb1: {  	v2 =	vadd.s32 v0, v2  }
0xb2: {  	[tilespmem:$0x2040] =	vst v2  }
0xb3: {  	v2 =	vld [tilespmem:s0+$0x1040];
	_ =	sdelay $0x4  }
0xb4: {  	[tilespmem:$0x20C0] =	vst v2  }
0xb5: {  	v2 =	vld [tilespmem:s0+$0x50];
	_ =	sdelay $0x4  }
0xb6: {  	v2 =	vadd.s32 v0, v2  }
0xb7: {  	[tilespmem:$0x2050] =	vst v2  }
0xb8: {  	v2 =	vld [tilespmem:s0+$0x1050];
	_ =	sdelay $0x4  }
0xb9: {  	[tilespmem:$0x20D0] =	vst v2  }
0xba: {  	v2 =	vld [tilespmem:s0+$0x60];
	_ =	sdelay $0x4  }
0xbb: {  	v2 =	vadd.s32 v0, v2  }
0xbc: {  	[tilespmem:$0x2060] =	vst v2  }
0xbd: {  	v2 =	vld [tilespmem:s0+$0x1060];
	_ =	sdelay $0x4  }
0xbe: {  	[tilespmem:$0x20E0] =	vst v2  }
0xbf: {  	v2 =	vld [tilespmem:s0+$0x70];
	_ =	sdelay $0x4  }
0xc0: {  	v2 =	vadd.s32 v0, v2  }
0xc1: {  	[tilespmem:$0x2070] =	vst v2  }
0xc2: {  	v2 =	vld [tilespmem:s0+$0x1070];
	_ =	sdelay $0x4  }
0xc3: {  	[tilespmem:$0x20F0] =	vst v2  }
0xc4: {  	[tilespmem:s19], [sflag:$0x1] =	stream.indirect.gather [hbm4b:s5+s22], $0x40, s23, s22, $0xb8;
	[tilespmem:$0xE100] =	vst v63  }
0xc5: {  	s28 =	sadd.s32 $0x1, s28;
	_ =	swait.ge [sflag:s20], $0x2000  }
0xc6: {  	p0 =	sne.s32 s28, $0x5;
	[sflag:s20] =	ssyncset.done $0x0  }
.Ltmp2:
0xc7: {  	[sflag:s20] =	ssyncadd.s32 $0xFFFFE000;
	(pc) =	sbr.rel @p0 .LBB2_4-.Ltmp2, $4  }
0xc8: {  	[spmem:s3] =	stream.indirect.scatter.add.f32 [tilespmem:s19], [sflag:$0x1], $0x40, s24, s22, $0xb8;
	[tilespmem:$0xE100] =	vst v63  }
0xc9: {  	_ =	swait.ge [sflag:s20], $0x2000  }
0xca: {  	[sflag:s20] =	ssyncset.done $0x0  }
0xcb: {  	[sflag:s20] =	ssyncadd.s32 $0xFFFFE000  }
0xcc: {  	[bflag:$0x0] =	sbarrier.arrive $0xFFFF  }
0xcd: {  	[tilespmem:s19], [sflag:$0x1] =	stream.linear.gather [spmem:s7], $0x2000, $0x38;
	[tilespmem:$0xE100] =	vst v63  }
0xce: {  	_ =	swait.ge [sflag:s20], $0x2000  }
0xcf: {  	[sflag:s20] =	ssyncset.done $0x0  }
0xd0: {  	[sflag:s20] =	ssyncadd.s32 $0xFFFFE000  }
0xd1: {  	[hbm4b:s13+s4] =	stream.linear.scatter [tilespmem:s19], [sflag:$0x1], $0x2000, $0x38;
	[tilespmem:$0xE100] =	vst v63  }
0xd2: {  	_ =	swait.ge [sflag:s20], $0x2000  }
0xd3: {  	[sflag:s20] =	ssyncset.done $0x0  }
0xd4: {  	[sflag:s20] =	ssyncadd.s32 $0xFFFFE000  }
0xd5: {  	[tilespmem:s19], [sflag:$0x1] =	stream.linear.gather [spmem:s8], $0x2000, $0x38;
	[tilespmem:$0xE100] =	vst v63  }
0xd6: {  	_ =	swait.ge [sflag:s20], $0x2000  }
0xd7: {  	[sflag:s20] =	ssyncset.done $0x0  }
0xd8: {  	[sflag:s20] =	ssyncadd.s32 $0xFFFFE000  }
0xd9: {  	[hbm4b:s14+s4] =	stream.linear.scatter [tilespmem:s19], [sflag:$0x1], $0x2000, $0x38;
	[tilespmem:$0xE100] =	vst v63  }
0xda: {  	_ =	swait.ge [sflag:s20], $0x2000  }
0xdb: {  	[sflag:s20] =	ssyncset.done $0x0  }
0xdc: {  	[sflag:s20] =	ssyncadd.s32 $0xFFFFE000  }
0xdd: {  	[tilespmem:s19], [sflag:$0x1] =	stream.linear.gather [spmem:s9], $0x2000, $0x38;
	[tilespmem:$0xE100] =	vst v63  }
0xde: {  	_ =	swait.ge [sflag:s20], $0x2000  }
0xdf: {  	[sflag:s20] =	ssyncset.done $0x0  }
0xe0: {  	[sflag:s20] =	ssyncadd.s32 $0xFFFFE000  }
0xe1: {  	[hbm4b:s15+s4] =	stream.linear.scatter [tilespmem:s19], [sflag:$0x1], $0x2000, $0x38;
	[tilespmem:$0xE100] =	vst v63  }
0xe2: {  	_ =	swait.ge [sflag:s20], $0x2000  }
0xe3: {  	[sflag:s20] =	ssyncset.done $0x0  }
0xe4: {  	[sflag:s20] =	ssyncadd.s32 $0xFFFFE000  }
0xe5: {  	[tilespmem:s19], [sflag:$0x1] =	stream.linear.gather [spmem:s10], $0x2000, $0x38;
	[tilespmem:$0xE100] =	vst v63  }
0xe6: {  	_ =	swait.ge [sflag:s20], $0x2000  }
0xe7: {  	[sflag:s20] =	ssyncset.done $0x0  }
0xe8: {  	[sflag:s20] =	ssyncadd.s32 $0xFFFFE000  }
0xe9: {  	[hbm4b:s16+s4] =	stream.linear.scatter [tilespmem:s19], [sflag:$0x1], $0x2000, $0x38;
	[tilespmem:$0xE100] =	vst v63  }
0xea: {  	_ =	swait.ge [sflag:s20], $0x2000  }
0xeb: {  	[sflag:s20] =	ssyncset.done $0x0  }
0xec: {  	[sflag:s20] =	ssyncadd.s32 $0xFFFFE000  }
0xed: {  	[tilespmem:s19], [sflag:$0x1] =	stream.linear.gather [spmem:s11], $0x2000, $0x38;
	[tilespmem:$0xE100] =	vst v63  }
0xee: {  	s25 =	sadd.s32 $0x1, s25;
	_ =	swait.ge [sflag:s20], $0x2000  }
0xef: {  	p0 =	sne.s32 s25, s18;
	[sflag:s20] =	ssyncset.done $0x0  }
.Ltmp3:
0xf0: {  	[sflag:s20] =	ssyncadd.s32 $0xFFFFE000;
	(pc) =	sbr.rel @p0 .LBB2_1-.Ltmp3, $4  }
0xf1: {  	[hbm4b:s17+s4] =	stream.linear.scatter [tilespmem:s19], [sflag:$0x1], $0x2000, $0x38;
	[tilespmem:$0xE100] =	vst v63  }
0xf2: {  	_ =	swait.ge [sflag:s20], $0x2000  }
0xf3: {  	[sflag:s20] =	ssyncset.done $0x0  }
0xf4: {  	[sflag:s20] =	ssyncadd.s32 $0xFFFFE000  }
0xf5: {  	_ =	sfence.sel $0x180000  }
0xf6: {  	[bflag:$0x0] =	sbarrier.arrive $0xFFFF  }
0xf7: {  	_ =	strace $0x90000047  }
0xf8: {  	[bflag:$0x2] =	sbarrier.arrive $0xFFFF  }
0xf9: {  	p0 =	sne.s32 s1, $0x0;
	s0 =	rddreg [dreg:$0x3]  }
0xfa: {  	s0 =	sadd.s32 @!p0 $0x100000, s0  }
0xfb: {  	[sflag:s0] =	ssyncadd.tile.s32 @!p0 $0x1;
	_ =	shalt  }
.Lfunc_end2:
_tile_overlayer_lowered:
.L_overlay_start_2:
0xfc: {  	(tag) =	ssettag $0x2  }
0xfd: {  	s0 =	rddreg [dreg:$0x0];
	s2 =	stileid.u32  }
0xfe: {  	s1 =	rddreg [dreg:$0x1];
	p0 =	sne.s32 s2, $0x0  }
0xff: {  	s3 =	rddreg [dreg:$0x2];
	[bflag:$0x3] =	sbarrier.arrive $0xFFFF;
	s2 =	simm.s32 @!p0 $0x1C01  }
0x100: {  	[timem:s3], [sflag:s2] =	dma.local @!p0 [hbm:s0], s1  }
0x101: {  	s0 =	simm.s32 @!p0 $0x1  }
0x102: {  	_ =	swait.ge @!p0 [sflag:s0], s1  }
0x103: {  	s1 =	ssub.s32 @!p0 $0x0, s1;
	[sflag:s0] =	ssyncset.done @!p0 $0x0  }
0x104: {  	[sflag:s0] =	ssyncadd.s32 @!p0 s1  }
0x105: {  	[bflag:$0x3] =	sbarrier.arrive $0xFFFF  }
0x106: {  	_ =	shalt  }

// kernel: kernel.18.cloned.1.call-start
scs
__scs_entry_jumppad:
0x0: {  	(pc) =	sbr.rel $0x88, $3  }
0x1: {  	(tag) =	ssettag $0x0;
	lr =	simm.s32 $0x1  }
0x2: {  	[smem:$0x3F93] =	sst lr;
	_ =	strace $0xD0000000  }
0x3: {  	_ = 	snop  }
0x4: {  	_ = 	snop  }
0x5: {  	_ = 	snop  }
0x6: {  	_ = 	snop  }
0x7: {  	_ = 	snop  }
__scs_overlays_trampoline_lowered:
0x8: {  	[smem:$0x3FA2] =	sst s0  }
0x9: {  	[smem:$0x3FA3] =	sst s1  }
0xa: {  	[smem:$0x3FA4] =	sst s2  }
0xb: {  	[smem:$0x3FA5] =	sst s3  }
0xc: {  	[smem:$0x3FA6] =	sst s4  }
0xd: {  	[smem:$0x3FA7] =	sst s5  }
0xe: {  	[smem:$0x3FA8] =	sst s6  }
0xf: {  	[smem:$0x3FA9] =	sst s7  }
0x10: {  	[smem:$0x3FAA] =	sst s8  }
0x11: {  	[smem:$0x3FAB] =	sst s9;
	s0 =	simm.s32 @!p0 $0x0  }
0x12: {  	s1 =	sld [smem:$0x3F91];
	s0 =	simm.s32 @p0 $0x1  }
0x13: {  	[smem:$0x3FAC] =	sst s0;
	s0 =	simm.s32 @!p1 $0x0  }
0x14: {  	s2 =	sld [smem:$0x3F90];
	s0 =	simm.s32 @p1 $0x1  }
0x15: {  	[smem:$0x3FAD] =	sst s0;
	s0 =	simm.s32 @!p2 $0x0  }
0x16: {  	s3 =	sld [smem:$0x3FDB];
	s0 =	simm.s32 @p2 $0x1  }
0x17: {  	s4 =	simm.s32 $0x1BF5;
	[smem:$0x3FAF] =	sst s0  }
0x18: {  	s0 =	sld [smem:$0x3F92];
	_ =	swait.ge [sflag:s4], $0x0  }
0x19: {  	s7 =	sld [smem:$0x3F93]  }
0x1a: {  	s8 =	sadd.s32 $0xFFFFE003, lr  }
0x1b: {  	s9 =	sadd.s32 $0xFFFFFEF7, lr;
	s5 =	simm.s32 $0xFFFFFFFF;
	p2 =	slt.u32 s8, $0xFFFFF086  }
0x1c: {  	p1 =	slt.u32 s9, $0xF7A;
	s5 =	simm.s32 @!p2 $0x0  }
0x1d: {  	s5 =	simm.s32 @p1 $0x1;
	p0 =	seq.s32 s7, s2  }
0x1e: {  	s7 =	smul.u32 @!p0 $0xF7A, s2;
	p2 =	seq.s32 @!p0 s5, $0x0  }
0x1f: {  	s9 =	smul.u32 $0xF7A, s1;
	s8 =	simm.s32 @!p0 $0x1BF5;
	p2 =	por !p2, p0  }
0x20: {  	[sflag:s8] =	ssyncset.s32 @!p0 $0xFFFFF086;
	s6 =	sadd.s32 @!p0 s3, s7;
	s7 =	simm.s32 @!p0 $0x108  }
0x21: {  	s3 =	sadd.s32 s3, s9;
	s6 =	sadd.s32 @!p0 $0x88, s6;
	s7 =	simm.s32 @p2 $0x1082  }
0x22: {  	[simem:s7], [sflag:s8] =	dma.local @!p0 [hbm:s6], $0xF7A  }
0x23: {  	s9 =	sor.u32 $0xD0000000, s2;
	s6 =	simm.s32 $0x108;
	_ =	swait.ge @!p0 [sflag:s8], $0x0  }
0x24: {  	s3 =	sadd.s32 $0x88, s3;
	s6 =	simm.s32 @!p1 $0x1082;
	[sflag:s4] =	ssyncset.s32 $0xFFFFF086  }
0x25: {  	[simem:s6], [sflag:s4] =	dma.local [hbm:s3], $0xF7A  }
0x26: {  	[smem:$0x3F93] =	sst s1;
	(tag) =	ssettag s2;
	_ =	strace s9  }
0x27: {  	s1 =	sld [smem:$0x3FA3]  }
0x28: {  	s2 =	sld [smem:$0x3FA4]  }
0x29: {  	s4 =	sld [smem:$0x3FA6]  }
0x2a: {  	p0 =	seq.s32 s5, $0x0;
	s5 =	sld [smem:$0x3FA7]  }
0x2b: {  	s6 =	sld [smem:$0x3FA8]  }
0x2c: {  	s7 =	sld [smem:$0x3FA9]  }
0x2d: {  	s3 =	simm.s32 $0x108;
	s8 =	sld [smem:$0x3FAA]  }
0x2e: {  	s3 =	simm.s32 @!p0 $0x1082;
	s9 =	sld [smem:$0x3FAB]  }
0x2f: {  	lr =	sadd.s32 s0, s3;
	s0 =	sld [smem:$0x3FA2]  }
0x30: {  	s3 =	sld [smem:$0x3FA5]  }
0x31: {  	[smem:$0x3FAE] =	sst s10  }
0x32: {  	s10 =	sld [smem:$0x3FAC];
	_ =	sdelay $0x3  }
0x33: {  	p0 =	seq.s32 s10, $0x1;
	s10 =	sld [smem:$0x3FAE];
	_ =	sdelay $0x3  }
0x34: {  	[smem:$0x3FAE] =	sst s10  }
0x35: {  	s10 =	sld [smem:$0x3FAD];
	_ =	sdelay $0x3  }
0x36: {  	p1 =	seq.s32 s10, $0x1;
	s10 =	sld [smem:$0x3FAE];
	_ =	sdelay $0x3  }
0x37: {  	[smem:$0x3FAE] =	sst s10  }
0x38: {  	s10 =	sld [smem:$0x3FAF]  }
0x39: {  	_ = 	snop;
	(pc) =	sbr.ind lr, $3  }
0x3a: {  	_ = 	snop  }
0x3b: {  	_ = 	snop  }
0x3c: {  	p2 =	seq.s32 s10, $0x1;
	s10 =	sld [smem:$0x3FAE]  }
0x3d: {  	_ =	shalt  }
0x3e: {  	_ =	shalt  }
0x3f: {  	_ =	shalt  }
0x40: {  	_ =	shalt  }
0x41: {  	_ =	shalt  }
0x42: {  	_ =	shalt  }
0x43: {  	_ =	shalt  }
0x44: {  	_ =	shalt  }
0x45: {  	_ =	shalt  }
0x46: {  	_ =	shalt  }
0x47: {  	_ =	shalt  }
0x48: {  	_ =	shalt  }
0x49: {  	_ =	shalt  }
0x4a: {  	_ =	shalt  }
0x4b: {  	_ =	shalt  }
0x4c: {  	_ =	shalt  }
0x4d: {  	_ =	shalt  }
0x4e: {  	_ =	shalt  }
0x4f: {  	_ =	shalt  }
0x50: {  	_ =	shalt  }
0x51: {  	_ =	shalt  }
0x52: {  	_ =	shalt  }
0x53: {  	_ =	shalt  }
0x54: {  	_ =	shalt  }
0x55: {  	_ =	shalt  }
0x56: {  	_ =	shalt  }
0x57: {  	_ =	shalt  }
0x58: {  	_ =	shalt  }
0x59: {  	_ =	shalt  }
0x5a: {  	_ =	shalt  }
0x5b: {  	_ =	shalt  }
0x5c: {  	_ =	shalt  }
0x5d: {  	_ =	shalt  }
0x5e: {  	_ =	shalt  }
0x5f: {  	_ =	shalt  }
0x60: {  	_ =	shalt  }
0x61: {  	_ =	shalt  }
0x62: {  	_ =	shalt  }
0x63: {  	_ =	shalt  }
0x64: {  	_ =	shalt  }
0x65: {  	_ =	shalt  }
0x66: {  	_ =	shalt  }
0x67: {  	_ =	shalt  }
0x68: {  	_ =	shalt  }
0x69: {  	_ =	shalt  }
0x6a: {  	_ =	shalt  }
0x6b: {  	_ =	shalt  }
0x6c: {  	_ =	shalt  }
0x6d: {  	_ =	shalt  }
0x6e: {  	_ =	shalt  }
0x6f: {  	_ =	shalt  }
0x70: {  	_ =	shalt  }
0x71: {  	_ =	shalt  }
0x72: {  	_ =	shalt  }
0x73: {  	_ =	shalt  }
0x74: {  	_ =	shalt  }
0x75: {  	_ =	shalt  }
0x76: {  	_ =	shalt  }
0x77: {  	_ =	shalt  }
0x78: {  	_ =	shalt  }
0x79: {  	_ =	shalt  }
0x7a: {  	_ =	shalt  }
0x7b: {  	_ =	shalt  }
0x7c: {  	_ =	shalt  }
0x7d: {  	_ =	shalt  }
0x7e: {  	_ =	shalt  }
0x7f: {  	_ =	shalt  }
0x80: {  	_ =	shalt  }
0x81: {  	_ =	shalt  }
0x82: {  	_ =	shalt  }
0x83: {  	_ =	shalt  }
0x84: {  	_ =	shalt  }
0x85: {  	_ =	shalt  }
0x86: {  	_ =	shalt  }
0x87: {  	_ =	shalt  }
.Lfunc_end0:
.L_simem_size_0:
called_computation.2_lowered:
.L_overlay_start_0:
0x88: {  	s2 =	sld [smem:$0x3FD9]  }
0x89: {  	s3 =	sld [smem:$0x3FFE];
	_ =	sdelay $0x1  }
0x8a: {  	s1 =	srdreg.scid  }
0x8b: {  	s0 =	sand.u32 $0x1, s1  }
0x8c: {  	s17 =	sshll.u32 s0, $0xA;
	s2 =	sadd.s32 s3, s2  }
0x8d: {  	s2 =	sadd.s32 s2, s17  }
0x8e: {  	[smem:$0x3FBA] =	sst s2  }
0x8f: {  	_ = 	snop  }
0x90: {  	s2 =	sld [smem:$0x3FD0];
	(tm) =	ssettm $0x1  }
0x91: {  	s18 =	sld [smem:$0x3FFB];
	_ =	sdelay $0x3  }
0x92: {  	_ =	strace s18  }
0x93: {  	s3 =	sld [smem:$0x3FFC];
	_ =	sdelay $0x3  }
0x94: {  	_ =	strace s3  }
0x95: {  	s3 =	sld [smem:$0x3FFD];
	_ =	sdelay $0x3  }
0x96: {  	_ =	strace s3  }
0x97: {  	_ =	strace $0x8FFFFFFF  }
0x98: {  	s19 =	sld [smem:$0x3FDB];
	_ =	sdelay $0x1  }
0x99: {  	s4 =	simm.s32 $_scs_section_size  }
0x9a: {  	s5 =	simm.s32 $_size__tile_overlayer_lowered;
	s6 =	simm.s32 $_tile_overlayer_lowered  }
0x9b: {  	s22 =	simm.s32 $0x1BFF;
	s21 =	sshll.u32 s6, $0x1;
	s3 =	sadd.s32 s4, s19  }
0x9c: {  	s7 =	simm.s32 $0x0;
	s20 =	sshll.u32 s5, $0x1;
	s5 =	sadd.s32 s21, s3  }
0x9d: {  	[timem:s7], [sflag:s22] =	dma.local [hbm:s5], s20  }
0x9e: {  	_ =	swait.ge [sflag:s22], s20  }
0x9f: {  	s4 =	ssub.s32 $0x0, s20;
	[sflag:s22] =	ssyncset.done $0x0  }
0xa0: {  	[sflag:s22] =	ssyncadd.s32 s4;
	_ =	sdelay $0x1  }
0xa1: {  	s23 =	simm.s32 $0x1B8B  }
0xa2: {  	_ =	swait.ge [sflag:s23], $0x1  }
0xa3: {  	[sflag:s23] =	ssyncset.done $0x0  }
0xa4: {  	s25 =	simm.s32 $0x1B8E;
	s24 =	sld [smem:$0x3FFE];
	[sflag:s23] =	ssyncadd.s32 $0xFFFFFFFF  }
0xa5: {  	s26 =	simm.s32 $execute0_lowered;
	[smem:$0x3FD2] =	sst s25  }
0xa6: {  	s5 =	sshll.u32 s26, $0x1;
	_ =	strace $0x8000004C;
	[dreg:$0x1] =	wrdreg $0xFFFFFFFF  }
0xa7: {  	s28 =	simm.s32 $_size_execute0_lowered;
	s3 =	sadd.s32 s3, s5;
	[dreg:$0x0] =	wrdreg $0x0  }
0xa8: {  	s5 =	sshll.u32 s28, $0x1;
	[dreg:$0x2] =	wrdreg s3  }
0xa9: {  	[dreg:$0x3] =	wrdreg s5  }
0xaa: {  	[dreg:$0x4] =	wrdreg $0xC0  }
0xab: {  	_ =	task [dreg:s7], $0x5FFFF  }
0xac: {  	[dreg:$0x1] =	wrdreg $0xFFFFFFFF  }
0xad: {  	[dreg:$0x0] =	wrdreg $0x60  }
0xae: {  	[dreg:$0x2] =	wrdreg s24  }
0xaf: {  	[dreg:$0x3] =	wrdreg s2  }
0xb0: {  	[dreg:$0x4] =	wrdreg $0x61000  }
0xb1: {  	[dreg:$0x5] =	wrdreg $0x9  }
0xb2: {  	_ =	task.clear_ibuf [dreg:s7], $0x6FFFF;
	_ =	strace $0x9000004C  }
0xb3: {  	s29 =	simm.s32 $0x9;
	_ =	strace $0x8000004E  }
0xb4: {  	_ =	swait.ge [sflag:s29], $0x1  }
0xb5: {  	[sflag:s29] =	ssyncadd.s32 $0xFFFFFFFF  }
0xb6: {  	_ =	strace $0x9000004E  }
0xb7: {  	_ =	sfence  }
0xb8: {  	s30 =	sld [smem:$0x0];
	_ =	sdelay $0x2  }
0xb9: {  	s31 =	sshll.u32 s1, $0xD;
	s1 =	sshrl.u32 s1, $0x2  }
0xba: {  	s3 =	sand.u32 $0x4000, s31;
	s1 =	sadd.s32 s1, s30  }
0xbb: {  	s0 =	sor.u32 s3, s0;
	s1 =	sshll.u32 s1, $0x11  }
0xbc: {  	s0 =	sor.u32 s1, s0  }
0xbd: {  	s0 =	sadd.s32 $0x8F2B, s0  }
0xbe: {  	[sflag:s0] =	ssyncadd.remote.s32 $0x1  }
0xbf: {  	_ =	sfence.sel $0xFFFF  }
0xc0: {  	[dreg:$0x0] =	wrdreg $0xFFFFFFFF;
	(pc) =	sbr.abs _section_cstart, $3  }
0xc1: {  	[dreg:$0x1] =	wrdreg $0xFFFFFFFF  }
0xc2: {  	_ =	task.clear_ibuf [dreg:s7], $0x2FFFF;
	_ =	strace $0x9FFFFFFF  }
0xc3: {  	(tm) =	ssettm $0x7FFFFFFF  }
tec
execute0_lowered:
.L_overlay_start_1:
0x0: {  	(tag) =	ssettag $0x1  }
0x1: {  	s0 =	rddreg [dreg:$0x0]  }
0x2: {  	s2 =	rddreg [dreg:$0x1]  }
0x3: {  	s3 =	rddreg [dreg:$0x2];
	s5 =	srdreg.scid  }
0x4: {  	s1 =	stileid.u32;
	s4 =	simm.s32 $0x0;
	s19 =	simm.s32 $0x2100  }
0x5: {  	s20 =	simm.s32 $0x1;
	s21 =	simm.s32 $0x1000;
	s22 =	simm.s32 $0x80  }
0x6: {  	s24 =	simm.s32 $0x2080;
	s25 =	simm.s32 $0x0;
	s8 =	smul.u32 $0x280, s1  }
0x7: {  	s7 =	sand.u32 $0x1, s5;
	[smem:$0x7FF] =	sst s4;
	s9 =	smul.u32 $0x50000, s1  }
0x8: {  	s5 =	sadd.s32 $0x3000, s0;
	s6 =	sadd.s32 $0x7B000, s0;
	s23 =	smul.u32 $0x2800, s7  }
0x9: {  	s12 =	smul.u32 $0x5000, s1;
	_ =	strace $0x8000004D;
	s7 =	ssub.s32 $0x2, s7  }
0xa: {  	s10 =	sshrl.u32 s7, $0x1;
	s9 =	sshrl.u32 s9, $0x2;
	s8 =	sadd.s32 s8, s23  }
0xb: {  	s18 =	ssub.s32 s7, s10;
	s7 =	sadd.s32 s9, s3;
	v0 =	vmov s23;
	s23 =	simm.s32 $0x2000  }
0xc: {  	s8 =	sshll.u32 s8, $0x4;
	s9 =	sadd.s32 $0x8000, s7;
	s10 =	sadd.s32 $0xC000, s7  }
0xd: {  	s11 =	sadd.s32 $0x10000, s7;
	s18 =	smax.u32 s18, $0x1;
	s0 =	sadd.s32 s8, s0  }
0xe: {  	s8 =	sadd.s32 $0x4000, s7;
	s13 =	sadd.s32 $0x85000, s0;
	s14 =	sadd.s32 $0x85800, s0  }
0xf: {  	v1 =	vimm.f32 $0.0e+00;
	s15 =	sadd.s32 $0x86000, s0;
	s16 =	sadd.s32 $0x86800, s0;
	s17 =	sadd.s32 $0x87000, s0  }
.LBB2_1:
0x10: {  	s26 =	simm.s32 $0x0;
	s28 =	simm.s32 $0x200  }
.LBB2_2:
0x11: {  	p0 =	sne.s32 s28, $0xFE00;
	[tilespmem:s26+$0x2170] =	vst v1  }
0x12: {  	[tilespmem:s26+$0x2100] =	vst v1  }
0x13: {  	[tilespmem:s26+$0x2110] =	vst v1  }
.Ltmp0:
0x14: {  	[tilespmem:s26+$0x2120] =	vst v1;
	(pc) =	sbr.rel @p0 .LBB2_2-.Ltmp0, $4  }
0x15: {  	[tilespmem:s26+$0x2130] =	vst v1  }
0x16: {  	[tilespmem:s26+$0x2140] =	vst v1  }
0x17: {  	[tilespmem:s26+$0x2150] =	vst v1  }
0x18: {  	[tilespmem:s26+$0x2160] =	vst v1;
	s26 =	sshra.s32 s28, $0x2;
	s28 =	sadd.s32 $0x200, s28  }
0x19: {  	[tilespmem:s26+$0x2170] =	vst v1  }
0x1a: {  	[tilespmem:s26+$0x2100] =	vst v1  }
0x1b: {  	[tilespmem:s26+$0x2110] =	vst v1  }
0x1c: {  	[tilespmem:s26+$0x2120] =	vst v1  }
0x1d: {  	[tilespmem:s26+$0x2130] =	vst v1  }
0x1e: {  	[tilespmem:s26+$0x2140] =	vst v1  }
0x1f: {  	[tilespmem:s26+$0x2150] =	vst v1  }
0x20: {  	[tilespmem:s26+$0x2160] =	vst v1  }
0x21: {  	[spmem:s7] =	stream.linear.scatter [tilespmem:s19], [sflag:$0x1], $0x4000, $0x38;
	[tilespmem:$0x1A100] =	vst v63  }
0x22: {  	_ =	swait.ge [sflag:s20], $0x4000  }
0x23: {  	[sflag:s20] =	ssyncset.done $0x0  }
0x24: {  	[sflag:s20] =	ssyncadd.s32 $0xFFFFC000  }
0x25: {  	[spmem:s8] =	stream.linear.scatter [tilespmem:s19], [sflag:$0x1], $0x4000, $0x38;
	[tilespmem:$0x1A100] =	vst v63  }
0x26: {  	_ =	swait.ge [sflag:s20], $0x4000  }
0x27: {  	[sflag:s20] =	ssyncset.done $0x0  }
0x28: {  	[sflag:s20] =	ssyncadd.s32 $0xFFFFC000  }
0x29: {  	[spmem:s9] =	stream.linear.scatter [tilespmem:s19], [sflag:$0x1], $0x4000, $0x38;
	[tilespmem:$0x1A100] =	vst v63  }
0x2a: {  	_ =	swait.ge [sflag:s20], $0x4000  }
0x2b: {  	[sflag:s20] =	ssyncset.done $0x0  }
0x2c: {  	[sflag:s20] =	ssyncadd.s32 $0xFFFFC000  }
0x2d: {  	[spmem:s10] =	stream.linear.scatter [tilespmem:s19], [sflag:$0x1], $0x4000, $0x38;
	[tilespmem:$0x1A100] =	vst v63  }
0x2e: {  	_ =	swait.ge [sflag:s20], $0x4000  }
0x2f: {  	[sflag:s20] =	ssyncset.done $0x0  }
0x30: {  	[sflag:s20] =	ssyncadd.s32 $0xFFFFC000  }
0x31: {  	[spmem:s11] =	stream.linear.scatter [tilespmem:s19], [sflag:$0x1], $0x4000, $0x38;
	[tilespmem:$0x1A100] =	vst v63  }
0x32: {  	_ =	swait.ge [sflag:s20], $0x4000  }
0x33: {  	[sflag:s20] =	ssyncset.done $0x0  }
0x34: {  	[sflag:s20] =	ssyncadd.s32 $0xFFFFC000  }
0x35: {  	s26 =	simm.s32 $0x0;
	s28 =	simm.s32 $0x0;
	[bflag:$0x0] =	sbarrier.arrive $0xFFFF  }
.LBB2_4:
0x36: {  	s0 =	sshll.u32 s28, $0xC  }
0x37: {  	s0 =	sadd.s32 s12, s0  }
0x38: {  	s0 =	sshrl.u32 s0, $0x3  }
0x39: {  	s29 =	sadd.s32 s2, s0  }
0x3a: {  	[tilespmem:s26], [sflag:$0x1] =	stream.linear.gather [hbm4b:s29+s26], $0x1000, $0x38;
	[tilespmem:$0x1A100] =	vst v63  }
0x3b: {  	_ =	swait.ge [sflag:s20], $0x1000  }
0x3c: {  	[sflag:s20] =	ssyncset.done $0x0  }
0x3d: {  	s0 =	sadd.s32 s6, s0;
	[sflag:s20] =	ssyncadd.s32 $0xFFFFF000  }
0x3e: {  	[tilespmem:s21], [sflag:$0x1] =	stream.linear.gather [hbm4b:s0+s26], $0x1000, $0x38;
	[tilespmem:$0x1A100] =	vst v63  }
0x3f: {  	_ =	swait.ge [sflag:s20], $0x1000  }
0x40: {  	[sflag:s20] =	ssyncset.done $0x0  }
0x41: {  	s31 =	simm.s32 $0x0;
	[sflag:s20] =	ssyncadd.s32 $0xFFFFF000  }
0x42: {  	v2 =	vld [tilespmem:s31+$0x0];
	_ =	sdelay $0x4  }
0x43: {  	v2 =	vadd.s32 v0, v2  }
0x44: {  	[tilespmem:$0x2000] =	vst v2  }
0x45: {  	v2 =	vld [tilespmem:s31+$0x1000];
	_ =	sdelay $0x4  }
0x46: {  	[tilespmem:$0x2080] =	vst v2  }
0x47: {  	v2 =	vld [tilespmem:s31+$0x10];
	_ =	sdelay $0x4  }
0x48: {  	v2 =	vadd.s32 v0, v2  }
0x49: {  	[tilespmem:$0x2010] =	vst v2  }
0x4a: {  	v2 =	vld [tilespmem:s31+$0x1010];
	_ =	sdelay $0x4  }
0x4b: {  	[tilespmem:$0x2090] =	vst v2  }
0x4c: {  	v2 =	vld [tilespmem:s31+$0x20];
	_ =	sdelay $0x4  }
0x4d: {  	v2 =	vadd.s32 v0, v2  }
0x4e: {  	[tilespmem:$0x2020] =	vst v2  }
0x4f: {  	v2 =	vld [tilespmem:s31+$0x1020];
	_ =	sdelay $0x4  }
0x50: {  	[tilespmem:$0x20A0] =	vst v2  }
0x51: {  	v2 =	vld [tilespmem:s31+$0x30];
	_ =	sdelay $0x4  }
0x52: {  	v2 =	vadd.s32 v0, v2  }
0x53: {  	[tilespmem:$0x2030] =	vst v2  }
0x54: {  	v2 =	vld [tilespmem:s31+$0x1030];
	_ =	sdelay $0x4  }
0x55: {  	[tilespmem:$0x20B0] =	vst v2  }
0x56: {  	v2 =	vld [tilespmem:s31+$0x40];
	_ =	sdelay $0x4  }
0x57: {  	v2 =	vadd.s32 v0, v2  }
0x58: {  	[tilespmem:$0x2040] =	vst v2  }
0x59: {  	v2 =	vld [tilespmem:s31+$0x1040];
	_ =	sdelay $0x4  }
0x5a: {  	[tilespmem:$0x20C0] =	vst v2  }
0x5b: {  	v2 =	vld [tilespmem:s31+$0x50];
	_ =	sdelay $0x4  }
0x5c: {  	v2 =	vadd.s32 v0, v2  }
0x5d: {  	[tilespmem:$0x2050] =	vst v2  }
0x5e: {  	v2 =	vld [tilespmem:s31+$0x1050];
	_ =	sdelay $0x4  }
0x5f: {  	[tilespmem:$0x20D0] =	vst v2  }
0x60: {  	v2 =	vld [tilespmem:s31+$0x60];
	_ =	sdelay $0x4  }
0x61: {  	v2 =	vadd.s32 v0, v2  }
0x62: {  	[tilespmem:$0x2060] =	vst v2  }
0x63: {  	v2 =	vld [tilespmem:s31+$0x1060];
	_ =	sdelay $0x4  }
0x64: {  	[tilespmem:$0x20E0] =	vst v2  }
0x65: {  	v2 =	vld [tilespmem:s31+$0x70];
	_ =	sdelay $0x4  }
0x66: {  	v2 =	vadd.s32 v0, v2  }
0x67: {  	[tilespmem:$0x2070] =	vst v2  }
0x68: {  	v2 =	vld [tilespmem:s31+$0x1070];
	_ =	sdelay $0x4  }
0x69: {  	[tilespmem:$0x20F0] =	vst v2  }
0x6a: {  	[tilespmem:s19], [sflag:$0x1] =	stream.indirect.gather [hbm4b:s5+s22], $0x80, s23, s22, $0xb8;
	[tilespmem:$0x1A100] =	vst v63  }
0x6b: {  	_ =	swait.ge [sflag:s20], $0x4000  }
0x6c: {  	[sflag:s20] =	ssyncset.done $0x0  }
0x6d: {  	[sflag:s20] =	ssyncadd.s32 $0xFFFFC000  }
0x6e: {  	[spmem:s3] =	stream.indirect.scatter.add.f32 [tilespmem:s19], [sflag:$0x1], $0x80, s24, s22, $0xb8;
	[tilespmem:$0x1A100] =	vst v63  }
0x6f: {  	_ =	swait.ge [sflag:s20], $0x4000  }
0x70: {  	s30 =	simm.s32 $0x400;
	s29 =	simm.s32 $0x200;
	[sflag:s20] =	ssyncset.done $0x0  }
.LBB2_5:
0x71: {  	s31 =	sshra.s32 s29, $0x2  }
0x72: {  	[sflag:s20] =	ssyncadd.s32 $0xFFFFC000;
	s29 =	smov.u32 s30;
	s0 =	sadd.s32 $0x200, s30  }
0x73: {  	p0 =	sne.s32 s30, $0x3E00;
	v2 =	vld [tilespmem:s31+$0x0];
	_ =	sdelay $0x4  }
0x74: {  	v2 =	vadd.s32 v0, v2  }
0x75: {  	[tilespmem:$0x2000] =	vst v2  }
0x76: {  	v2 =	vld [tilespmem:s31+$0x1000];
	_ =	sdelay $0x4  }
0x77: {  	[tilespmem:$0x2080] =	vst v2  }
0x78: {  	v2 =	vld [tilespmem:s31+$0x10];
	_ =	sdelay $0x4  }
0x79: {  	v2 =	vadd.s32 v0, v2  }
0x7a: {  	[tilespmem:$0x2010] =	vst v2  }
0x7b: {  	v2 =	vld [tilespmem:s31+$0x1010];
	_ =	sdelay $0x4  }
0x7c: {  	[tilespmem:$0x2090] =	vst v2  }
0x7d: {  	v2 =	vld [tilespmem:s31+$0x20];
	_ =	sdelay $0x4  }
0x7e: {  	v2 =	vadd.s32 v0, v2  }
0x7f: {  	[tilespmem:$0x2020] =	vst v2  }
0x80: {  	v2 =	vld [tilespmem:s31+$0x1020];
	_ =	sdelay $0x4  }
0x81: {  	[tilespmem:$0x20A0] =	vst v2  }
0x82: {  	v2 =	vld [tilespmem:s31+$0x30];
	_ =	sdelay $0x4  }
0x83: {  	v2 =	vadd.s32 v0, v2  }
0x84: {  	[tilespmem:$0x2030] =	vst v2  }
0x85: {  	v2 =	vld [tilespmem:s31+$0x1030];
	_ =	sdelay $0x4  }
0x86: {  	[tilespmem:$0x20B0] =	vst v2  }
0x87: {  	v2 =	vld [tilespmem:s31+$0x40];
	_ =	sdelay $0x4  }
0x88: {  	v2 =	vadd.s32 v0, v2  }
0x89: {  	[tilespmem:$0x2040] =	vst v2  }
0x8a: {  	v2 =	vld [tilespmem:s31+$0x1040];
	_ =	sdelay $0x4  }
0x8b: {  	[tilespmem:$0x20C0] =	vst v2  }
0x8c: {  	v2 =	vld [tilespmem:s31+$0x50];
	_ =	sdelay $0x4  }
0x8d: {  	v2 =	vadd.s32 v0, v2  }
0x8e: {  	[tilespmem:$0x2050] =	vst v2  }
0x8f: {  	v2 =	vld [tilespmem:s31+$0x1050];
	_ =	sdelay $0x4  }
0x90: {  	[tilespmem:$0x20D0] =	vst v2  }
0x91: {  	v2 =	vld [tilespmem:s31+$0x60];
	_ =	sdelay $0x4  }
0x92: {  	v2 =	vadd.s32 v0, v2  }
0x93: {  	[tilespmem:$0x2060] =	vst v2  }
0x94: {  	v2 =	vld [tilespmem:s31+$0x1060];
	_ =	sdelay $0x4  }
0x95: {  	[tilespmem:$0x20E0] =	vst v2  }
0x96: {  	v2 =	vld [tilespmem:s31+$0x70];
	_ =	sdelay $0x4  }
0x97: {  	v2 =	vadd.s32 v0, v2  }
0x98: {  	[tilespmem:$0x2070] =	vst v2  }
0x99: {  	v2 =	vld [tilespmem:s31+$0x1070];
	_ =	sdelay $0x4  }
0x9a: {  	[tilespmem:$0x20F0] =	vst v2  }
0x9b: {  	[tilespmem:s19], [sflag:$0x1] =	stream.indirect.gather [hbm4b:s5+s22], $0x80, s23, s22, $0xb8;
	[tilespmem:$0x1A100] =	vst v63  }
0x9c: {  	_ =	swait.ge [sflag:s20], $0x4000  }
.Ltmp1:
0x9d: {  	[sflag:s20] =	ssyncset.done $0x0;
	(pc) =	sbr.rel @p0 .LBB2_5-.Ltmp1, $4  }
0x9e: {  	[sflag:s20] =	ssyncadd.s32 $0xFFFFC000  }
0x9f: {  	[spmem:s3] =	stream.indirect.scatter.add.f32 [tilespmem:s19], [sflag:$0x1], $0x80, s24, s22, $0xb8;
	[tilespmem:$0x1A100] =	vst v63  }
0xa0: {  	_ =	swait.ge [sflag:s20], $0x4000  }
0xa1: {  	s30 =	smov.u32 s0;
	[sflag:s20] =	ssyncset.done $0x0  }
0xa2: {  	s0 =	sshra.s32 s29, $0x2;
	[sflag:s20] =	ssyncadd.s32 $0xFFFFC000  }
0xa3: {  	v2 =	vld [tilespmem:s0+$0x0];
	_ =	sdelay $0x4  }
0xa4: {  	v2 =	vadd.s32 v0, v2  }
0xa5: {  	[tilespmem:$0x2000] =	vst v2  }
0xa6: {  	v2 =	vld [tilespmem:s0+$0x1000];
	_ =	sdelay $0x4  }
0xa7: {  	[tilespmem:$0x2080] =	vst v2  }
0xa8: {  	v2 =	vld [tilespmem:s0+$0x10];
	_ =	sdelay $0x4  }
0xa9: {  	v2 =	vadd.s32 v0, v2  }
0xaa: {  	[tilespmem:$0x2010] =	vst v2  }
0xab: {  	v2 =	vld [tilespmem:s0+$0x1010];
	_ =	sdelay $0x4  }
0xac: {  	[tilespmem:$0x2090] =	vst v2  }
0xad: {  	v2 =	vld [tilespmem:s0+$0x20];
	_ =	sdelay $0x4  }
0xae: {  	v2 =	vadd.s32 v0, v2  }
0xaf: {  	[tilespmem:$0x2020] =	vst v2  }
0xb0: {  	v2 =	vld [tilespmem:s0+$0x1020];
	_ =	sdelay $0x4  }
0xb1: {  	[tilespmem:$0x20A0] =	vst v2  }
0xb2: {  	v2 =	vld [tilespmem:s0+$0x30];
	_ =	sdelay $0x4  }
0xb3: {  	v2 =	vadd.s32 v0, v2  }
0xb4: {  	[tilespmem:$0x2030] =	vst v2  }
0xb5: {  	v2 =	vld [tilespmem:s0+$0x1030];
	_ =	sdelay $0x4  }
0xb6: {  	[tilespmem:$0x20B0] =	vst v2  }
0xb7: {  	v2 =	vld [tilespmem:s0+$0x40];
	_ =	sdelay $0x4  }
0xb8: {  	v2 =	vadd.s32 v0, v2  }
0xb9: {  	[tilespmem:$0x2040] =	vst v2  }
0xba: {  	v2 =	vld [tilespmem:s0+$0x1040];
	_ =	sdelay $0x4  }
0xbb: {  	[tilespmem:$0x20C0] =	vst v2  }
0xbc: {  	v2 =	vld [tilespmem:s0+$0x50];
	_ =	sdelay $0x4  }
0xbd: {  	v2 =	vadd.s32 v0, v2  }
0xbe: {  	[tilespmem:$0x2050] =	vst v2  }
0xbf: {  	v2 =	vld [tilespmem:s0+$0x1050];
	_ =	sdelay $0x4  }
0xc0: {  	[tilespmem:$0x20D0] =	vst v2  }
0xc1: {  	v2 =	vld [tilespmem:s0+$0x60];
	_ =	sdelay $0x4  }
0xc2: {  	v2 =	vadd.s32 v0, v2  }
0xc3: {  	[tilespmem:$0x2060] =	vst v2  }
0xc4: {  	v2 =	vld [tilespmem:s0+$0x1060];
	_ =	sdelay $0x4  }
0xc5: {  	[tilespmem:$0x20E0] =	vst v2  }
0xc6: {  	v2 =	vld [tilespmem:s0+$0x70];
	_ =	sdelay $0x4  }
0xc7: {  	v2 =	vadd.s32 v0, v2  }
0xc8: {  	[tilespmem:$0x2070] =	vst v2  }
0xc9: {  	v2 =	vld [tilespmem:s0+$0x1070];
	_ =	sdelay $0x4  }
0xca: {  	[tilespmem:$0x20F0] =	vst v2  }
0xcb: {  	[tilespmem:s19], [sflag:$0x1] =	stream.indirect.gather [hbm4b:s5+s22], $0x80, s23, s22, $0xb8;
	[tilespmem:$0x1A100] =	vst v63  }
0xcc: {  	s28 =	sadd.s32 $0x1, s28;
	_ =	swait.ge [sflag:s20], $0x4000  }
0xcd: {  	p0 =	sne.s32 s28, $0x5;
	[sflag:s20] =	ssyncset.done $0x0  }
.Ltmp2:
0xce: {  	[sflag:s20] =	ssyncadd.s32 $0xFFFFC000;
	(pc) =	sbr.rel @p0 .LBB2_4-.Ltmp2, $4  }
0xcf: {  	[spmem:s3] =	stream.indirect.scatter.add.f32 [tilespmem:s19], [sflag:$0x1], $0x80, s24, s22, $0xb8;
	[tilespmem:$0x1A100] =	vst v63  }
0xd0: {  	_ =	swait.ge [sflag:s20], $0x4000  }
0xd1: {  	[sflag:s20] =	ssyncset.done $0x0  }
0xd2: {  	[sflag:s20] =	ssyncadd.s32 $0xFFFFC000  }
0xd3: {  	[bflag:$0x0] =	sbarrier.arrive $0xFFFF  }
0xd4: {  	[tilespmem:s19], [sflag:$0x1] =	stream.linear.gather [spmem:s7], $0x4000, $0x38;
	[tilespmem:$0x1A100] =	vst v63  }
0xd5: {  	_ =	swait.ge [sflag:s20], $0x4000  }
0xd6: {  	[sflag:s20] =	ssyncset.done $0x0  }
0xd7: {  	[sflag:s20] =	ssyncadd.s32 $0xFFFFC000  }
0xd8: {  	[hbm4b:s13+s4] =	stream.linear.scatter [tilespmem:s19], [sflag:$0x1], $0x4000, $0x38;
	[tilespmem:$0x1A100] =	vst v63  }
0xd9: {  	_ =	swait.ge [sflag:s20], $0x4000  }
0xda: {  	[sflag:s20] =	ssyncset.done $0x0  }
0xdb: {  	[sflag:s20] =	ssyncadd.s32 $0xFFFFC000  }
0xdc: {  	[tilespmem:s19], [sflag:$0x1] =	stream.linear.gather [spmem:s8], $0x4000, $0x38;
	[tilespmem:$0x1A100] =	vst v63  }
0xdd: {  	_ =	swait.ge [sflag:s20], $0x4000  }
0xde: {  	[sflag:s20] =	ssyncset.done $0x0  }
0xdf: {  	[sflag:s20] =	ssyncadd.s32 $0xFFFFC000  }
0xe0: {  	[hbm4b:s14+s4] =	stream.linear.scatter [tilespmem:s19], [sflag:$0x1], $0x4000, $0x38;
	[tilespmem:$0x1A100] =	vst v63  }
0xe1: {  	_ =	swait.ge [sflag:s20], $0x4000  }
0xe2: {  	[sflag:s20] =	ssyncset.done $0x0  }
0xe3: {  	[sflag:s20] =	ssyncadd.s32 $0xFFFFC000  }
0xe4: {  	[tilespmem:s19], [sflag:$0x1] =	stream.linear.gather [spmem:s9], $0x4000, $0x38;
	[tilespmem:$0x1A100] =	vst v63  }
0xe5: {  	_ =	swait.ge [sflag:s20], $0x4000  }
0xe6: {  	[sflag:s20] =	ssyncset.done $0x0  }
0xe7: {  	[sflag:s20] =	ssyncadd.s32 $0xFFFFC000  }
0xe8: {  	[hbm4b:s15+s4] =	stream.linear.scatter [tilespmem:s19], [sflag:$0x1], $0x4000, $0x38;
	[tilespmem:$0x1A100] =	vst v63  }
0xe9: {  	_ =	swait.ge [sflag:s20], $0x4000  }
0xea: {  	[sflag:s20] =	ssyncset.done $0x0  }
0xeb: {  	[sflag:s20] =	ssyncadd.s32 $0xFFFFC000  }
0xec: {  	[tilespmem:s19], [sflag:$0x1] =	stream.linear.gather [spmem:s10], $0x4000, $0x38;
	[tilespmem:$0x1A100] =	vst v63  }
0xed: {  	_ =	swait.ge [sflag:s20], $0x4000  }
0xee: {  	[sflag:s20] =	ssyncset.done $0x0  }
0xef: {  	[sflag:s20] =	ssyncadd.s32 $0xFFFFC000  }
0xf0: {  	[hbm4b:s16+s4] =	stream.linear.scatter [tilespmem:s19], [sflag:$0x1], $0x4000, $0x38;
	[tilespmem:$0x1A100] =	vst v63  }
0xf1: {  	_ =	swait.ge [sflag:s20], $0x4000  }
0xf2: {  	[sflag:s20] =	ssyncset.done $0x0  }
0xf3: {  	[sflag:s20] =	ssyncadd.s32 $0xFFFFC000  }
0xf4: {  	[tilespmem:s19], [sflag:$0x1] =	stream.linear.gather [spmem:s11], $0x4000, $0x38;
	[tilespmem:$0x1A100] =	vst v63  }
0xf5: {  	s25 =	sadd.s32 $0x1, s25;
	_ =	swait.ge [sflag:s20], $0x4000  }
0xf6: {  	p0 =	sne.s32 s25, s18;
	[sflag:s20] =	ssyncset.done $0x0  }
.Ltmp3:
0xf7: {  	[sflag:s20] =	ssyncadd.s32 $0xFFFFC000;
	(pc) =	sbr.rel @p0 .LBB2_1-.Ltmp3, $4  }
0xf8: {  	[hbm4b:s17+s4] =	stream.linear.scatter [tilespmem:s19], [sflag:$0x1], $0x4000, $0x38;
	[tilespmem:$0x1A100] =	vst v63  }
0xf9: {  	_ =	swait.ge [sflag:s20], $0x4000  }
0xfa: {  	[sflag:s20] =	ssyncset.done $0x0  }
0xfb: {  	[sflag:s20] =	ssyncadd.s32 $0xFFFFC000  }
0xfc: {  	_ =	sfence.sel $0x180000  }
0xfd: {  	[bflag:$0x0] =	sbarrier.arrive $0xFFFF  }
0xfe: {  	_ =	strace $0x9000004D  }
0xff: {  	[bflag:$0x2] =	sbarrier.arrive $0xFFFF  }
0x100: {  	p0 =	sne.s32 s1, $0x0;
	s0 =	rddreg [dreg:$0x3]  }
0x101: {  	s0 =	sadd.s32 @!p0 $0x100000, s0  }
0x102: {  	[sflag:s0] =	ssyncadd.tile.s32 @!p0 $0x1;
	_ =	shalt  }
.Lfunc_end2:
_tile_overlayer_lowered:
.L_overlay_start_2:
0x103: {  	(tag) =	ssettag $0x2  }
0x104: {  	s0 =	rddreg [dreg:$0x0];
	s2 =	stileid.u32  }
0x105: {  	s1 =	rddreg [dreg:$0x1];
	p0 =	sne.s32 s2, $0x0  }
0x106: {  	s3 =	rddreg [dreg:$0x2];
	[bflag:$0x3] =	sbarrier.arrive $0xFFFF;
	s2 =	simm.s32 @!p0 $0x1C01  }
0x107: {  	[timem:s3], [sflag:s2] =	dma.local @!p0 [hbm:s0], s1  }
0x108: {  	s0 =	simm.s32 @!p0 $0x1  }
0x109: {  	_ =	swait.ge @!p0 [sflag:s0], s1  }
0x10a: {  	s1 =	ssub.s32 @!p0 $0x0, s1;
	[sflag:s0] =	ssyncset.done @!p0 $0x0  }
0x10b: {  	[sflag:s0] =	ssyncadd.s32 @!p0 s1  }
0x10c: {  	[bflag:$0x3] =	sbarrier.arrive $0xFFFF  }
0x10d: {  	_ =	shalt  }

// kernel: kernel.21.cloned.1.call-start
scs
__scs_entry_jumppad:
0x0: {  	(pc) =	sbr.rel $0x88, $3  }
0x1: {  	(tag) =	ssettag $0x0;
	lr =	simm.s32 $0x1  }
0x2: {  	[smem:$0x3F93] =	sst lr;
	_ =	strace $0xD0000000  }
0x3: {  	_ = 	snop  }
0x4: {  	_ = 	snop  }
0x5: {  	_ = 	snop  }
0x6: {  	_ = 	snop  }
0x7: {  	_ = 	snop  }
__scs_overlays_trampoline_lowered:
0x8: {  	[smem:$0x3FA2] =	sst s0  }
0x9: {  	[smem:$0x3FA3] =	sst s1  }
0xa: {  	[smem:$0x3FA4] =	sst s2  }
0xb: {  	[smem:$0x3FA5] =	sst s3  }
0xc: {  	[smem:$0x3FA6] =	sst s4  }
0xd: {  	[smem:$0x3FA7] =	sst s5  }
0xe: {  	[smem:$0x3FA8] =	sst s6  }
0xf: {  	[smem:$0x3FA9] =	sst s7  }
0x10: {  	[smem:$0x3FAA] =	sst s8  }
0x11: {  	[smem:$0x3FAB] =	sst s9;
	s0 =	simm.s32 @!p0 $0x0  }
0x12: {  	s1 =	sld [smem:$0x3F91];
	s0 =	simm.s32 @p0 $0x1  }
0x13: {  	[smem:$0x3FAC] =	sst s0;
	s0 =	simm.s32 @!p1 $0x0  }
0x14: {  	s2 =	sld [smem:$0x3F90];
	s0 =	simm.s32 @p1 $0x1  }
0x15: {  	[smem:$0x3FAD] =	sst s0;
	s0 =	simm.s32 @!p2 $0x0  }
0x16: {  	s3 =	sld [smem:$0x3FDB];
	s0 =	simm.s32 @p2 $0x1  }
0x17: {  	s4 =	simm.s32 $0x1BF5;
	[smem:$0x3FAF] =	sst s0  }
0x18: {  	s0 =	sld [smem:$0x3F92];
	_ =	swait.ge [sflag:s4], $0x0  }
0x19: {  	s7 =	sld [smem:$0x3F93]  }
0x1a: {  	s8 =	sadd.s32 $0xFFFFE003, lr  }
0x1b: {  	s9 =	sadd.s32 $0xFFFFFEF7, lr;
	s5 =	simm.s32 $0xFFFFFFFF;
	p2 =	slt.u32 s8, $0xFFFFF086  }
0x1c: {  	p1 =	slt.u32 s9, $0xF7A;
	s5 =	simm.s32 @!p2 $0x0  }
0x1d: {  	s5 =	simm.s32 @p1 $0x1;
	p0 =	seq.s32 s7, s2  }
0x1e: {  	s7 =	smul.u32 @!p0 $0xF7A, s2;
	p2 =	seq.s32 @!p0 s5, $0x0  }
0x1f: {  	s9 =	smul.u32 $0xF7A, s1;
	s8 =	simm.s32 @!p0 $0x1BF5;
	p2 =	por !p2, p0  }
0x20: {  	[sflag:s8] =	ssyncset.s32 @!p0 $0xFFFFF086;
	s6 =	sadd.s32 @!p0 s3, s7;
	s7 =	simm.s32 @!p0 $0x108  }
0x21: {  	s3 =	sadd.s32 s3, s9;
	s6 =	sadd.s32 @!p0 $0x88, s6;
	s7 =	simm.s32 @p2 $0x1082  }
0x22: {  	[simem:s7], [sflag:s8] =	dma.local @!p0 [hbm:s6], $0xF7A  }
0x23: {  	s9 =	sor.u32 $0xD0000000, s2;
	s6 =	simm.s32 $0x108;
	_ =	swait.ge @!p0 [sflag:s8], $0x0  }
0x24: {  	s3 =	sadd.s32 $0x88, s3;
	s6 =	simm.s32 @!p1 $0x1082;
	[sflag:s4] =	ssyncset.s32 $0xFFFFF086  }
0x25: {  	[simem:s6], [sflag:s4] =	dma.local [hbm:s3], $0xF7A  }
0x26: {  	[smem:$0x3F93] =	sst s1;
	(tag) =	ssettag s2;
	_ =	strace s9  }
0x27: {  	s1 =	sld [smem:$0x3FA3]  }
0x28: {  	s2 =	sld [smem:$0x3FA4]  }
0x29: {  	s4 =	sld [smem:$0x3FA6]  }
0x2a: {  	p0 =	seq.s32 s5, $0x0;
	s5 =	sld [smem:$0x3FA7]  }
0x2b: {  	s6 =	sld [smem:$0x3FA8]  }
0x2c: {  	s7 =	sld [smem:$0x3FA9]  }
0x2d: {  	s3 =	simm.s32 $0x108;
	s8 =	sld [smem:$0x3FAA]  }
0x2e: {  	s3 =	simm.s32 @!p0 $0x1082;
	s9 =	sld [smem:$0x3FAB]  }
0x2f: {  	lr =	sadd.s32 s0, s3;
	s0 =	sld [smem:$0x3FA2]  }
0x30: {  	s3 =	sld [smem:$0x3FA5]  }
0x31: {  	[smem:$0x3FAE] =	sst s10  }
0x32: {  	s10 =	sld [smem:$0x3FAC];
	_ =	sdelay $0x3  }
0x33: {  	p0 =	seq.s32 s10, $0x1;
	s10 =	sld [smem:$0x3FAE];
	_ =	sdelay $0x3  }
0x34: {  	[smem:$0x3FAE] =	sst s10  }
0x35: {  	s10 =	sld [smem:$0x3FAD];
	_ =	sdelay $0x3  }
0x36: {  	p1 =	seq.s32 s10, $0x1;
	s10 =	sld [smem:$0x3FAE];
	_ =	sdelay $0x3  }
0x37: {  	[smem:$0x3FAE] =	sst s10  }
0x38: {  	s10 =	sld [smem:$0x3FAF]  }
0x39: {  	_ = 	snop;
	(pc) =	sbr.ind lr, $3  }
0x3a: {  	_ = 	snop  }
0x3b: {  	_ = 	snop  }
0x3c: {  	p2 =	seq.s32 s10, $0x1;
	s10 =	sld [smem:$0x3FAE]  }
0x3d: {  	_ =	shalt  }
0x3e: {  	_ =	shalt  }
0x3f: {  	_ =	shalt  }
0x40: {  	_ =	shalt  }
0x41: {  	_ =	shalt  }
0x42: {  	_ =	shalt  }
0x43: {  	_ =	shalt  }
0x44: {  	_ =	shalt  }
0x45: {  	_ =	shalt  }
0x46: {  	_ =	shalt  }
0x47: {  	_ =	shalt  }
0x48: {  	_ =	shalt  }
0x49: {  	_ =	shalt  }
0x4a: {  	_ =	shalt  }
0x4b: {  	_ =	shalt  }
0x4c: {  	_ =	shalt  }
0x4d: {  	_ =	shalt  }
0x4e: {  	_ =	shalt  }
0x4f: {  	_ =	shalt  }
0x50: {  	_ =	shalt  }
0x51: {  	_ =	shalt  }
0x52: {  	_ =	shalt  }
0x53: {  	_ =	shalt  }
0x54: {  	_ =	shalt  }
0x55: {  	_ =	shalt  }
0x56: {  	_ =	shalt  }
0x57: {  	_ =	shalt  }
0x58: {  	_ =	shalt  }
0x59: {  	_ =	shalt  }
0x5a: {  	_ =	shalt  }
0x5b: {  	_ =	shalt  }
0x5c: {  	_ =	shalt  }
0x5d: {  	_ =	shalt  }
0x5e: {  	_ =	shalt  }
0x5f: {  	_ =	shalt  }
0x60: {  	_ =	shalt  }
0x61: {  	_ =	shalt  }
0x62: {  	_ =	shalt  }
0x63: {  	_ =	shalt  }
0x64: {  	_ =	shalt  }
0x65: {  	_ =	shalt  }
0x66: {  	_ =	shalt  }
0x67: {  	_ =	shalt  }
0x68: {  	_ =	shalt  }
0x69: {  	_ =	shalt  }
0x6a: {  	_ =	shalt  }
0x6b: {  	_ =	shalt  }
0x6c: {  	_ =	shalt  }
0x6d: {  	_ =	shalt  }
0x6e: {  	_ =	shalt  }
0x6f: {  	_ =	shalt  }
0x70: {  	_ =	shalt  }
0x71: {  	_ =	shalt  }
0x72: {  	_ =	shalt  }
0x73: {  	_ =	shalt  }
0x74: {  	_ =	shalt  }
0x75: {  	_ =	shalt  }
0x76: {  	_ =	shalt  }
0x77: {  	_ =	shalt  }
0x78: {  	_ =	shalt  }
0x79: {  	_ =	shalt  }
0x7a: {  	_ =	shalt  }
0x7b: {  	_ =	shalt  }
0x7c: {  	_ =	shalt  }
0x7d: {  	_ =	shalt  }
0x7e: {  	_ =	shalt  }
0x7f: {  	_ =	shalt  }
0x80: {  	_ =	shalt  }
0x81: {  	_ =	shalt  }
0x82: {  	_ =	shalt  }
0x83: {  	_ =	shalt  }
0x84: {  	_ =	shalt  }
0x85: {  	_ =	shalt  }
0x86: {  	_ =	shalt  }
0x87: {  	_ =	shalt  }
.Lfunc_end0:
.L_simem_size_0:
called_computation.3_lowered:
.L_overlay_start_0:
0x88: {  	s2 =	sld [smem:$0x3FD9]  }
0x89: {  	s3 =	sld [smem:$0x3FFE];
	_ =	sdelay $0x1  }
0x8a: {  	s1 =	srdreg.scid  }
0x8b: {  	s0 =	sand.u32 $0x1, s1  }
0x8c: {  	s17 =	sshll.u32 s0, $0xA;
	s2 =	sadd.s32 s3, s2  }
0x8d: {  	s2 =	sadd.s32 s2, s17  }
0x8e: {  	[smem:$0x3FBA] =	sst s2  }
0x8f: {  	_ = 	snop  }
0x90: {  	s2 =	sld [smem:$0x3FD0];
	(tm) =	ssettm $0x1  }
0x91: {  	s18 =	sld [smem:$0x3FFB];
	_ =	sdelay $0x3  }
0x92: {  	_ =	strace s18  }
0x93: {  	s3 =	sld [smem:$0x3FFC];
	_ =	sdelay $0x3  }
0x94: {  	_ =	strace s3  }
0x95: {  	s3 =	sld [smem:$0x3FFD];
	_ =	sdelay $0x3  }
0x96: {  	_ =	strace s3  }
0x97: {  	_ =	strace $0x8FFFFFFF  }
0x98: {  	s19 =	sld [smem:$0x3FDB];
	_ =	sdelay $0x1  }
0x99: {  	s4 =	simm.s32 $_scs_section_size  }
0x9a: {  	s5 =	simm.s32 $_size__tile_overlayer_lowered;
	s6 =	simm.s32 $_tile_overlayer_lowered  }
0x9b: {  	s22 =	simm.s32 $0x1BFF;
	s21 =	sshll.u32 s6, $0x1;
	s3 =	sadd.s32 s4, s19  }
0x9c: {  	s7 =	simm.s32 $0x0;
	s20 =	sshll.u32 s5, $0x1;
	s5 =	sadd.s32 s21, s3  }
0x9d: {  	[timem:s7], [sflag:s22] =	dma.local [hbm:s5], s20  }
0x9e: {  	_ =	swait.ge [sflag:s22], s20  }
0x9f: {  	s4 =	ssub.s32 $0x0, s20;
	[sflag:s22] =	ssyncset.done $0x0  }
0xa0: {  	[sflag:s22] =	ssyncadd.s32 s4;
	_ =	sdelay $0x1  }
0xa1: {  	s23 =	simm.s32 $0x1B8B  }
0xa2: {  	_ =	swait.ge [sflag:s23], $0x1  }
0xa3: {  	[sflag:s23] =	ssyncset.done $0x0  }
0xa4: {  	s25 =	simm.s32 $0x1B8E;
	s24 =	sld [smem:$0x3FFE];
	[sflag:s23] =	ssyncadd.s32 $0xFFFFFFFF  }
0xa5: {  	s26 =	simm.s32 $execute0_lowered;
	[smem:$0x3FD2] =	sst s25  }
0xa6: {  	s5 =	sshll.u32 s26, $0x1;
	_ =	strace $0x8000004F;
	[dreg:$0x1] =	wrdreg $0xFFFFFFFF  }
0xa7: {  	s28 =	simm.s32 $_size_execute0_lowered;
	s3 =	sadd.s32 s3, s5;
	[dreg:$0x0] =	wrdreg $0x0  }
0xa8: {  	s5 =	sshll.u32 s28, $0x1;
	[dreg:$0x2] =	wrdreg s3  }
0xa9: {  	[dreg:$0x3] =	wrdreg s5  }
0xaa: {  	[dreg:$0x4] =	wrdreg $0xC0  }
0xab: {  	_ =	task [dreg:s7], $0x5FFFF  }
0xac: {  	[dreg:$0x1] =	wrdreg $0xFFFFFFFF  }
0xad: {  	[dreg:$0x0] =	wrdreg $0x60  }
0xae: {  	[dreg:$0x2] =	wrdreg s24  }
0xaf: {  	[dreg:$0x3] =	wrdreg s2  }
0xb0: {  	[dreg:$0x4] =	wrdreg $0x61000  }
0xb1: {  	[dreg:$0x5] =	wrdreg $0x9  }
0xb2: {  	_ =	task.clear_ibuf [dreg:s7], $0x6FFFF;
	_ =	strace $0x9000004F  }
0xb3: {  	s29 =	simm.s32 $0x9;
	_ =	strace $0x80000051  }
0xb4: {  	_ =	swait.ge [sflag:s29], $0x1  }
0xb5: {  	[sflag:s29] =	ssyncadd.s32 $0xFFFFFFFF  }
0xb6: {  	_ =	strace $0x90000051  }
0xb7: {  	_ =	sfence  }
0xb8: {  	s30 =	sld [smem:$0x0];
	_ =	sdelay $0x2  }
0xb9: {  	s31 =	sshll.u32 s1, $0xD;
	s1 =	sshrl.u32 s1, $0x2  }
0xba: {  	s3 =	sand.u32 $0x4000, s31;
	s1 =	sadd.s32 s1, s30  }
0xbb: {  	s0 =	sor.u32 s3, s0;
	s1 =	sshll.u32 s1, $0x11  }
0xbc: {  	s0 =	sor.u32 s1, s0  }
0xbd: {  	s0 =	sadd.s32 $0x8F2B, s0  }
0xbe: {  	[sflag:s0] =	ssyncadd.remote.s32 $0x1  }
0xbf: {  	_ =	sfence.sel $0xFFFF  }
0xc0: {  	[dreg:$0x0] =	wrdreg $0xFFFFFFFF;
	(pc) =	sbr.abs _section_cstart, $3  }
0xc1: {  	[dreg:$0x1] =	wrdreg $0xFFFFFFFF  }
0xc2: {  	_ =	task.clear_ibuf [dreg:s7], $0x2FFFF;
	_ =	strace $0x9FFFFFFF  }
0xc3: {  	(tm) =	ssettm $0x7FFFFFFF  }
tec
execute0_lowered:
.L_overlay_start_1:
0x0: {  	(tag) =	ssettag $0x1  }
0x1: {  	s0 =	rddreg [dreg:$0x0]  }
0x2: {  	s2 =	rddreg [dreg:$0x1]  }
0x3: {  	s3 =	rddreg [dreg:$0x2];
	s5 =	srdreg.scid  }
0x4: {  	s1 =	stileid.u32;
	s4 =	simm.s32 $0x0;
	s19 =	simm.s32 $0x2100  }
0x5: {  	s20 =	simm.s32 $0x1;
	s21 =	simm.s32 $0x1000;
	s22 =	simm.s32 $0x80  }
0x6: {  	s24 =	simm.s32 $0x2080;
	s25 =	simm.s32 $0x0;
	s8 =	smul.u32 $0x280, s1  }
0x7: {  	s7 =	sand.u32 $0x1, s5;
	[smem:$0x7FF] =	sst s4;
	s9 =	smul.u32 $0x50000, s1  }
0x8: {  	s5 =	sadd.s32 $0x3000, s0;
	s6 =	sadd.s32 $0x7B000, s0;
	s23 =	smul.u32 $0x2800, s7  }
0x9: {  	s12 =	smul.u32 $0x5000, s1;
	_ =	strace $0x80000050;
	s7 =	ssub.s32 $0x2, s7  }
0xa: {  	s10 =	sshrl.u32 s7, $0x1;
	s9 =	sshrl.u32 s9, $0x2;
	s8 =	sadd.s32 s8, s23  }
0xb: {  	s18 =	ssub.s32 s7, s10;
	s7 =	sadd.s32 s9, s3;
	v0 =	vmov s23;
	s23 =	simm.s32 $0x2000  }
0xc: {  	s8 =	sshll.u32 s8, $0x4;
	s9 =	sadd.s32 $0x8000, s7;
	s10 =	sadd.s32 $0xC000, s7  }
0xd: {  	s11 =	sadd.s32 $0x10000, s7;
	s18 =	smax.u32 s18, $0x1;
	s0 =	sadd.s32 s8, s0  }
0xe: {  	s8 =	sadd.s32 $0x4000, s7;
	s13 =	sadd.s32 $0x85000, s0;
	s14 =	sadd.s32 $0x85800, s0  }
0xf: {  	v1 =	vimm.f32 $0.0e+00;
	s15 =	sadd.s32 $0x86000, s0;
	s16 =	sadd.s32 $0x86800, s0;
	s17 =	sadd.s32 $0x87000, s0  }
.LBB2_1:
0x10: {  	s26 =	simm.s32 $0x0;
	s28 =	simm.s32 $0x200  }
.LBB2_2:
0x11: {  	p0 =	sne.s32 s28, $0xFE00;
	[tilespmem:s26+$0x2170] =	vst v1  }
0x12: {  	[tilespmem:s26+$0x2100] =	vst v1  }
0x13: {  	[tilespmem:s26+$0x2110] =	vst v1  }
.Ltmp0:
0x14: {  	[tilespmem:s26+$0x2120] =	vst v1;
	(pc) =	sbr.rel @p0 .LBB2_2-.Ltmp0, $4  }
0x15: {  	[tilespmem:s26+$0x2130] =	vst v1  }
0x16: {  	[tilespmem:s26+$0x2140] =	vst v1  }
0x17: {  	[tilespmem:s26+$0x2150] =	vst v1  }
0x18: {  	[tilespmem:s26+$0x2160] =	vst v1;
	s26 =	sshra.s32 s28, $0x2;
	s28 =	sadd.s32 $0x200, s28  }
0x19: {  	[tilespmem:s26+$0x2170] =	vst v1  }
0x1a: {  	[tilespmem:s26+$0x2100] =	vst v1  }
0x1b: {  	[tilespmem:s26+$0x2110] =	vst v1  }
0x1c: {  	[tilespmem:s26+$0x2120] =	vst v1  }
0x1d: {  	[tilespmem:s26+$0x2130] =	vst v1  }
0x1e: {  	[tilespmem:s26+$0x2140] =	vst v1  }
0x1f: {  	[tilespmem:s26+$0x2150] =	vst v1  }
0x20: {  	[tilespmem:s26+$0x2160] =	vst v1  }
0x21: {  	[spmem:s7] =	stream.linear.scatter [tilespmem:s19], [sflag:$0x1], $0x4000, $0x38;
	[tilespmem:$0x1A100] =	vst v63  }
0x22: {  	_ =	swait.ge [sflag:s20], $0x4000  }
0x23: {  	[sflag:s20] =	ssyncset.done $0x0  }
0x24: {  	[sflag:s20] =	ssyncadd.s32 $0xFFFFC000  }
0x25: {  	[spmem:s8] =	stream.linear.scatter [tilespmem:s19], [sflag:$0x1], $0x4000, $0x38;
	[tilespmem:$0x1A100] =	vst v63  }
0x26: {  	_ =	swait.ge [sflag:s20], $0x4000  }
0x27: {  	[sflag:s20] =	ssyncset.done $0x0  }
0x28: {  	[sflag:s20] =	ssyncadd.s32 $0xFFFFC000  }
0x29: {  	[spmem:s9] =	stream.linear.scatter [tilespmem:s19], [sflag:$0x1], $0x4000, $0x38;
	[tilespmem:$0x1A100] =	vst v63  }
0x2a: {  	_ =	swait.ge [sflag:s20], $0x4000  }
0x2b: {  	[sflag:s20] =	ssyncset.done $0x0  }
0x2c: {  	[sflag:s20] =	ssyncadd.s32 $0xFFFFC000  }
0x2d: {  	[spmem:s10] =	stream.linear.scatter [tilespmem:s19], [sflag:$0x1], $0x4000, $0x38;
	[tilespmem:$0x1A100] =	vst v63  }
0x2e: {  	_ =	swait.ge [sflag:s20], $0x4000  }
0x2f: {  	[sflag:s20] =	ssyncset.done $0x0  }
0x30: {  	[sflag:s20] =	ssyncadd.s32 $0xFFFFC000  }
0x31: {  	[spmem:s11] =	stream.linear.scatter [tilespmem:s19], [sflag:$0x1], $0x4000, $0x38;
	[tilespmem:$0x1A100] =	vst v63  }
0x32: {  	_ =	swait.ge [sflag:s20], $0x4000  }
0x33: {  	[sflag:s20] =	ssyncset.done $0x0  }
0x34: {  	[sflag:s20] =	ssyncadd.s32 $0xFFFFC000  }
0x35: {  	s26 =	simm.s32 $0x0;
	s28 =	simm.s32 $0x0;
	[bflag:$0x0] =	sbarrier.arrive $0xFFFF  }
.LBB2_4:
0x36: {  	s0 =	sshll.u32 s28, $0xC  }
0x37: {  	s0 =	sadd.s32 s12, s0  }
0x38: {  	s0 =	sshrl.u32 s0, $0x3  }
0x39: {  	s29 =	sadd.s32 s2, s0  }
0x3a: {  	[tilespmem:s26], [sflag:$0x1] =	stream.linear.gather [hbm4b:s29+s26], $0x1000, $0x38;
	[tilespmem:$0x1A100] =	vst v63  }
0x3b: {  	_ =	swait.ge [sflag:s20], $0x1000  }
0x3c: {  	[sflag:s20] =	ssyncset.done $0x0  }
0x3d: {  	s0 =	sadd.s32 s6, s0;
	[sflag:s20] =	ssyncadd.s32 $0xFFFFF000  }
0x3e: {  	[tilespmem:s21], [sflag:$0x1] =	stream.linear.gather [hbm4b:s0+s26], $0x1000, $0x38;
	[tilespmem:$0x1A100] =	vst v63  }
0x3f: {  	_ =	swait.ge [sflag:s20], $0x1000  }
0x40: {  	[sflag:s20] =	ssyncset.done $0x0  }
0x41: {  	s31 =	simm.s32 $0x0;
	[sflag:s20] =	ssyncadd.s32 $0xFFFFF000  }
0x42: {  	v2 =	vld [tilespmem:s31+$0x0];
	_ =	sdelay $0x4  }
0x43: {  	v2 =	vadd.s32 v0, v2  }
0x44: {  	[tilespmem:$0x2000] =	vst v2  }
0x45: {  	v2 =	vld [tilespmem:s31+$0x1000];
	_ =	sdelay $0x4  }
0x46: {  	[tilespmem:$0x2080] =	vst v2  }
0x47: {  	v2 =	vld [tilespmem:s31+$0x10];
	_ =	sdelay $0x4  }
0x48: {  	v2 =	vadd.s32 v0, v2  }
0x49: {  	[tilespmem:$0x2010] =	vst v2  }
0x4a: {  	v2 =	vld [tilespmem:s31+$0x1010];
	_ =	sdelay $0x4  }
0x4b: {  	[tilespmem:$0x2090] =	vst v2  }
0x4c: {  	v2 =	vld [tilespmem:s31+$0x20];
	_ =	sdelay $0x4  }
0x4d: {  	v2 =	vadd.s32 v0, v2  }
0x4e: {  	[tilespmem:$0x2020] =	vst v2  }
0x4f: {  	v2 =	vld [tilespmem:s31+$0x1020];
	_ =	sdelay $0x4  }
0x50: {  	[tilespmem:$0x20A0] =	vst v2  }
0x51: {  	v2 =	vld [tilespmem:s31+$0x30];
	_ =	sdelay $0x4  }
0x52: {  	v2 =	vadd.s32 v0, v2  }
0x53: {  	[tilespmem:$0x2030] =	vst v2  }
0x54: {  	v2 =	vld [tilespmem:s31+$0x1030];
	_ =	sdelay $0x4  }
0x55: {  	[tilespmem:$0x20B0] =	vst v2  }
0x56: {  	v2 =	vld [tilespmem:s31+$0x40];
	_ =	sdelay $0x4  }
0x57: {  	v2 =	vadd.s32 v0, v2  }
0x58: {  	[tilespmem:$0x2040] =	vst v2  }
0x59: {  	v2 =	vld [tilespmem:s31+$0x1040];
	_ =	sdelay $0x4  }
0x5a: {  	[tilespmem:$0x20C0] =	vst v2  }
0x5b: {  	v2 =	vld [tilespmem:s31+$0x50];
	_ =	sdelay $0x4  }
0x5c: {  	v2 =	vadd.s32 v0, v2  }
0x5d: {  	[tilespmem:$0x2050] =	vst v2  }
0x5e: {  	v2 =	vld [tilespmem:s31+$0x1050];
	_ =	sdelay $0x4  }
0x5f: {  	[tilespmem:$0x20D0] =	vst v2  }
0x60: {  	v2 =	vld [tilespmem:s31+$0x60];
	_ =	sdelay $0x4  }
0x61: {  	v2 =	vadd.s32 v0, v2  }
0x62: {  	[tilespmem:$0x2060] =	vst v2  }
0x63: {  	v2 =	vld [tilespmem:s31+$0x1060];
	_ =	sdelay $0x4  }
0x64: {  	[tilespmem:$0x20E0] =	vst v2  }
0x65: {  	v2 =	vld [tilespmem:s31+$0x70];
	_ =	sdelay $0x4  }
0x66: {  	v2 =	vadd.s32 v0, v2  }
0x67: {  	[tilespmem:$0x2070] =	vst v2  }
0x68: {  	v2 =	vld [tilespmem:s31+$0x1070];
	_ =	sdelay $0x4  }
0x69: {  	[tilespmem:$0x20F0] =	vst v2  }
0x6a: {  	[tilespmem:s19], [sflag:$0x1] =	stream.indirect.gather [hbm4b:s5+s22], $0x80, s23, s22, $0xb8;
	[tilespmem:$0x1A100] =	vst v63  }
0x6b: {  	_ =	swait.ge [sflag:s20], $0x4000  }
0x6c: {  	[sflag:s20] =	ssyncset.done $0x0  }
0x6d: {  	[sflag:s20] =	ssyncadd.s32 $0xFFFFC000  }
0x6e: {  	[spmem:s3] =	stream.indirect.scatter.add.f32 [tilespmem:s19], [sflag:$0x1], $0x80, s24, s22, $0xb8;
	[tilespmem:$0x1A100] =	vst v63  }
0x6f: {  	_ =	swait.ge [sflag:s20], $0x4000  }
0x70: {  	s30 =	simm.s32 $0x400;
	s29 =	simm.s32 $0x200;
	[sflag:s20] =	ssyncset.done $0x0  }
.LBB2_5:
0x71: {  	s31 =	sshra.s32 s29, $0x2  }
0x72: {  	[sflag:s20] =	ssyncadd.s32 $0xFFFFC000;
	s29 =	smov.u32 s30;
	s0 =	sadd.s32 $0x200, s30  }
0x73: {  	p0 =	sne.s32 s30, $0x3E00;
	v2 =	vld [tilespmem:s31+$0x0];
	_ =	sdelay $0x4  }
0x74: {  	v2 =	vadd.s32 v0, v2  }
0x75: {  	[tilespmem:$0x2000] =	vst v2  }
0x76: {  	v2 =	vld [tilespmem:s31+$0x1000];
	_ =	sdelay $0x4  }
0x77: {  	[tilespmem:$0x2080] =	vst v2  }
0x78: {  	v2 =	vld [tilespmem:s31+$0x10];
	_ =	sdelay $0x4  }
0x79: {  	v2 =	vadd.s32 v0, v2  }
0x7a: {  	[tilespmem:$0x2010] =	vst v2  }
0x7b: {  	v2 =	vld [tilespmem:s31+$0x1010];
	_ =	sdelay $0x4  }
0x7c: {  	[tilespmem:$0x2090] =	vst v2  }
0x7d: {  	v2 =	vld [tilespmem:s31+$0x20];
	_ =	sdelay $0x4  }
0x7e: {  	v2 =	vadd.s32 v0, v2  }
0x7f: {  	[tilespmem:$0x2020] =	vst v2  }
0x80: {  	v2 =	vld [tilespmem:s31+$0x1020];
	_ =	sdelay $0x4  }
0x81: {  	[tilespmem:$0x20A0] =	vst v2  }
0x82: {  	v2 =	vld [tilespmem:s31+$0x30];
	_ =	sdelay $0x4  }
0x83: {  	v2 =	vadd.s32 v0, v2  }
0x84: {  	[tilespmem:$0x2030] =	vst v2  }
0x85: {  	v2 =	vld [tilespmem:s31+$0x1030];
	_ =	sdelay $0x4  }
0x86: {  	[tilespmem:$0x20B0] =	vst v2  }
0x87: {  	v2 =	vld [tilespmem:s31+$0x40];
	_ =	sdelay $0x4  }
0x88: {  	v2 =	vadd.s32 v0, v2  }
0x89: {  	[tilespmem:$0x2040] =	vst v2  }
0x8a: {  	v2 =	vld [tilespmem:s31+$0x1040];
	_ =	sdelay $0x4  }
0x8b: {  	[tilespmem:$0x20C0] =	vst v2  }
0x8c: {  	v2 =	vld [tilespmem:s31+$0x50];
	_ =	sdelay $0x4  }
0x8d: {  	v2 =	vadd.s32 v0, v2  }
0x8e: {  	[tilespmem:$0x2050] =	vst v2  }
0x8f: {  	v2 =	vld [tilespmem:s31+$0x1050];
	_ =	sdelay $0x4  }
0x90: {  	[tilespmem:$0x20D0] =	vst v2  }
0x91: {  	v2 =	vld [tilespmem:s31+$0x60];
	_ =	sdelay $0x4  }
0x92: {  	v2 =	vadd.s32 v0, v2  }
0x93: {  	[tilespmem:$0x2060] =	vst v2  }
0x94: {  	v2 =	vld [tilespmem:s31+$0x1060];
	_ =	sdelay $0x4  }
0x95: {  	[tilespmem:$0x20E0] =	vst v2  }
0x96: {  	v2 =	vld [tilespmem:s31+$0x70];
	_ =	sdelay $0x4  }
0x97: {  	v2 =	vadd.s32 v0, v2  }
0x98: {  	[tilespmem:$0x2070] =	vst v2  }
0x99: {  	v2 =	vld [tilespmem:s31+$0x1070];
	_ =	sdelay $0x4  }
0x9a: {  	[tilespmem:$0x20F0] =	vst v2  }
0x9b: {  	[tilespmem:s19], [sflag:$0x1] =	stream.indirect.gather [hbm4b:s5+s22], $0x80, s23, s22, $0xb8;
	[tilespmem:$0x1A100] =	vst v63  }
0x9c: {  	_ =	swait.ge [sflag:s20], $0x4000  }
.Ltmp1:
0x9d: {  	[sflag:s20] =	ssyncset.done $0x0;
	(pc) =	sbr.rel @p0 .LBB2_5-.Ltmp1, $4  }
0x9e: {  	[sflag:s20] =	ssyncadd.s32 $0xFFFFC000  }
0x9f: {  	[spmem:s3] =	stream.indirect.scatter.add.f32 [tilespmem:s19], [sflag:$0x1], $0x80, s24, s22, $0xb8;
	[tilespmem:$0x1A100] =	vst v63  }
0xa0: {  	_ =	swait.ge [sflag:s20], $0x4000  }
0xa1: {  	s30 =	smov.u32 s0;
	[sflag:s20] =	ssyncset.done $0x0  }
0xa2: {  	s0 =	sshra.s32 s29, $0x2;
	[sflag:s20] =	ssyncadd.s32 $0xFFFFC000  }
0xa3: {  	v2 =	vld [tilespmem:s0+$0x0];
	_ =	sdelay $0x4  }
0xa4: {  	v2 =	vadd.s32 v0, v2  }
0xa5: {  	[tilespmem:$0x2000] =	vst v2  }
0xa6: {  	v2 =	vld [tilespmem:s0+$0x1000];
	_ =	sdelay $0x4  }
0xa7: {  	[tilespmem:$0x2080] =	vst v2  }
0xa8: {  	v2 =	vld [tilespmem:s0+$0x10];
	_ =	sdelay $0x4  }
0xa9: {  	v2 =	vadd.s32 v0, v2  }
0xaa: {  	[tilespmem:$0x2010] =	vst v2  }
0xab: {  	v2 =	vld [tilespmem:s0+$0x1010];
	_ =	sdelay $0x4  }
0xac: {  	[tilespmem:$0x2090] =	vst v2  }
0xad: {  	v2 =	vld [tilespmem:s0+$0x20];
	_ =	sdelay $0x4  }
0xae: {  	v2 =	vadd.s32 v0, v2  }
0xaf: {  	[tilespmem:$0x2020] =	vst v2  }
0xb0: {  	v2 =	vld [tilespmem:s0+$0x1020];
	_ =	sdelay $0x4  }
0xb1: {  	[tilespmem:$0x20A0] =	vst v2  }
0xb2: {  	v2 =	vld [tilespmem:s0+$0x30];
	_ =	sdelay $0x4  }
0xb3: {  	v2 =	vadd.s32 v0, v2  }
0xb4: {  	[tilespmem:$0x2030] =	vst v2  }
0xb5: {  	v2 =	vld [tilespmem:s0+$0x1030];
	_ =	sdelay $0x4  }
0xb6: {  	[tilespmem:$0x20B0] =	vst v2  }
0xb7: {  	v2 =	vld [tilespmem:s0+$0x40];
	_ =	sdelay $0x4  }
0xb8: {  	v2 =	vadd.s32 v0, v2  }
0xb9: {  	[tilespmem:$0x2040] =	vst v2  }
0xba: {  	v2 =	vld [tilespmem:s0+$0x1040];
	_ =	sdelay $0x4  }
0xbb: {  	[tilespmem:$0x20C0] =	vst v2  }
0xbc: {  	v2 =	vld [tilespmem:s0+$0x50];
	_ =	sdelay $0x4  }
0xbd: {  	v2 =	vadd.s32 v0, v2  }
0xbe: {  	[tilespmem:$0x2050] =	vst v2  }
0xbf: {  	v2 =	vld [tilespmem:s0+$0x1050];
	_ =	sdelay $0x4  }
0xc0: {  	[tilespmem:$0x20D0] =	vst v2  }
0xc1: {  	v2 =	vld [tilespmem:s0+$0x60];
	_ =	sdelay $0x4  }
0xc2: {  	v2 =	vadd.s32 v0, v2  }
0xc3: {  	[tilespmem:$0x2060] =	vst v2  }
0xc4: {  	v2 =	vld [tilespmem:s0+$0x1060];
	_ =	sdelay $0x4  }
0xc5: {  	[tilespmem:$0x20E0] =	vst v2  }
0xc6: {  	v2 =	vld [tilespmem:s0+$0x70];
	_ =	sdelay $0x4  }
0xc7: {  	v2 =	vadd.s32 v0, v2  }
0xc8: {  	[tilespmem:$0x2070] =	vst v2  }
0xc9: {  	v2 =	vld [tilespmem:s0+$0x1070];
	_ =	sdelay $0x4  }
0xca: {  	[tilespmem:$0x20F0] =	vst v2  }
0xcb: {  	[tilespmem:s19], [sflag:$0x1] =	stream.indirect.gather [hbm4b:s5+s22], $0x80, s23, s22, $0xb8;
	[tilespmem:$0x1A100] =	vst v63  }
0xcc: {  	s28 =	sadd.s32 $0x1, s28;
	_ =	swait.ge [sflag:s20], $0x4000  }
0xcd: {  	p0 =	sne.s32 s28, $0x5;
	[sflag:s20] =	ssyncset.done $0x0  }
.Ltmp2:
0xce: {  	[sflag:s20] =	ssyncadd.s32 $0xFFFFC000;
	(pc) =	sbr.rel @p0 .LBB2_4-.Ltmp2, $4  }
0xcf: {  	[spmem:s3] =	stream.indirect.scatter.add.f32 [tilespmem:s19], [sflag:$0x1], $0x80, s24, s22, $0xb8;
	[tilespmem:$0x1A100] =	vst v63  }
0xd0: {  	_ =	swait.ge [sflag:s20], $0x4000  }
0xd1: {  	[sflag:s20] =	ssyncset.done $0x0  }
0xd2: {  	[sflag:s20] =	ssyncadd.s32 $0xFFFFC000  }
0xd3: {  	[bflag:$0x0] =	sbarrier.arrive $0xFFFF  }
0xd4: {  	[tilespmem:s19], [sflag:$0x1] =	stream.linear.gather [spmem:s7], $0x4000, $0x38;
	[tilespmem:$0x1A100] =	vst v63  }
0xd5: {  	_ =	swait.ge [sflag:s20], $0x4000  }
0xd6: {  	[sflag:s20] =	ssyncset.done $0x0  }
0xd7: {  	[sflag:s20] =	ssyncadd.s32 $0xFFFFC000  }
0xd8: {  	[hbm4b:s13+s4] =	stream.linear.scatter [tilespmem:s19], [sflag:$0x1], $0x4000, $0x38;
	[tilespmem:$0x1A100] =	vst v63  }
0xd9: {  	_ =	swait.ge [sflag:s20], $0x4000  }
0xda: {  	[sflag:s20] =	ssyncset.done $0x0  }
0xdb: {  	[sflag:s20] =	ssyncadd.s32 $0xFFFFC000  }
0xdc: {  	[tilespmem:s19], [sflag:$0x1] =	stream.linear.gather [spmem:s8], $0x4000, $0x38;
	[tilespmem:$0x1A100] =	vst v63  }
0xdd: {  	_ =	swait.ge [sflag:s20], $0x4000  }
0xde: {  	[sflag:s20] =	ssyncset.done $0x0  }
0xdf: {  	[sflag:s20] =	ssyncadd.s32 $0xFFFFC000  }
0xe0: {  	[hbm4b:s14+s4] =	stream.linear.scatter [tilespmem:s19], [sflag:$0x1], $0x4000, $0x38;
	[tilespmem:$0x1A100] =	vst v63  }
0xe1: {  	_ =	swait.ge [sflag:s20], $0x4000  }
0xe2: {  	[sflag:s20] =	ssyncset.done $0x0  }
0xe3: {  	[sflag:s20] =	ssyncadd.s32 $0xFFFFC000  }
0xe4: {  	[tilespmem:s19], [sflag:$0x1] =	stream.linear.gather [spmem:s9], $0x4000, $0x38;
	[tilespmem:$0x1A100] =	vst v63  }
0xe5: {  	_ =	swait.ge [sflag:s20], $0x4000  }
0xe6: {  	[sflag:s20] =	ssyncset.done $0x0  }
0xe7: {  	[sflag:s20] =	ssyncadd.s32 $0xFFFFC000  }
0xe8: {  	[hbm4b:s15+s4] =	stream.linear.scatter [tilespmem:s19], [sflag:$0x1], $0x4000, $0x38;
	[tilespmem:$0x1A100] =	vst v63  }
0xe9: {  	_ =	swait.ge [sflag:s20], $0x4000  }
0xea: {  	[sflag:s20] =	ssyncset.done $0x0  }
0xeb: {  	[sflag:s20] =	ssyncadd.s32 $0xFFFFC000  }
0xec: {  	[tilespmem:s19], [sflag:$0x1] =	stream.linear.gather [spmem:s10], $0x4000, $0x38;
	[tilespmem:$0x1A100] =	vst v63  }
0xed: {  	_ =	swait.ge [sflag:s20], $0x4000  }
0xee: {  	[sflag:s20] =	ssyncset.done $0x0  }
0xef: {  	[sflag:s20] =	ssyncadd.s32 $0xFFFFC000  }
0xf0: {  	[hbm4b:s16+s4] =	stream.linear.scatter [tilespmem:s19], [sflag:$0x1], $0x4000, $0x38;
	[tilespmem:$0x1A100] =	vst v63  }
0xf1: {  	_ =	swait.ge [sflag:s20], $0x4000  }
0xf2: {  	[sflag:s20] =	ssyncset.done $0x0  }
0xf3: {  	[sflag:s20] =	ssyncadd.s32 $0xFFFFC000  }
0xf4: {  	[tilespmem:s19], [sflag:$0x1] =	stream.linear.gather [spmem:s11], $0x4000, $0x38;
	[tilespmem:$0x1A100] =	vst v63  }
0xf5: {  	s25 =	sadd.s32 $0x1, s25;
	_ =	swait.ge [sflag:s20], $0x4000  }
0xf6: {  	p0 =	sne.s32 s25, s18;
	[sflag:s20] =	ssyncset.done $0x0  }
.Ltmp3:
0xf7: {  	[sflag:s20] =	ssyncadd.s32 $0xFFFFC000;
	(pc) =	sbr.rel @p0 .LBB2_1-.Ltmp3, $4  }
0xf8: {  	[hbm4b:s17+s4] =	stream.linear.scatter [tilespmem:s19], [sflag:$0x1], $0x4000, $0x38;
	[tilespmem:$0x1A100] =	vst v63  }
0xf9: {  	_ =	swait.ge [sflag:s20], $0x4000  }
0xfa: {  	[sflag:s20] =	ssyncset.done $0x0  }
0xfb: {  	[sflag:s20] =	ssyncadd.s32 $0xFFFFC000  }
0xfc: {  	_ =	sfence.sel $0x180000  }
0xfd: {  	[bflag:$0x0] =	sbarrier.arrive $0xFFFF  }
0xfe: {  	_ =	strace $0x90000050  }
0xff: {  	[bflag:$0x2] =	sbarrier.arrive $0xFFFF  }
0x100: {  	p0 =	sne.s32 s1, $0x0;
	s0 =	rddreg [dreg:$0x3]  }
0x101: {  	s0 =	sadd.s32 @!p0 $0x100000, s0  }
0x102: {  	[sflag:s0] =	ssyncadd.tile.s32 @!p0 $0x1;
	_ =	shalt  }
.Lfunc_end2:
_tile_overlayer_lowered:
.L_overlay_start_2:
0x103: {  	(tag) =	ssettag $0x2  }
0x104: {  	s0 =	rddreg [dreg:$0x0];
	s2 =	stileid.u32  }
0x105: {  	s1 =	rddreg [dreg:$0x1];
	p0 =	sne.s32 s2, $0x0  }
0x106: {  	s3 =	rddreg [dreg:$0x2];
	[bflag:$0x3] =	sbarrier.arrive $0xFFFF;
	s2 =	simm.s32 @!p0 $0x1C01  }
0x107: {  	[timem:s3], [sflag:s2] =	dma.local @!p0 [hbm:s0], s1  }
0x108: {  	s0 =	simm.s32 @!p0 $0x1  }
0x109: {  	_ =	swait.ge @!p0 [sflag:s0], s1  }
0x10a: {  	s1 =	ssub.s32 @!p0 $0x0, s1;
	[sflag:s0] =	ssyncset.done @!p0 $0x0  }
0x10b: {  	[sflag:s0] =	ssyncadd.s32 @!p0 s1  }
0x10c: {  	[bflag:$0x3] =	sbarrier.arrive $0xFFFF  }
0x10d: {  	_ =	shalt  }

// kernel: kernel.24.cloned.1.call-start
scs
__scs_entry_jumppad:
0x0: {  	(pc) =	sbr.rel $0x88, $3  }
0x1: {  	(tag) =	ssettag $0x0;
	lr =	simm.s32 $0x1  }
0x2: {  	[smem:$0x3F93] =	sst lr;
	_ =	strace $0xD0000000  }
0x3: {  	_ = 	snop  }
0x4: {  	_ = 	snop  }
0x5: {  	_ = 	snop  }
0x6: {  	_ = 	snop  }
0x7: {  	_ = 	snop  }
__scs_overlays_trampoline_lowered:
0x8: {  	[smem:$0x3FA2] =	sst s0  }
0x9: {  	[smem:$0x3FA3] =	sst s1  }
0xa: {  	[smem:$0x3FA4] =	sst s2  }
0xb: {  	[smem:$0x3FA5] =	sst s3  }
0xc: {  	[smem:$0x3FA6] =	sst s4  }
0xd: {  	[smem:$0x3FA7] =	sst s5  }
0xe: {  	[smem:$0x3FA8] =	sst s6  }
0xf: {  	[smem:$0x3FA9] =	sst s7  }
0x10: {  	[smem:$0x3FAA] =	sst s8  }
0x11: {  	[smem:$0x3FAB] =	sst s9;
	s0 =	simm.s32 @!p0 $0x0  }
0x12: {  	s1 =	sld [smem:$0x3F91];
	s0 =	simm.s32 @p0 $0x1  }
0x13: {  	[smem:$0x3FAC] =	sst s0;
	s0 =	simm.s32 @!p1 $0x0  }
0x14: {  	s2 =	sld [smem:$0x3F90];
	s0 =	simm.s32 @p1 $0x1  }
0x15: {  	[smem:$0x3FAD] =	sst s0;
	s0 =	simm.s32 @!p2 $0x0  }
0x16: {  	s3 =	sld [smem:$0x3FDB];
	s0 =	simm.s32 @p2 $0x1  }
0x17: {  	s4 =	simm.s32 $0x1BF5;
	[smem:$0x3FAF] =	sst s0  }
0x18: {  	s0 =	sld [smem:$0x3F92];
	_ =	swait.ge [sflag:s4], $0x0  }
0x19: {  	s7 =	sld [smem:$0x3F93]  }
0x1a: {  	s8 =	sadd.s32 $0xFFFFE003, lr  }
0x1b: {  	s9 =	sadd.s32 $0xFFFFFEF7, lr;
	s5 =	simm.s32 $0xFFFFFFFF;
	p2 =	slt.u32 s8, $0xFFFFF086  }
0x1c: {  	p1 =	slt.u32 s9, $0xF7A;
	s5 =	simm.s32 @!p2 $0x0  }
0x1d: {  	s5 =	simm.s32 @p1 $0x1;
	p0 =	seq.s32 s7, s2  }
0x1e: {  	s7 =	smul.u32 @!p0 $0xF7A, s2;
	p2 =	seq.s32 @!p0 s5, $0x0  }
0x1f: {  	s9 =	smul.u32 $0xF7A, s1;
	s8 =	simm.s32 @!p0 $0x1BF5;
	p2 =	por !p2, p0  }
0x20: {  	[sflag:s8] =	ssyncset.s32 @!p0 $0xFFFFF086;
	s6 =	sadd.s32 @!p0 s3, s7;
	s7 =	simm.s32 @!p0 $0x108  }
0x21: {  	s3 =	sadd.s32 s3, s9;
	s6 =	sadd.s32 @!p0 $0x88, s6;
	s7 =	simm.s32 @p2 $0x1082  }
0x22: {  	[simem:s7], [sflag:s8] =	dma.local @!p0 [hbm:s6], $0xF7A  }
0x23: {  	s9 =	sor.u32 $0xD0000000, s2;
	s6 =	simm.s32 $0x108;
	_ =	swait.ge @!p0 [sflag:s8], $0x0  }
0x24: {  	s3 =	sadd.s32 $0x88, s3;
	s6 =	simm.s32 @!p1 $0x1082;
	[sflag:s4] =	ssyncset.s32 $0xFFFFF086  }
0x25: {  	[simem:s6], [sflag:s4] =	dma.local [hbm:s3], $0xF7A  }
0x26: {  	[smem:$0x3F93] =	sst s1;
	(tag) =	ssettag s2;
	_ =	strace s9  }
0x27: {  	s1 =	sld [smem:$0x3FA3]  }
0x28: {  	s2 =	sld [smem:$0x3FA4]  }
0x29: {  	s4 =	sld [smem:$0x3FA6]  }
0x2a: {  	p0 =	seq.s32 s5, $0x0;
	s5 =	sld [smem:$0x3FA7]  }
0x2b: {  	s6 =	sld [smem:$0x3FA8]  }
0x2c: {  	s7 =	sld [smem:$0x3FA9]  }
0x2d: {  	s3 =	simm.s32 $0x108;
	s8 =	sld [smem:$0x3FAA]  }
0x2e: {  	s3 =	simm.s32 @!p0 $0x1082;
	s9 =	sld [smem:$0x3FAB]  }
0x2f: {  	lr =	sadd.s32 s0, s3;
	s0 =	sld [smem:$0x3FA2]  }
0x30: {  	s3 =	sld [smem:$0x3FA5]  }
0x31: {  	[smem:$0x3FAE] =	sst s10  }
0x32: {  	s10 =	sld [smem:$0x3FAC];
	_ =	sdelay $0x3  }
0x33: {  	p0 =	seq.s32 s10, $0x1;
	s10 =	sld [smem:$0x3FAE];
	_ =	sdelay $0x3  }
0x34: {  	[smem:$0x3FAE] =	sst s10  }
0x35: {  	s10 =	sld [smem:$0x3FAD];
	_ =	sdelay $0x3  }
0x36: {  	p1 =	seq.s32 s10, $0x1;
	s10 =	sld [smem:$0x3FAE];
	_ =	sdelay $0x3  }
0x37: {  	[smem:$0x3FAE] =	sst s10  }
0x38: {  	s10 =	sld [smem:$0x3FAF]  }
0x39: {  	_ = 	snop;
	(pc) =	sbr.ind lr, $3  }
0x3a: {  	_ = 	snop  }
0x3b: {  	_ = 	snop  }
0x3c: {  	p2 =	seq.s32 s10, $0x1;
	s10 =	sld [smem:$0x3FAE]  }
0x3d: {  	_ =	shalt  }
0x3e: {  	_ =	shalt  }
0x3f: {  	_ =	shalt  }
0x40: {  	_ =	shalt  }
0x41: {  	_ =	shalt  }
0x42: {  	_ =	shalt  }
0x43: {  	_ =	shalt  }
0x44: {  	_ =	shalt  }
0x45: {  	_ =	shalt  }
0x46: {  	_ =	shalt  }
0x47: {  	_ =	shalt  }
0x48: {  	_ =	shalt  }
0x49: {  	_ =	shalt  }
0x4a: {  	_ =	shalt  }
0x4b: {  	_ =	shalt  }
0x4c: {  	_ =	shalt  }
0x4d: {  	_ =	shalt  }
0x4e: {  	_ =	shalt  }
0x4f: {  	_ =	shalt  }
0x50: {  	_ =	shalt  }
0x51: {  	_ =	shalt  }
0x52: {  	_ =	shalt  }
0x53: {  	_ =	shalt  }
0x54: {  	_ =	shalt  }
0x55: {  	_ =	shalt  }
0x56: {  	_ =	shalt  }
0x57: {  	_ =	shalt  }
0x58: {  	_ =	shalt  }
0x59: {  	_ =	shalt  }
0x5a: {  	_ =	shalt  }
0x5b: {  	_ =	shalt  }
0x5c: {  	_ =	shalt  }
0x5d: {  	_ =	shalt  }
0x5e: {  	_ =	shalt  }
0x5f: {  	_ =	shalt  }
0x60: {  	_ =	shalt  }
0x61: {  	_ =	shalt  }
0x62: {  	_ =	shalt  }
0x63: {  	_ =	shalt  }
0x64: {  	_ =	shalt  }
0x65: {  	_ =	shalt  }
0x66: {  	_ =	shalt  }
0x67: {  	_ =	shalt  }
0x68: {  	_ =	shalt  }
0x69: {  	_ =	shalt  }
0x6a: {  	_ =	shalt  }
0x6b: {  	_ =	shalt  }
0x6c: {  	_ =	shalt  }
0x6d: {  	_ =	shalt  }
0x6e: {  	_ =	shalt  }
0x6f: {  	_ =	shalt  }
0x70: {  	_ =	shalt  }
0x71: {  	_ =	shalt  }
0x72: {  	_ =	shalt  }
0x73: {  	_ =	shalt  }
0x74: {  	_ =	shalt  }
0x75: {  	_ =	shalt  }
0x76: {  	_ =	shalt  }
0x77: {  	_ =	shalt  }
0x78: {  	_ =	shalt  }
0x79: {  	_ =	shalt  }
0x7a: {  	_ =	shalt  }
0x7b: {  	_ =	shalt  }
0x7c: {  	_ =	shalt  }
0x7d: {  	_ =	shalt  }
0x7e: {  	_ =	shalt  }
0x7f: {  	_ =	shalt  }
0x80: {  	_ =	shalt  }
0x81: {  	_ =	shalt  }
0x82: {  	_ =	shalt  }
0x83: {  	_ =	shalt  }
0x84: {  	_ =	shalt  }
0x85: {  	_ =	shalt  }
0x86: {  	_ =	shalt  }
0x87: {  	_ =	shalt  }
.Lfunc_end0:
.L_simem_size_0:
called_computation.4_lowered:
.L_overlay_start_0:
0x88: {  	s2 =	sld [smem:$0x3FD9]  }
0x89: {  	s3 =	sld [smem:$0x3FFE];
	_ =	sdelay $0x1  }
0x8a: {  	s1 =	srdreg.scid  }
0x8b: {  	s0 =	sand.u32 $0x1, s1  }
0x8c: {  	s17 =	sshll.u32 s0, $0xA;
	s2 =	sadd.s32 s3, s2  }
0x8d: {  	s2 =	sadd.s32 s2, s17  }
0x8e: {  	[smem:$0x3FBA] =	sst s2  }
0x8f: {  	_ = 	snop  }
0x90: {  	s2 =	sld [smem:$0x3FD0];
	(tm) =	ssettm $0x1  }
0x91: {  	s18 =	sld [smem:$0x3FFB];
	_ =	sdelay $0x3  }
0x92: {  	_ =	strace s18  }
0x93: {  	s3 =	sld [smem:$0x3FFC];
	_ =	sdelay $0x3  }
0x94: {  	_ =	strace s3  }
0x95: {  	s3 =	sld [smem:$0x3FFD];
	_ =	sdelay $0x3  }
0x96: {  	_ =	strace s3  }
0x97: {  	_ =	strace $0x8FFFFFFF  }
0x98: {  	s19 =	sld [smem:$0x3FDB];
	_ =	sdelay $0x1  }
0x99: {  	s4 =	simm.s32 $_scs_section_size  }
0x9a: {  	s5 =	simm.s32 $_size__tile_overlayer_lowered;
	s6 =	simm.s32 $_tile_overlayer_lowered  }
0x9b: {  	s22 =	simm.s32 $0x1BFF;
	s21 =	sshll.u32 s6, $0x1;
	s3 =	sadd.s32 s4, s19  }
0x9c: {  	s7 =	simm.s32 $0x0;
	s20 =	sshll.u32 s5, $0x1;
	s5 =	sadd.s32 s21, s3  }
0x9d: {  	[timem:s7], [sflag:s22] =	dma.local [hbm:s5], s20  }
0x9e: {  	_ =	swait.ge [sflag:s22], s20  }
0x9f: {  	s4 =	ssub.s32 $0x0, s20;
	[sflag:s22] =	ssyncset.done $0x0  }
0xa0: {  	[sflag:s22] =	ssyncadd.s32 s4;
	_ =	sdelay $0x1  }
0xa1: {  	s23 =	simm.s32 $0x1B8B  }
0xa2: {  	_ =	swait.ge [sflag:s23], $0x1  }
0xa3: {  	[sflag:s23] =	ssyncset.done $0x0  }
0xa4: {  	s25 =	simm.s32 $0x1B8E;
	s24 =	sld [smem:$0x3FFE];
	[sflag:s23] =	ssyncadd.s32 $0xFFFFFFFF  }
0xa5: {  	s26 =	simm.s32 $execute0_lowered;
	[smem:$0x3FD2] =	sst s25  }
0xa6: {  	s5 =	sshll.u32 s26, $0x1;
	_ =	strace $0x80000052;
	[dreg:$0x1] =	wrdreg $0xFFFFFFFF  }
0xa7: {  	s28 =	simm.s32 $_size_execute0_lowered;
	s3 =	sadd.s32 s3, s5;
	[dreg:$0x0] =	wrdreg $0x0  }
0xa8: {  	s5 =	sshll.u32 s28, $0x1;
	[dreg:$0x2] =	wrdreg s3  }
0xa9: {  	[dreg:$0x3] =	wrdreg s5  }
0xaa: {  	[dreg:$0x4] =	wrdreg $0xC0  }
0xab: {  	_ =	task [dreg:s7], $0x5FFFF  }
0xac: {  	[dreg:$0x1] =	wrdreg $0xFFFFFFFF  }
0xad: {  	[dreg:$0x0] =	wrdreg $0x60  }
0xae: {  	[dreg:$0x2] =	wrdreg s24  }
0xaf: {  	[dreg:$0x3] =	wrdreg s2  }
0xb0: {  	[dreg:$0x4] =	wrdreg $0x31000  }
0xb1: {  	[dreg:$0x5] =	wrdreg $0x9  }
0xb2: {  	_ =	task.clear_ibuf [dreg:s7], $0x6FFFF;
	_ =	strace $0x90000052  }
0xb3: {  	s29 =	simm.s32 $0x9;
	_ =	strace $0x80000054  }
0xb4: {  	_ =	swait.ge [sflag:s29], $0x1  }
0xb5: {  	[sflag:s29] =	ssyncadd.s32 $0xFFFFFFFF  }
0xb6: {  	_ =	strace $0x90000054  }
0xb7: {  	_ =	sfence  }
0xb8: {  	s30 =	sld [smem:$0x0];
	_ =	sdelay $0x2  }
0xb9: {  	s31 =	sshll.u32 s1, $0xD;
	s1 =	sshrl.u32 s1, $0x2  }
0xba: {  	s3 =	sand.u32 $0x4000, s31;
	s1 =	sadd.s32 s1, s30  }
0xbb: {  	s0 =	sor.u32 s3, s0;
	s1 =	sshll.u32 s1, $0x11  }
0xbc: {  	s0 =	sor.u32 s1, s0  }
0xbd: {  	s0 =	sadd.s32 $0x8F2B, s0  }
0xbe: {  	[sflag:s0] =	ssyncadd.remote.s32 $0x1  }
0xbf: {  	_ =	sfence.sel $0xFFFF  }
0xc0: {  	[dreg:$0x0] =	wrdreg $0xFFFFFFFF;
	(pc) =	sbr.abs _section_cstart, $3  }
0xc1: {  	[dreg:$0x1] =	wrdreg $0xFFFFFFFF  }
0xc2: {  	_ =	task.clear_ibuf [dreg:s7], $0x2FFFF;
	_ =	strace $0x9FFFFFFF  }
0xc3: {  	(tm) =	ssettm $0x7FFFFFFF  }
tec
execute0_lowered:
.L_overlay_start_1:
0x0: {  	(tag) =	ssettag $0x1  }
0x1: {  	s0 =	rddreg [dreg:$0x0]  }
0x2: {  	s2 =	rddreg [dreg:$0x1]  }
0x3: {  	s3 =	rddreg [dreg:$0x2];
	s5 =	srdreg.scid  }
0x4: {  	s1 =	stileid.u32;
	s4 =	simm.s32 $0x0;
	s19 =	simm.s32 $0x2100  }
0x5: {  	s20 =	simm.s32 $0x1;
	s21 =	simm.s32 $0x1000;
	s22 =	simm.s32 $0x80  }
0x6: {  	s24 =	simm.s32 $0x2080;
	s25 =	simm.s32 $0x0;
	s8 =	smul.u32 $0x280, s1  }
0x7: {  	s7 =	sand.u32 $0x1, s5;
	[smem:$0x7FF] =	sst s4;
	s9 =	smul.u32 $0x14000, s1  }
0x8: {  	s5 =	sadd.s32 $0x3000, s0;
	s6 =	sadd.s32 $0x7B000, s0;
	s23 =	smul.u32 $0x2800, s7  }
0x9: {  	s12 =	smul.u32 $0x5000, s1;
	_ =	strace $0x80000053;
	s7 =	ssub.s32 $0x2, s7  }
0xa: {  	s10 =	sshrl.u32 s7, $0x1;
	s9 =	sshrl.u32 s9, $0x2;
	s8 =	sadd.s32 s8, s23  }
0xb: {  	s18 =	ssub.s32 s7, s10;
	s7 =	sadd.s32 s9, s3;
	v0 =	vmov s23;
	s23 =	simm.s32 $0x2000  }
0xc: {  	s8 =	sshll.u32 s8, $0x2;
	s9 =	sadd.s32 $0x2000, s7;
	s10 =	sadd.s32 $0x3000, s7  }
0xd: {  	s11 =	sadd.s32 $0x4000, s7;
	s18 =	smax.u32 s18, $0x1;
	s0 =	sadd.s32 s8, s0  }
0xe: {  	s8 =	sadd.s32 $0x1000, s7;
	s13 =	sadd.s32 $0x17000, s0;
	s14 =	sadd.s32 $0x17200, s0  }
0xf: {  	v1 =	vimm.f32 $0.0e+00;
	s15 =	sadd.s32 $0x17400, s0;
	s16 =	sadd.s32 $0x17600, s0;
	s17 =	sadd.s32 $0x17800, s0  }
.LBB2_1:
0x10: {  	s26 =	simm.s32 $0x80;
	s28 =	simm.s32 $0x0  }
.LBB2_2:
0x11: {  	p0 =	sne.s32 s26, $0x3F80;
	[tilespmem:s28+$0x2100] =	vst v1;
	s0 =	smov.u32 s26;
	s26 =	sadd.s32 $0x80, s26  }
.Ltmp0:
0x12: {  	[tilespmem:s28+$0x2110] =	vst v1;
	(pc) =	sbr.rel @p0 .LBB2_2-.Ltmp0, $2  }
0x13: {  	_ =	sdelay $0x2  }
0x14: {  	s28 =	sshra.s32 s0, $0x2  }
0x15: {  	[tilespmem:s28+$0x2100] =	vst v1  }
0x16: {  	[tilespmem:s28+$0x2110] =	vst v1  }
0x17: {  	[spmem:s7] =	stream.linear.scatter [tilespmem:s19], [sflag:$0x1], $0x1000, $0x38;
	[tilespmem:$0x8100] =	vst v63  }
0x18: {  	_ =	swait.ge [sflag:s20], $0x1000  }
0x19: {  	[sflag:s20] =	ssyncset.done $0x0  }
0x1a: {  	[sflag:s20] =	ssyncadd.s32 $0xFFFFF000  }
0x1b: {  	[spmem:s8] =	stream.linear.scatter [tilespmem:s19], [sflag:$0x1], $0x1000, $0x38;
	[tilespmem:$0x8100] =	vst v63  }
0x1c: {  	_ =	swait.ge [sflag:s20], $0x1000  }
0x1d: {  	[sflag:s20] =	ssyncset.done $0x0  }
0x1e: {  	[sflag:s20] =	ssyncadd.s32 $0xFFFFF000  }
0x1f: {  	[spmem:s9] =	stream.linear.scatter [tilespmem:s19], [sflag:$0x1], $0x1000, $0x38;
	[tilespmem:$0x8100] =	vst v63  }
0x20: {  	_ =	swait.ge [sflag:s20], $0x1000  }
0x21: {  	[sflag:s20] =	ssyncset.done $0x0  }
0x22: {  	[sflag:s20] =	ssyncadd.s32 $0xFFFFF000  }
0x23: {  	[spmem:s10] =	stream.linear.scatter [tilespmem:s19], [sflag:$0x1], $0x1000, $0x38;
	[tilespmem:$0x8100] =	vst v63  }
0x24: {  	_ =	swait.ge [sflag:s20], $0x1000  }
0x25: {  	[sflag:s20] =	ssyncset.done $0x0  }
0x26: {  	[sflag:s20] =	ssyncadd.s32 $0xFFFFF000  }
0x27: {  	[spmem:s11] =	stream.linear.scatter [tilespmem:s19], [sflag:$0x1], $0x1000, $0x38;
	[tilespmem:$0x8100] =	vst v63  }
0x28: {  	_ =	swait.ge [sflag:s20], $0x1000  }
0x29: {  	[sflag:s20] =	ssyncset.done $0x0  }
0x2a: {  	[sflag:s20] =	ssyncadd.s32 $0xFFFFF000  }
0x2b: {  	s26 =	simm.s32 $0x0;
	s28 =	simm.s32 $0x0;
	[bflag:$0x0] =	sbarrier.arrive $0xFFFF  }
.LBB2_4:
0x2c: {  	s0 =	sshll.u32 s28, $0xC  }
0x2d: {  	s0 =	sadd.s32 s12, s0  }
0x2e: {  	s0 =	sshrl.u32 s0, $0x3  }
0x2f: {  	s29 =	sadd.s32 s2, s0  }
0x30: {  	[tilespmem:s26], [sflag:$0x1] =	stream.linear.gather [hbm4b:s29+s26], $0x1000, $0x38;
	[tilespmem:$0x8100] =	vst v63  }
0x31: {  	_ =	swait.ge [sflag:s20], $0x1000  }
0x32: {  	[sflag:s20] =	ssyncset.done $0x0  }
0x33: {  	s0 =	sadd.s32 s6, s0;
	[sflag:s20] =	ssyncadd.s32 $0xFFFFF000  }
0x34: {  	[tilespmem:s21], [sflag:$0x1] =	stream.linear.gather [hbm4b:s0+s26], $0x1000, $0x38;
	[tilespmem:$0x8100] =	vst v63  }
0x35: {  	_ =	swait.ge [sflag:s20], $0x1000  }
0x36: {  	[sflag:s20] =	ssyncset.done $0x0  }
0x37: {  	s31 =	simm.s32 $0x0;
	[sflag:s20] =	ssyncadd.s32 $0xFFFFF000  }
0x38: {  	v2 =	vld [tilespmem:s31+$0x0];
	_ =	sdelay $0x4  }
0x39: {  	v2 =	vadd.s32 v0, v2  }
0x3a: {  	[tilespmem:$0x2000] =	vst v2  }
0x3b: {  	v2 =	vld [tilespmem:s31+$0x1000];
	_ =	sdelay $0x4  }
0x3c: {  	[tilespmem:$0x2080] =	vst v2  }
0x3d: {  	v2 =	vld [tilespmem:s31+$0x10];
	_ =	sdelay $0x4  }
0x3e: {  	v2 =	vadd.s32 v0, v2  }
0x3f: {  	[tilespmem:$0x2010] =	vst v2  }
0x40: {  	v2 =	vld [tilespmem:s31+$0x1010];
	_ =	sdelay $0x4  }
0x41: {  	[tilespmem:$0x2090] =	vst v2  }
0x42: {  	v2 =	vld [tilespmem:s31+$0x20];
	_ =	sdelay $0x4  }
0x43: {  	v2 =	vadd.s32 v0, v2  }
0x44: {  	[tilespmem:$0x2020] =	vst v2  }
0x45: {  	v2 =	vld [tilespmem:s31+$0x1020];
	_ =	sdelay $0x4  }
0x46: {  	[tilespmem:$0x20A0] =	vst v2  }
0x47: {  	v2 =	vld [tilespmem:s31+$0x30];
	_ =	sdelay $0x4  }
0x48: {  	v2 =	vadd.s32 v0, v2  }
0x49: {  	[tilespmem:$0x2030] =	vst v2  }
0x4a: {  	v2 =	vld [tilespmem:s31+$0x1030];
	_ =	sdelay $0x4  }
0x4b: {  	[tilespmem:$0x20B0] =	vst v2  }
0x4c: {  	v2 =	vld [tilespmem:s31+$0x40];
	_ =	sdelay $0x4  }
0x4d: {  	v2 =	vadd.s32 v0, v2  }
0x4e: {  	[tilespmem:$0x2040] =	vst v2  }
0x4f: {  	v2 =	vld [tilespmem:s31+$0x1040];
	_ =	sdelay $0x4  }
0x50: {  	[tilespmem:$0x20C0] =	vst v2  }
0x51: {  	v2 =	vld [tilespmem:s31+$0x50];
	_ =	sdelay $0x4  }
0x52: {  	v2 =	vadd.s32 v0, v2  }
0x53: {  	[tilespmem:$0x2050] =	vst v2  }
0x54: {  	v2 =	vld [tilespmem:s31+$0x1050];
	_ =	sdelay $0x4  }
0x55: {  	[tilespmem:$0x20D0] =	vst v2  }
0x56: {  	v2 =	vld [tilespmem:s31+$0x60];
	_ =	sdelay $0x4  }
0x57: {  	v2 =	vadd.s32 v0, v2  }
0x58: {  	[tilespmem:$0x2060] =	vst v2  }
0x59: {  	v2 =	vld [tilespmem:s31+$0x1060];
	_ =	sdelay $0x4  }
0x5a: {  	[tilespmem:$0x20E0] =	vst v2  }
0x5b: {  	v2 =	vld [tilespmem:s31+$0x70];
	_ =	sdelay $0x4  }
0x5c: {  	v2 =	vadd.s32 v0, v2  }
0x5d: {  	[tilespmem:$0x2070] =	vst v2  }
0x5e: {  	v2 =	vld [tilespmem:s31+$0x1070];
	_ =	sdelay $0x4  }
0x5f: {  	[tilespmem:$0x20F0] =	vst v2  }
0x60: {  	[tilespmem:s19], [sflag:$0x1] =	stream.indirect.gather [hbm4b:s5+s22], $0x20, s23, s22, $0xb8;
	[tilespmem:$0x8100] =	vst v63  }
0x61: {  	_ =	swait.ge [sflag:s20], $0x1000  }
0x62: {  	[sflag:s20] =	ssyncset.done $0x0  }
0x63: {  	[sflag:s20] =	ssyncadd.s32 $0xFFFFF000  }
0x64: {  	[spmem:s3] =	stream.indirect.scatter.add.f32 [tilespmem:s19], [sflag:$0x1], $0x20, s24, s22, $0xb8;
	[tilespmem:$0x8100] =	vst v63  }
0x65: {  	_ =	swait.ge [sflag:s20], $0x1000  }
0x66: {  	s30 =	simm.s32 $0x400;
	s29 =	simm.s32 $0x200;
	[sflag:s20] =	ssyncset.done $0x0  }
.LBB2_5:
0x67: {  	s31 =	sshra.s32 s29, $0x2  }
0x68: {  	[sflag:s20] =	ssyncadd.s32 $0xFFFFF000;
	s29 =	smov.u32 s30;
	s0 =	sadd.s32 $0x200, s30  }
0x69: {  	p0 =	sne.s32 s30, $0x3E00;
	v2 =	vld [tilespmem:s31+$0x0];
	_ =	sdelay $0x4  }
0x6a: {  	v2 =	vadd.s32 v0, v2  }
0x6b: {  	[tilespmem:$0x2000] =	vst v2  }
0x6c: {  	v2 =	vld [tilespmem:s31+$0x1000];
	_ =	sdelay $0x4  }
0x6d: {  	[tilespmem:$0x2080] =	vst v2  }
0x6e: {  	v2 =	vld [tilespmem:s31+$0x10];
	_ =	sdelay $0x4  }
0x6f: {  	v2 =	vadd.s32 v0, v2  }
0x70: {  	[tilespmem:$0x2010] =	vst v2  }
0x71: {  	v2 =	vld [tilespmem:s31+$0x1010];
	_ =	sdelay $0x4  }
0x72: {  	[tilespmem:$0x2090] =	vst v2  }
0x73: {  	v2 =	vld [tilespmem:s31+$0x20];
	_ =	sdelay $0x4  }
0x74: {  	v2 =	vadd.s32 v0, v2  }
0x75: {  	[tilespmem:$0x2020] =	vst v2  }
0x76: {  	v2 =	vld [tilespmem:s31+$0x1020];
	_ =	sdelay $0x4  }
0x77: {  	[tilespmem:$0x20A0] =	vst v2  }
0x78: {  	v2 =	vld [tilespmem:s31+$0x30];
	_ =	sdelay $0x4  }
0x79: {  	v2 =	vadd.s32 v0, v2  }
0x7a: {  	[tilespmem:$0x2030] =	vst v2  }
0x7b: {  	v2 =	vld [tilespmem:s31+$0x1030];
	_ =	sdelay $0x4  }
0x7c: {  	[tilespmem:$0x20B0] =	vst v2  }
0x7d: {  	v2 =	vld [tilespmem:s31+$0x40];
	_ =	sdelay $0x4  }
0x7e: {  	v2 =	vadd.s32 v0, v2  }
0x7f: {  	[tilespmem:$0x2040] =	vst v2  }
0x80: {  	v2 =	vld [tilespmem:s31+$0x1040];
	_ =	sdelay $0x4  }
0x81: {  	[tilespmem:$0x20C0] =	vst v2  }
0x82: {  	v2 =	vld [tilespmem:s31+$0x50];
	_ =	sdelay $0x4  }
0x83: {  	v2 =	vadd.s32 v0, v2  }
0x84: {  	[tilespmem:$0x2050] =	vst v2  }
0x85: {  	v2 =	vld [tilespmem:s31+$0x1050];
	_ =	sdelay $0x4  }
0x86: {  	[tilespmem:$0x20D0] =	vst v2  }
0x87: {  	v2 =	vld [tilespmem:s31+$0x60];
	_ =	sdelay $0x4  }
0x88: {  	v2 =	vadd.s32 v0, v2  }
0x89: {  	[tilespmem:$0x2060] =	vst v2  }
0x8a: {  	v2 =	vld [tilespmem:s31+$0x1060];
	_ =	sdelay $0x4  }
0x8b: {  	[tilespmem:$0x20E0] =	vst v2  }
0x8c: {  	v2 =	vld [tilespmem:s31+$0x70];
	_ =	sdelay $0x4  }
0x8d: {  	v2 =	vadd.s32 v0, v2  }
0x8e: {  	[tilespmem:$0x2070] =	vst v2  }
0x8f: {  	v2 =	vld [tilespmem:s31+$0x1070];
	_ =	sdelay $0x4  }
0x90: {  	[tilespmem:$0x20F0] =	vst v2  }
0x91: {  	[tilespmem:s19], [sflag:$0x1] =	stream.indirect.gather [hbm4b:s5+s22], $0x20, s23, s22, $0xb8;
	[tilespmem:$0x8100] =	vst v63  }
0x92: {  	_ =	swait.ge [sflag:s20], $0x1000  }
.Ltmp1:
0x93: {  	[sflag:s20] =	ssyncset.done $0x0;
	(pc) =	sbr.rel @p0 .LBB2_5-.Ltmp1, $4  }
0x94: {  	[sflag:s20] =	ssyncadd.s32 $0xFFFFF000  }
0x95: {  	[spmem:s3] =	stream.indirect.scatter.add.f32 [tilespmem:s19], [sflag:$0x1], $0x20, s24, s22, $0xb8;
	[tilespmem:$0x8100] =	vst v63  }
0x96: {  	_ =	swait.ge [sflag:s20], $0x1000  }
0x97: {  	s30 =	smov.u32 s0;
	[sflag:s20] =	ssyncset.done $0x0  }
0x98: {  	s0 =	sshra.s32 s29, $0x2;
	[sflag:s20] =	ssyncadd.s32 $0xFFFFF000  }
0x99: {  	v2 =	vld [tilespmem:s0+$0x0];
	_ =	sdelay $0x4  }
0x9a: {  	v2 =	vadd.s32 v0, v2  }
0x9b: {  	[tilespmem:$0x2000] =	vst v2  }
0x9c: {  	v2 =	vld [tilespmem:s0+$0x1000];
	_ =	sdelay $0x4  }
0x9d: {  	[tilespmem:$0x2080] =	vst v2  }
0x9e: {  	v2 =	vld [tilespmem:s0+$0x10];
	_ =	sdelay $0x4  }
0x9f: {  	v2 =	vadd.s32 v0, v2  }
0xa0: {  	[tilespmem:$0x2010] =	vst v2  }
0xa1: {  	v2 =	vld [tilespmem:s0+$0x1010];
	_ =	sdelay $0x4  }
0xa2: {  	[tilespmem:$0x2090] =	vst v2  }
0xa3: {  	v2 =	vld [tilespmem:s0+$0x20];
	_ =	sdelay $0x4  }
0xa4: {  	v2 =	vadd.s32 v0, v2  }
0xa5: {  	[tilespmem:$0x2020] =	vst v2  }
0xa6: {  	v2 =	vld [tilespmem:s0+$0x1020];
	_ =	sdelay $0x4  }
0xa7: {  	[tilespmem:$0x20A0] =	vst v2  }
0xa8: {  	v2 =	vld [tilespmem:s0+$0x30];
	_ =	sdelay $0x4  }
0xa9: {  	v2 =	vadd.s32 v0, v2  }
0xaa: {  	[tilespmem:$0x2030] =	vst v2  }
0xab: {  	v2 =	vld [tilespmem:s0+$0x1030];
	_ =	sdelay $0x4  }
0xac: {  	[tilespmem:$0x20B0] =	vst v2  }
0xad: {  	v2 =	vld [tilespmem:s0+$0x40];
	_ =	sdelay $0x4  }
0xae: {  	v2 =	vadd.s32 v0, v2  }
0xaf: {  	[tilespmem:$0x2040] =	vst v2  }
0xb0: {  	v2 =	vld [tilespmem:s0+$0x1040];
	_ =	sdelay $0x4  }
0xb1: {  	[tilespmem:$0x20C0] =	vst v2  }
0xb2: {  	v2 =	vld [tilespmem:s0+$0x50];
	_ =	sdelay $0x4  }
0xb3: {  	v2 =	vadd.s32 v0, v2  }
0xb4: {  	[tilespmem:$0x2050] =	vst v2  }
0xb5: {  	v2 =	vld [tilespmem:s0+$0x1050];
	_ =	sdelay $0x4  }
0xb6: {  	[tilespmem:$0x20D0] =	vst v2  }
0xb7: {  	v2 =	vld [tilespmem:s0+$0x60];
	_ =	sdelay $0x4  }
0xb8: {  	v2 =	vadd.s32 v0, v2  }
0xb9: {  	[tilespmem:$0x2060] =	vst v2  }
0xba: {  	v2 =	vld [tilespmem:s0+$0x1060];
	_ =	sdelay $0x4  }
0xbb: {  	[tilespmem:$0x20E0] =	vst v2  }
0xbc: {  	v2 =	vld [tilespmem:s0+$0x70];
	_ =	sdelay $0x4  }
0xbd: {  	v2 =	vadd.s32 v0, v2  }
0xbe: {  	[tilespmem:$0x2070] =	vst v2  }
0xbf: {  	v2 =	vld [tilespmem:s0+$0x1070];
	_ =	sdelay $0x4  }
0xc0: {  	[tilespmem:$0x20F0] =	vst v2  }
0xc1: {  	[tilespmem:s19], [sflag:$0x1] =	stream.indirect.gather [hbm4b:s5+s22], $0x20, s23, s22, $0xb8;
	[tilespmem:$0x8100] =	vst v63  }
0xc2: {  	s28 =	sadd.s32 $0x1, s28;
	_ =	swait.ge [sflag:s20], $0x1000  }
0xc3: {  	p0 =	sne.s32 s28, $0x5;
	[sflag:s20] =	ssyncset.done $0x0  }
.Ltmp2:
0xc4: {  	[sflag:s20] =	ssyncadd.s32 $0xFFFFF000;
	(pc) =	sbr.rel @p0 .LBB2_4-.Ltmp2, $4  }
0xc5: {  	[spmem:s3] =	stream.indirect.scatter.add.f32 [tilespmem:s19], [sflag:$0x1], $0x20, s24, s22, $0xb8;
	[tilespmem:$0x8100] =	vst v63  }
0xc6: {  	_ =	swait.ge [sflag:s20], $0x1000  }
0xc7: {  	[sflag:s20] =	ssyncset.done $0x0  }
0xc8: {  	[sflag:s20] =	ssyncadd.s32 $0xFFFFF000  }
0xc9: {  	[bflag:$0x0] =	sbarrier.arrive $0xFFFF  }
0xca: {  	[tilespmem:s19], [sflag:$0x1] =	stream.linear.gather [spmem:s7], $0x1000, $0x38;
	[tilespmem:$0x8100] =	vst v63  }
0xcb: {  	_ =	swait.ge [sflag:s20], $0x1000  }
0xcc: {  	[sflag:s20] =	ssyncset.done $0x0  }
0xcd: {  	[sflag:s20] =	ssyncadd.s32 $0xFFFFF000  }
0xce: {  	[hbm4b:s13+s4] =	stream.linear.scatter [tilespmem:s19], [sflag:$0x1], $0x1000, $0x38;
	[tilespmem:$0x8100] =	vst v63  }
0xcf: {  	_ =	swait.ge [sflag:s20], $0x1000  }
0xd0: {  	[sflag:s20] =	ssyncset.done $0x0  }
0xd1: {  	[sflag:s20] =	ssyncadd.s32 $0xFFFFF000  }
0xd2: {  	[tilespmem:s19], [sflag:$0x1] =	stream.linear.gather [spmem:s8], $0x1000, $0x38;
	[tilespmem:$0x8100] =	vst v63  }
0xd3: {  	_ =	swait.ge [sflag:s20], $0x1000  }
0xd4: {  	[sflag:s20] =	ssyncset.done $0x0  }
0xd5: {  	[sflag:s20] =	ssyncadd.s32 $0xFFFFF000  }
0xd6: {  	[hbm4b:s14+s4] =	stream.linear.scatter [tilespmem:s19], [sflag:$0x1], $0x1000, $0x38;
	[tilespmem:$0x8100] =	vst v63  }
0xd7: {  	_ =	swait.ge [sflag:s20], $0x1000  }
0xd8: {  	[sflag:s20] =	ssyncset.done $0x0  }
0xd9: {  	[sflag:s20] =	ssyncadd.s32 $0xFFFFF000  }
0xda: {  	[tilespmem:s19], [sflag:$0x1] =	stream.linear.gather [spmem:s9], $0x1000, $0x38;
	[tilespmem:$0x8100] =	vst v63  }
0xdb: {  	_ =	swait.ge [sflag:s20], $0x1000  }
0xdc: {  	[sflag:s20] =	ssyncset.done $0x0  }
0xdd: {  	[sflag:s20] =	ssyncadd.s32 $0xFFFFF000  }
0xde: {  	[hbm4b:s15+s4] =	stream.linear.scatter [tilespmem:s19], [sflag:$0x1], $0x1000, $0x38;
	[tilespmem:$0x8100] =	vst v63  }
0xdf: {  	_ =	swait.ge [sflag:s20], $0x1000  }
0xe0: {  	[sflag:s20] =	ssyncset.done $0x0  }
0xe1: {  	[sflag:s20] =	ssyncadd.s32 $0xFFFFF000  }
0xe2: {  	[tilespmem:s19], [sflag:$0x1] =	stream.linear.gather [spmem:s10], $0x1000, $0x38;
	[tilespmem:$0x8100] =	vst v63  }
0xe3: {  	_ =	swait.ge [sflag:s20], $0x1000  }
0xe4: {  	[sflag:s20] =	ssyncset.done $0x0  }
0xe5: {  	[sflag:s20] =	ssyncadd.s32 $0xFFFFF000  }
0xe6: {  	[hbm4b:s16+s4] =	stream.linear.scatter [tilespmem:s19], [sflag:$0x1], $0x1000, $0x38;
	[tilespmem:$0x8100] =	vst v63  }
0xe7: {  	_ =	swait.ge [sflag:s20], $0x1000  }
0xe8: {  	[sflag:s20] =	ssyncset.done $0x0  }
0xe9: {  	[sflag:s20] =	ssyncadd.s32 $0xFFFFF000  }
0xea: {  	[tilespmem:s19], [sflag:$0x1] =	stream.linear.gather [spmem:s11], $0x1000, $0x38;
	[tilespmem:$0x8100] =	vst v63  }
0xeb: {  	s25 =	sadd.s32 $0x1, s25;
	_ =	swait.ge [sflag:s20], $0x1000  }
0xec: {  	p0 =	sne.s32 s25, s18;
	[sflag:s20] =	ssyncset.done $0x0  }
.Ltmp3:
0xed: {  	[sflag:s20] =	ssyncadd.s32 $0xFFFFF000;
	(pc) =	sbr.rel @p0 .LBB2_1-.Ltmp3, $4  }
0xee: {  	[hbm4b:s17+s4] =	stream.linear.scatter [tilespmem:s19], [sflag:$0x1], $0x1000, $0x38;
	[tilespmem:$0x8100] =	vst v63  }
0xef: {  	_ =	swait.ge [sflag:s20], $0x1000  }
0xf0: {  	[sflag:s20] =	ssyncset.done $0x0  }
0xf1: {  	[sflag:s20] =	ssyncadd.s32 $0xFFFFF000  }
0xf2: {  	_ =	sfence.sel $0x180000  }
0xf3: {  	[bflag:$0x0] =	sbarrier.arrive $0xFFFF  }
0xf4: {  	_ =	strace $0x90000053  }
0xf5: {  	[bflag:$0x2] =	sbarrier.arrive $0xFFFF  }
0xf6: {  	p0 =	sne.s32 s1, $0x0;
	s0 =	rddreg [dreg:$0x3]  }
0xf7: {  	s0 =	sadd.s32 @!p0 $0x100000, s0  }
0xf8: {  	[sflag:s0] =	ssyncadd.tile.s32 @!p0 $0x1;
	_ =	shalt  }
.Lfunc_end2:
_tile_overlayer_lowered:
.L_overlay_start_2:
0xf9: {  	(tag) =	ssettag $0x2  }
0xfa: {  	s0 =	rddreg [dreg:$0x0];
	s2 =	stileid.u32  }
0xfb: {  	s1 =	rddreg [dreg:$0x1];
	p0 =	sne.s32 s2, $0x0  }
0xfc: {  	s3 =	rddreg [dreg:$0x2];
	[bflag:$0x3] =	sbarrier.arrive $0xFFFF;
	s2 =	simm.s32 @!p0 $0x1C01  }
0xfd: {  	[timem:s3], [sflag:s2] =	dma.local @!p0 [hbm:s0], s1  }
0xfe: {  	s0 =	simm.s32 @!p0 $0x1  }
0xff: {  	_ =	swait.ge @!p0 [sflag:s0], s1  }
0x100: {  	s1 =	ssub.s32 @!p0 $0x0, s1;
	[sflag:s0] =	ssyncset.done @!p0 $0x0  }
0x101: {  	[sflag:s0] =	ssyncadd.s32 @!p0 s1  }
0x102: {  	[bflag:$0x3] =	sbarrier.arrive $0xFFFF  }
0x103: {  	_ =	shalt  }

</sc_bundles>
